<compile_context>
chip_gen: v7x
topology: tpu7x:2x2x1
jax: 0.10.2.dev20260603
libtpu: 0.0.44.dev20260713+nightly
codegen_flags: <defaults>
</compile_context>

<pallas_src>
import functools

import jax
import jax.numpy as jnp
from jax import lax
from jax.experimental import pallas as pl
from jax.experimental.pallas import tpu as pltpu
from jax.experimental.pallas import tpu_sc as plsc

DIM = 64
L = 50
LANES = 16

NUM_WORKERS = 32
ROWS_PER_WORKER = 264
CHUNK_ROWS = 2
TOK_PER_CHUNK = CHUNK_ROWS * L
CHUNKS = ROWS_PER_WORKER // CHUNK_ROWS
N_PAD = NUM_WORKERS * ROWS_PER_WORKER
REPACK_BLK = 4096


def _sc_encode(idx3, table_lin):
  mesh = plsc.VectorSubcoreMesh(core_axis_name="c", subcore_axis_name="s")

  @functools.partial(
      pl.kernel,
      out_type=jax.ShapeDtypeStruct((NUM_WORKERS, ROWS_PER_WORKER, DIM),
                                    jnp.float32),
      mesh=mesh,
      scratch_types=[
          pltpu.VMEM((CHUNKS, TOK_PER_CHUNK), jnp.int32),
          pltpu.VMEM((TOK_PER_CHUNK, DIM), jnp.float32),
          pltpu.VMEM((TOK_PER_CHUNK, DIM), jnp.float32),
          pltpu.VMEM((TOK_PER_CHUNK, DIM), jnp.float32),
          pltpu.VMEM((TOK_PER_CHUNK, DIM), jnp.float32),
          pltpu.VMEM((ROWS_PER_WORKER, DIM), jnp.float32),
          pltpu.SemaphoreType.DMA,
          pltpu.SemaphoreType.DMA,
          pltpu.SemaphoreType.DMA,
          pltpu.SemaphoreType.DMA,
      ],
      compiler_params=pltpu.CompilerParams(needs_layout_passes=False,
                                           use_tc_tiling_on_sc=False),
  )
  def body(idx_hbm, table_hbm, out_hbm, idx_v, buf0, buf1,
           buf2, buf3, acc_v, sem0, sem1, sem2, sem3):
    wid = lax.axis_index("s") * 2 + lax.axis_index("c")
    pltpu.sync_copy(idx_hbm.at[wid], idx_v)

    bufs = (buf0, buf1, buf2, buf3)
    sems = (sem0, sem1, sem2, sem3)
    nbuf = 4

    for b in range(nbuf):
      pltpu.make_async_copy(table_hbm.at[idx_v.at[b]], bufs[b],
                            sems[b]).start()

    inv_l = jnp.float32(1.0 / L)
    last_lane = jnp.full((LANES, 1), LANES - 1, jnp.int32)
    bcast_dnums = lax.GatherDimensionNumbers(
        offset_dims=(), collapsed_slice_dims=(0,), start_index_map=(0,))

    def _bcast_last(x):
      return lax.gather(x, last_lane, bcast_dnums, slice_sizes=(1,),
                        mode=lax.GatherScatterMode.PROMISE_IN_BOUNDS)

    def scaled(buf, base):
      e0 = buf[base, pl.ds(0, 16)]
      e1 = buf[base, pl.ds(16, 16)]
      e2 = buf[base, pl.ds(32, 16)]
      e3 = buf[base, pl.ds(48, 16)]
      ssv = e0 * e0 + e1 * e1 + e2 * e2 + e3 * e3
      s = _bcast_last(plsc.cumsum(ssv))
      s = jnp.maximum(s, jnp.float32(1e-12))
      i = lax.bitcast_convert_type(s, jnp.int32)
      i = jnp.full((LANES,), 0x5F3759DF,
                   jnp.int32) - lax.shift_right_logical(i, 1)
      y = lax.bitcast_convert_type(i, jnp.float32)
      h = jnp.float32(0.5) * s
      y = y * (jnp.float32(1.5) - h * y * y)
      y = y * (jnp.float32(1.5) - h * y * y)
      scale = jnp.minimum(jnp.float32(1.0), jnp.float32(10.0) * y)
      return (e0 * scale, e1 * scale, e2 * scale, e3 * scale)

    def compute_chunk(c, buf):
      for r in range(CHUNK_ROWS):
        def tok_body(t, accs, r=r):
          a = accs
          base = r * L + t * 2
          fa = scaled(buf, base)
          fb = scaled(buf, base + 1)
          return (a[0] + fa[0], a[1] + fa[1], a[2] + fa[2], a[3] + fa[3],
                  a[4] + fb[0], a[5] + fb[1], a[6] + fb[2], a[7] + fb[3])

        z = jnp.zeros((LANES,), jnp.float32)
        acc = lax.fori_loop(0, L // 2, tok_body, (z,) * 8)
        row = c * CHUNK_ROWS + r
        acc_v[row, pl.ds(0, 16)] = (acc[0] + acc[4]) * inv_l
        acc_v[row, pl.ds(16, 16)] = (acc[1] + acc[5]) * inv_l
        acc_v[row, pl.ds(32, 16)] = (acc[2] + acc[6]) * inv_l
        acc_v[row, pl.ds(48, 16)] = (acc[3] + acc[7]) * inv_l

    def outer(io, carry):
      cc = io * nbuf
      for b in range(nbuf):
        c = cc + b
        buf, sem = bufs[b], sems[b]
        pltpu.make_async_copy(table_hbm.at[idx_v.at[c]], buf, sem).wait()
        compute_chunk(c, buf)

        @pl.when(c + nbuf < CHUNKS)
        def _(c=c, buf=buf, sem=sem):
          pltpu.make_async_copy(table_hbm.at[idx_v.at[c + nbuf]], buf,
                                sem).start()
      return carry

    lax.fori_loop(0, CHUNKS // nbuf, outer, 0)

    pltpu.sync_copy(acc_v, out_hbm.at[wid])

  return body(idx3, table_lin)


def _tc_repack(table_t):
  v_rows = table_t.shape[1]
  blk = REPACK_BLK
  grid = (v_rows // 2 + blk - 1) // blk
  hs = grid * blk

  def body(a_ref, b_ref, out_ref):
    out_ref[:, 0:DIM] = a_ref[...].T
    out_ref[:, DIM:2 * DIM] = b_ref[...].T

  return pl.pallas_call(
      body,
      grid=(grid,),
      in_specs=[
          pl.BlockSpec((DIM, blk), lambda i: (0, i)),
          pl.BlockSpec(
              (DIM, blk),
              lambda i, g=grid, m=(v_rows - 1) // blk: (0,
                                                        jnp.minimum(i + g, m))),
      ],
      out_specs=pl.BlockSpec((blk, 2 * DIM), lambda i: (i, 0)),
      out_shape=jax.ShapeDtypeStruct((hs, 2 * DIM), jnp.float32),
  )(table_t, table_t)


def _tc_attend(q, k, v, w):
  m_rows = k.shape[0]

  def body(q_ref, k_ref, v_ref, w_ref, out_ref):
    qv = q_ref[...]
    kv = k_ref[...]
    vv = v_ref[...]
    wv = w_ref[...]
    qn = jnp.maximum(jnp.sqrt(jnp.sum(qv * qv)), 1e-8)
    kn = jnp.maximum(jnp.sqrt(jnp.sum(kv * kv, axis=1, keepdims=True)), 1e-8)
    dots = jnp.sum(qv * kv, axis=1, keepdims=True)
    sim = dots / (qn * kn)
    e = jnp.exp(sim - jnp.max(sim))
    att = e / jnp.sum(e)
    vr = jnp.sum(att * vv, axis=0, keepdims=True)
    res = lax.dot_general(vr, wv, (((1,), (1,)), ((), ())),
                          preferred_element_type=jnp.float32)
    out_ref[...] = jnp.broadcast_to(res, (m_rows, DIM))

  return pl.pallas_call(
      body,
      out_shape=jax.ShapeDtypeStruct((m_rows, DIM), jnp.float32),
  )(q, k, v, w)


def kernel(query, memory_keys, memory_values, table, W):
  m_rows = memory_keys.shape[0]
  half = -(-(table.shape[0] // 2) // REPACK_BLK) * REPACK_BLK
  tokens = jnp.concatenate(
      [
          memory_keys.astype(jnp.int32),
          memory_values.astype(jnp.int32),
          query.astype(jnp.int32),
      ],
      axis=0,
  )
  pad_n = N_PAD - tokens.shape[0]
  padtok = (jnp.arange(pad_n * L, dtype=jnp.int32).reshape(pad_n, L)
            * 613) % jnp.int32(table.shape[0])
  tokens = jnp.concatenate([tokens, padtok], axis=0)
  idx3 = jnp.where(tokens < half, 2 * tokens,
                   2 * (tokens - half) + 1).reshape(NUM_WORKERS, CHUNKS,
                                                    TOK_PER_CHUNK)
  table2 = _tc_repack(table.T)
  table_lin = table2.reshape(2 * half, DIM)
  enc = _sc_encode(idx3, table_lin).reshape(N_PAD, DIM)
  k = enc[:m_rows]
  v = enc[m_rows:2 * m_rows]
  q = enc[2 * m_rows:2 * m_rows + 1]
  x_encoded = _tc_attend(q, k, v, W)
  return (x_encoded, v)

# --- scband reference (transcript-rebuilt; emitter-appended) ---
"""Pipeline reference for scband-kvmemory-nn-18966575579314 (READ-ONLY COPY).

The authoritative reference and input builder live on the scoring server;
editing this copy changes nothing except your own understanding.
"""

import jax, jax.numpy as jnp
import numpy as np

VOCAB = 1000000
DIM = 64
M = 4096
L = 50


def setup_inputs(seed: int = 0):
    key = jax.random.key(seed)
    k1, k2, k3, k4, k5 = jax.random.split(key, 5)
    query = jax.random.randint(k1, (1, L), 0, VOCAB)
    memory_keys = jax.random.randint(k2, (M, L), 0, VOCAB)
    memory_values = jax.random.randint(k3, (M, L), 0, VOCAB)
    table = jax.random.normal(k4, (VOCAB, DIM), dtype=jnp.float32)
    table = table.at[1].set(0.0)  # padding_idx=1 -> zero row
    W = jax.random.normal(k5, (DIM, DIM), dtype=jnp.float32) * (1.0 / np.sqrt(DIM))
    return {"query": query, "memory_keys": memory_keys, "memory_values": memory_values,
            "table": table, "W": W}


def _encode(table, tokens):
    # embedding lookup with max_norm=10 renormalization (applied to gathered rows)
    emb = jnp.take(table, tokens, axis=0)  # [N, L, D]
    norms = jnp.linalg.norm(emb, axis=-1, keepdims=True)
    scale = jnp.minimum(1.0, 10.0 / jnp.maximum(norms, 1e-7))
    emb = emb * scale
    return emb.mean(axis=1)  # [N, D]


def reference(query, memory_keys, memory_values, table, W):
    q = _encode(table, query)            # [1, D]
    k = _encode(table, memory_keys)      # [M, D]
    v = _encode(table, memory_values)    # [M, D]
    # torch.nn.CosineSimilarity(dim=1), broadcasting q over M rows
    qn = jnp.maximum(jnp.linalg.norm(q, axis=1), 1e-8)   # [1]
    kn = jnp.maximum(jnp.linalg.norm(k, axis=1), 1e-8)   # [M]
    sim = jnp.sum(q * k, axis=1) / (qn * kn)             # [M]
    sim = sim[None, :]                                   # [1, M]
    att = jax.nn.softmax(sim, axis=1)                    # [1, M]
    value_reading = att @ v                              # [1, D]
    result = value_reading @ W.T                         # [1, D] (Linear, no bias)
    x_encoded = jnp.tile(result, (memory_values.shape[0], 1))  # cat([result]*M)
    y_encoded = v
    return (x_encoded, y_encoded)

if __name__ == "__main__":
    import jax
    _d = setup_inputs()
    print(jax.jit(kernel)(*tuple(_d.values())))

</pallas_src>

<mosaic_0001>
#map = affine_map<(d0, d1) -> (0, 0, 0)>
#map1 = affine_map<(d0, d1) -> (0, 0)>
module attributes {stable_mosaic.version = 14 : i64} {
  func.func @body(%arg0: i32, %arg1: i32, %arg2: memref<32x132x100xi32, #tpu.memory_space<hbm>>, %arg3: memref<1007616x64xf32, #tpu.memory_space<hbm>>, %arg4: memref<32x264x64xf32, #tpu.memory_space<hbm>>, %arg5: memref<132x100xi32, #tpu.memory_space<vmem>>, %arg6: memref<100x64xf32, #tpu.memory_space<vmem>>, %arg7: memref<100x64xf32, #tpu.memory_space<vmem>>, %arg8: memref<100x64xf32, #tpu.memory_space<vmem>>, %arg9: memref<100x64xf32, #tpu.memory_space<vmem>>, %arg10: memref<264x64xf32, #tpu.memory_space<vmem>>, %arg11: memref<!tpu.dma_semaphore, #tpu.memory_space<semaphore_mem>>, %arg12: memref<!tpu.dma_semaphore, #tpu.memory_space<semaphore_mem>>, %arg13: memref<!tpu.dma_semaphore, #tpu.memory_space<semaphore_mem>>, %arg14: memref<!tpu.dma_semaphore, #tpu.memory_space<semaphore_mem>>) attributes {dimension_semantics = [#tpu.dimension_semantics<core_parallel>, #tpu.dimension_semantics<subcore_parallel>], iteration_bounds = array<i64: 2, 16>, scalar_prefetch = 0 : i64, scratch_operands = 10 : i64, tpu.core_type = #tpu.core_type<sc_vector_subcore>, window_params = [{transform_indices = #map}, {transform_indices = #map1}, {transform_indices = #map}]} {
    %mul3A = arith.constant 2 : i32
    %mul3A_0 = arith.muli %arg1, %mul3A : i32
    %add3A = arith.addi %mul3A_0, %arg0 : i32
    "tpu.region"() ({
      %run_scoped3A = tpu.sem_alloc : memref<!tpu.dma_semaphore, #tpu.memory_space<semaphore_mem>>
      %dma_start3A_35 = arith.constant 0 : i32
      %dma_start3A_36 = arith.constant 0 : i32
      %dma_start3A_37 = tpu.memref_slice %arg2[%add3A, %dma_start3A_35, %dma_start3A_36] : memref<32x132x100xi32, #tpu.memory_space<hbm>> -> memref<1x132x100xi32, #tpu.memory_space<hbm>>
      %dma_start3A_38 = tpu.memref_squeeze %dma_start3A_37 : memref<1x132x100xi32, #tpu.memory_space<hbm>> -> memref<132x100xi32, #tpu.memory_space<hbm>>
      %dma_start3A_39 = arith.constant 0 : i32
      %dma_start3A_40 = arith.constant 0 : i32
      %dma_start3A_41 = tpu.memref_slice %arg2[%add3A, %dma_start3A_39, %dma_start3A_40] : memref<32x132x100xi32, #tpu.memory_space<hbm>> -> memref<1x132x100xi32, #tpu.memory_space<hbm>>
      %dma_start3A_42 = tpu.memref_squeeze %dma_start3A_41 : memref<1x132x100xi32, #tpu.memory_space<hbm>> -> memref<132x100xi32, #tpu.memory_space<hbm>>
      tpu.enqueue_dma source(%dma_start3A_42 : memref<132x100xi32, #tpu.memory_space<hbm>>) target(%arg5 : memref<132x100xi32, #tpu.memory_space<vmem>>) target_semaphore(%run_scoped3A : memref<!tpu.dma_semaphore, #tpu.memory_space<semaphore_mem>>)
      %dma_wait3A = arith.constant 0 : i32
      %dma_wait3A_43 = arith.constant 0 : i32
      %dma_wait3A_44 = tpu.memref_slice %arg2[%add3A, %dma_wait3A, %dma_wait3A_43] : memref<32x132x100xi32, #tpu.memory_space<hbm>> -> memref<1x132x100xi32, #tpu.memory_space<hbm>>
      %dma_wait3A_45 = tpu.memref_squeeze %dma_wait3A_44 : memref<1x132x100xi32, #tpu.memory_space<hbm>> -> memref<132x100xi32, #tpu.memory_space<hbm>>
      %dma_wait3A_46 = arith.constant 0 : i32
      %dma_wait3A_47 = arith.constant 0 : i32
      %dma_wait3A_48 = tpu.memref_slice %arg2[%add3A, %dma_wait3A_46, %dma_wait3A_47] : memref<32x132x100xi32, #tpu.memory_space<hbm>> -> memref<1x132x100xi32, #tpu.memory_space<hbm>>
      %dma_wait3A_49 = tpu.memref_squeeze %dma_wait3A_48 : memref<1x132x100xi32, #tpu.memory_space<hbm>> -> memref<132x100xi32, #tpu.memory_space<hbm>>
      tpu.wait_dma2 semaphore(%run_scoped3A : memref<!tpu.dma_semaphore, #tpu.memory_space<semaphore_mem>>) src(%dma_wait3A_49 : memref<132x100xi32, #tpu.memory_space<hbm>>) dst(%arg5 : memref<132x100xi32, #tpu.memory_space<vmem>>)
      tpu.yield
    }) : () -> ()
    %dma_start3A = arith.constant 0 : i32
    %dma_start3A_1 = arith.constant 0 : i32
    %dma_start3A_2 = tpu.memref_slice %arg5[%dma_start3A, %dma_start3A_1] : memref<132x100xi32, #tpu.memory_space<vmem>> -> memref<1x100xi32, #tpu.memory_space<vmem>>
    %dma_start3A_3 = tpu.memref_squeeze %dma_start3A_2 : memref<1x100xi32, #tpu.memory_space<vmem>> -> memref<100xi32, #tpu.memory_space<vmem>>
    %dma_start3A_4 = arith.constant 0 : i32
    %dma_start3A_5 = arith.constant 0 : i32
    %dma_start3A_6 = tpu.memref_slice %arg3[%dma_start3A_4, %dma_start3A_5] : memref<1007616x64xf32, #tpu.memory_space<hbm>> -> memref<1007616x64xf32, #tpu.memory_space<hbm>>
    tpu.enqueue_indirect_dma source(%dma_start3A_6 : memref<1007616x64xf32, #tpu.memory_space<hbm>>) target(%arg6 : memref<100x64xf32, #tpu.memory_space<vmem>>) offsets(%dma_start3A_3 : memref<100xi32, #tpu.memory_space<vmem>>) semaphore(%arg11 : memref<!tpu.dma_semaphore, #tpu.memory_space<semaphore_mem>>)
    %dma_start3A_7 = arith.constant 1 : i32
    %dma_start3A_8 = arith.constant 0 : i32
    %dma_start3A_9 = tpu.memref_slice %arg5[%dma_start3A_7, %dma_start3A_8] : memref<132x100xi32, #tpu.memory_space<vmem>> -> memref<1x100xi32, #tpu.memory_space<vmem>>
    %dma_start3A_10 = tpu.memref_squeeze %dma_start3A_9 : memref<1x100xi32, #tpu.memory_space<vmem>> -> memref<100xi32, #tpu.memory_space<vmem>>
    %dma_start3A_11 = arith.constant 0 : i32
    %dma_start3A_12 = arith.constant 0 : i32
    %dma_start3A_13 = tpu.memref_slice %arg3[%dma_start3A_11, %dma_start3A_12] : memref<1007616x64xf32, #tpu.memory_space<hbm>> -> memref<1007616x64xf32, #tpu.memory_space<hbm>>
    tpu.enqueue_indirect_dma source(%dma_start3A_13 : memref<1007616x64xf32, #tpu.memory_space<hbm>>) target(%arg7 : memref<100x64xf32, #tpu.memory_space<vmem>>) offsets(%dma_start3A_10 : memref<100xi32, #tpu.memory_space<vmem>>) semaphore(%arg12 : memref<!tpu.dma_semaphore, #tpu.memory_space<semaphore_mem>>)
    %dma_start3A_14 = arith.constant 2 : i32
    %dma_start3A_15 = arith.constant 0 : i32
    %dma_start3A_16 = tpu.memref_slice %arg5[%dma_start3A_14, %dma_start3A_15] : memref<132x100xi32, #tpu.memory_space<vmem>> -> memref<1x100xi32, #tpu.memory_space<vmem>>
    %dma_start3A_17 = tpu.memref_squeeze %dma_start3A_16 : memref<1x100xi32, #tpu.memory_space<vmem>> -> memref<100xi32, #tpu.memory_space<vmem>>
    %dma_start3A_18 = arith.constant 0 : i32
    %dma_start3A_19 = arith.constant 0 : i32
    %dma_start3A_20 = tpu.memref_slice %arg3[%dma_start3A_18, %dma_start3A_19] : memref<1007616x64xf32, #tpu.memory_space<hbm>> -> memref<1007616x64xf32, #tpu.memory_space<hbm>>
    tpu.enqueue_indirect_dma source(%dma_start3A_20 : memref<1007616x64xf32, #tpu.memory_space<hbm>>) target(%arg8 : memref<100x64xf32, #tpu.memory_space<vmem>>) offsets(%dma_start3A_17 : memref<100xi32, #tpu.memory_space<vmem>>) semaphore(%arg13 : memref<!tpu.dma_semaphore, #tpu.memory_space<semaphore_mem>>)
    %dma_start3A_21 = arith.constant 3 : i32
    %dma_start3A_22 = arith.constant 0 : i32
    %dma_start3A_23 = tpu.memref_slice %arg5[%dma_start3A_21, %dma_start3A_22] : memref<132x100xi32, #tpu.memory_space<vmem>> -> memref<1x100xi32, #tpu.memory_space<vmem>>
    %dma_start3A_24 = tpu.memref_squeeze %dma_start3A_23 : memref<1x100xi32, #tpu.memory_space<vmem>> -> memref<100xi32, #tpu.memory_space<vmem>>
    %dma_start3A_25 = arith.constant 0 : i32
    %dma_start3A_26 = arith.constant 0 : i32
    %dma_start3A_27 = tpu.memref_slice %arg3[%dma_start3A_25, %dma_start3A_26] : memref<1007616x64xf32, #tpu.memory_space<hbm>> -> memref<1007616x64xf32, #tpu.memory_space<hbm>>
    tpu.enqueue_indirect_dma source(%dma_start3A_27 : memref<1007616x64xf32, #tpu.memory_space<hbm>>) target(%arg9 : memref<100x64xf32, #tpu.memory_space<vmem>>) offsets(%dma_start3A_24 : memref<100xi32, #tpu.memory_space<vmem>>) semaphore(%arg14 : memref<!tpu.dma_semaphore, #tpu.memory_space<semaphore_mem>>)
    %broadcast_in_dim3A = arith.constant 15 : i32
    %broadcast_in_dim3A_28 = vector.broadcast %broadcast_in_dim3A : i32 to vector<16x1xi32>
    %scan3A = arith.constant 0 : i32
    %scan3A_29 = arith.constant 2.000000e-02 : f32
    %scan3A_30 = arith.constant 0 : i32
    %scan3A_31 = arith.constant 33 : i32
    %scan3A_32 = arith.addi %scan3A_30, %scan3A_31 : i32
    %scan3A_33 = arith.constant 1 : i32
    scf.for %scan3A_35 = %scan3A_30 to %scan3A_32 step %scan3A_33  : i32 {
      %mul3A_36 = arith.constant 4 : i32
      %mul3A_37 = arith.muli %scan3A_35, %mul3A_36 : i32
      %add3A_38 = arith.constant 0 : i32
      %add3A_39 = arith.addi %mul3A_37, %add3A_38 : i32
      %dma_wait3A = arith.constant 0 : i32
      %dma_wait3A_40 = tpu.memref_slice %arg5[%add3A_39, %dma_wait3A] : memref<132x100xi32, #tpu.memory_space<vmem>> -> memref<1x100xi32, #tpu.memory_space<vmem>>
      %dma_wait3A_41 = tpu.memref_squeeze %dma_wait3A_40 : memref<1x100xi32, #tpu.memory_space<vmem>> -> memref<100xi32, #tpu.memory_space<vmem>>
      %dma_wait3A_42 = arith.constant 0 : i32
      %dma_wait3A_43 = arith.constant 0 : i32
      %dma_wait3A_44 = tpu.memref_slice %arg3[%dma_wait3A_42, %dma_wait3A_43] : memref<1007616x64xf32, #tpu.memory_space<hbm>> -> memref<1007616x64xf32, #tpu.memory_space<hbm>>
      tpu.wait_indirect_dma semaphore(%arg11 : memref<!tpu.dma_semaphore, #tpu.memory_space<semaphore_mem>>) src(%dma_wait3A_44 : memref<1007616x64xf32, #tpu.memory_space<hbm>>) dst(%arg6 : memref<100x64xf32, #tpu.memory_space<vmem>>)
      %broadcast_in_dim3A_45 = arith.constant 0.000000e+00 : f32
      %broadcast_in_dim3A_46 = vector.broadcast %broadcast_in_dim3A_45 : f32 to vector<16xf32>
      %scan3A_47 = arith.constant 0 : i32
      %scan3A_48 = arith.constant 25 : i32
      %scan3A_49 = arith.addi %scan3A_47, %scan3A_48 : i32
      %scan3A_50 = arith.constant 1 : i32
      %scan3A_51:8 = scf.for %scan3A_381 = %scan3A_47 to %scan3A_49 step %scan3A_50 iter_args(%scan3A_382 = %broadcast_in_dim3A_46, %scan3A_383 = %broadcast_in_dim3A_46, %scan3A_384 = %broadcast_in_dim3A_46, %scan3A_385 = %broadcast_in_dim3A_46, %scan3A_386 = %broadcast_in_dim3A_46, %scan3A_387 = %broadcast_in_dim3A_46, %scan3A_388 = %broadcast_in_dim3A_46, %scan3A_389 = %broadcast_in_dim3A_46) -> (vector<16xf32>, vector<16xf32>, vector<16xf32>, vector<16xf32>, vector<16xf32>, vector<16xf32>, vector<16xf32>, vector<16xf32>)  : i32 {
        %mul3A_390 = arith.constant 2 : i32
        %mul3A_391 = arith.muli %scan3A_381, %mul3A_390 : i32
        %add3A_392 = arith.constant 0 : i32
        %add3A_393 = arith.addi %add3A_392, %mul3A_391 : i32
        %get3A = arith.index_cast %add3A_393 : i32 to index
        %get3A_394 = arith.constant 0 : index
        %get3A_395 = tpu.vector_load %arg6[%get3A, %get3A_394] {strides = array<i32>} : memref<100x64xf32, #tpu.memory_space<vmem>>, vector<16xf32>,
        %get3A_396 = arith.index_cast %add3A_393 : i32 to index
        %get3A_397 = arith.constant 16 : index
        %get3A_398 = tpu.vector_load %arg6[%get3A_396, %get3A_397] {strides = array<i32>} : memref<100x64xf32, #tpu.memory_space<vmem>>, vector<16xf32>,
        %get3A_399 = arith.index_cast %add3A_393 : i32 to index
        %get3A_400 = arith.constant 32 : index
        %get3A_401 = tpu.vector_load %arg6[%get3A_399, %get3A_400] {strides = array<i32>} : memref<100x64xf32, #tpu.memory_space<vmem>>, vector<16xf32>,
        %get3A_402 = arith.index_cast %add3A_393 : i32 to index
        %get3A_403 = arith.constant 48 : index
        %get3A_404 = tpu.vector_load %arg6[%get3A_402, %get3A_403] {strides = array<i32>} : memref<100x64xf32, #tpu.memory_space<vmem>>, vector<16xf32>,
        %mul3A_405 = arith.mulf %get3A_395, %get3A_395 : vector<16xf32>
        %mul3A_406 = arith.mulf %get3A_398, %get3A_398 : vector<16xf32>
        %add3A_407 = arith.addf %mul3A_405, %mul3A_406 : vector<16xf32>
        %mul3A_408 = arith.mulf %get3A_401, %get3A_401 : vector<16xf32>
        %add3A_409 = arith.addf %add3A_407, %mul3A_408 : vector<16xf32>
        %mul3A_410 = arith.mulf %get3A_404, %get3A_404 : vector<16xf32>
        %add3A_411 = arith.addf %add3A_409, %mul3A_410 : vector<16xf32>
        %broadcast_in_dim3A_412 = arith.constant true
        %broadcast_in_dim3A_413 = vector.broadcast %broadcast_in_dim3A_412 : i1 to vector<16xi1>
        %masked_cumsum3A = tpu.scan <sum>, %add3A_411 masked %broadcast_in_dim3A_413 : vector<16xf32>, vector<16xi1> -> vector<16xf32>
        %gather3A = vector.shape_cast %broadcast_in_dim3A_28 : vector<16x1xi32> to vector<16xi32>
        %gather3A_414 = tpu.dynamic_gather %masked_cumsum3A[%gather3A] in [0] : vector<16xf32>, vector<16xi32> -> vector<16xf32>
        %max3A = arith.constant 9.99999996E-13 : f32
        %max3A_415 = vector.broadcast %max3A : f32 to vector<16xf32>
        %max3A_416 = arith.maximumf %gather3A_414, %max3A_415 : vector<16xf32>
        %bitcast_convert_type3A = tpu.bitcast %max3A_416 : vector<16xf32> -> vector<16xi32>
        %broadcast_in_dim3A_417 = arith.constant 1597463007 : i32
        %broadcast_in_dim3A_418 = vector.broadcast %broadcast_in_dim3A_417 : i32 to vector<16xi32>
        %shift_right_logical3A = arith.constant 1 : i32
        %shift_right_logical3A_419 = vector.broadcast %shift_right_logical3A : i32 to vector<16xi32>
        %shift_right_logical3A_420 = arith.shrui %bitcast_convert_type3A, %shift_right_logical3A_419 : vector<16xi32>
        %sub3A = arith.subi %broadcast_in_dim3A_418, %shift_right_logical3A_420 : vector<16xi32>
        %bitcast_convert_type3A_421 = tpu.bitcast %sub3A : vector<16xi32> -> vector<16xf32>
        %mul3A_422 = arith.constant 5.000000e-01 : f32
        %mul3A_423 = vector.broadcast %mul3A_422 : f32 to vector<16xf32>
        %mul3A_424 = arith.mulf %mul3A_423, %max3A_416 : vector<16xf32>
        %mul3A_425 = arith.mulf %mul3A_424, %bitcast_convert_type3A_421 : vector<16xf32>
        %mul3A_426 = arith.mulf %mul3A_425, %bitcast_convert_type3A_421 : vector<16xf32>
        %sub3A_427 = arith.constant 1.500000e+00 : f32
        %sub3A_428 = vector.broadcast %sub3A_427 : f32 to vector<16xf32>
        %sub3A_429 = arith.subf %sub3A_428, %mul3A_426 : vector<16xf32>
        %mul3A_430 = arith.mulf %bitcast_convert_type3A_421, %sub3A_429 : vector<16xf32>
        %mul3A_431 = arith.mulf %mul3A_424, %mul3A_430 : vector<16xf32>
        %mul3A_432 = arith.mulf %mul3A_431, %mul3A_430 : vector<16xf32>
        %sub3A_433 = arith.constant 1.500000e+00 : f32
        %sub3A_434 = vector.broadcast %sub3A_433 : f32 to vector<16xf32>
        %sub3A_435 = arith.subf %sub3A_434, %mul3A_432 : vector<16xf32>
        %mul3A_436 = arith.mulf %mul3A_430, %sub3A_435 : vector<16xf32>
        %mul3A_437 = arith.constant 1.000000e+01 : f32
        %mul3A_438 = vector.broadcast %mul3A_437 : f32 to vector<16xf32>
        %mul3A_439 = arith.mulf %mul3A_438, %mul3A_436 : vector<16xf32>
        %min3A = arith.constant 1.000000e+00 : f32
        %min3A_440 = vector.broadcast %min3A : f32 to vector<16xf32>
        %min3A_441 = arith.minimumf %min3A_440, %mul3A_439 : vector<16xf32>
        %mul3A_442 = arith.mulf %get3A_395, %min3A_441 : vector<16xf32>
        %mul3A_443 = arith.mulf %get3A_398, %min3A_441 : vector<16xf32>
        %mul3A_444 = arith.mulf %get3A_401, %min3A_441 : vector<16xf32>
        %mul3A_445 = arith.mulf %get3A_404, %min3A_441 : vector<16xf32>
        %add3A_446 = arith.constant 1 : i32
        %add3A_447 = arith.addi %add3A_393, %add3A_446 : i32
        %get3A_448 = arith.index_cast %add3A_447 : i32 to index
        %get3A_449 = arith.constant 0 : index
        %get3A_450 = tpu.vector_load %arg6[%get3A_448, %get3A_449] {strides = array<i32>} : memref<100x64xf32, #tpu.memory_space<vmem>>, vector<16xf32>,
        %get3A_451 = arith.index_cast %add3A_447 : i32 to index
        %get3A_452 = arith.constant 16 : index
        %get3A_453 = tpu.vector_load %arg6[%get3A_451, %get3A_452] {strides = array<i32>} : memref<100x64xf32, #tpu.memory_space<vmem>>, vector<16xf32>,
        %get3A_454 = arith.index_cast %add3A_447 : i32 to index
        %get3A_455 = arith.constant 32 : index
        %get3A_456 = tpu.vector_load %arg6[%get3A_454, %get3A_455] {strides = array<i32>} : memref<100x64xf32, #tpu.memory_space<vmem>>, vector<16xf32>,
        %get3A_457 = arith.index_cast %add3A_447 : i32 to index
        %get3A_458 = arith.constant 48 : index
        %get3A_459 = tpu.vector_load %arg6[%get3A_457, %get3A_458] {strides = array<i32>} : memref<100x64xf32, #tpu.memory_space<vmem>>, vector<16xf32>,
        %mul3A_460 = arith.mulf %get3A_450, %get3A_450 : vector<16xf32>
        %mul3A_461 = arith.mulf %get3A_453, %get3A_453 : vector<16xf32>
        %add3A_462 = arith.addf %mul3A_460, %mul3A_461 : vector<16xf32>
        %mul3A_463 = arith.mulf %get3A_456, %get3A_456 : vector<16xf32>
        %add3A_464 = arith.addf %add3A_462, %mul3A_463 : vector<16xf32>
        %mul3A_465 = arith.mulf %get3A_459, %get3A_459 : vector<16xf32>
        %add3A_466 = arith.addf %add3A_464, %mul3A_465 : vector<16xf32>
        %broadcast_in_dim3A_467 = arith.constant true
        %broadcast_in_dim3A_468 = vector.broadcast %broadcast_in_dim3A_467 : i1 to vector<16xi1>
        %masked_cumsum3A_469 = tpu.scan <sum>, %add3A_466 masked %broadcast_in_dim3A_468 : vector<16xf32>, vector<16xi1> -> vector<16xf32>
        %gather3A_470 = vector.shape_cast %broadcast_in_dim3A_28 : vector<16x1xi32> to vector<16xi32>
        %gather3A_471 = tpu.dynamic_gather %masked_cumsum3A_469[%gather3A_470] in [0] : vector<16xf32>, vector<16xi32> -> vector<16xf32>
        %max3A_472 = arith.constant 9.99999996E-13 : f32
        %max3A_473 = vector.broadcast %max3A_472 : f32 to vector<16xf32>
        %max3A_474 = arith.maximumf %gather3A_471, %max3A_473 : vector<16xf32>
        %bitcast_convert_type3A_475 = tpu.bitcast %max3A_474 : vector<16xf32> -> vector<16xi32>
        %broadcast_in_dim3A_476 = arith.constant 1597463007 : i32
        %broadcast_in_dim3A_477 = vector.broadcast %broadcast_in_dim3A_476 : i32 to vector<16xi32>
        %shift_right_logical3A_478 = arith.constant 1 : i32
        %shift_right_logical3A_479 = vector.broadcast %shift_right_logical3A_478 : i32 to vector<16xi32>
        %shift_right_logical3A_480 = arith.shrui %bitcast_convert_type3A_475, %shift_right_logical3A_479 : vector<16xi32>
        %sub3A_481 = arith.subi %broadcast_in_dim3A_477, %shift_right_logical3A_480 : vector<16xi32>
        %bitcast_convert_type3A_482 = tpu.bitcast %sub3A_481 : vector<16xi32> -> vector<16xf32>
        %mul3A_483 = arith.constant 5.000000e-01 : f32
        %mul3A_484 = vector.broadcast %mul3A_483 : f32 to vector<16xf32>
        %mul3A_485 = arith.mulf %mul3A_484, %max3A_474 : vector<16xf32>
        %mul3A_486 = arith.mulf %mul3A_485, %bitcast_convert_type3A_482 : vector<16xf32>
        %mul3A_487 = arith.mulf %mul3A_486, %bitcast_convert_type3A_482 : vector<16xf32>
        %sub3A_488 = arith.constant 1.500000e+00 : f32
        %sub3A_489 = vector.broadcast %sub3A_488 : f32 to vector<16xf32>
        %sub3A_490 = arith.subf %sub3A_489, %mul3A_487 : vector<16xf32>
        %mul3A_491 = arith.mulf %bitcast_convert_type3A_482, %sub3A_490 : vector<16xf32>
        %mul3A_492 = arith.mulf %mul3A_485, %mul3A_491 : vector<16xf32>
        %mul3A_493 = arith.mulf %mul3A_492, %mul3A_491 : vector<16xf32>
        %sub3A_494 = arith.constant 1.500000e+00 : f32
        %sub3A_495 = vector.broadcast %sub3A_494 : f32 to vector<16xf32>
        %sub3A_496 = arith.subf %sub3A_495, %mul3A_493 : vector<16xf32>
        %mul3A_497 = arith.mulf %mul3A_491, %sub3A_496 : vector<16xf32>
        %mul3A_498 = arith.constant 1.000000e+01 : f32
        %mul3A_499 = vector.broadcast %mul3A_498 : f32 to vector<16xf32>
        %mul3A_500 = arith.mulf %mul3A_499, %mul3A_497 : vector<16xf32>
        %min3A_501 = arith.constant 1.000000e+00 : f32
        %min3A_502 = vector.broadcast %min3A_501 : f32 to vector<16xf32>
        %min3A_503 = arith.minimumf %min3A_502, %mul3A_500 : vector<16xf32>
        %mul3A_504 = arith.mulf %get3A_450, %min3A_503 : vector<16xf32>
        %mul3A_505 = arith.mulf %get3A_453, %min3A_503 : vector<16xf32>
        %mul3A_506 = arith.mulf %get3A_456, %min3A_503 : vector<16xf32>
        %mul3A_507 = arith.mulf %get3A_459, %min3A_503 : vector<16xf32>
        %add3A_508 = arith.addf %scan3A_382, %mul3A_442 : vector<16xf32>
        %add3A_509 = arith.addf %scan3A_383, %mul3A_443 : vector<16xf32>
        %add3A_510 = arith.addf %scan3A_384, %mul3A_444 : vector<16xf32>
        %add3A_511 = arith.addf %scan3A_385, %mul3A_445 : vector<16xf32>
        %add3A_512 = arith.addf %scan3A_386, %mul3A_504 : vector<16xf32>
        %add3A_513 = arith.addf %scan3A_387, %mul3A_505 : vector<16xf32>
        %add3A_514 = arith.addf %scan3A_388, %mul3A_506 : vector<16xf32>
        %add3A_515 = arith.addf %scan3A_389, %mul3A_507 : vector<16xf32>
        scf.yield %add3A_508, %add3A_509, %add3A_510, %add3A_511, %add3A_512, %add3A_513, %add3A_514, %add3A_515 : vector<16xf32>, vector<16xf32>, vector<16xf32>, vector<16xf32>, vector<16xf32>, vector<16xf32>, vector<16xf32>, vector<16xf32>
      }
      %scan3A_52 = arith.constant 25 : i32
      %mul3A_53 = arith.constant 2 : i32
      %mul3A_54 = arith.muli %add3A_39, %mul3A_53 : i32
      %add3A_55 = arith.constant 0 : i32
      %add3A_56 = arith.addi %mul3A_54, %add3A_55 : i32
      %add3A_57 = arith.addf %scan3A_51#0, %scan3A_51#4 : vector<16xf32>
      %mul3A_58 = vector.broadcast %scan3A_29 : f32 to vector<16xf32>
      %mul3A_59 = arith.mulf %add3A_57, %mul3A_58 : vector<16xf32>
      %swap3A = arith.index_cast %add3A_56 : i32 to index
      %swap3A_60 = arith.constant 0 : index
      %swap3A_61 = tpu.vector_load %arg10[%swap3A, %swap3A_60] {strides = array<i32>} : memref<264x64xf32, #tpu.memory_space<vmem>>, vector<16xf32>,
      tpu.vector_store %arg10[%swap3A, %swap3A_60], %mul3A_59 {strides = array<i32>} : memref<264x64xf32, #tpu.memory_space<vmem>>, vector<16xf32>,
      %add3A_62 = arith.addf %scan3A_51#1, %scan3A_51#5 : vector<16xf32>
      %mul3A_63 = vector.broadcast %scan3A_29 : f32 to vector<16xf32>
      %mul3A_64 = arith.mulf %add3A_62, %mul3A_63 : vector<16xf32>
      %swap3A_65 = arith.index_cast %add3A_56 : i32 to index
      %swap3A_66 = arith.constant 16 : index
      %swap3A_67 = tpu.vector_load %arg10[%swap3A_65, %swap3A_66] {strides = array<i32>} : memref<264x64xf32, #tpu.memory_space<vmem>>, vector<16xf32>,
      tpu.vector_store %arg10[%swap3A_65, %swap3A_66], %mul3A_64 {strides = array<i32>} : memref<264x64xf32, #tpu.memory_space<vmem>>, vector<16xf32>,
      %add3A_68 = arith.addf %scan3A_51#2, %scan3A_51#6 : vector<16xf32>
      %mul3A_69 = vector.broadcast %scan3A_29 : f32 to vector<16xf32>
      %mul3A_70 = arith.mulf %add3A_68, %mul3A_69 : vector<16xf32>
      %swap3A_71 = arith.index_cast %add3A_56 : i32 to index
      %swap3A_72 = arith.constant 32 : index
      %swap3A_73 = tpu.vector_load %arg10[%swap3A_71, %swap3A_72] {strides = array<i32>} : memref<264x64xf32, #tpu.memory_space<vmem>>, vector<16xf32>,
      tpu.vector_store %arg10[%swap3A_71, %swap3A_72], %mul3A_70 {strides = array<i32>} : memref<264x64xf32, #tpu.memory_space<vmem>>, vector<16xf32>,
      %add3A_74 = arith.addf %scan3A_51#3, %scan3A_51#7 : vector<16xf32>
      %mul3A_75 = vector.broadcast %scan3A_29 : f32 to vector<16xf32>
      %mul3A_76 = arith.mulf %add3A_74, %mul3A_75 : vector<16xf32>
      %swap3A_77 = arith.index_cast %add3A_56 : i32 to index
      %swap3A_78 = arith.constant 48 : index
      %swap3A_79 = tpu.vector_load %arg10[%swap3A_77, %swap3A_78] {strides = array<i32>} : memref<264x64xf32, #tpu.memory_space<vmem>>, vector<16xf32>,
      tpu.vector_store %arg10[%swap3A_77, %swap3A_78], %mul3A_76 {strides = array<i32>} : memref<264x64xf32, #tpu.memory_space<vmem>>, vector<16xf32>,
      %broadcast_in_dim3A_80 = arith.constant 0.000000e+00 : f32
      %broadcast_in_dim3A_81 = vector.broadcast %broadcast_in_dim3A_80 : f32 to vector<16xf32>
      %scan3A_82 = arith.constant 0 : i32
      %scan3A_83 = arith.constant 25 : i32
      %scan3A_84 = arith.addi %scan3A_82, %scan3A_83 : i32
      %scan3A_85 = arith.constant 1 : i32
      %scan3A_86:8 = scf.for %scan3A_381 = %scan3A_82 to %scan3A_84 step %scan3A_85 iter_args(%scan3A_382 = %broadcast_in_dim3A_81, %scan3A_383 = %broadcast_in_dim3A_81, %scan3A_384 = %broadcast_in_dim3A_81, %scan3A_385 = %broadcast_in_dim3A_81, %scan3A_386 = %broadcast_in_dim3A_81, %scan3A_387 = %broadcast_in_dim3A_81, %scan3A_388 = %broadcast_in_dim3A_81, %scan3A_389 = %broadcast_in_dim3A_81) -> (vector<16xf32>, vector<16xf32>, vector<16xf32>, vector<16xf32>, vector<16xf32>, vector<16xf32>, vector<16xf32>, vector<16xf32>)  : i32 {
        %mul3A_390 = arith.constant 2 : i32
        %mul3A_391 = arith.muli %scan3A_381, %mul3A_390 : i32
        %add3A_392 = arith.constant 50 : i32
        %add3A_393 = arith.addi %add3A_392, %mul3A_391 : i32
        %get3A = arith.index_cast %add3A_393 : i32 to index
        %get3A_394 = arith.constant 0 : index
        %get3A_395 = tpu.vector_load %arg6[%get3A, %get3A_394] {strides = array<i32>} : memref<100x64xf32, #tpu.memory_space<vmem>>, vector<16xf32>,
        %get3A_396 = arith.index_cast %add3A_393 : i32 to index
        %get3A_397 = arith.constant 16 : index
        %get3A_398 = tpu.vector_load %arg6[%get3A_396, %get3A_397] {strides = array<i32>} : memref<100x64xf32, #tpu.memory_space<vmem>>, vector<16xf32>,
        %get3A_399 = arith.index_cast %add3A_393 : i32 to index
        %get3A_400 = arith.constant 32 : index
        %get3A_401 = tpu.vector_load %arg6[%get3A_399, %get3A_400] {strides = array<i32>} : memref<100x64xf32, #tpu.memory_space<vmem>>, vector<16xf32>,
        %get3A_402 = arith.index_cast %add3A_393 : i32 to index
        %get3A_403 = arith.constant 48 : index
        %get3A_404 = tpu.vector_load %arg6[%get3A_402, %get3A_403] {strides = array<i32>} : memref<100x64xf32, #tpu.memory_space<vmem>>, vector<16xf32>,
        %mul3A_405 = arith.mulf %get3A_395, %get3A_395 : vector<16xf32>
        %mul3A_406 = arith.mulf %get3A_398, %get3A_398 : vector<16xf32>
        %add3A_407 = arith.addf %mul3A_405, %mul3A_406 : vector<16xf32>
        %mul3A_408 = arith.mulf %get3A_401, %get3A_401 : vector<16xf32>
        %add3A_409 = arith.addf %add3A_407, %mul3A_408 : vector<16xf32>
        %mul3A_410 = arith.mulf %get3A_404, %get3A_404 : vector<16xf32>
        %add3A_411 = arith.addf %add3A_409, %mul3A_410 : vector<16xf32>
        %broadcast_in_dim3A_412 = arith.constant true
        %broadcast_in_dim3A_413 = vector.broadcast %broadcast_in_dim3A_412 : i1 to vector<16xi1>
        %masked_cumsum3A = tpu.scan <sum>, %add3A_411 masked %broadcast_in_dim3A_413 : vector<16xf32>, vector<16xi1> -> vector<16xf32>
        %gather3A = vector.shape_cast %broadcast_in_dim3A_28 : vector<16x1xi32> to vector<16xi32>
        %gather3A_414 = tpu.dynamic_gather %masked_cumsum3A[%gather3A] in [0] : vector<16xf32>, vector<16xi32> -> vector<16xf32>
        %max3A = arith.constant 9.99999996E-13 : f32
        %max3A_415 = vector.broadcast %max3A : f32 to vector<16xf32>
        %max3A_416 = arith.maximumf %gather3A_414, %max3A_415 : vector<16xf32>
        %bitcast_convert_type3A = tpu.bitcast %max3A_416 : vector<16xf32> -> vector<16xi32>
        %broadcast_in_dim3A_417 = arith.constant 1597463007 : i32
        %broadcast_in_dim3A_418 = vector.broadcast %broadcast_in_dim3A_417 : i32 to vector<16xi32>
        %shift_right_logical3A = arith.constant 1 : i32
        %shift_right_logical3A_419 = vector.broadcast %shift_right_logical3A : i32 to vector<16xi32>
        %shift_right_logical3A_420 = arith.shrui %bitcast_convert_type3A, %shift_right_logical3A_419 : vector<16xi32>
        %sub3A = arith.subi %broadcast_in_dim3A_418, %shift_right_logical3A_420 : vector<16xi32>
        %bitcast_convert_type3A_421 = tpu.bitcast %sub3A : vector<16xi32> -> vector<16xf32>
        %mul3A_422 = arith.constant 5.000000e-01 : f32
        %mul3A_423 = vector.broadcast %mul3A_422 : f32 to vector<16xf32>
        %mul3A_424 = arith.mulf %mul3A_423, %max3A_416 : vector<16xf32>
        %mul3A_425 = arith.mulf %mul3A_424, %bitcast_convert_type3A_421 : vector<16xf32>
        %mul3A_426 = arith.mulf %mul3A_425, %bitcast_convert_type3A_421 : vector<16xf32>
        %sub3A_427 = arith.constant 1.500000e+00 : f32
        %sub3A_428 = vector.broadcast %sub3A_427 : f32 to vector<16xf32>
        %sub3A_429 = arith.subf %sub3A_428, %mul3A_426 : vector<16xf32>
        %mul3A_430 = arith.mulf %bitcast_convert_type3A_421, %sub3A_429 : vector<16xf32>
        %mul3A_431 = arith.mulf %mul3A_424, %mul3A_430 : vector<16xf32>
        %mul3A_432 = arith.mulf %mul3A_431, %mul3A_430 : vector<16xf32>
        %sub3A_433 = arith.constant 1.500000e+00 : f32
        %sub3A_434 = vector.broadcast %sub3A_433 : f32 to vector<16xf32>
        %sub3A_435 = arith.subf %sub3A_434, %mul3A_432 : vector<16xf32>
        %mul3A_436 = arith.mulf %mul3A_430, %sub3A_435 : vector<16xf32>
        %mul3A_437 = arith.constant 1.000000e+01 : f32
        %mul3A_438 = vector.broadcast %mul3A_437 : f32 to vector<16xf32>
        %mul3A_439 = arith.mulf %mul3A_438, %mul3A_436 : vector<16xf32>
        %min3A = arith.constant 1.000000e+00 : f32
        %min3A_440 = vector.broadcast %min3A : f32 to vector<16xf32>
        %min3A_441 = arith.minimumf %min3A_440, %mul3A_439 : vector<16xf32>
        %mul3A_442 = arith.mulf %get3A_395, %min3A_441 : vector<16xf32>
        %mul3A_443 = arith.mulf %get3A_398, %min3A_441 : vector<16xf32>
        %mul3A_444 = arith.mulf %get3A_401, %min3A_441 : vector<16xf32>
        %mul3A_445 = arith.mulf %get3A_404, %min3A_441 : vector<16xf32>
        %add3A_446 = arith.constant 1 : i32
        %add3A_447 = arith.addi %add3A_393, %add3A_446 : i32
        %get3A_448 = arith.index_cast %add3A_447 : i32 to index
        %get3A_449 = arith.constant 0 : index
        %get3A_450 = tpu.vector_load %arg6[%get3A_448, %get3A_449] {strides = array<i32>} : memref<100x64xf32, #tpu.memory_space<vmem>>, vector<16xf32>,
        %get3A_451 = arith.index_cast %add3A_447 : i32 to index
        %get3A_452 = arith.constant 16 : index
        %get3A_453 = tpu.vector_load %arg6[%get3A_451, %get3A_452] {strides = array<i32>} : memref<100x64xf32, #tpu.memory_space<vmem>>, vector<16xf32>,
        %get3A_454 = arith.index_cast %add3A_447 : i32 to index
        %get3A_455 = arith.constant 32 : index
        %get3A_456 = tpu.vector_load %arg6[%get3A_454, %get3A_455] {strides = array<i32>} : memref<100x64xf32, #tpu.memory_space<vmem>>, vector<16xf32>,
        %get3A_457 = arith.index_cast %add3A_447 : i32 to index
        %get3A_458 = arith.constant 48 : index
        %get3A_459 = tpu.vector_load %arg6[%get3A_457, %get3A_458] {strides = array<i32>} : memref<100x64xf32, #tpu.memory_space<vmem>>, vector<16xf32>,
        %mul3A_460 = arith.mulf %get3A_450, %get3A_450 : vector<16xf32>
        %mul3A_461 = arith.mulf %get3A_453, %get3A_453 : vector<16xf32>
        %add3A_462 = arith.addf %mul3A_460, %mul3A_461 : vector<16xf32>
        %mul3A_463 = arith.mulf %get3A_456, %get3A_456 : vector<16xf32>
        %add3A_464 = arith.addf %add3A_462, %mul3A_463 : vector<16xf32>
        %mul3A_465 = arith.mulf %get3A_459, %get3A_459 : vector<16xf32>
        %add3A_466 = arith.addf %add3A_464, %mul3A_465 : vector<16xf32>
        %broadcast_in_dim3A_467 = arith.constant true
        %broadcast_in_dim3A_468 = vector.broadcast %broadcast_in_dim3A_467 : i1 to vector<16xi1>
        %masked_cumsum3A_469 = tpu.scan <sum>, %add3A_466 masked %broadcast_in_dim3A_468 : vector<16xf32>, vector<16xi1> -> vector<16xf32>
        %gather3A_470 = vector.shape_cast %broadcast_in_dim3A_28 : vector<16x1xi32> to vector<16xi32>
        %gather3A_471 = tpu.dynamic_gather %masked_cumsum3A_469[%gather3A_470] in [0] : vector<16xf32>, vector<16xi32> -> vector<16xf32>
        %max3A_472 = arith.constant 9.99999996E-13 : f32
        %max3A_473 = vector.broadcast %max3A_472 : f32 to vector<16xf32>
        %max3A_474 = arith.maximumf %gather3A_471, %max3A_473 : vector<16xf32>
        %bitcast_convert_type3A_475 = tpu.bitcast %max3A_474 : vector<16xf32> -> vector<16xi32>
        %broadcast_in_dim3A_476 = arith.constant 1597463007 : i32
        %broadcast_in_dim3A_477 = vector.broadcast %broadcast_in_dim3A_476 : i32 to vector<16xi32>
        %shift_right_logical3A_478 = arith.constant 1 : i32
        %shift_right_logical3A_479 = vector.broadcast %shift_right_logical3A_478 : i32 to vector<16xi32>
        %shift_right_logical3A_480 = arith.shrui %bitcast_convert_type3A_475, %shift_right_logical3A_479 : vector<16xi32>
        %sub3A_481 = arith.subi %broadcast_in_dim3A_477, %shift_right_logical3A_480 : vector<16xi32>
        %bitcast_convert_type3A_482 = tpu.bitcast %sub3A_481 : vector<16xi32> -> vector<16xf32>
        %mul3A_483 = arith.constant 5.000000e-01 : f32
        %mul3A_484 = vector.broadcast %mul3A_483 : f32 to vector<16xf32>
        %mul3A_485 = arith.mulf %mul3A_484, %max3A_474 : vector<16xf32>
        %mul3A_486 = arith.mulf %mul3A_485, %bitcast_convert_type3A_482 : vector<16xf32>
        %mul3A_487 = arith.mulf %mul3A_486, %bitcast_convert_type3A_482 : vector<16xf32>
        %sub3A_488 = arith.constant 1.500000e+00 : f32
        %sub3A_489 = vector.broadcast %sub3A_488 : f32 to vector<16xf32>
        %sub3A_490 = arith.subf %sub3A_489, %mul3A_487 : vector<16xf32>
        %mul3A_491 = arith.mulf %bitcast_convert_type3A_482, %sub3A_490 : vector<16xf32>
        %mul3A_492 = arith.mulf %mul3A_485, %mul3A_491 : vector<16xf32>
        %mul3A_493 = arith.mulf %mul3A_492, %mul3A_491 : vector<16xf32>
        %sub3A_494 = arith.constant 1.500000e+00 : f32
        %sub3A_495 = vector.broadcast %sub3A_494 : f32 to vector<16xf32>
        %sub3A_496 = arith.subf %sub3A_495, %mul3A_493 : vector<16xf32>
        %mul3A_497 = arith.mulf %mul3A_491, %sub3A_496 : vector<16xf32>
        %mul3A_498 = arith.constant 1.000000e+01 : f32
        %mul3A_499 = vector.broadcast %mul3A_498 : f32 to vector<16xf32>
        %mul3A_500 = arith.mulf %mul3A_499, %mul3A_497 : vector<16xf32>
        %min3A_501 = arith.constant 1.000000e+00 : f32
        %min3A_502 = vector.broadcast %min3A_501 : f32 to vector<16xf32>
        %min3A_503 = arith.minimumf %min3A_502, %mul3A_500 : vector<16xf32>
        %mul3A_504 = arith.mulf %get3A_450, %min3A_503 : vector<16xf32>
        %mul3A_505 = arith.mulf %get3A_453, %min3A_503 : vector<16xf32>
        %mul3A_506 = arith.mulf %get3A_456, %min3A_503 : vector<16xf32>
        %mul3A_507 = arith.mulf %get3A_459, %min3A_503 : vector<16xf32>
        %add3A_508 = arith.addf %scan3A_382, %mul3A_442 : vector<16xf32>
        %add3A_509 = arith.addf %scan3A_383, %mul3A_443 : vector<16xf32>
        %add3A_510 = arith.addf %scan3A_384, %mul3A_444 : vector<16xf32>
        %add3A_511 = arith.addf %scan3A_385, %mul3A_445 : vector<16xf32>
        %add3A_512 = arith.addf %scan3A_386, %mul3A_504 : vector<16xf32>
        %add3A_513 = arith.addf %scan3A_387, %mul3A_505 : vector<16xf32>
        %add3A_514 = arith.addf %scan3A_388, %mul3A_506 : vector<16xf32>
        %add3A_515 = arith.addf %scan3A_389, %mul3A_507 : vector<16xf32>
        scf.yield %add3A_508, %add3A_509, %add3A_510, %add3A_511, %add3A_512, %add3A_513, %add3A_514, %add3A_515 : vector<16xf32>, vector<16xf32>, vector<16xf32>, vector<16xf32>, vector<16xf32>, vector<16xf32>, vector<16xf32>, vector<16xf32>
      }
      %scan3A_87 = arith.constant 25 : i32
      %mul3A_88 = arith.constant 2 : i32
      %mul3A_89 = arith.muli %add3A_39, %mul3A_88 : i32
      %add3A_90 = arith.constant 1 : i32
      %add3A_91 = arith.addi %mul3A_89, %add3A_90 : i32
      %add3A_92 = arith.addf %scan3A_86#0, %scan3A_86#4 : vector<16xf32>
      %mul3A_93 = vector.broadcast %scan3A_29 : f32 to vector<16xf32>
      %mul3A_94 = arith.mulf %add3A_92, %mul3A_93 : vector<16xf32>
      %swap3A_95 = arith.index_cast %add3A_91 : i32 to index
      %swap3A_96 = arith.constant 0 : index
      %swap3A_97 = tpu.vector_load %arg10[%swap3A_95, %swap3A_96] {strides = array<i32>} : memref<264x64xf32, #tpu.memory_space<vmem>>, vector<16xf32>,
      tpu.vector_store %arg10[%swap3A_95, %swap3A_96], %mul3A_94 {strides = array<i32>} : memref<264x64xf32, #tpu.memory_space<vmem>>, vector<16xf32>,
      %add3A_98 = arith.addf %scan3A_86#1, %scan3A_86#5 : vector<16xf32>
      %mul3A_99 = vector.broadcast %scan3A_29 : f32 to vector<16xf32>
      %mul3A_100 = arith.mulf %add3A_98, %mul3A_99 : vector<16xf32>
      %swap3A_101 = arith.index_cast %add3A_91 : i32 to index
      %swap3A_102 = arith.constant 16 : index
      %swap3A_103 = tpu.vector_load %arg10[%swap3A_101, %swap3A_102] {strides = array<i32>} : memref<264x64xf32, #tpu.memory_space<vmem>>, vector<16xf32>,
      tpu.vector_store %arg10[%swap3A_101, %swap3A_102], %mul3A_100 {strides = array<i32>} : memref<264x64xf32, #tpu.memory_space<vmem>>, vector<16xf32>,
      %add3A_104 = arith.addf %scan3A_86#2, %scan3A_86#6 : vector<16xf32>
      %mul3A_105 = vector.broadcast %scan3A_29 : f32 to vector<16xf32>
      %mul3A_106 = arith.mulf %add3A_104, %mul3A_105 : vector<16xf32>
      %swap3A_107 = arith.index_cast %add3A_91 : i32 to index
      %swap3A_108 = arith.constant 32 : index
      %swap3A_109 = tpu.vector_load %arg10[%swap3A_107, %swap3A_108] {strides = array<i32>} : memref<264x64xf32, #tpu.memory_space<vmem>>, vector<16xf32>,
      tpu.vector_store %arg10[%swap3A_107, %swap3A_108], %mul3A_106 {strides = array<i32>} : memref<264x64xf32, #tpu.memory_space<vmem>>, vector<16xf32>,
      %add3A_110 = arith.addf %scan3A_86#3, %scan3A_86#7 : vector<16xf32>
      %mul3A_111 = vector.broadcast %scan3A_29 : f32 to vector<16xf32>
      %mul3A_112 = arith.mulf %add3A_110, %mul3A_111 : vector<16xf32>
      %swap3A_113 = arith.index_cast %add3A_91 : i32 to index
      %swap3A_114 = arith.constant 48 : index
      %swap3A_115 = tpu.vector_load %arg10[%swap3A_113, %swap3A_114] {strides = array<i32>} : memref<264x64xf32, #tpu.memory_space<vmem>>, vector<16xf32>,
      tpu.vector_store %arg10[%swap3A_113, %swap3A_114], %mul3A_112 {strides = array<i32>} : memref<264x64xf32, #tpu.memory_space<vmem>>, vector<16xf32>,
      %add3A_116 = arith.constant 4 : i32
      %add3A_117 = arith.addi %add3A_39, %add3A_116 : i32
      %lt3A = arith.constant 132 : i32
      %lt3A_118 = arith.cmpi slt, %add3A_117, %lt3A : i32
      %convert_element_type3A = arith.extui %lt3A_118 : i1 to i32
      %cond3A = arith.constant 0 : i32
      %cond3A_119 = arith.cmpi ne, %convert_element_type3A, %cond3A : i32
      scf.if %cond3A_119 {
        %add3A_381 = arith.constant 4 : i32
        %add3A_382 = arith.addi %add3A_39, %add3A_381 : i32
        %dma_start3A_383 = arith.constant 0 : i32
        %dma_start3A_384 = tpu.memref_slice %arg5[%add3A_382, %dma_start3A_383] : memref<132x100xi32, #tpu.memory_space<vmem>> -> memref<1x100xi32, #tpu.memory_space<vmem>>
        %dma_start3A_385 = tpu.memref_squeeze %dma_start3A_384 : memref<1x100xi32, #tpu.memory_space<vmem>> -> memref<100xi32, #tpu.memory_space<vmem>>
        %dma_start3A_386 = arith.constant 0 : i32
        %dma_start3A_387 = arith.constant 0 : i32
        %dma_start3A_388 = tpu.memref_slice %arg3[%dma_start3A_386, %dma_start3A_387] : memref<1007616x64xf32, #tpu.memory_space<hbm>> -> memref<1007616x64xf32, #tpu.memory_space<hbm>>
        tpu.enqueue_indirect_dma source(%dma_start3A_388 : memref<1007616x64xf32, #tpu.memory_space<hbm>>) target(%arg6 : memref<100x64xf32, #tpu.memory_space<vmem>>) offsets(%dma_start3A_385 : memref<100xi32, #tpu.memory_space<vmem>>) semaphore(%arg11 : memref<!tpu.dma_semaphore, #tpu.memory_space<semaphore_mem>>)
      } else {
      }
      %add3A_120 = arith.constant 1 : i32
      %add3A_121 = arith.addi %mul3A_37, %add3A_120 : i32
      %dma_wait3A_122 = arith.constant 0 : i32
      %dma_wait3A_123 = tpu.memref_slice %arg5[%add3A_121, %dma_wait3A_122] : memref<132x100xi32, #tpu.memory_space<vmem>> -> memref<1x100xi32, #tpu.memory_space<vmem>>
      %dma_wait3A_124 = tpu.memref_squeeze %dma_wait3A_123 : memref<1x100xi32, #tpu.memory_space<vmem>> -> memref<100xi32, #tpu.memory_space<vmem>>
      %dma_wait3A_125 = arith.constant 0 : i32
      %dma_wait3A_126 = arith.constant 0 : i32
      %dma_wait3A_127 = tpu.memref_slice %arg3[%dma_wait3A_125, %dma_wait3A_126] : memref<1007616x64xf32, #tpu.memory_space<hbm>> -> memref<1007616x64xf32, #tpu.memory_space<hbm>>
      tpu.wait_indirect_dma semaphore(%arg12 : memref<!tpu.dma_semaphore, #tpu.memory_space<semaphore_mem>>) src(%dma_wait3A_127 : memref<1007616x64xf32, #tpu.memory_space<hbm>>) dst(%arg7 : memref<100x64xf32, #tpu.memory_space<vmem>>)
      %broadcast_in_dim3A_128 = arith.constant 0.000000e+00 : f32
      %broadcast_in_dim3A_129 = vector.broadcast %broadcast_in_dim3A_128 : f32 to vector<16xf32>
      %scan3A_130 = arith.constant 0 : i32
      %scan3A_131 = arith.constant 25 : i32
      %scan3A_132 = arith.addi %scan3A_130, %scan3A_131 : i32
      %scan3A_133 = arith.constant 1 : i32
      %scan3A_134:8 = scf.for %scan3A_381 = %scan3A_130 to %scan3A_132 step %scan3A_133 iter_args(%scan3A_382 = %broadcast_in_dim3A_129, %scan3A_383 = %broadcast_in_dim3A_129, %scan3A_384 = %broadcast_in_dim3A_129, %scan3A_385 = %broadcast_in_dim3A_129, %scan3A_386 = %broadcast_in_dim3A_129, %scan3A_387 = %broadcast_in_dim3A_129, %scan3A_388 = %broadcast_in_dim3A_129, %scan3A_389 = %broadcast_in_dim3A_129) -> (vector<16xf32>, vector<16xf32>, vector<16xf32>, vector<16xf32>, vector<16xf32>, vector<16xf32>, vector<16xf32>, vector<16xf32>)  : i32 {
        %mul3A_390 = arith.constant 2 : i32
        %mul3A_391 = arith.muli %scan3A_381, %mul3A_390 : i32
        %add3A_392 = arith.constant 0 : i32
        %add3A_393 = arith.addi %add3A_392, %mul3A_391 : i32
        %get3A = arith.index_cast %add3A_393 : i32 to index
        %get3A_394 = arith.constant 0 : index
        %get3A_395 = tpu.vector_load %arg7[%get3A, %get3A_394] {strides = array<i32>} : memref<100x64xf32, #tpu.memory_space<vmem>>, vector<16xf32>,
        %get3A_396 = arith.index_cast %add3A_393 : i32 to index
        %get3A_397 = arith.constant 16 : index
        %get3A_398 = tpu.vector_load %arg7[%get3A_396, %get3A_397] {strides = array<i32>} : memref<100x64xf32, #tpu.memory_space<vmem>>, vector<16xf32>,
        %get3A_399 = arith.index_cast %add3A_393 : i32 to index
        %get3A_400 = arith.constant 32 : index
        %get3A_401 = tpu.vector_load %arg7[%get3A_399, %get3A_400] {strides = array<i32>} : memref<100x64xf32, #tpu.memory_space<vmem>>, vector<16xf32>,
        %get3A_402 = arith.index_cast %add3A_393 : i32 to index
        %get3A_403 = arith.constant 48 : index
        %get3A_404 = tpu.vector_load %arg7[%get3A_402, %get3A_403] {strides = array<i32>} : memref<100x64xf32, #tpu.memory_space<vmem>>, vector<16xf32>,
        %mul3A_405 = arith.mulf %get3A_395, %get3A_395 : vector<16xf32>
        %mul3A_406 = arith.mulf %get3A_398, %get3A_398 : vector<16xf32>
        %add3A_407 = arith.addf %mul3A_405, %mul3A_406 : vector<16xf32>
        %mul3A_408 = arith.mulf %get3A_401, %get3A_401 : vector<16xf32>
        %add3A_409 = arith.addf %add3A_407, %mul3A_408 : vector<16xf32>
        %mul3A_410 = arith.mulf %get3A_404, %get3A_404 : vector<16xf32>
        %add3A_411 = arith.addf %add3A_409, %mul3A_410 : vector<16xf32>
        %broadcast_in_dim3A_412 = arith.constant true
        %broadcast_in_dim3A_413 = vector.broadcast %broadcast_in_dim3A_412 : i1 to vector<16xi1>
        %masked_cumsum3A = tpu.scan <sum>, %add3A_411 masked %broadcast_in_dim3A_413 : vector<16xf32>, vector<16xi1> -> vector<16xf32>
        %gather3A = vector.shape_cast %broadcast_in_dim3A_28 : vector<16x1xi32> to vector<16xi32>
        %gather3A_414 = tpu.dynamic_gather %masked_cumsum3A[%gather3A] in [0] : vector<16xf32>, vector<16xi32> -> vector<16xf32>
        %max3A = arith.constant 9.99999996E-13 : f32
        %max3A_415 = vector.broadcast %max3A : f32 to vector<16xf32>
        %max3A_416 = arith.maximumf %gather3A_414, %max3A_415 : vector<16xf32>
        %bitcast_convert_type3A = tpu.bitcast %max3A_416 : vector<16xf32> -> vector<16xi32>
        %broadcast_in_dim3A_417 = arith.constant 1597463007 : i32
        %broadcast_in_dim3A_418 = vector.broadcast %broadcast_in_dim3A_417 : i32 to vector<16xi32>
        %shift_right_logical3A = arith.constant 1 : i32
        %shift_right_logical3A_419 = vector.broadcast %shift_right_logical3A : i32 to vector<16xi32>
        %shift_right_logical3A_420 = arith.shrui %bitcast_convert_type3A, %shift_right_logical3A_419 : vector<16xi32>
        %sub3A = arith.subi %broadcast_in_dim3A_418, %shift_right_logical3A_420 : vector<16xi32>
        %bitcast_convert_type3A_421 = tpu.bitcast %sub3A : vector<16xi32> -> vector<16xf32>
        %mul3A_422 = arith.constant 5.000000e-01 : f32
        %mul3A_423 = vector.broadcast %mul3A_422 : f32 to vector<16xf32>
        %mul3A_424 = arith.mulf %mul3A_423, %max3A_416 : vector<16xf32>
        %mul3A_425 = arith.mulf %mul3A_424, %bitcast_convert_type3A_421 : vector<16xf32>
        %mul3A_426 = arith.mulf %mul3A_425, %bitcast_convert_type3A_421 : vector<16xf32>
        %sub3A_427 = arith.constant 1.500000e+00 : f32
        %sub3A_428 = vector.broadcast %sub3A_427 : f32 to vector<16xf32>
        %sub3A_429 = arith.subf %sub3A_428, %mul3A_426 : vector<16xf32>
        %mul3A_430 = arith.mulf %bitcast_convert_type3A_421, %sub3A_429 : vector<16xf32>
        %mul3A_431 = arith.mulf %mul3A_424, %mul3A_430 : vector<16xf32>
        %mul3A_432 = arith.mulf %mul3A_431, %mul3A_430 : vector<16xf32>
        %sub3A_433 = arith.constant 1.500000e+00 : f32
        %sub3A_434 = vector.broadcast %sub3A_433 : f32 to vector<16xf32>
        %sub3A_435 = arith.subf %sub3A_434, %mul3A_432 : vector<16xf32>
        %mul3A_436 = arith.mulf %mul3A_430, %sub3A_435 : vector<16xf32>
        %mul3A_437 = arith.constant 1.000000e+01 : f32
        %mul3A_438 = vector.broadcast %mul3A_437 : f32 to vector<16xf32>
        %mul3A_439 = arith.mulf %mul3A_438, %mul3A_436 : vector<16xf32>
        %min3A = arith.constant 1.000000e+00 : f32
        %min3A_440 = vector.broadcast %min3A : f32 to vector<16xf32>
        %min3A_441 = arith.minimumf %min3A_440, %mul3A_439 : vector<16xf32>
        %mul3A_442 = arith.mulf %get3A_395, %min3A_441 : vector<16xf32>
        %mul3A_443 = arith.mulf %get3A_398, %min3A_441 : vector<16xf32>
        %mul3A_444 = arith.mulf %get3A_401, %min3A_441 : vector<16xf32>
        %mul3A_445 = arith.mulf %get3A_404, %min3A_441 : vector<16xf32>
        %add3A_446 = arith.constant 1 : i32
        %add3A_447 = arith.addi %add3A_393, %add3A_446 : i32
        %get3A_448 = arith.index_cast %add3A_447 : i32 to index
        %get3A_449 = arith.constant 0 : index
        %get3A_450 = tpu.vector_load %arg7[%get3A_448, %get3A_449] {strides = array<i32>} : memref<100x64xf32, #tpu.memory_space<vmem>>, vector<16xf32>,
        %get3A_451 = arith.index_cast %add3A_447 : i32 to index
        %get3A_452 = arith.constant 16 : index
        %get3A_453 = tpu.vector_load %arg7[%get3A_451, %get3A_452] {strides = array<i32>} : memref<100x64xf32, #tpu.memory_space<vmem>>, vector<16xf32>,
        %get3A_454 = arith.index_cast %add3A_447 : i32 to index
        %get3A_455 = arith.constant 32 : index
        %get3A_456 = tpu.vector_load %arg7[%get3A_454, %get3A_455] {strides = array<i32>} : memref<100x64xf32, #tpu.memory_space<vmem>>, vector<16xf32>,
        %get3A_457 = arith.index_cast %add3A_447 : i32 to index
        %get3A_458 = arith.constant 48 : index
        %get3A_459 = tpu.vector_load %arg7[%get3A_457, %get3A_458] {strides = array<i32>} : memref<100x64xf32, #tpu.memory_space<vmem>>, vector<16xf32>,
        %mul3A_460 = arith.mulf %get3A_450, %get3A_450 : vector<16xf32>
        %mul3A_461 = arith.mulf %get3A_453, %get3A_453 : vector<16xf32>
        %add3A_462 = arith.addf %mul3A_460, %mul3A_461 : vector<16xf32>
        %mul3A_463 = arith.mulf %get3A_456, %get3A_456 : vector<16xf32>
        %add3A_464 = arith.addf %add3A_462, %mul3A_463 : vector<16xf32>
        %mul3A_465 = arith.mulf %get3A_459, %get3A_459 : vector<16xf32>
        %add3A_466 = arith.addf %add3A_464, %mul3A_465 : vector<16xf32>
        %broadcast_in_dim3A_467 = arith.constant true
        %broadcast_in_dim3A_468 = vector.broadcast %broadcast_in_dim3A_467 : i1 to vector<16xi1>
        %masked_cumsum3A_469 = tpu.scan <sum>, %add3A_466 masked %broadcast_in_dim3A_468 : vector<16xf32>, vector<16xi1> -> vector<16xf32>
        %gather3A_470 = vector.shape_cast %broadcast_in_dim3A_28 : vector<16x1xi32> to vector<16xi32>
        %gather3A_471 = tpu.dynamic_gather %masked_cumsum3A_469[%gather3A_470] in [0] : vector<16xf32>, vector<16xi32> -> vector<16xf32>
        %max3A_472 = arith.constant 9.99999996E-13 : f32
        %max3A_473 = vector.broadcast %max3A_472 : f32 to vector<16xf32>
        %max3A_474 = arith.maximumf %gather3A_471, %max3A_473 : vector<16xf32>
        %bitcast_convert_type3A_475 = tpu.bitcast %max3A_474 : vector<16xf32> -> vector<16xi32>
        %broadcast_in_dim3A_476 = arith.constant 1597463007 : i32
        %broadcast_in_dim3A_477 = vector.broadcast %broadcast_in_dim3A_476 : i32 to vector<16xi32>
        %shift_right_logical3A_478 = arith.constant 1 : i32
        %shift_right_logical3A_479 = vector.broadcast %shift_right_logical3A_478 : i32 to vector<16xi32>
        %shift_right_logical3A_480 = arith.shrui %bitcast_convert_type3A_475, %shift_right_logical3A_479 : vector<16xi32>
        %sub3A_481 = arith.subi %broadcast_in_dim3A_477, %shift_right_logical3A_480 : vector<16xi32>
        %bitcast_convert_type3A_482 = tpu.bitcast %sub3A_481 : vector<16xi32> -> vector<16xf32>
        %mul3A_483 = arith.constant 5.000000e-01 : f32
        %mul3A_484 = vector.broadcast %mul3A_483 : f32 to vector<16xf32>
        %mul3A_485 = arith.mulf %mul3A_484, %max3A_474 : vector<16xf32>
        %mul3A_486 = arith.mulf %mul3A_485, %bitcast_convert_type3A_482 : vector<16xf32>
        %mul3A_487 = arith.mulf %mul3A_486, %bitcast_convert_type3A_482 : vector<16xf32>
        %sub3A_488 = arith.constant 1.500000e+00 : f32
        %sub3A_489 = vector.broadcast %sub3A_488 : f32 to vector<16xf32>
        %sub3A_490 = arith.subf %sub3A_489, %mul3A_487 : vector<16xf32>
        %mul3A_491 = arith.mulf %bitcast_convert_type3A_482, %sub3A_490 : vector<16xf32>
        %mul3A_492 = arith.mulf %mul3A_485, %mul3A_491 : vector<16xf32>
        %mul3A_493 = arith.mulf %mul3A_492, %mul3A_491 : vector<16xf32>
        %sub3A_494 = arith.constant 1.500000e+00 : f32
        %sub3A_495 = vector.broadcast %sub3A_494 : f32 to vector<16xf32>
        %sub3A_496 = arith.subf %sub3A_495, %mul3A_493 : vector<16xf32>
        %mul3A_497 = arith.mulf %mul3A_491, %sub3A_496 : vector<16xf32>
        %mul3A_498 = arith.constant 1.000000e+01 : f32
        %mul3A_499 = vector.broadcast %mul3A_498 : f32 to vector<16xf32>
        %mul3A_500 = arith.mulf %mul3A_499, %mul3A_497 : vector<16xf32>
        %min3A_501 = arith.constant 1.000000e+00 : f32
        %min3A_502 = vector.broadcast %min3A_501 : f32 to vector<16xf32>
        %min3A_503 = arith.minimumf %min3A_502, %mul3A_500 : vector<16xf32>
        %mul3A_504 = arith.mulf %get3A_450, %min3A_503 : vector<16xf32>
        %mul3A_505 = arith.mulf %get3A_453, %min3A_503 : vector<16xf32>
        %mul3A_506 = arith.mulf %get3A_456, %min3A_503 : vector<16xf32>
        %mul3A_507 = arith.mulf %get3A_459, %min3A_503 : vector<16xf32>
        %add3A_508 = arith.addf %scan3A_382, %mul3A_442 : vector<16xf32>
        %add3A_509 = arith.addf %scan3A_383, %mul3A_443 : vector<16xf32>
        %add3A_510 = arith.addf %scan3A_384, %mul3A_444 : vector<16xf32>
        %add3A_511 = arith.addf %scan3A_385, %mul3A_445 : vector<16xf32>
        %add3A_512 = arith.addf %scan3A_386, %mul3A_504 : vector<16xf32>
        %add3A_513 = arith.addf %scan3A_387, %mul3A_505 : vector<16xf32>
        %add3A_514 = arith.addf %scan3A_388, %mul3A_506 : vector<16xf32>
        %add3A_515 = arith.addf %scan3A_389, %mul3A_507 : vector<16xf32>
        scf.yield %add3A_508, %add3A_509, %add3A_510, %add3A_511, %add3A_512, %add3A_513, %add3A_514, %add3A_515 : vector<16xf32>, vector<16xf32>, vector<16xf32>, vector<16xf32>, vector<16xf32>, vector<16xf32>, vector<16xf32>, vector<16xf32>
      }
      %scan3A_135 = arith.constant 25 : i32
      %mul3A_136 = arith.constant 2 : i32
      %mul3A_137 = arith.muli %add3A_121, %mul3A_136 : i32
      %add3A_138 = arith.constant 0 : i32
      %add3A_139 = arith.addi %mul3A_137, %add3A_138 : i32
      %add3A_140 = arith.addf %scan3A_134#0, %scan3A_134#4 : vector<16xf32>
      %mul3A_141 = vector.broadcast %scan3A_29 : f32 to vector<16xf32>
      %mul3A_142 = arith.mulf %add3A_140, %mul3A_141 : vector<16xf32>
      %swap3A_143 = arith.index_cast %add3A_139 : i32 to index
      %swap3A_144 = arith.constant 0 : index
      %swap3A_145 = tpu.vector_load %arg10[%swap3A_143, %swap3A_144] {strides = array<i32>} : memref<264x64xf32, #tpu.memory_space<vmem>>, vector<16xf32>,
      tpu.vector_store %arg10[%swap3A_143, %swap3A_144], %mul3A_142 {strides = array<i32>} : memref<264x64xf32, #tpu.memory_space<vmem>>, vector<16xf32>,
      %add3A_146 = arith.addf %scan3A_134#1, %scan3A_134#5 : vector<16xf32>
      %mul3A_147 = vector.broadcast %scan3A_29 : f32 to vector<16xf32>
      %mul3A_148 = arith.mulf %add3A_146, %mul3A_147 : vector<16xf32>
      %swap3A_149 = arith.index_cast %add3A_139 : i32 to index
      %swap3A_150 = arith.constant 16 : index
      %swap3A_151 = tpu.vector_load %arg10[%swap3A_149, %swap3A_150] {strides = array<i32>} : memref<264x64xf32, #tpu.memory_space<vmem>>, vector<16xf32>,
      tpu.vector_store %arg10[%swap3A_149, %swap3A_150], %mul3A_148 {strides = array<i32>} : memref<264x64xf32, #tpu.memory_space<vmem>>, vector<16xf32>,
      %add3A_152 = arith.addf %scan3A_134#2, %scan3A_134#6 : vector<16xf32>
      %mul3A_153 = vector.broadcast %scan3A_29 : f32 to vector<16xf32>
      %mul3A_154 = arith.mulf %add3A_152, %mul3A_153 : vector<16xf32>
      %swap3A_155 = arith.index_cast %add3A_139 : i32 to index
      %swap3A_156 = arith.constant 32 : index
      %swap3A_157 = tpu.vector_load %arg10[%swap3A_155, %swap3A_156] {strides = array<i32>} : memref<264x64xf32, #tpu.memory_space<vmem>>, vector<16xf32>,
      tpu.vector_store %arg10[%swap3A_155, %swap3A_156], %mul3A_154 {strides = array<i32>} : memref<264x64xf32, #tpu.memory_space<vmem>>, vector<16xf32>,
      %add3A_158 = arith.addf %scan3A_134#3, %scan3A_134#7 : vector<16xf32>
      %mul3A_159 = vector.broadcast %scan3A_29 : f32 to vector<16xf32>
      %mul3A_160 = arith.mulf %add3A_158, %mul3A_159 : vector<16xf32>
      %swap3A_161 = arith.index_cast %add3A_139 : i32 to index
      %swap3A_162 = arith.constant 48 : index
      %swap3A_163 = tpu.vector_load %arg10[%swap3A_161, %swap3A_162] {strides = array<i32>} : memref<264x64xf32, #tpu.memory_space<vmem>>, vector<16xf32>,
      tpu.vector_store %arg10[%swap3A_161, %swap3A_162], %mul3A_160 {strides = array<i32>} : memref<264x64xf32, #tpu.memory_space<vmem>>, vector<16xf32>,
      %broadcast_in_dim3A_164 = arith.constant 0.000000e+00 : f32
      %broadcast_in_dim3A_165 = vector.broadcast %broadcast_in_dim3A_164 : f32 to vector<16xf32>
      %scan3A_166 = arith.constant 0 : i32
      %scan3A_167 = arith.constant 25 : i32
      %scan3A_168 = arith.addi %scan3A_166, %scan3A_167 : i32
      %scan3A_169 = arith.constant 1 : i32
      %scan3A_170:8 = scf.for %scan3A_381 = %scan3A_166 to %scan3A_168 step %scan3A_169 iter_args(%scan3A_382 = %broadcast_in_dim3A_165, %scan3A_383 = %broadcast_in_dim3A_165, %scan3A_384 = %broadcast_in_dim3A_165, %scan3A_385 = %broadcast_in_dim3A_165, %scan3A_386 = %broadcast_in_dim3A_165, %scan3A_387 = %broadcast_in_dim3A_165, %scan3A_388 = %broadcast_in_dim3A_165, %scan3A_389 = %broadcast_in_dim3A_165) -> (vector<16xf32>, vector<16xf32>, vector<16xf32>, vector<16xf32>, vector<16xf32>, vector<16xf32>, vector<16xf32>, vector<16xf32>)  : i32 {
        %mul3A_390 = arith.constant 2 : i32
        %mul3A_391 = arith.muli %scan3A_381, %mul3A_390 : i32
        %add3A_392 = arith.constant 50 : i32
        %add3A_393 = arith.addi %add3A_392, %mul3A_391 : i32
        %get3A = arith.index_cast %add3A_393 : i32 to index
        %get3A_394 = arith.constant 0 : index
        %get3A_395 = tpu.vector_load %arg7[%get3A, %get3A_394] {strides = array<i32>} : memref<100x64xf32, #tpu.memory_space<vmem>>, vector<16xf32>,
        %get3A_396 = arith.index_cast %add3A_393 : i32 to index
        %get3A_397 = arith.constant 16 : index
        %get3A_398 = tpu.vector_load %arg7[%get3A_396, %get3A_397] {strides = array<i32>} : memref<100x64xf32, #tpu.memory_space<vmem>>, vector<16xf32>,
        %get3A_399 = arith.index_cast %add3A_393 : i32 to index
        %get3A_400 = arith.constant 32 : index
        %get3A_401 = tpu.vector_load %arg7[%get3A_399, %get3A_400] {strides = array<i32>} : memref<100x64xf32, #tpu.memory_space<vmem>>, vector<16xf32>,
        %get3A_402 = arith.index_cast %add3A_393 : i32 to index
        %get3A_403 = arith.constant 48 : index
        %get3A_404 = tpu.vector_load %arg7[%get3A_402, %get3A_403] {strides = array<i32>} : memref<100x64xf32, #tpu.memory_space<vmem>>, vector<16xf32>,
        %mul3A_405 = arith.mulf %get3A_395, %get3A_395 : vector<16xf32>
        %mul3A_406 = arith.mulf %get3A_398, %get3A_398 : vector<16xf32>
        %add3A_407 = arith.addf %mul3A_405, %mul3A_406 : vector<16xf32>
        %mul3A_408 = arith.mulf %get3A_401, %get3A_401 : vector<16xf32>
        %add3A_409 = arith.addf %add3A_407, %mul3A_408 : vector<16xf32>
        %mul3A_410 = arith.mulf %get3A_404, %get3A_404 : vector<16xf32>
        %add3A_411 = arith.addf %add3A_409, %mul3A_410 : vector<16xf32>
        %broadcast_in_dim3A_412 = arith.constant true
        %broadcast_in_dim3A_413 = vector.broadcast %broadcast_in_dim3A_412 : i1 to vector<16xi1>
        %masked_cumsum3A = tpu.scan <sum>, %add3A_411 masked %broadcast_in_dim3A_413 : vector<16xf32>, vector<16xi1> -> vector<16xf32>
        %gather3A = vector.shape_cast %broadcast_in_dim3A_28 : vector<16x1xi32> to vector<16xi32>
        %gather3A_414 = tpu.dynamic_gather %masked_cumsum3A[%gather3A] in [0] : vector<16xf32>, vector<16xi32> -> vector<16xf32>
        %max3A = arith.constant 9.99999996E-13 : f32
        %max3A_415 = vector.broadcast %max3A : f32 to vector<16xf32>
        %max3A_416 = arith.maximumf %gather3A_414, %max3A_415 : vector<16xf32>
        %bitcast_convert_type3A = tpu.bitcast %max3A_416 : vector<16xf32> -> vector<16xi32>
        %broadcast_in_dim3A_417 = arith.constant 1597463007 : i32
        %broadcast_in_dim3A_418 = vector.broadcast %broadcast_in_dim3A_417 : i32 to vector<16xi32>
        %shift_right_logical3A = arith.constant 1 : i32
        %shift_right_logical3A_419 = vector.broadcast %shift_right_logical3A : i32 to vector<16xi32>
        %shift_right_logical3A_420 = arith.shrui %bitcast_convert_type3A, %shift_right_logical3A_419 : vector<16xi32>
        %sub3A = arith.subi %broadcast_in_dim3A_418, %shift_right_logical3A_420 : vector<16xi32>
        %bitcast_convert_type3A_421 = tpu.bitcast %sub3A : vector<16xi32> -> vector<16xf32>
        %mul3A_422 = arith.constant 5.000000e-01 : f32
        %mul3A_423 = vector.broadcast %mul3A_422 : f32 to vector<16xf32>
        %mul3A_424 = arith.mulf %mul3A_423, %max3A_416 : vector<16xf32>
        %mul3A_425 = arith.mulf %mul3A_424, %bitcast_convert_type3A_421 : vector<16xf32>
        %mul3A_426 = arith.mulf %mul3A_425, %bitcast_convert_type3A_421 : vector<16xf32>
        %sub3A_427 = arith.constant 1.500000e+00 : f32
        %sub3A_428 = vector.broadcast %sub3A_427 : f32 to vector<16xf32>
        %sub3A_429 = arith.subf %sub3A_428, %mul3A_426 : vector<16xf32>
        %mul3A_430 = arith.mulf %bitcast_convert_type3A_421, %sub3A_429 : vector<16xf32>
        %mul3A_431 = arith.mulf %mul3A_424, %mul3A_430 : vector<16xf32>
        %mul3A_432 = arith.mulf %mul3A_431, %mul3A_430 : vector<16xf32>
        %sub3A_433 = arith.constant 1.500000e+00 : f32
        %sub3A_434 = vector.broadcast %sub3A_433 : f32 to vector<16xf32>
        %sub3A_435 = arith.subf %sub3A_434, %mul3A_432 : vector<16xf32>
        %mul3A_436 = arith.mulf %mul3A_430, %sub3A_435 : vector<16xf32>
        %mul3A_437 = arith.constant 1.000000e+01 : f32
        %mul3A_438 = vector.broadcast %mul3A_437 : f32 to vector<16xf32>
        %mul3A_439 = arith.mulf %mul3A_438, %mul3A_436 : vector<16xf32>
        %min3A = arith.constant 1.000000e+00 : f32
        %min3A_440 = vector.broadcast %min3A : f32 to vector<16xf32>
        %min3A_441 = arith.minimumf %min3A_440, %mul3A_439 : vector<16xf32>
        %mul3A_442 = arith.mulf %get3A_395, %min3A_441 : vector<16xf32>
        %mul3A_443 = arith.mulf %get3A_398, %min3A_441 : vector<16xf32>
        %mul3A_444 = arith.mulf %get3A_401, %min3A_441 : vector<16xf32>
        %mul3A_445 = arith.mulf %get3A_404, %min3A_441 : vector<16xf32>
        %add3A_446 = arith.constant 1 : i32
        %add3A_447 = arith.addi %add3A_393, %add3A_446 : i32
        %get3A_448 = arith.index_cast %add3A_447 : i32 to index
        %get3A_449 = arith.constant 0 : index
        %get3A_450 = tpu.vector_load %arg7[%get3A_448, %get3A_449] {strides = array<i32>} : memref<100x64xf32, #tpu.memory_space<vmem>>, vector<16xf32>,
        %get3A_451 = arith.index_cast %add3A_447 : i32 to index
        %get3A_452 = arith.constant 16 : index
        %get3A_453 = tpu.vector_load %arg7[%get3A_451, %get3A_452] {strides = array<i32>} : memref<100x64xf32, #tpu.memory_space<vmem>>, vector<16xf32>,
        %get3A_454 = arith.index_cast %add3A_447 : i32 to index
        %get3A_455 = arith.constant 32 : index
        %get3A_456 = tpu.vector_load %arg7[%get3A_454, %get3A_455] {strides = array<i32>} : memref<100x64xf32, #tpu.memory_space<vmem>>, vector<16xf32>,
        %get3A_457 = arith.index_cast %add3A_447 : i32 to index
        %get3A_458 = arith.constant 48 : index
        %get3A_459 = tpu.vector_load %arg7[%get3A_457, %get3A_458] {strides = array<i32>} : memref<100x64xf32, #tpu.memory_space<vmem>>, vector<16xf32>,
        %mul3A_460 = arith.mulf %get3A_450, %get3A_450 : vector<16xf32>
        %mul3A_461 = arith.mulf %get3A_453, %get3A_453 : vector<16xf32>
        %add3A_462 = arith.addf %mul3A_460, %mul3A_461 : vector<16xf32>
        %mul3A_463 = arith.mulf %get3A_456, %get3A_456 : vector<16xf32>
        %add3A_464 = arith.addf %add3A_462, %mul3A_463 : vector<16xf32>
        %mul3A_465 = arith.mulf %get3A_459, %get3A_459 : vector<16xf32>
        %add3A_466 = arith.addf %add3A_464, %mul3A_465 : vector<16xf32>
        %broadcast_in_dim3A_467 = arith.constant true
        %broadcast_in_dim3A_468 = vector.broadcast %broadcast_in_dim3A_467 : i1 to vector<16xi1>
        %masked_cumsum3A_469 = tpu.scan <sum>, %add3A_466 masked %broadcast_in_dim3A_468 : vector<16xf32>, vector<16xi1> -> vector<16xf32>
        %gather3A_470 = vector.shape_cast %broadcast_in_dim3A_28 : vector<16x1xi32> to vector<16xi32>
        %gather3A_471 = tpu.dynamic_gather %masked_cumsum3A_469[%gather3A_470] in [0] : vector<16xf32>, vector<16xi32> -> vector<16xf32>
        %max3A_472 = arith.constant 9.99999996E-13 : f32
        %max3A_473 = vector.broadcast %max3A_472 : f32 to vector<16xf32>
        %max3A_474 = arith.maximumf %gather3A_471, %max3A_473 : vector<16xf32>
        %bitcast_convert_type3A_475 = tpu.bitcast %max3A_474 : vector<16xf32> -> vector<16xi32>
        %broadcast_in_dim3A_476 = arith.constant 1597463007 : i32
        %broadcast_in_dim3A_477 = vector.broadcast %broadcast_in_dim3A_476 : i32 to vector<16xi32>
        %shift_right_logical3A_478 = arith.constant 1 : i32
        %shift_right_logical3A_479 = vector.broadcast %shift_right_logical3A_478 : i32 to vector<16xi32>
        %shift_right_logical3A_480 = arith.shrui %bitcast_convert_type3A_475, %shift_right_logical3A_479 : vector<16xi32>
        %sub3A_481 = arith.subi %broadcast_in_dim3A_477, %shift_right_logical3A_480 : vector<16xi32>
        %bitcast_convert_type3A_482 = tpu.bitcast %sub3A_481 : vector<16xi32> -> vector<16xf32>
        %mul3A_483 = arith.constant 5.000000e-01 : f32
        %mul3A_484 = vector.broadcast %mul3A_483 : f32 to vector<16xf32>
        %mul3A_485 = arith.mulf %mul3A_484, %max3A_474 : vector<16xf32>
        %mul3A_486 = arith.mulf %mul3A_485, %bitcast_convert_type3A_482 : vector<16xf32>
        %mul3A_487 = arith.mulf %mul3A_486, %bitcast_convert_type3A_482 : vector<16xf32>
        %sub3A_488 = arith.constant 1.500000e+00 : f32
        %sub3A_489 = vector.broadcast %sub3A_488 : f32 to vector<16xf32>
        %sub3A_490 = arith.subf %sub3A_489, %mul3A_487 : vector<16xf32>
        %mul3A_491 = arith.mulf %bitcast_convert_type3A_482, %sub3A_490 : vector<16xf32>
        %mul3A_492 = arith.mulf %mul3A_485, %mul3A_491 : vector<16xf32>
        %mul3A_493 = arith.mulf %mul3A_492, %mul3A_491 : vector<16xf32>
        %sub3A_494 = arith.constant 1.500000e+00 : f32
        %sub3A_495 = vector.broadcast %sub3A_494 : f32 to vector<16xf32>
        %sub3A_496 = arith.subf %sub3A_495, %mul3A_493 : vector<16xf32>
        %mul3A_497 = arith.mulf %mul3A_491, %sub3A_496 : vector<16xf32>
        %mul3A_498 = arith.constant 1.000000e+01 : f32
        %mul3A_499 = vector.broadcast %mul3A_498 : f32 to vector<16xf32>
        %mul3A_500 = arith.mulf %mul3A_499, %mul3A_497 : vector<16xf32>
        %min3A_501 = arith.constant 1.000000e+00 : f32
        %min3A_502 = vector.broadcast %min3A_501 : f32 to vector<16xf32>
        %min3A_503 = arith.minimumf %min3A_502, %mul3A_500 : vector<16xf32>
        %mul3A_504 = arith.mulf %get3A_450, %min3A_503 : vector<16xf32>
        %mul3A_505 = arith.mulf %get3A_453, %min3A_503 : vector<16xf32>
        %mul3A_506 = arith.mulf %get3A_456, %min3A_503 : vector<16xf32>
        %mul3A_507 = arith.mulf %get3A_459, %min3A_503 : vector<16xf32>
        %add3A_508 = arith.addf %scan3A_382, %mul3A_442 : vector<16xf32>
        %add3A_509 = arith.addf %scan3A_383, %mul3A_443 : vector<16xf32>
        %add3A_510 = arith.addf %scan3A_384, %mul3A_444 : vector<16xf32>
        %add3A_511 = arith.addf %scan3A_385, %mul3A_445 : vector<16xf32>
        %add3A_512 = arith.addf %scan3A_386, %mul3A_504 : vector<16xf32>
        %add3A_513 = arith.addf %scan3A_387, %mul3A_505 : vector<16xf32>
        %add3A_514 = arith.addf %scan3A_388, %mul3A_506 : vector<16xf32>
        %add3A_515 = arith.addf %scan3A_389, %mul3A_507 : vector<16xf32>
        scf.yield %add3A_508, %add3A_509, %add3A_510, %add3A_511, %add3A_512, %add3A_513, %add3A_514, %add3A_515 : vector<16xf32>, vector<16xf32>, vector<16xf32>, vector<16xf32>, vector<16xf32>, vector<16xf32>, vector<16xf32>, vector<16xf32>
      }
      %scan3A_171 = arith.constant 25 : i32
      %mul3A_172 = arith.constant 2 : i32
      %mul3A_173 = arith.muli %add3A_121, %mul3A_172 : i32
      %add3A_174 = arith.constant 1 : i32
      %add3A_175 = arith.addi %mul3A_173, %add3A_174 : i32
      %add3A_176 = arith.addf %scan3A_170#0, %scan3A_170#4 : vector<16xf32>
      %mul3A_177 = vector.broadcast %scan3A_29 : f32 to vector<16xf32>
      %mul3A_178 = arith.mulf %add3A_176, %mul3A_177 : vector<16xf32>
      %swap3A_179 = arith.index_cast %add3A_175 : i32 to index
      %swap3A_180 = arith.constant 0 : index
      %swap3A_181 = tpu.vector_load %arg10[%swap3A_179, %swap3A_180] {strides = array<i32>} : memref<264x64xf32, #tpu.memory_space<vmem>>, vector<16xf32>,
      tpu.vector_store %arg10[%swap3A_179, %swap3A_180], %mul3A_178 {strides = array<i32>} : memref<264x64xf32, #tpu.memory_space<vmem>>, vector<16xf32>,
      %add3A_182 = arith.addf %scan3A_170#1, %scan3A_170#5 : vector<16xf32>
      %mul3A_183 = vector.broadcast %scan3A_29 : f32 to vector<16xf32>
      %mul3A_184 = arith.mulf %add3A_182, %mul3A_183 : vector<16xf32>
      %swap3A_185 = arith.index_cast %add3A_175 : i32 to index
      %swap3A_186 = arith.constant 16 : index
      %swap3A_187 = tpu.vector_load %arg10[%swap3A_185, %swap3A_186] {strides = array<i32>} : memref<264x64xf32, #tpu.memory_space<vmem>>, vector<16xf32>,
      tpu.vector_store %arg10[%swap3A_185, %swap3A_186], %mul3A_184 {strides = array<i32>} : memref<264x64xf32, #tpu.memory_space<vmem>>, vector<16xf32>,
      %add3A_188 = arith.addf %scan3A_170#2, %scan3A_170#6 : vector<16xf32>
      %mul3A_189 = vector.broadcast %scan3A_29 : f32 to vector<16xf32>
      %mul3A_190 = arith.mulf %add3A_188, %mul3A_189 : vector<16xf32>
      %swap3A_191 = arith.index_cast %add3A_175 : i32 to index
      %swap3A_192 = arith.constant 32 : index
      %swap3A_193 = tpu.vector_load %arg10[%swap3A_191, %swap3A_192] {strides = array<i32>} : memref<264x64xf32, #tpu.memory_space<vmem>>, vector<16xf32>,
      tpu.vector_store %arg10[%swap3A_191, %swap3A_192], %mul3A_190 {strides = array<i32>} : memref<264x64xf32, #tpu.memory_space<vmem>>, vector<16xf32>,
      %add3A_194 = arith.addf %scan3A_170#3, %scan3A_170#7 : vector<16xf32>
      %mul3A_195 = vector.broadcast %scan3A_29 : f32 to vector<16xf32>
      %mul3A_196 = arith.mulf %add3A_194, %mul3A_195 : vector<16xf32>
      %swap3A_197 = arith.index_cast %add3A_175 : i32 to index
      %swap3A_198 = arith.constant 48 : index
      %swap3A_199 = tpu.vector_load %arg10[%swap3A_197, %swap3A_198] {strides = array<i32>} : memref<264x64xf32, #tpu.memory_space<vmem>>, vector<16xf32>,
      tpu.vector_store %arg10[%swap3A_197, %swap3A_198], %mul3A_196 {strides = array<i32>} : memref<264x64xf32, #tpu.memory_space<vmem>>, vector<16xf32>,
      %add3A_200 = arith.constant 4 : i32
      %add3A_201 = arith.addi %add3A_121, %add3A_200 : i32
      %lt3A_202 = arith.constant 132 : i32
      %lt3A_203 = arith.cmpi slt, %add3A_201, %lt3A_202 : i32
      %convert_element_type3A_204 = arith.extui %lt3A_203 : i1 to i32
      %cond3A_205 = arith.constant 0 : i32
      %cond3A_206 = arith.cmpi ne, %convert_element_type3A_204, %cond3A_205 : i32
      scf.if %cond3A_206 {
        %add3A_381 = arith.constant 4 : i32
        %add3A_382 = arith.addi %add3A_121, %add3A_381 : i32
        %dma_start3A_383 = arith.constant 0 : i32
        %dma_start3A_384 = tpu.memref_slice %arg5[%add3A_382, %dma_start3A_383] : memref<132x100xi32, #tpu.memory_space<vmem>> -> memref<1x100xi32, #tpu.memory_space<vmem>>
        %dma_start3A_385 = tpu.memref_squeeze %dma_start3A_384 : memref<1x100xi32, #tpu.memory_space<vmem>> -> memref<100xi32, #tpu.memory_space<vmem>>
        %dma_start3A_386 = arith.constant 0 : i32
        %dma_start3A_387 = arith.constant 0 : i32
        %dma_start3A_388 = tpu.memref_slice %arg3[%dma_start3A_386, %dma_start3A_387] : memref<1007616x64xf32, #tpu.memory_space<hbm>> -> memref<1007616x64xf32, #tpu.memory_space<hbm>>
        tpu.enqueue_indirect_dma source(%dma_start3A_388 : memref<1007616x64xf32, #tpu.memory_space<hbm>>) target(%arg7 : memref<100x64xf32, #tpu.memory_space<vmem>>) offsets(%dma_start3A_385 : memref<100xi32, #tpu.memory_space<vmem>>) semaphore(%arg12 : memref<!tpu.dma_semaphore, #tpu.memory_space<semaphore_mem>>)
      } else {
      }
      %add3A_207 = arith.constant 2 : i32
      %add3A_208 = arith.addi %mul3A_37, %add3A_207 : i32
      %dma_wait3A_209 = arith.constant 0 : i32
      %dma_wait3A_210 = tpu.memref_slice %arg5[%add3A_208, %dma_wait3A_209] : memref<132x100xi32, #tpu.memory_space<vmem>> -> memref<1x100xi32, #tpu.memory_space<vmem>>
      %dma_wait3A_211 = tpu.memref_squeeze %dma_wait3A_210 : memref<1x100xi32, #tpu.memory_space<vmem>> -> memref<100xi32, #tpu.memory_space<vmem>>
      %dma_wait3A_212 = arith.constant 0 : i32
      %dma_wait3A_213 = arith.constant 0 : i32
      %dma_wait3A_214 = tpu.memref_slice %arg3[%dma_wait3A_212, %dma_wait3A_213] : memref<1007616x64xf32, #tpu.memory_space<hbm>> -> memref<1007616x64xf32, #tpu.memory_space<hbm>>
      tpu.wait_indirect_dma semaphore(%arg13 : memref<!tpu.dma_semaphore, #tpu.memory_space<semaphore_mem>>) src(%dma_wait3A_214 : memref<1007616x64xf32, #tpu.memory_space<hbm>>) dst(%arg8 : memref<100x64xf32, #tpu.memory_space<vmem>>)
      %broadcast_in_dim3A_215 = arith.constant 0.000000e+00 : f32
      %broadcast_in_dim3A_216 = vector.broadcast %broadcast_in_dim3A_215 : f32 to vector<16xf32>
      %scan3A_217 = arith.constant 0 : i32
      %scan3A_218 = arith.constant 25 : i32
      %scan3A_219 = arith.addi %scan3A_217, %scan3A_218 : i32
      %scan3A_220 = arith.constant 1 : i32
      %scan3A_221:8 = scf.for %scan3A_381 = %scan3A_217 to %scan3A_219 step %scan3A_220 iter_args(%scan3A_382 = %broadcast_in_dim3A_216, %scan3A_383 = %broadcast_in_dim3A_216, %scan3A_384 = %broadcast_in_dim3A_216, %scan3A_385 = %broadcast_in_dim3A_216, %scan3A_386 = %broadcast_in_dim3A_216, %scan3A_387 = %broadcast_in_dim3A_216, %scan3A_388 = %broadcast_in_dim3A_216, %scan3A_389 = %broadcast_in_dim3A_216) -> (vector<16xf32>, vector<16xf32>, vector<16xf32>, vector<16xf32>, vector<16xf32>, vector<16xf32>, vector<16xf32>, vector<16xf32>)  : i32 {
        %mul3A_390 = arith.constant 2 : i32
        %mul3A_391 = arith.muli %scan3A_381, %mul3A_390 : i32
        %add3A_392 = arith.constant 0 : i32
        %add3A_393 = arith.addi %add3A_392, %mul3A_391 : i32
        %get3A = arith.index_cast %add3A_393 : i32 to index
        %get3A_394 = arith.constant 0 : index
        %get3A_395 = tpu.vector_load %arg8[%get3A, %get3A_394] {strides = array<i32>} : memref<100x64xf32, #tpu.memory_space<vmem>>, vector<16xf32>,
        %get3A_396 = arith.index_cast %add3A_393 : i32 to index
        %get3A_397 = arith.constant 16 : index
        %get3A_398 = tpu.vector_load %arg8[%get3A_396, %get3A_397] {strides = array<i32>} : memref<100x64xf32, #tpu.memory_space<vmem>>, vector<16xf32>,
        %get3A_399 = arith.index_cast %add3A_393 : i32 to index
        %get3A_400 = arith.constant 32 : index
        %get3A_401 = tpu.vector_load %arg8[%get3A_399, %get3A_400] {strides = array<i32>} : memref<100x64xf32, #tpu.memory_space<vmem>>, vector<16xf32>,
        %get3A_402 = arith.index_cast %add3A_393 : i32 to index
        %get3A_403 = arith.constant 48 : index
        %get3A_404 = tpu.vector_load %arg8[%get3A_402, %get3A_403] {strides = array<i32>} : memref<100x64xf32, #tpu.memory_space<vmem>>, vector<16xf32>,
        %mul3A_405 = arith.mulf %get3A_395, %get3A_395 : vector<16xf32>
        %mul3A_406 = arith.mulf %get3A_398, %get3A_398 : vector<16xf32>
        %add3A_407 = arith.addf %mul3A_405, %mul3A_406 : vector<16xf32>
        %mul3A_408 = arith.mulf %get3A_401, %get3A_401 : vector<16xf32>
        %add3A_409 = arith.addf %add3A_407, %mul3A_408 : vector<16xf32>
        %mul3A_410 = arith.mulf %get3A_404, %get3A_404 : vector<16xf32>
        %add3A_411 = arith.addf %add3A_409, %mul3A_410 : vector<16xf32>
        %broadcast_in_dim3A_412 = arith.constant true
        %broadcast_in_dim3A_413 = vector.broadcast %broadcast_in_dim3A_412 : i1 to vector<16xi1>
        %masked_cumsum3A = tpu.scan <sum>, %add3A_411 masked %broadcast_in_dim3A_413 : vector<16xf32>, vector<16xi1> -> vector<16xf32>
        %gather3A = vector.shape_cast %broadcast_in_dim3A_28 : vector<16x1xi32> to vector<16xi32>
        %gather3A_414 = tpu.dynamic_gather %masked_cumsum3A[%gather3A] in [0] : vector<16xf32>, vector<16xi32> -> vector<16xf32>
        %max3A = arith.constant 9.99999996E-13 : f32
        %max3A_415 = vector.broadcast %max3A : f32 to vector<16xf32>
        %max3A_416 = arith.maximumf %gather3A_414, %max3A_415 : vector<16xf32>
        %bitcast_convert_type3A = tpu.bitcast %max3A_416 : vector<16xf32> -> vector<16xi32>
        %broadcast_in_dim3A_417 = arith.constant 1597463007 : i32
        %broadcast_in_dim3A_418 = vector.broadcast %broadcast_in_dim3A_417 : i32 to vector<16xi32>
        %shift_right_logical3A = arith.constant 1 : i32
        %shift_right_logical3A_419 = vector.broadcast %shift_right_logical3A : i32 to vector<16xi32>
        %shift_right_logical3A_420 = arith.shrui %bitcast_convert_type3A, %shift_right_logical3A_419 : vector<16xi32>
        %sub3A = arith.subi %broadcast_in_dim3A_418, %shift_right_logical3A_420 : vector<16xi32>
        %bitcast_convert_type3A_421 = tpu.bitcast %sub3A : vector<16xi32> -> vector<16xf32>
        %mul3A_422 = arith.constant 5.000000e-01 : f32
        %mul3A_423 = vector.broadcast %mul3A_422 : f32 to vector<16xf32>
        %mul3A_424 = arith.mulf %mul3A_423, %max3A_416 : vector<16xf32>
        %mul3A_425 = arith.mulf %mul3A_424, %bitcast_convert_type3A_421 : vector<16xf32>
        %mul3A_426 = arith.mulf %mul3A_425, %bitcast_convert_type3A_421 : vector<16xf32>
        %sub3A_427 = arith.constant 1.500000e+00 : f32
        %sub3A_428 = vector.broadcast %sub3A_427 : f32 to vector<16xf32>
        %sub3A_429 = arith.subf %sub3A_428, %mul3A_426 : vector<16xf32>
        %mul3A_430 = arith.mulf %bitcast_convert_type3A_421, %sub3A_429 : vector<16xf32>
        %mul3A_431 = arith.mulf %mul3A_424, %mul3A_430 : vector<16xf32>
        %mul3A_432 = arith.mulf %mul3A_431, %mul3A_430 : vector<16xf32>
        %sub3A_433 = arith.constant 1.500000e+00 : f32
        %sub3A_434 = vector.broadcast %sub3A_433 : f32 to vector<16xf32>
        %sub3A_435 = arith.subf %sub3A_434, %mul3A_432 : vector<16xf32>
        %mul3A_436 = arith.mulf %mul3A_430, %sub3A_435 : vector<16xf32>
        %mul3A_437 = arith.constant 1.000000e+01 : f32
        %mul3A_438 = vector.broadcast %mul3A_437 : f32 to vector<16xf32>
        %mul3A_439 = arith.mulf %mul3A_438, %mul3A_436 : vector<16xf32>
        %min3A = arith.constant 1.000000e+00 : f32
        %min3A_440 = vector.broadcast %min3A : f32 to vector<16xf32>
        %min3A_441 = arith.minimumf %min3A_440, %mul3A_439 : vector<16xf32>
        %mul3A_442 = arith.mulf %get3A_395, %min3A_441 : vector<16xf32>
        %mul3A_443 = arith.mulf %get3A_398, %min3A_441 : vector<16xf32>
        %mul3A_444 = arith.mulf %get3A_401, %min3A_441 : vector<16xf32>
        %mul3A_445 = arith.mulf %get3A_404, %min3A_441 : vector<16xf32>
        %add3A_446 = arith.constant 1 : i32
        %add3A_447 = arith.addi %add3A_393, %add3A_446 : i32
        %get3A_448 = arith.index_cast %add3A_447 : i32 to index
        %get3A_449 = arith.constant 0 : index
        %get3A_450 = tpu.vector_load %arg8[%get3A_448, %get3A_449] {strides = array<i32>} : memref<100x64xf32, #tpu.memory_space<vmem>>, vector<16xf32>,
        %get3A_451 = arith.index_cast %add3A_447 : i32 to index
        %get3A_452 = arith.constant 16 : index
        %get3A_453 = tpu.vector_load %arg8[%get3A_451, %get3A_452] {strides = array<i32>} : memref<100x64xf32, #tpu.memory_space<vmem>>, vector<16xf32>,
        %get3A_454 = arith.index_cast %add3A_447 : i32 to index
        %get3A_455 = arith.constant 32 : index
        %get3A_456 = tpu.vector_load %arg8[%get3A_454, %get3A_455] {strides = array<i32>} : memref<100x64xf32, #tpu.memory_space<vmem>>, vector<16xf32>,
        %get3A_457 = arith.index_cast %add3A_447 : i32 to index
        %get3A_458 = arith.constant 48 : index
        %get3A_459 = tpu.vector_load %arg8[%get3A_457, %get3A_458] {strides = array<i32>} : memref<100x64xf32, #tpu.memory_space<vmem>>, vector<16xf32>,
        %mul3A_460 = arith.mulf %get3A_450, %get3A_450 : vector<16xf32>
        %mul3A_461 = arith.mulf %get3A_453, %get3A_453 : vector<16xf32>
        %add3A_462 = arith.addf %mul3A_460, %mul3A_461 : vector<16xf32>
        %mul3A_463 = arith.mulf %get3A_456, %get3A_456 : vector<16xf32>
        %add3A_464 = arith.addf %add3A_462, %mul3A_463 : vector<16xf32>
        %mul3A_465 = arith.mulf %get3A_459, %get3A_459 : vector<16xf32>
        %add3A_466 = arith.addf %add3A_464, %mul3A_465 : vector<16xf32>
        %broadcast_in_dim3A_467 = arith.constant true
        %broadcast_in_dim3A_468 = vector.broadcast %broadcast_in_dim3A_467 : i1 to vector<16xi1>
        %masked_cumsum3A_469 = tpu.scan <sum>, %add3A_466 masked %broadcast_in_dim3A_468 : vector<16xf32>, vector<16xi1> -> vector<16xf32>
        %gather3A_470 = vector.shape_cast %broadcast_in_dim3A_28 : vector<16x1xi32> to vector<16xi32>
        %gather3A_471 = tpu.dynamic_gather %masked_cumsum3A_469[%gather3A_470] in [0] : vector<16xf32>, vector<16xi32> -> vector<16xf32>
        %max3A_472 = arith.constant 9.99999996E-13 : f32
        %max3A_473 = vector.broadcast %max3A_472 : f32 to vector<16xf32>
        %max3A_474 = arith.maximumf %gather3A_471, %max3A_473 : vector<16xf32>
        %bitcast_convert_type3A_475 = tpu.bitcast %max3A_474 : vector<16xf32> -> vector<16xi32>
        %broadcast_in_dim3A_476 = arith.constant 1597463007 : i32
        %broadcast_in_dim3A_477 = vector.broadcast %broadcast_in_dim3A_476 : i32 to vector<16xi32>
        %shift_right_logical3A_478 = arith.constant 1 : i32
        %shift_right_logical3A_479 = vector.broadcast %shift_right_logical3A_478 : i32 to vector<16xi32>
        %shift_right_logical3A_480 = arith.shrui %bitcast_convert_type3A_475, %shift_right_logical3A_479 : vector<16xi32>
        %sub3A_481 = arith.subi %broadcast_in_dim3A_477, %shift_right_logical3A_480 : vector<16xi32>
        %bitcast_convert_type3A_482 = tpu.bitcast %sub3A_481 : vector<16xi32> -> vector<16xf32>
        %mul3A_483 = arith.constant 5.000000e-01 : f32
        %mul3A_484 = vector.broadcast %mul3A_483 : f32 to vector<16xf32>
        %mul3A_485 = arith.mulf %mul3A_484, %max3A_474 : vector<16xf32>
        %mul3A_486 = arith.mulf %mul3A_485, %bitcast_convert_type3A_482 : vector<16xf32>
        %mul3A_487 = arith.mulf %mul3A_486, %bitcast_convert_type3A_482 : vector<16xf32>
        %sub3A_488 = arith.constant 1.500000e+00 : f32
        %sub3A_489 = vector.broadcast %sub3A_488 : f32 to vector<16xf32>
        %sub3A_490 = arith.subf %sub3A_489, %mul3A_487 : vector<16xf32>
        %mul3A_491 = arith.mulf %bitcast_convert_type3A_482, %sub3A_490 : vector<16xf32>
        %mul3A_492 = arith.mulf %mul3A_485, %mul3A_491 : vector<16xf32>
        %mul3A_493 = arith.mulf %mul3A_492, %mul3A_491 : vector<16xf32>
        %sub3A_494 = arith.constant 1.500000e+00 : f32
        %sub3A_495 = vector.broadcast %sub3A_494 : f32 to vector<16xf32>
        %sub3A_496 = arith.subf %sub3A_495, %mul3A_493 : vector<16xf32>
        %mul3A_497 = arith.mulf %mul3A_491, %sub3A_496 : vector<16xf32>
        %mul3A_498 = arith.constant 1.000000e+01 : f32
        %mul3A_499 = vector.broadcast %mul3A_498 : f32 to vector<16xf32>
        %mul3A_500 = arith.mulf %mul3A_499, %mul3A_497 : vector<16xf32>
        %min3A_501 = arith.constant 1.000000e+00 : f32
        %min3A_502 = vector.broadcast %min3A_501 : f32 to vector<16xf32>
        %min3A_503 = arith.minimumf %min3A_502, %mul3A_500 : vector<16xf32>
        %mul3A_504 = arith.mulf %get3A_450, %min3A_503 : vector<16xf32>
        %mul3A_505 = arith.mulf %get3A_453, %min3A_503 : vector<16xf32>
        %mul3A_506 = arith.mulf %get3A_456, %min3A_503 : vector<16xf32>
        %mul3A_507 = arith.mulf %get3A_459, %min3A_503 : vector<16xf32>
        %add3A_508 = arith.addf %scan3A_382, %mul3A_442 : vector<16xf32>
        %add3A_509 = arith.addf %scan3A_383, %mul3A_443 : vector<16xf32>
        %add3A_510 = arith.addf %scan3A_384, %mul3A_444 : vector<16xf32>
        %add3A_511 = arith.addf %scan3A_385, %mul3A_445 : vector<16xf32>
        %add3A_512 = arith.addf %scan3A_386, %mul3A_504 : vector<16xf32>
        %add3A_513 = arith.addf %scan3A_387, %mul3A_505 : vector<16xf32>
        %add3A_514 = arith.addf %scan3A_388, %mul3A_506 : vector<16xf32>
        %add3A_515 = arith.addf %scan3A_389, %mul3A_507 : vector<16xf32>
        scf.yield %add3A_508, %add3A_509, %add3A_510, %add3A_511, %add3A_512, %add3A_513, %add3A_514, %add3A_515 : vector<16xf32>, vector<16xf32>, vector<16xf32>, vector<16xf32>, vector<16xf32>, vector<16xf32>, vector<16xf32>, vector<16xf32>
      }
      %scan3A_222 = arith.constant 25 : i32
      %mul3A_223 = arith.constant 2 : i32
      %mul3A_224 = arith.muli %add3A_208, %mul3A_223 : i32
      %add3A_225 = arith.constant 0 : i32
      %add3A_226 = arith.addi %mul3A_224, %add3A_225 : i32
      %add3A_227 = arith.addf %scan3A_221#0, %scan3A_221#4 : vector<16xf32>
      %mul3A_228 = vector.broadcast %scan3A_29 : f32 to vector<16xf32>
      %mul3A_229 = arith.mulf %add3A_227, %mul3A_228 : vector<16xf32>
      %swap3A_230 = arith.index_cast %add3A_226 : i32 to index
      %swap3A_231 = arith.constant 0 : index
      %swap3A_232 = tpu.vector_load %arg10[%swap3A_230, %swap3A_231] {strides = array<i32>} : memref<264x64xf32, #tpu.memory_space<vmem>>, vector<16xf32>,
      tpu.vector_store %arg10[%swap3A_230, %swap3A_231], %mul3A_229 {strides = array<i32>} : memref<264x64xf32, #tpu.memory_space<vmem>>, vector<16xf32>,
      %add3A_233 = arith.addf %scan3A_221#1, %scan3A_221#5 : vector<16xf32>
      %mul3A_234 = vector.broadcast %scan3A_29 : f32 to vector<16xf32>
      %mul3A_235 = arith.mulf %add3A_233, %mul3A_234 : vector<16xf32>
      %swap3A_236 = arith.index_cast %add3A_226 : i32 to index
      %swap3A_237 = arith.constant 16 : index
      %swap3A_238 = tpu.vector_load %arg10[%swap3A_236, %swap3A_237] {strides = array<i32>} : memref<264x64xf32, #tpu.memory_space<vmem>>, vector<16xf32>,
      tpu.vector_store %arg10[%swap3A_236, %swap3A_237], %mul3A_235 {strides = array<i32>} : memref<264x64xf32, #tpu.memory_space<vmem>>, vector<16xf32>,
      %add3A_239 = arith.addf %scan3A_221#2, %scan3A_221#6 : vector<16xf32>
      %mul3A_240 = vector.broadcast %scan3A_29 : f32 to vector<16xf32>
      %mul3A_241 = arith.mulf %add3A_239, %mul3A_240 : vector<16xf32>
      %swap3A_242 = arith.index_cast %add3A_226 : i32 to index
      %swap3A_243 = arith.constant 32 : index
      %swap3A_244 = tpu.vector_load %arg10[%swap3A_242, %swap3A_243] {strides = array<i32>} : memref<264x64xf32, #tpu.memory_space<vmem>>, vector<16xf32>,
      tpu.vector_store %arg10[%swap3A_242, %swap3A_243], %mul3A_241 {strides = array<i32>} : memref<264x64xf32, #tpu.memory_space<vmem>>, vector<16xf32>,
      %add3A_245 = arith.addf %scan3A_221#3, %scan3A_221#7 : vector<16xf32>
      %mul3A_246 = vector.broadcast %scan3A_29 : f32 to vector<16xf32>
      %mul3A_247 = arith.mulf %add3A_245, %mul3A_246 : vector<16xf32>
      %swap3A_248 = arith.index_cast %add3A_226 : i32 to index
      %swap3A_249 = arith.constant 48 : index
      %swap3A_250 = tpu.vector_load %arg10[%swap3A_248, %swap3A_249] {strides = array<i32>} : memref<264x64xf32, #tpu.memory_space<vmem>>, vector<16xf32>,
      tpu.vector_store %arg10[%swap3A_248, %swap3A_249], %mul3A_247 {strides = array<i32>} : memref<264x64xf32, #tpu.memory_space<vmem>>, vector<16xf32>,
      %broadcast_in_dim3A_251 = arith.constant 0.000000e+00 : f32
      %broadcast_in_dim3A_252 = vector.broadcast %broadcast_in_dim3A_251 : f32 to vector<16xf32>
      %scan3A_253 = arith.constant 0 : i32
      %scan3A_254 = arith.constant 25 : i32
      %scan3A_255 = arith.addi %scan3A_253, %scan3A_254 : i32
      %scan3A_256 = arith.constant 1 : i32
      %scan3A_257:8 = scf.for %scan3A_381 = %scan3A_253 to %scan3A_255 step %scan3A_256 iter_args(%scan3A_382 = %broadcast_in_dim3A_252, %scan3A_383 = %broadcast_in_dim3A_252, %scan3A_384 = %broadcast_in_dim3A_252, %scan3A_385 = %broadcast_in_dim3A_252, %scan3A_386 = %broadcast_in_dim3A_252, %scan3A_387 = %broadcast_in_dim3A_252, %scan3A_388 = %broadcast_in_dim3A_252, %scan3A_389 = %broadcast_in_dim3A_252) -> (vector<16xf32>, vector<16xf32>, vector<16xf32>, vector<16xf32>, vector<16xf32>, vector<16xf32>, vector<16xf32>, vector<16xf32>)  : i32 {
        %mul3A_390 = arith.constant 2 : i32
        %mul3A_391 = arith.muli %scan3A_381, %mul3A_390 : i32
        %add3A_392 = arith.constant 50 : i32
        %add3A_393 = arith.addi %add3A_392, %mul3A_391 : i32
        %get3A = arith.index_cast %add3A_393 : i32 to index
        %get3A_394 = arith.constant 0 : index
        %get3A_395 = tpu.vector_load %arg8[%get3A, %get3A_394] {strides = array<i32>} : memref<100x64xf32, #tpu.memory_space<vmem>>, vector<16xf32>,
        %get3A_396 = arith.index_cast %add3A_393 : i32 to index
        %get3A_397 = arith.constant 16 : index
        %get3A_398 = tpu.vector_load %arg8[%get3A_396, %get3A_397] {strides = array<i32>} : memref<100x64xf32, #tpu.memory_space<vmem>>, vector<16xf32>,
        %get3A_399 = arith.index_cast %add3A_393 : i32 to index
        %get3A_400 = arith.constant 32 : index
        %get3A_401 = tpu.vector_load %arg8[%get3A_399, %get3A_400] {strides = array<i32>} : memref<100x64xf32, #tpu.memory_space<vmem>>, vector<16xf32>,
        %get3A_402 = arith.index_cast %add3A_393 : i32 to index
        %get3A_403 = arith.constant 48 : index
        %get3A_404 = tpu.vector_load %arg8[%get3A_402, %get3A_403] {strides = array<i32>} : memref<100x64xf32, #tpu.memory_space<vmem>>, vector<16xf32>,
        %mul3A_405 = arith.mulf %get3A_395, %get3A_395 : vector<16xf32>
        %mul3A_406 = arith.mulf %get3A_398, %get3A_398 : vector<16xf32>
        %add3A_407 = arith.addf %mul3A_405, %mul3A_406 : vector<16xf32>
        %mul3A_408 = arith.mulf %get3A_401, %get3A_401 : vector<16xf32>
        %add3A_409 = arith.addf %add3A_407, %mul3A_408 : vector<16xf32>
        %mul3A_410 = arith.mulf %get3A_404, %get3A_404 : vector<16xf32>
        %add3A_411 = arith.addf %add3A_409, %mul3A_410 : vector<16xf32>
        %broadcast_in_dim3A_412 = arith.constant true
        %broadcast_in_dim3A_413 = vector.broadcast %broadcast_in_dim3A_412 : i1 to vector<16xi1>
        %masked_cumsum3A = tpu.scan <sum>, %add3A_411 masked %broadcast_in_dim3A_413 : vector<16xf32>, vector<16xi1> -> vector<16xf32>
        %gather3A = vector.shape_cast %broadcast_in_dim3A_28 : vector<16x1xi32> to vector<16xi32>
        %gather3A_414 = tpu.dynamic_gather %masked_cumsum3A[%gather3A] in [0] : vector<16xf32>, vector<16xi32> -> vector<16xf32>
        %max3A = arith.constant 9.99999996E-13 : f32
        %max3A_415 = vector.broadcast %max3A : f32 to vector<16xf32>
        %max3A_416 = arith.maximumf %gather3A_414, %max3A_415 : vector<16xf32>
        %bitcast_convert_type3A = tpu.bitcast %max3A_416 : vector<16xf32> -> vector<16xi32>
        %broadcast_in_dim3A_417 = arith.constant 1597463007 : i32
        %broadcast_in_dim3A_418 = vector.broadcast %broadcast_in_dim3A_417 : i32 to vector<16xi32>
        %shift_right_logical3A = arith.constant 1 : i32
        %shift_right_logical3A_419 = vector.broadcast %shift_right_logical3A : i32 to vector<16xi32>
        %shift_right_logical3A_420 = arith.shrui %bitcast_convert_type3A, %shift_right_logical3A_419 : vector<16xi32>
        %sub3A = arith.subi %broadcast_in_dim3A_418, %shift_right_logical3A_420 : vector<16xi32>
        %bitcast_convert_type3A_421 = tpu.bitcast %sub3A : vector<16xi32> -> vector<16xf32>
        %mul3A_422 = arith.constant 5.000000e-01 : f32
        %mul3A_423 = vector.broadcast %mul3A_422 : f32 to vector<16xf32>
        %mul3A_424 = arith.mulf %mul3A_423, %max3A_416 : vector<16xf32>
        %mul3A_425 = arith.mulf %mul3A_424, %bitcast_convert_type3A_421 : vector<16xf32>
        %mul3A_426 = arith.mulf %mul3A_425, %bitcast_convert_type3A_421 : vector<16xf32>
        %sub3A_427 = arith.constant 1.500000e+00 : f32
        %sub3A_428 = vector.broadcast %sub3A_427 : f32 to vector<16xf32>
        %sub3A_429 = arith.subf %sub3A_428, %mul3A_426 : vector<16xf32>
        %mul3A_430 = arith.mulf %bitcast_convert_type3A_421, %sub3A_429 : vector<16xf32>
        %mul3A_431 = arith.mulf %mul3A_424, %mul3A_430 : vector<16xf32>
        %mul3A_432 = arith.mulf %mul3A_431, %mul3A_430 : vector<16xf32>
        %sub3A_433 = arith.constant 1.500000e+00 : f32
        %sub3A_434 = vector.broadcast %sub3A_433 : f32 to vector<16xf32>
        %sub3A_435 = arith.subf %sub3A_434, %mul3A_432 : vector<16xf32>
        %mul3A_436 = arith.mulf %mul3A_430, %sub3A_435 : vector<16xf32>
        %mul3A_437 = arith.constant 1.000000e+01 : f32
        %mul3A_438 = vector.broadcast %mul3A_437 : f32 to vector<16xf32>
        %mul3A_439 = arith.mulf %mul3A_438, %mul3A_436 : vector<16xf32>
        %min3A = arith.constant 1.000000e+00 : f32
        %min3A_440 = vector.broadcast %min3A : f32 to vector<16xf32>
        %min3A_441 = arith.minimumf %min3A_440, %mul3A_439 : vector<16xf32>
        %mul3A_442 = arith.mulf %get3A_395, %min3A_441 : vector<16xf32>
        %mul3A_443 = arith.mulf %get3A_398, %min3A_441 : vector<16xf32>
        %mul3A_444 = arith.mulf %get3A_401, %min3A_441 : vector<16xf32>
        %mul3A_445 = arith.mulf %get3A_404, %min3A_441 : vector<16xf32>
        %add3A_446 = arith.constant 1 : i32
        %add3A_447 = arith.addi %add3A_393, %add3A_446 : i32
        %get3A_448 = arith.index_cast %add3A_447 : i32 to index
        %get3A_449 = arith.constant 0 : index
        %get3A_450 = tpu.vector_load %arg8[%get3A_448, %get3A_449] {strides = array<i32>} : memref<100x64xf32, #tpu.memory_space<vmem>>, vector<16xf32>,
        %get3A_451 = arith.index_cast %add3A_447 : i32 to index
        %get3A_452 = arith.constant 16 : index
        %get3A_453 = tpu.vector_load %arg8[%get3A_451, %get3A_452] {strides = array<i32>} : memref<100x64xf32, #tpu.memory_space<vmem>>, vector<16xf32>,
        %get3A_454 = arith.index_cast %add3A_447 : i32 to index
        %get3A_455 = arith.constant 32 : index
        %get3A_456 = tpu.vector_load %arg8[%get3A_454, %get3A_455] {strides = array<i32>} : memref<100x64xf32, #tpu.memory_space<vmem>>, vector<16xf32>,
        %get3A_457 = arith.index_cast %add3A_447 : i32 to index
        %get3A_458 = arith.constant 48 : index
        %get3A_459 = tpu.vector_load %arg8[%get3A_457, %get3A_458] {strides = array<i32>} : memref<100x64xf32, #tpu.memory_space<vmem>>, vector<16xf32>,
        %mul3A_460 = arith.mulf %get3A_450, %get3A_450 : vector<16xf32>
        %mul3A_461 = arith.mulf %get3A_453, %get3A_453 : vector<16xf32>
        %add3A_462 = arith.addf %mul3A_460, %mul3A_461 : vector<16xf32>
        %mul3A_463 = arith.mulf %get3A_456, %get3A_456 : vector<16xf32>
        %add3A_464 = arith.addf %add3A_462, %mul3A_463 : vector<16xf32>
        %mul3A_465 = arith.mulf %get3A_459, %get3A_459 : vector<16xf32>
        %add3A_466 = arith.addf %add3A_464, %mul3A_465 : vector<16xf32>
        %broadcast_in_dim3A_467 = arith.constant true
        %broadcast_in_dim3A_468 = vector.broadcast %broadcast_in_dim3A_467 : i1 to vector<16xi1>
        %masked_cumsum3A_469 = tpu.scan <sum>, %add3A_466 masked %broadcast_in_dim3A_468 : vector<16xf32>, vector<16xi1> -> vector<16xf32>
        %gather3A_470 = vector.shape_cast %broadcast_in_dim3A_28 : vector<16x1xi32> to vector<16xi32>
        %gather3A_471 = tpu.dynamic_gather %masked_cumsum3A_469[%gather3A_470] in [0] : vector<16xf32>, vector<16xi32> -> vector<16xf32>
        %max3A_472 = arith.constant 9.99999996E-13 : f32
        %max3A_473 = vector.broadcast %max3A_472 : f32 to vector<16xf32>
        %max3A_474 = arith.maximumf %gather3A_471, %max3A_473 : vector<16xf32>
        %bitcast_convert_type3A_475 = tpu.bitcast %max3A_474 : vector<16xf32> -> vector<16xi32>
        %broadcast_in_dim3A_476 = arith.constant 1597463007 : i32
        %broadcast_in_dim3A_477 = vector.broadcast %broadcast_in_dim3A_476 : i32 to vector<16xi32>
        %shift_right_logical3A_478 = arith.constant 1 : i32
        %shift_right_logical3A_479 = vector.broadcast %shift_right_logical3A_478 : i32 to vector<16xi32>
        %shift_right_logical3A_480 = arith.shrui %bitcast_convert_type3A_475, %shift_right_logical3A_479 : vector<16xi32>
        %sub3A_481 = arith.subi %broadcast_in_dim3A_477, %shift_right_logical3A_480 : vector<16xi32>
        %bitcast_convert_type3A_482 = tpu.bitcast %sub3A_481 : vector<16xi32> -> vector<16xf32>
        %mul3A_483 = arith.constant 5.000000e-01 : f32
        %mul3A_484 = vector.broadcast %mul3A_483 : f32 to vector<16xf32>
        %mul3A_485 = arith.mulf %mul3A_484, %max3A_474 : vector<16xf32>
        %mul3A_486 = arith.mulf %mul3A_485, %bitcast_convert_type3A_482 : vector<16xf32>
        %mul3A_487 = arith.mulf %mul3A_486, %bitcast_convert_type3A_482 : vector<16xf32>
        %sub3A_488 = arith.constant 1.500000e+00 : f32
        %sub3A_489 = vector.broadcast %sub3A_488 : f32 to vector<16xf32>
        %sub3A_490 = arith.subf %sub3A_489, %mul3A_487 : vector<16xf32>
        %mul3A_491 = arith.mulf %bitcast_convert_type3A_482, %sub3A_490 : vector<16xf32>
        %mul3A_492 = arith.mulf %mul3A_485, %mul3A_491 : vector<16xf32>
        %mul3A_493 = arith.mulf %mul3A_492, %mul3A_491 : vector<16xf32>
        %sub3A_494 = arith.constant 1.500000e+00 : f32
        %sub3A_495 = vector.broadcast %sub3A_494 : f32 to vector<16xf32>
        %sub3A_496 = arith.subf %sub3A_495, %mul3A_493 : vector<16xf32>
        %mul3A_497 = arith.mulf %mul3A_491, %sub3A_496 : vector<16xf32>
        %mul3A_498 = arith.constant 1.000000e+01 : f32
        %mul3A_499 = vector.broadcast %mul3A_498 : f32 to vector<16xf32>
        %mul3A_500 = arith.mulf %mul3A_499, %mul3A_497 : vector<16xf32>
        %min3A_501 = arith.constant 1.000000e+00 : f32
        %min3A_502 = vector.broadcast %min3A_501 : f32 to vector<16xf32>
        %min3A_503 = arith.minimumf %min3A_502, %mul3A_500 : vector<16xf32>
        %mul3A_504 = arith.mulf %get3A_450, %min3A_503 : vector<16xf32>
        %mul3A_505 = arith.mulf %get3A_453, %min3A_503 : vector<16xf32>
        %mul3A_506 = arith.mulf %get3A_456, %min3A_503 : vector<16xf32>
        %mul3A_507 = arith.mulf %get3A_459, %min3A_503 : vector<16xf32>
        %add3A_508 = arith.addf %scan3A_382, %mul3A_442 : vector<16xf32>
        %add3A_509 = arith.addf %scan3A_383, %mul3A_443 : vector<16xf32>
        %add3A_510 = arith.addf %scan3A_384, %mul3A_444 : vector<16xf32>
        %add3A_511 = arith.addf %scan3A_385, %mul3A_445 : vector<16xf32>
        %add3A_512 = arith.addf %scan3A_386, %mul3A_504 : vector<16xf32>
        %add3A_513 = arith.addf %scan3A_387, %mul3A_505 : vector<16xf32>
        %add3A_514 = arith.addf %scan3A_388, %mul3A_506 : vector<16xf32>
        %add3A_515 = arith.addf %scan3A_389, %mul3A_507 : vector<16xf32>
        scf.yield %add3A_508, %add3A_509, %add3A_510, %add3A_511, %add3A_512, %add3A_513, %add3A_514, %add3A_515 : vector<16xf32>, vector<16xf32>, vector<16xf32>, vector<16xf32>, vector<16xf32>, vector<16xf32>, vector<16xf32>, vector<16xf32>
      }
      %scan3A_258 = arith.constant 25 : i32
      %mul3A_259 = arith.constant 2 : i32
      %mul3A_260 = arith.muli %add3A_208, %mul3A_259 : i32
      %add3A_261 = arith.constant 1 : i32
      %add3A_262 = arith.addi %mul3A_260, %add3A_261 : i32
      %add3A_263 = arith.addf %scan3A_257#0, %scan3A_257#4 : vector<16xf32>
      %mul3A_264 = vector.broadcast %scan3A_29 : f32 to vector<16xf32>
      %mul3A_265 = arith.mulf %add3A_263, %mul3A_264 : vector<16xf32>
      %swap3A_266 = arith.index_cast %add3A_262 : i32 to index
      %swap3A_267 = arith.constant 0 : index
      %swap3A_268 = tpu.vector_load %arg10[%swap3A_266, %swap3A_267] {strides = array<i32>} : memref<264x64xf32, #tpu.memory_space<vmem>>, vector<16xf32>,
      tpu.vector_store %arg10[%swap3A_266, %swap3A_267], %mul3A_265 {strides = array<i32>} : memref<264x64xf32, #tpu.memory_space<vmem>>, vector<16xf32>,
      %add3A_269 = arith.addf %scan3A_257#1, %scan3A_257#5 : vector<16xf32>
      %mul3A_270 = vector.broadcast %scan3A_29 : f32 to vector<16xf32>
      %mul3A_271 = arith.mulf %add3A_269, %mul3A_270 : vector<16xf32>
      %swap3A_272 = arith.index_cast %add3A_262 : i32 to index
      %swap3A_273 = arith.constant 16 : index
      %swap3A_274 = tpu.vector_load %arg10[%swap3A_272, %swap3A_273] {strides = array<i32>} : memref<264x64xf32, #tpu.memory_space<vmem>>, vector<16xf32>,
      tpu.vector_store %arg10[%swap3A_272, %swap3A_273], %mul3A_271 {strides = array<i32>} : memref<264x64xf32, #tpu.memory_space<vmem>>, vector<16xf32>,
      %add3A_275 = arith.addf %scan3A_257#2, %scan3A_257#6 : vector<16xf32>
      %mul3A_276 = vector.broadcast %scan3A_29 : f32 to vector<16xf32>
      %mul3A_277 = arith.mulf %add3A_275, %mul3A_276 : vector<16xf32>
      %swap3A_278 = arith.index_cast %add3A_262 : i32 to index
      %swap3A_279 = arith.constant 32 : index
      %swap3A_280 = tpu.vector_load %arg10[%swap3A_278, %swap3A_279] {strides = array<i32>} : memref<264x64xf32, #tpu.memory_space<vmem>>, vector<16xf32>,
      tpu.vector_store %arg10[%swap3A_278, %swap3A_279], %mul3A_277 {strides = array<i32>} : memref<264x64xf32, #tpu.memory_space<vmem>>, vector<16xf32>,
      %add3A_281 = arith.addf %scan3A_257#3, %scan3A_257#7 : vector<16xf32>
      %mul3A_282 = vector.broadcast %scan3A_29 : f32 to vector<16xf32>
      %mul3A_283 = arith.mulf %add3A_281, %mul3A_282 : vector<16xf32>
      %swap3A_284 = arith.index_cast %add3A_262 : i32 to index
      %swap3A_285 = arith.constant 48 : index
      %swap3A_286 = tpu.vector_load %arg10[%swap3A_284, %swap3A_285] {strides = array<i32>} : memref<264x64xf32, #tpu.memory_space<vmem>>, vector<16xf32>,
      tpu.vector_store %arg10[%swap3A_284, %swap3A_285], %mul3A_283 {strides = array<i32>} : memref<264x64xf32, #tpu.memory_space<vmem>>, vector<16xf32>,
      %add3A_287 = arith.constant 4 : i32
      %add3A_288 = arith.addi %add3A_208, %add3A_287 : i32
      %lt3A_289 = arith.constant 132 : i32
      %lt3A_290 = arith.cmpi slt, %add3A_288, %lt3A_289 : i32
      %convert_element_type3A_291 = arith.extui %lt3A_290 : i1 to i32
      %cond3A_292 = arith.constant 0 : i32
      %cond3A_293 = arith.cmpi ne, %convert_element_type3A_291, %cond3A_292 : i32
      scf.if %cond3A_293 {
        %add3A_381 = arith.constant 4 : i32
        %add3A_382 = arith.addi %add3A_208, %add3A_381 : i32
        %dma_start3A_383 = arith.constant 0 : i32
        %dma_start3A_384 = tpu.memref_slice %arg5[%add3A_382, %dma_start3A_383] : memref<132x100xi32, #tpu.memory_space<vmem>> -> memref<1x100xi32, #tpu.memory_space<vmem>>
        %dma_start3A_385 = tpu.memref_squeeze %dma_start3A_384 : memref<1x100xi32, #tpu.memory_space<vmem>> -> memref<100xi32, #tpu.memory_space<vmem>>
        %dma_start3A_386 = arith.constant 0 : i32
        %dma_start3A_387 = arith.constant 0 : i32
        %dma_start3A_388 = tpu.memref_slice %arg3[%dma_start3A_386, %dma_start3A_387] : memref<1007616x64xf32, #tpu.memory_space<hbm>> -> memref<1007616x64xf32, #tpu.memory_space<hbm>>
        tpu.enqueue_indirect_dma source(%dma_start3A_388 : memref<1007616x64xf32, #tpu.memory_space<hbm>>) target(%arg8 : memref<100x64xf32, #tpu.memory_space<vmem>>) offsets(%dma_start3A_385 : memref<100xi32, #tpu.memory_space<vmem>>) semaphore(%arg13 : memref<!tpu.dma_semaphore, #tpu.memory_space<semaphore_mem>>)
      } else {
      }
      %add3A_294 = arith.constant 3 : i32
      %add3A_295 = arith.addi %mul3A_37, %add3A_294 : i32
      %dma_wait3A_296 = arith.constant 0 : i32
      %dma_wait3A_297 = tpu.memref_slice %arg5[%add3A_295, %dma_wait3A_296] : memref<132x100xi32, #tpu.memory_space<vmem>> -> memref<1x100xi32, #tpu.memory_space<vmem>>
      %dma_wait3A_298 = tpu.memref_squeeze %dma_wait3A_297 : memref<1x100xi32, #tpu.memory_space<vmem>> -> memref<100xi32, #tpu.memory_space<vmem>>
      %dma_wait3A_299 = arith.constant 0 : i32
      %dma_wait3A_300 = arith.constant 0 : i32
      %dma_wait3A_301 = tpu.memref_slice %arg3[%dma_wait3A_299, %dma_wait3A_300] : memref<1007616x64xf32, #tpu.memory_space<hbm>> -> memref<1007616x64xf32, #tpu.memory_space<hbm>>
      tpu.wait_indirect_dma semaphore(%arg14 : memref<!tpu.dma_semaphore, #tpu.memory_space<semaphore_mem>>) src(%dma_wait3A_301 : memref<1007616x64xf32, #tpu.memory_space<hbm>>) dst(%arg9 : memref<100x64xf32, #tpu.memory_space<vmem>>)
      %broadcast_in_dim3A_302 = arith.constant 0.000000e+00 : f32
      %broadcast_in_dim3A_303 = vector.broadcast %broadcast_in_dim3A_302 : f32 to vector<16xf32>
      %scan3A_304 = arith.constant 0 : i32
      %scan3A_305 = arith.constant 25 : i32
      %scan3A_306 = arith.addi %scan3A_304, %scan3A_305 : i32
      %scan3A_307 = arith.constant 1 : i32
      %scan3A_308:8 = scf.for %scan3A_381 = %scan3A_304 to %scan3A_306 step %scan3A_307 iter_args(%scan3A_382 = %broadcast_in_dim3A_303, %scan3A_383 = %broadcast_in_dim3A_303, %scan3A_384 = %broadcast_in_dim3A_303, %scan3A_385 = %broadcast_in_dim3A_303, %scan3A_386 = %broadcast_in_dim3A_303, %scan3A_387 = %broadcast_in_dim3A_303, %scan3A_388 = %broadcast_in_dim3A_303, %scan3A_389 = %broadcast_in_dim3A_303) -> (vector<16xf32>, vector<16xf32>, vector<16xf32>, vector<16xf32>, vector<16xf32>, vector<16xf32>, vector<16xf32>, vector<16xf32>)  : i32 {
        %mul3A_390 = arith.constant 2 : i32
        %mul3A_391 = arith.muli %scan3A_381, %mul3A_390 : i32
        %add3A_392 = arith.constant 0 : i32
        %add3A_393 = arith.addi %add3A_392, %mul3A_391 : i32
        %get3A = arith.index_cast %add3A_393 : i32 to index
        %get3A_394 = arith.constant 0 : index
        %get3A_395 = tpu.vector_load %arg9[%get3A, %get3A_394] {strides = array<i32>} : memref<100x64xf32, #tpu.memory_space<vmem>>, vector<16xf32>,
        %get3A_396 = arith.index_cast %add3A_393 : i32 to index
        %get3A_397 = arith.constant 16 : index
        %get3A_398 = tpu.vector_load %arg9[%get3A_396, %get3A_397] {strides = array<i32>} : memref<100x64xf32, #tpu.memory_space<vmem>>, vector<16xf32>,
        %get3A_399 = arith.index_cast %add3A_393 : i32 to index
        %get3A_400 = arith.constant 32 : index
        %get3A_401 = tpu.vector_load %arg9[%get3A_399, %get3A_400] {strides = array<i32>} : memref<100x64xf32, #tpu.memory_space<vmem>>, vector<16xf32>,
        %get3A_402 = arith.index_cast %add3A_393 : i32 to index
        %get3A_403 = arith.constant 48 : index
        %get3A_404 = tpu.vector_load %arg9[%get3A_402, %get3A_403] {strides = array<i32>} : memref<100x64xf32, #tpu.memory_space<vmem>>, vector<16xf32>,
        %mul3A_405 = arith.mulf %get3A_395, %get3A_395 : vector<16xf32>
        %mul3A_406 = arith.mulf %get3A_398, %get3A_398 : vector<16xf32>
        %add3A_407 = arith.addf %mul3A_405, %mul3A_406 : vector<16xf32>
        %mul3A_408 = arith.mulf %get3A_401, %get3A_401 : vector<16xf32>
        %add3A_409 = arith.addf %add3A_407, %mul3A_408 : vector<16xf32>
        %mul3A_410 = arith.mulf %get3A_404, %get3A_404 : vector<16xf32>
        %add3A_411 = arith.addf %add3A_409, %mul3A_410 : vector<16xf32>
        %broadcast_in_dim3A_412 = arith.constant true
        %broadcast_in_dim3A_413 = vector.broadcast %broadcast_in_dim3A_412 : i1 to vector<16xi1>
        %masked_cumsum3A = tpu.scan <sum>, %add3A_411 masked %broadcast_in_dim3A_413 : vector<16xf32>, vector<16xi1> -> vector<16xf32>
        %gather3A = vector.shape_cast %broadcast_in_dim3A_28 : vector<16x1xi32> to vector<16xi32>
        %gather3A_414 = tpu.dynamic_gather %masked_cumsum3A[%gather3A] in [0] : vector<16xf32>, vector<16xi32> -> vector<16xf32>
        %max3A = arith.constant 9.99999996E-13 : f32
        %max3A_415 = vector.broadcast %max3A : f32 to vector<16xf32>
        %max3A_416 = arith.maximumf %gather3A_414, %max3A_415 : vector<16xf32>
        %bitcast_convert_type3A = tpu.bitcast %max3A_416 : vector<16xf32> -> vector<16xi32>
        %broadcast_in_dim3A_417 = arith.constant 1597463007 : i32
        %broadcast_in_dim3A_418 = vector.broadcast %broadcast_in_dim3A_417 : i32 to vector<16xi32>
        %shift_right_logical3A = arith.constant 1 : i32
        %shift_right_logical3A_419 = vector.broadcast %shift_right_logical3A : i32 to vector<16xi32>
        %shift_right_logical3A_420 = arith.shrui %bitcast_convert_type3A, %shift_right_logical3A_419 : vector<16xi32>
        %sub3A = arith.subi %broadcast_in_dim3A_418, %shift_right_logical3A_420 : vector<16xi32>
        %bitcast_convert_type3A_421 = tpu.bitcast %sub3A : vector<16xi32> -> vector<16xf32>
        %mul3A_422 = arith.constant 5.000000e-01 : f32
        %mul3A_423 = vector.broadcast %mul3A_422 : f32 to vector<16xf32>
        %mul3A_424 = arith.mulf %mul3A_423, %max3A_416 : vector<16xf32>
        %mul3A_425 = arith.mulf %mul3A_424, %bitcast_convert_type3A_421 : vector<16xf32>
        %mul3A_426 = arith.mulf %mul3A_425, %bitcast_convert_type3A_421 : vector<16xf32>
        %sub3A_427 = arith.constant 1.500000e+00 : f32
        %sub3A_428 = vector.broadcast %sub3A_427 : f32 to vector<16xf32>
        %sub3A_429 = arith.subf %sub3A_428, %mul3A_426 : vector<16xf32>
        %mul3A_430 = arith.mulf %bitcast_convert_type3A_421, %sub3A_429 : vector<16xf32>
        %mul3A_431 = arith.mulf %mul3A_424, %mul3A_430 : vector<16xf32>
        %mul3A_432 = arith.mulf %mul3A_431, %mul3A_430 : vector<16xf32>
        %sub3A_433 = arith.constant 1.500000e+00 : f32
        %sub3A_434 = vector.broadcast %sub3A_433 : f32 to vector<16xf32>
        %sub3A_435 = arith.subf %sub3A_434, %mul3A_432 : vector<16xf32>
        %mul3A_436 = arith.mulf %mul3A_430, %sub3A_435 : vector<16xf32>
        %mul3A_437 = arith.constant 1.000000e+01 : f32
        %mul3A_438 = vector.broadcast %mul3A_437 : f32 to vector<16xf32>
        %mul3A_439 = arith.mulf %mul3A_438, %mul3A_436 : vector<16xf32>
        %min3A = arith.constant 1.000000e+00 : f32
        %min3A_440 = vector.broadcast %min3A : f32 to vector<16xf32>
        %min3A_441 = arith.minimumf %min3A_440, %mul3A_439 : vector<16xf32>
        %mul3A_442 = arith.mulf %get3A_395, %min3A_441 : vector<16xf32>
        %mul3A_443 = arith.mulf %get3A_398, %min3A_441 : vector<16xf32>
        %mul3A_444 = arith.mulf %get3A_401, %min3A_441 : vector<16xf32>
        %mul3A_445 = arith.mulf %get3A_404, %min3A_441 : vector<16xf32>
        %add3A_446 = arith.constant 1 : i32
        %add3A_447 = arith.addi %add3A_393, %add3A_446 : i32
        %get3A_448 = arith.index_cast %add3A_447 : i32 to index
        %get3A_449 = arith.constant 0 : index
        %get3A_450 = tpu.vector_load %arg9[%get3A_448, %get3A_449] {strides = array<i32>} : memref<100x64xf32, #tpu.memory_space<vmem>>, vector<16xf32>,
        %get3A_451 = arith.index_cast %add3A_447 : i32 to index
        %get3A_452 = arith.constant 16 : index
        %get3A_453 = tpu.vector_load %arg9[%get3A_451, %get3A_452] {strides = array<i32>} : memref<100x64xf32, #tpu.memory_space<vmem>>, vector<16xf32>,
        %get3A_454 = arith.index_cast %add3A_447 : i32 to index
        %get3A_455 = arith.constant 32 : index
        %get3A_456 = tpu.vector_load %arg9[%get3A_454, %get3A_455] {strides = array<i32>} : memref<100x64xf32, #tpu.memory_space<vmem>>, vector<16xf32>,
        %get3A_457 = arith.index_cast %add3A_447 : i32 to index
        %get3A_458 = arith.constant 48 : index
        %get3A_459 = tpu.vector_load %arg9[%get3A_457, %get3A_458] {strides = array<i32>} : memref<100x64xf32, #tpu.memory_space<vmem>>, vector<16xf32>,
        %mul3A_460 = arith.mulf %get3A_450, %get3A_450 : vector<16xf32>
        %mul3A_461 = arith.mulf %get3A_453, %get3A_453 : vector<16xf32>
        %add3A_462 = arith.addf %mul3A_460, %mul3A_461 : vector<16xf32>
        %mul3A_463 = arith.mulf %get3A_456, %get3A_456 : vector<16xf32>
        %add3A_464 = arith.addf %add3A_462, %mul3A_463 : vector<16xf32>
        %mul3A_465 = arith.mulf %get3A_459, %get3A_459 : vector<16xf32>
        %add3A_466 = arith.addf %add3A_464, %mul3A_465 : vector<16xf32>
        %broadcast_in_dim3A_467 = arith.constant true
        %broadcast_in_dim3A_468 = vector.broadcast %broadcast_in_dim3A_467 : i1 to vector<16xi1>
        %masked_cumsum3A_469 = tpu.scan <sum>, %add3A_466 masked %broadcast_in_dim3A_468 : vector<16xf32>, vector<16xi1> -> vector<16xf32>
        %gather3A_470 = vector.shape_cast %broadcast_in_dim3A_28 : vector<16x1xi32> to vector<16xi32>
        %gather3A_471 = tpu.dynamic_gather %masked_cumsum3A_469[%gather3A_470] in [0] : vector<16xf32>, vector<16xi32> -> vector<16xf32>
        %max3A_472 = arith.constant 9.99999996E-13 : f32
        %max3A_473 = vector.broadcast %max3A_472 : f32 to vector<16xf32>
        %max3A_474 = arith.maximumf %gather3A_471, %max3A_473 : vector<16xf32>
        %bitcast_convert_type3A_475 = tpu.bitcast %max3A_474 : vector<16xf32> -> vector<16xi32>
        %broadcast_in_dim3A_476 = arith.constant 1597463007 : i32
        %broadcast_in_dim3A_477 = vector.broadcast %broadcast_in_dim3A_476 : i32 to vector<16xi32>
        %shift_right_logical3A_478 = arith.constant 1 : i32
        %shift_right_logical3A_479 = vector.broadcast %shift_right_logical3A_478 : i32 to vector<16xi32>
        %shift_right_logical3A_480 = arith.shrui %bitcast_convert_type3A_475, %shift_right_logical3A_479 : vector<16xi32>
        %sub3A_481 = arith.subi %broadcast_in_dim3A_477, %shift_right_logical3A_480 : vector<16xi32>
        %bitcast_convert_type3A_482 = tpu.bitcast %sub3A_481 : vector<16xi32> -> vector<16xf32>
        %mul3A_483 = arith.constant 5.000000e-01 : f32
        %mul3A_484 = vector.broadcast %mul3A_483 : f32 to vector<16xf32>
        %mul3A_485 = arith.mulf %mul3A_484, %max3A_474 : vector<16xf32>
        %mul3A_486 = arith.mulf %mul3A_485, %bitcast_convert_type3A_482 : vector<16xf32>
        %mul3A_487 = arith.mulf %mul3A_486, %bitcast_convert_type3A_482 : vector<16xf32>
        %sub3A_488 = arith.constant 1.500000e+00 : f32
        %sub3A_489 = vector.broadcast %sub3A_488 : f32 to vector<16xf32>
        %sub3A_490 = arith.subf %sub3A_489, %mul3A_487 : vector<16xf32>
        %mul3A_491 = arith.mulf %bitcast_convert_type3A_482, %sub3A_490 : vector<16xf32>
        %mul3A_492 = arith.mulf %mul3A_485, %mul3A_491 : vector<16xf32>
        %mul3A_493 = arith.mulf %mul3A_492, %mul3A_491 : vector<16xf32>
        %sub3A_494 = arith.constant 1.500000e+00 : f32
        %sub3A_495 = vector.broadcast %sub3A_494 : f32 to vector<16xf32>
        %sub3A_496 = arith.subf %sub3A_495, %mul3A_493 : vector<16xf32>
        %mul3A_497 = arith.mulf %mul3A_491, %sub3A_496 : vector<16xf32>
        %mul3A_498 = arith.constant 1.000000e+01 : f32
        %mul3A_499 = vector.broadcast %mul3A_498 : f32 to vector<16xf32>
        %mul3A_500 = arith.mulf %mul3A_499, %mul3A_497 : vector<16xf32>
        %min3A_501 = arith.constant 1.000000e+00 : f32
        %min3A_502 = vector.broadcast %min3A_501 : f32 to vector<16xf32>
        %min3A_503 = arith.minimumf %min3A_502, %mul3A_500 : vector<16xf32>
        %mul3A_504 = arith.mulf %get3A_450, %min3A_503 : vector<16xf32>
        %mul3A_505 = arith.mulf %get3A_453, %min3A_503 : vector<16xf32>
        %mul3A_506 = arith.mulf %get3A_456, %min3A_503 : vector<16xf32>
        %mul3A_507 = arith.mulf %get3A_459, %min3A_503 : vector<16xf32>
        %add3A_508 = arith.addf %scan3A_382, %mul3A_442 : vector<16xf32>
        %add3A_509 = arith.addf %scan3A_383, %mul3A_443 : vector<16xf32>
        %add3A_510 = arith.addf %scan3A_384, %mul3A_444 : vector<16xf32>
        %add3A_511 = arith.addf %scan3A_385, %mul3A_445 : vector<16xf32>
        %add3A_512 = arith.addf %scan3A_386, %mul3A_504 : vector<16xf32>
        %add3A_513 = arith.addf %scan3A_387, %mul3A_505 : vector<16xf32>
        %add3A_514 = arith.addf %scan3A_388, %mul3A_506 : vector<16xf32>
        %add3A_515 = arith.addf %scan3A_389, %mul3A_507 : vector<16xf32>
        scf.yield %add3A_508, %add3A_509, %add3A_510, %add3A_511, %add3A_512, %add3A_513, %add3A_514, %add3A_515 : vector<16xf32>, vector<16xf32>, vector<16xf32>, vector<16xf32>, vector<16xf32>, vector<16xf32>, vector<16xf32>, vector<16xf32>
      }
      %scan3A_309 = arith.constant 25 : i32
      %mul3A_310 = arith.constant 2 : i32
      %mul3A_311 = arith.muli %add3A_295, %mul3A_310 : i32
      %add3A_312 = arith.constant 0 : i32
      %add3A_313 = arith.addi %mul3A_311, %add3A_312 : i32
      %add3A_314 = arith.addf %scan3A_308#0, %scan3A_308#4 : vector<16xf32>
      %mul3A_315 = vector.broadcast %scan3A_29 : f32 to vector<16xf32>
      %mul3A_316 = arith.mulf %add3A_314, %mul3A_315 : vector<16xf32>
      %swap3A_317 = arith.index_cast %add3A_313 : i32 to index
      %swap3A_318 = arith.constant 0 : index
      %swap3A_319 = tpu.vector_load %arg10[%swap3A_317, %swap3A_318] {strides = array<i32>} : memref<264x64xf32, #tpu.memory_space<vmem>>, vector<16xf32>,
      tpu.vector_store %arg10[%swap3A_317, %swap3A_318], %mul3A_316 {strides = array<i32>} : memref<264x64xf32, #tpu.memory_space<vmem>>, vector<16xf32>,
      %add3A_320 = arith.addf %scan3A_308#1, %scan3A_308#5 : vector<16xf32>
      %mul3A_321 = vector.broadcast %scan3A_29 : f32 to vector<16xf32>
      %mul3A_322 = arith.mulf %add3A_320, %mul3A_321 : vector<16xf32>
      %swap3A_323 = arith.index_cast %add3A_313 : i32 to index
      %swap3A_324 = arith.constant 16 : index
      %swap3A_325 = tpu.vector_load %arg10[%swap3A_323, %swap3A_324] {strides = array<i32>} : memref<264x64xf32, #tpu.memory_space<vmem>>, vector<16xf32>,
      tpu.vector_store %arg10[%swap3A_323, %swap3A_324], %mul3A_322 {strides = array<i32>} : memref<264x64xf32, #tpu.memory_space<vmem>>, vector<16xf32>,
      %add3A_326 = arith.addf %scan3A_308#2, %scan3A_308#6 : vector<16xf32>
      %mul3A_327 = vector.broadcast %scan3A_29 : f32 to vector<16xf32>
      %mul3A_328 = arith.mulf %add3A_326, %mul3A_327 : vector<16xf32>
      %swap3A_329 = arith.index_cast %add3A_313 : i32 to index
      %swap3A_330 = arith.constant 32 : index
      %swap3A_331 = tpu.vector_load %arg10[%swap3A_329, %swap3A_330] {strides = array<i32>} : memref<264x64xf32, #tpu.memory_space<vmem>>, vector<16xf32>,
      tpu.vector_store %arg10[%swap3A_329, %swap3A_330], %mul3A_328 {strides = array<i32>} : memref<264x64xf32, #tpu.memory_space<vmem>>, vector<16xf32>,
      %add3A_332 = arith.addf %scan3A_308#3, %scan3A_308#7 : vector<16xf32>
      %mul3A_333 = vector.broadcast %scan3A_29 : f32 to vector<16xf32>
      %mul3A_334 = arith.mulf %add3A_332, %mul3A_333 : vector<16xf32>
      %swap3A_335 = arith.index_cast %add3A_313 : i32 to index
      %swap3A_336 = arith.constant 48 : index
      %swap3A_337 = tpu.vector_load %arg10[%swap3A_335, %swap3A_336] {strides = array<i32>} : memref<264x64xf32, #tpu.memory_space<vmem>>, vector<16xf32>,
      tpu.vector_store %arg10[%swap3A_335, %swap3A_336], %mul3A_334 {strides = array<i32>} : memref<264x64xf32, #tpu.memory_space<vmem>>, vector<16xf32>,
      %broadcast_in_dim3A_338 = arith.constant 0.000000e+00 : f32
      %broadcast_in_dim3A_339 = vector.broadcast %broadcast_in_dim3A_338 : f32 to vector<16xf32>
      %scan3A_340 = arith.constant 0 : i32
      %scan3A_341 = arith.constant 25 : i32
      %scan3A_342 = arith.addi %scan3A_340, %scan3A_341 : i32
      %scan3A_343 = arith.constant 1 : i32
      %scan3A_344:8 = scf.for %scan3A_381 = %scan3A_340 to %scan3A_342 step %scan3A_343 iter_args(%scan3A_382 = %broadcast_in_dim3A_339, %scan3A_383 = %broadcast_in_dim3A_339, %scan3A_384 = %broadcast_in_dim3A_339, %scan3A_385 = %broadcast_in_dim3A_339, %scan3A_386 = %broadcast_in_dim3A_339, %scan3A_387 = %broadcast_in_dim3A_339, %scan3A_388 = %broadcast_in_dim3A_339, %scan3A_389 = %broadcast_in_dim3A_339) -> (vector<16xf32>, vector<16xf32>, vector<16xf32>, vector<16xf32>, vector<16xf32>, vector<16xf32>, vector<16xf32>, vector<16xf32>)  : i32 {
        %mul3A_390 = arith.constant 2 : i32
        %mul3A_391 = arith.muli %scan3A_381, %mul3A_390 : i32
        %add3A_392 = arith.constant 50 : i32
        %add3A_393 = arith.addi %add3A_392, %mul3A_391 : i32
        %get3A = arith.index_cast %add3A_393 : i32 to index
        %get3A_394 = arith.constant 0 : index
        %get3A_395 = tpu.vector_load %arg9[%get3A, %get3A_394] {strides = array<i32>} : memref<100x64xf32, #tpu.memory_space<vmem>>, vector<16xf32>,
        %get3A_396 = arith.index_cast %add3A_393 : i32 to index
        %get3A_397 = arith.constant 16 : index
        %get3A_398 = tpu.vector_load %arg9[%get3A_396, %get3A_397] {strides = array<i32>} : memref<100x64xf32, #tpu.memory_space<vmem>>, vector<16xf32>,
        %get3A_399 = arith.index_cast %add3A_393 : i32 to index
        %get3A_400 = arith.constant 32 : index
        %get3A_401 = tpu.vector_load %arg9[%get3A_399, %get3A_400] {strides = array<i32>} : memref<100x64xf32, #tpu.memory_space<vmem>>, vector<16xf32>,
        %get3A_402 = arith.index_cast %add3A_393 : i32 to index
        %get3A_403 = arith.constant 48 : index
        %get3A_404 = tpu.vector_load %arg9[%get3A_402, %get3A_403] {strides = array<i32>} : memref<100x64xf32, #tpu.memory_space<vmem>>, vector<16xf32>,
        %mul3A_405 = arith.mulf %get3A_395, %get3A_395 : vector<16xf32>
        %mul3A_406 = arith.mulf %get3A_398, %get3A_398 : vector<16xf32>
        %add3A_407 = arith.addf %mul3A_405, %mul3A_406 : vector<16xf32>
        %mul3A_408 = arith.mulf %get3A_401, %get3A_401 : vector<16xf32>
        %add3A_409 = arith.addf %add3A_407, %mul3A_408 : vector<16xf32>
        %mul3A_410 = arith.mulf %get3A_404, %get3A_404 : vector<16xf32>
        %add3A_411 = arith.addf %add3A_409, %mul3A_410 : vector<16xf32>
        %broadcast_in_dim3A_412 = arith.constant true
        %broadcast_in_dim3A_413 = vector.broadcast %broadcast_in_dim3A_412 : i1 to vector<16xi1>
        %masked_cumsum3A = tpu.scan <sum>, %add3A_411 masked %broadcast_in_dim3A_413 : vector<16xf32>, vector<16xi1> -> vector<16xf32>
        %gather3A = vector.shape_cast %broadcast_in_dim3A_28 : vector<16x1xi32> to vector<16xi32>
        %gather3A_414 = tpu.dynamic_gather %masked_cumsum3A[%gather3A] in [0] : vector<16xf32>, vector<16xi32> -> vector<16xf32>
        %max3A = arith.constant 9.99999996E-13 : f32
        %max3A_415 = vector.broadcast %max3A : f32 to vector<16xf32>
        %max3A_416 = arith.maximumf %gather3A_414, %max3A_415 : vector<16xf32>
        %bitcast_convert_type3A = tpu.bitcast %max3A_416 : vector<16xf32> -> vector<16xi32>
        %broadcast_in_dim3A_417 = arith.constant 1597463007 : i32
        %broadcast_in_dim3A_418 = vector.broadcast %broadcast_in_dim3A_417 : i32 to vector<16xi32>
        %shift_right_logical3A = arith.constant 1 : i32
        %shift_right_logical3A_419 = vector.broadcast %shift_right_logical3A : i32 to vector<16xi32>
        %shift_right_logical3A_420 = arith.shrui %bitcast_convert_type3A, %shift_right_logical3A_419 : vector<16xi32>
        %sub3A = arith.subi %broadcast_in_dim3A_418, %shift_right_logical3A_420 : vector<16xi32>
        %bitcast_convert_type3A_421 = tpu.bitcast %sub3A : vector<16xi32> -> vector<16xf32>
        %mul3A_422 = arith.constant 5.000000e-01 : f32
        %mul3A_423 = vector.broadcast %mul3A_422 : f32 to vector<16xf32>
        %mul3A_424 = arith.mulf %mul3A_423, %max3A_416 : vector<16xf32>
        %mul3A_425 = arith.mulf %mul3A_424, %bitcast_convert_type3A_421 : vector<16xf32>
        %mul3A_426 = arith.mulf %mul3A_425, %bitcast_convert_type3A_421 : vector<16xf32>
        %sub3A_427 = arith.constant 1.500000e+00 : f32
        %sub3A_428 = vector.broadcast %sub3A_427 : f32 to vector<16xf32>
        %sub3A_429 = arith.subf %sub3A_428, %mul3A_426 : vector<16xf32>
        %mul3A_430 = arith.mulf %bitcast_convert_type3A_421, %sub3A_429 : vector<16xf32>
        %mul3A_431 = arith.mulf %mul3A_424, %mul3A_430 : vector<16xf32>
        %mul3A_432 = arith.mulf %mul3A_431, %mul3A_430 : vector<16xf32>
        %sub3A_433 = arith.constant 1.500000e+00 : f32
        %sub3A_434 = vector.broadcast %sub3A_433 : f32 to vector<16xf32>
        %sub3A_435 = arith.subf %sub3A_434, %mul3A_432 : vector<16xf32>
        %mul3A_436 = arith.mulf %mul3A_430, %sub3A_435 : vector<16xf32>
        %mul3A_437 = arith.constant 1.000000e+01 : f32
        %mul3A_438 = vector.broadcast %mul3A_437 : f32 to vector<16xf32>
        %mul3A_439 = arith.mulf %mul3A_438, %mul3A_436 : vector<16xf32>
        %min3A = arith.constant 1.000000e+00 : f32
        %min3A_440 = vector.broadcast %min3A : f32 to vector<16xf32>
        %min3A_441 = arith.minimumf %min3A_440, %mul3A_439 : vector<16xf32>
        %mul3A_442 = arith.mulf %get3A_395, %min3A_441 : vector<16xf32>
        %mul3A_443 = arith.mulf %get3A_398, %min3A_441 : vector<16xf32>
        %mul3A_444 = arith.mulf %get3A_401, %min3A_441 : vector<16xf32>
        %mul3A_445 = arith.mulf %get3A_404, %min3A_441 : vector<16xf32>
        %add3A_446 = arith.constant 1 : i32
        %add3A_447 = arith.addi %add3A_393, %add3A_446 : i32
        %get3A_448 = arith.index_cast %add3A_447 : i32 to index
        %get3A_449 = arith.constant 0 : index
        %get3A_450 = tpu.vector_load %arg9[%get3A_448, %get3A_449] {strides = array<i32>} : memref<100x64xf32, #tpu.memory_space<vmem>>, vector<16xf32>,
        %get3A_451 = arith.index_cast %add3A_447 : i32 to index
        %get3A_452 = arith.constant 16 : index
        %get3A_453 = tpu.vector_load %arg9[%get3A_451, %get3A_452] {strides = array<i32>} : memref<100x64xf32, #tpu.memory_space<vmem>>, vector<16xf32>,
        %get3A_454 = arith.index_cast %add3A_447 : i32 to index
        %get3A_455 = arith.constant 32 : index
        %get3A_456 = tpu.vector_load %arg9[%get3A_454, %get3A_455] {strides = array<i32>} : memref<100x64xf32, #tpu.memory_space<vmem>>, vector<16xf32>,
        %get3A_457 = arith.index_cast %add3A_447 : i32 to index
        %get3A_458 = arith.constant 48 : index
        %get3A_459 = tpu.vector_load %arg9[%get3A_457, %get3A_458] {strides = array<i32>} : memref<100x64xf32, #tpu.memory_space<vmem>>, vector<16xf32>,
        %mul3A_460 = arith.mulf %get3A_450, %get3A_450 : vector<16xf32>
        %mul3A_461 = arith.mulf %get3A_453, %get3A_453 : vector<16xf32>
        %add3A_462 = arith.addf %mul3A_460, %mul3A_461 : vector<16xf32>
        %mul3A_463 = arith.mulf %get3A_456, %get3A_456 : vector<16xf32>
        %add3A_464 = arith.addf %add3A_462, %mul3A_463 : vector<16xf32>
        %mul3A_465 = arith.mulf %get3A_459, %get3A_459 : vector<16xf32>
        %add3A_466 = arith.addf %add3A_464, %mul3A_465 : vector<16xf32>
        %broadcast_in_dim3A_467 = arith.constant true
        %broadcast_in_dim3A_468 = vector.broadcast %broadcast_in_dim3A_467 : i1 to vector<16xi1>
        %masked_cumsum3A_469 = tpu.scan <sum>, %add3A_466 masked %broadcast_in_dim3A_468 : vector<16xf32>, vector<16xi1> -> vector<16xf32>
        %gather3A_470 = vector.shape_cast %broadcast_in_dim3A_28 : vector<16x1xi32> to vector<16xi32>
        %gather3A_471 = tpu.dynamic_gather %masked_cumsum3A_469[%gather3A_470] in [0] : vector<16xf32>, vector<16xi32> -> vector<16xf32>
        %max3A_472 = arith.constant 9.99999996E-13 : f32
        %max3A_473 = vector.broadcast %max3A_472 : f32 to vector<16xf32>
        %max3A_474 = arith.maximumf %gather3A_471, %max3A_473 : vector<16xf32>
        %bitcast_convert_type3A_475 = tpu.bitcast %max3A_474 : vector<16xf32> -> vector<16xi32>
        %broadcast_in_dim3A_476 = arith.constant 1597463007 : i32
        %broadcast_in_dim3A_477 = vector.broadcast %broadcast_in_dim3A_476 : i32 to vector<16xi32>
        %shift_right_logical3A_478 = arith.constant 1 : i32
        %shift_right_logical3A_479 = vector.broadcast %shift_right_logical3A_478 : i32 to vector<16xi32>
        %shift_right_logical3A_480 = arith.shrui %bitcast_convert_type3A_475, %shift_right_logical3A_479 : vector<16xi32>
        %sub3A_481 = arith.subi %broadcast_in_dim3A_477, %shift_right_logical3A_480 : vector<16xi32>
        %bitcast_convert_type3A_482 = tpu.bitcast %sub3A_481 : vector<16xi32> -> vector<16xf32>
        %mul3A_483 = arith.constant 5.000000e-01 : f32
        %mul3A_484 = vector.broadcast %mul3A_483 : f32 to vector<16xf32>
        %mul3A_485 = arith.mulf %mul3A_484, %max3A_474 : vector<16xf32>
        %mul3A_486 = arith.mulf %mul3A_485, %bitcast_convert_type3A_482 : vector<16xf32>
        %mul3A_487 = arith.mulf %mul3A_486, %bitcast_convert_type3A_482 : vector<16xf32>
        %sub3A_488 = arith.constant 1.500000e+00 : f32
        %sub3A_489 = vector.broadcast %sub3A_488 : f32 to vector<16xf32>
        %sub3A_490 = arith.subf %sub3A_489, %mul3A_487 : vector<16xf32>
        %mul3A_491 = arith.mulf %bitcast_convert_type3A_482, %sub3A_490 : vector<16xf32>
        %mul3A_492 = arith.mulf %mul3A_485, %mul3A_491 : vector<16xf32>
        %mul3A_493 = arith.mulf %mul3A_492, %mul3A_491 : vector<16xf32>
        %sub3A_494 = arith.constant 1.500000e+00 : f32
        %sub3A_495 = vector.broadcast %sub3A_494 : f32 to vector<16xf32>
        %sub3A_496 = arith.subf %sub3A_495, %mul3A_493 : vector<16xf32>
        %mul3A_497 = arith.mulf %mul3A_491, %sub3A_496 : vector<16xf32>
        %mul3A_498 = arith.constant 1.000000e+01 : f32
        %mul3A_499 = vector.broadcast %mul3A_498 : f32 to vector<16xf32>
        %mul3A_500 = arith.mulf %mul3A_499, %mul3A_497 : vector<16xf32>
        %min3A_501 = arith.constant 1.000000e+00 : f32
        %min3A_502 = vector.broadcast %min3A_501 : f32 to vector<16xf32>
        %min3A_503 = arith.minimumf %min3A_502, %mul3A_500 : vector<16xf32>
        %mul3A_504 = arith.mulf %get3A_450, %min3A_503 : vector<16xf32>
        %mul3A_505 = arith.mulf %get3A_453, %min3A_503 : vector<16xf32>
        %mul3A_506 = arith.mulf %get3A_456, %min3A_503 : vector<16xf32>
        %mul3A_507 = arith.mulf %get3A_459, %min3A_503 : vector<16xf32>
        %add3A_508 = arith.addf %scan3A_382, %mul3A_442 : vector<16xf32>
        %add3A_509 = arith.addf %scan3A_383, %mul3A_443 : vector<16xf32>
        %add3A_510 = arith.addf %scan3A_384, %mul3A_444 : vector<16xf32>
        %add3A_511 = arith.addf %scan3A_385, %mul3A_445 : vector<16xf32>
        %add3A_512 = arith.addf %scan3A_386, %mul3A_504 : vector<16xf32>
        %add3A_513 = arith.addf %scan3A_387, %mul3A_505 : vector<16xf32>
        %add3A_514 = arith.addf %scan3A_388, %mul3A_506 : vector<16xf32>
        %add3A_515 = arith.addf %scan3A_389, %mul3A_507 : vector<16xf32>
        scf.yield %add3A_508, %add3A_509, %add3A_510, %add3A_511, %add3A_512, %add3A_513, %add3A_514, %add3A_515 : vector<16xf32>, vector<16xf32>, vector<16xf32>, vector<16xf32>, vector<16xf32>, vector<16xf32>, vector<16xf32>, vector<16xf32>
      }
      %scan3A_345 = arith.constant 25 : i32
      %mul3A_346 = arith.constant 2 : i32
      %mul3A_347 = arith.muli %add3A_295, %mul3A_346 : i32
      %add3A_348 = arith.constant 1 : i32
      %add3A_349 = arith.addi %mul3A_347, %add3A_348 : i32
      %add3A_350 = arith.addf %scan3A_344#0, %scan3A_344#4 : vector<16xf32>
      %mul3A_351 = vector.broadcast %scan3A_29 : f32 to vector<16xf32>
      %mul3A_352 = arith.mulf %add3A_350, %mul3A_351 : vector<16xf32>
      %swap3A_353 = arith.index_cast %add3A_349 : i32 to index
      %swap3A_354 = arith.constant 0 : index
      %swap3A_355 = tpu.vector_load %arg10[%swap3A_353, %swap3A_354] {strides = array<i32>} : memref<264x64xf32, #tpu.memory_space<vmem>>, vector<16xf32>,
      tpu.vector_store %arg10[%swap3A_353, %swap3A_354], %mul3A_352 {strides = array<i32>} : memref<264x64xf32, #tpu.memory_space<vmem>>, vector<16xf32>,
      %add3A_356 = arith.addf %scan3A_344#1, %scan3A_344#5 : vector<16xf32>
      %mul3A_357 = vector.broadcast %scan3A_29 : f32 to vector<16xf32>
      %mul3A_358 = arith.mulf %add3A_356, %mul3A_357 : vector<16xf32>
      %swap3A_359 = arith.index_cast %add3A_349 : i32 to index
      %swap3A_360 = arith.constant 16 : index
      %swap3A_361 = tpu.vector_load %arg10[%swap3A_359, %swap3A_360] {strides = array<i32>} : memref<264x64xf32, #tpu.memory_space<vmem>>, vector<16xf32>,
      tpu.vector_store %arg10[%swap3A_359, %swap3A_360], %mul3A_358 {strides = array<i32>} : memref<264x64xf32, #tpu.memory_space<vmem>>, vector<16xf32>,
      %add3A_362 = arith.addf %scan3A_344#2, %scan3A_344#6 : vector<16xf32>
      %mul3A_363 = vector.broadcast %scan3A_29 : f32 to vector<16xf32>
      %mul3A_364 = arith.mulf %add3A_362, %mul3A_363 : vector<16xf32>
      %swap3A_365 = arith.index_cast %add3A_349 : i32 to index
      %swap3A_366 = arith.constant 32 : index
      %swap3A_367 = tpu.vector_load %arg10[%swap3A_365, %swap3A_366] {strides = array<i32>} : memref<264x64xf32, #tpu.memory_space<vmem>>, vector<16xf32>,
      tpu.vector_store %arg10[%swap3A_365, %swap3A_366], %mul3A_364 {strides = array<i32>} : memref<264x64xf32, #tpu.memory_space<vmem>>, vector<16xf32>,
      %add3A_368 = arith.addf %scan3A_344#3, %scan3A_344#7 : vector<16xf32>
      %mul3A_369 = vector.broadcast %scan3A_29 : f32 to vector<16xf32>
      %mul3A_370 = arith.mulf %add3A_368, %mul3A_369 : vector<16xf32>
      %swap3A_371 = arith.index_cast %add3A_349 : i32 to index
      %swap3A_372 = arith.constant 48 : index
      %swap3A_373 = tpu.vector_load %arg10[%swap3A_371, %swap3A_372] {strides = array<i32>} : memref<264x64xf32, #tpu.memory_space<vmem>>, vector<16xf32>,
      tpu.vector_store %arg10[%swap3A_371, %swap3A_372], %mul3A_370 {strides = array<i32>} : memref<264x64xf32, #tpu.memory_space<vmem>>, vector<16xf32>,
      %add3A_374 = arith.constant 4 : i32
      %add3A_375 = arith.addi %add3A_295, %add3A_374 : i32
      %lt3A_376 = arith.constant 132 : i32
      %lt3A_377 = arith.cmpi slt, %add3A_375, %lt3A_376 : i32
      %convert_element_type3A_378 = arith.extui %lt3A_377 : i1 to i32
      %cond3A_379 = arith.constant 0 : i32
      %cond3A_380 = arith.cmpi ne, %convert_element_type3A_378, %cond3A_379 : i32
      scf.if %cond3A_380 {
        %add3A_381 = arith.constant 4 : i32
        %add3A_382 = arith.addi %add3A_295, %add3A_381 : i32
        %dma_start3A_383 = arith.constant 0 : i32
        %dma_start3A_384 = tpu.memref_slice %arg5[%add3A_382, %dma_start3A_383] : memref<132x100xi32, #tpu.memory_space<vmem>> -> memref<1x100xi32, #tpu.memory_space<vmem>>
        %dma_start3A_385 = tpu.memref_squeeze %dma_start3A_384 : memref<1x100xi32, #tpu.memory_space<vmem>> -> memref<100xi32, #tpu.memory_space<vmem>>
        %dma_start3A_386 = arith.constant 0 : i32
        %dma_start3A_387 = arith.constant 0 : i32
        %dma_start3A_388 = tpu.memref_slice %arg3[%dma_start3A_386, %dma_start3A_387] : memref<1007616x64xf32, #tpu.memory_space<hbm>> -> memref<1007616x64xf32, #tpu.memory_space<hbm>>
        tpu.enqueue_indirect_dma source(%dma_start3A_388 : memref<1007616x64xf32, #tpu.memory_space<hbm>>) target(%arg9 : memref<100x64xf32, #tpu.memory_space<vmem>>) offsets(%dma_start3A_385 : memref<100xi32, #tpu.memory_space<vmem>>) semaphore(%arg14 : memref<!tpu.dma_semaphore, #tpu.memory_space<semaphore_mem>>)
      } else {
      }
    }
    %scan3A_34 = arith.constant 33 : i32
    "tpu.region"() ({
      %run_scoped3A = tpu.sem_alloc : memref<!tpu.dma_semaphore, #tpu.memory_space<semaphore_mem>>
      %dma_start3A_35 = arith.constant 0 : i32
      %dma_start3A_36 = arith.constant 0 : i32
      %dma_start3A_37 = tpu.memref_slice %arg4[%add3A, %dma_start3A_35, %dma_start3A_36] : memref<32x264x64xf32, #tpu.memory_space<hbm>> -> memref<1x264x64xf32, #tpu.memory_space<hbm>>
      %dma_start3A_38 = tpu.memref_squeeze %dma_start3A_37 : memref<1x264x64xf32, #tpu.memory_space<hbm>> -> memref<264x64xf32, #tpu.memory_space<hbm>>
      %dma_start3A_39 = arith.constant 0 : i32
      %dma_start3A_40 = arith.constant 0 : i32
      %dma_start3A_41 = tpu.memref_slice %arg4[%add3A, %dma_start3A_39, %dma_start3A_40] : memref<32x264x64xf32, #tpu.memory_space<hbm>> -> memref<1x264x64xf32, #tpu.memory_space<hbm>>
      %dma_start3A_42 = tpu.memref_squeeze %dma_start3A_41 : memref<1x264x64xf32, #tpu.memory_space<hbm>> -> memref<264x64xf32, #tpu.memory_space<hbm>>
      tpu.enqueue_dma source(%arg10 : memref<264x64xf32, #tpu.memory_space<vmem>>) target(%dma_start3A_42 : memref<264x64xf32, #tpu.memory_space<hbm>>) target_semaphore(%run_scoped3A : memref<!tpu.dma_semaphore, #tpu.memory_space<semaphore_mem>>)
      %dma_wait3A = arith.constant 0 : i32
      %dma_wait3A_43 = arith.constant 0 : i32
      %dma_wait3A_44 = tpu.memref_slice %arg4[%add3A, %dma_wait3A, %dma_wait3A_43] : memref<32x264x64xf32, #tpu.memory_space<hbm>> -> memref<1x264x64xf32, #tpu.memory_space<hbm>>
      %dma_wait3A_45 = tpu.memref_squeeze %dma_wait3A_44 : memref<1x264x64xf32, #tpu.memory_space<hbm>> -> memref<264x64xf32, #tpu.memory_space<hbm>>
      %dma_wait3A_46 = arith.constant 0 : i32
      %dma_wait3A_47 = arith.constant 0 : i32
      %dma_wait3A_48 = tpu.memref_slice %arg4[%add3A, %dma_wait3A_46, %dma_wait3A_47] : memref<32x264x64xf32, #tpu.memory_space<hbm>> -> memref<1x264x64xf32, #tpu.memory_space<hbm>>
      %dma_wait3A_49 = tpu.memref_squeeze %dma_wait3A_48 : memref<1x264x64xf32, #tpu.memory_space<hbm>> -> memref<264x64xf32, #tpu.memory_space<hbm>>
      tpu.wait_dma2 semaphore(%run_scoped3A : memref<!tpu.dma_semaphore, #tpu.memory_space<semaphore_mem>>) src(%arg10 : memref<264x64xf32, #tpu.memory_space<vmem>>) dst(%dma_wait3A_49 : memref<264x64xf32, #tpu.memory_space<hbm>>)
      tpu.yield
    }) : () -> ()
    return
  }
}

module attributes {stable_mosaic.version = 14 : i64} {
  func.func @body(%arg0: i32, %arg1: memref<64x4096xf32, #tpu.memory_space<vmem>>, %arg2: memref<64x4096xf32, #tpu.memory_space<vmem>>, %arg3: memref<4096x128xf32, #tpu.memory_space<vmem>>) attributes {dimension_semantics = [#tpu.dimension_semantics<arbitrary>], iteration_bounds = array<i64: 123>, scalar_prefetch = 0 : i64, scratch_operands = 0 : i64, tpu.core_type = #tpu.core_type<tc>, window_params = [{transform_indices = @transform_0, window_bounds = array<i64: 64, 4096>}, {transform_indices = @transform_1, window_bounds = array<i64: 64, 4096>}, {transform_indices = @transform_2, window_bounds = array<i64: 4096, 128>}]} {
    %get3A = arith.constant 0 : index
    %get3A_0 = arith.constant 0 : index
    %get3A_1 = vector.load %arg1[%get3A, %get3A_0] : memref<64x4096xf32, #tpu.memory_space<vmem>>, vector<64x4096xf32>
    %transpose3A = tpu.transpose %get3A_1, [1, 0] : vector<64x4096xf32> -> vector<4096x64xf32>
    %swap3A = arith.constant 0 : index
    %swap3A_2 = arith.constant 0 : index
    %swap3A_3 = vector.load %arg3[%swap3A, %swap3A_2] : memref<4096x128xf32, #tpu.memory_space<vmem>>, vector<4096x64xf32>
    tpu.vector_store %arg3[%swap3A, %swap3A_2], %transpose3A {strides = array<i32>} : memref<4096x128xf32, #tpu.memory_space<vmem>>, vector<4096x64xf32>,
    %get3A_4 = arith.constant 0 : index
    %get3A_5 = arith.constant 0 : index
    %get3A_6 = vector.load %arg2[%get3A_4, %get3A_5] : memref<64x4096xf32, #tpu.memory_space<vmem>>, vector<64x4096xf32>
    %transpose3A_7 = tpu.transpose %get3A_6, [1, 0] : vector<64x4096xf32> -> vector<4096x64xf32>
    %swap3A_8 = arith.constant 0 : index
    %swap3A_9 = arith.constant 64 : index
    %swap3A_10 = vector.load %arg3[%swap3A_8, %swap3A_9] : memref<4096x128xf32, #tpu.memory_space<vmem>>, vector<4096x64xf32>
    tpu.vector_store %arg3[%swap3A_8, %swap3A_9], %transpose3A_7 {strides = array<i32>} : memref<4096x128xf32, #tpu.memory_space<vmem>>, vector<4096x64xf32>,
    return
  }
  func.func @transform_0(%arg0: i32) -> (i32, i32) {
    %c0_i32 = arith.constant 0 : i32
    %c0_i32_0 = arith.constant 0 : i32
    return %c0_i32, %arg0 : i32, i32
  }
  func.func @transform_1(%arg0: i32) -> (i32, i32) {
    %add3A = arith.constant 123 : i32
    %add3A_0 = arith.addi %arg0, %add3A : i32
    %min3A = arith.constant 244 : i32
    %min3A_1 = arith.minsi %add3A_0, %min3A : i32
    %c0_i32 = arith.constant 0 : i32
    %c0_i32_2 = arith.constant 0 : i32
    return %c0_i32, %min3A_1 : i32, i32
  }
  func.func @transform_2(%arg0: i32) -> (i32, i32) {
    %c0_i32 = arith.constant 0 : i32
    %c0_i32_0 = arith.constant 0 : i32
    return %arg0, %c0_i32 : i32, i32
  }
}

module attributes {stable_mosaic.version = 14 : i64} {
  func.func @body(%arg0: memref<1x64xf32, #tpu.memory_space<vmem>>, %arg1: memref<4096x64xf32, #tpu.memory_space<vmem>>, %arg2: memref<4096x64xf32, #tpu.memory_space<vmem>>, %arg3: memref<64x64xf32, #tpu.memory_space<vmem>>, %arg4: memref<4096x64xf32, #tpu.memory_space<vmem>>) attributes {dimension_semantics = [], scalar_prefetch = 0 : i64, scratch_operands = 0 : i64, tpu.core_type = #tpu.core_type<tc>} {
    %get3A = arith.constant 0 : index
    %get3A_0 = arith.constant 0 : index
    %get3A_1 = vector.load %arg0[%get3A, %get3A_0] : memref<1x64xf32, #tpu.memory_space<vmem>>, vector<1x64xf32>
    %get3A_2 = arith.constant 0 : index
    %get3A_3 = arith.constant 0 : index
    %get3A_4 = vector.load %arg1[%get3A_2, %get3A_3] : memref<4096x64xf32, #tpu.memory_space<vmem>>, vector<4096x64xf32>
    %get3A_5 = arith.constant 0 : index
    %get3A_6 = arith.constant 0 : index
    %get3A_7 = vector.load %arg2[%get3A_5, %get3A_6] : memref<4096x64xf32, #tpu.memory_space<vmem>>, vector<4096x64xf32>
    %get3A_8 = arith.constant 0 : index
    %get3A_9 = arith.constant 0 : index
    %get3A_10 = vector.load %arg3[%get3A_8, %get3A_9] : memref<64x64xf32, #tpu.memory_space<vmem>>, vector<64x64xf32>
    %mul3A = arith.mulf %get3A_1, %get3A_1 : vector<1x64xf32>
    %reduce_sum3A = vector.shape_cast %mul3A : vector<1x64xf32> to vector<1x1x64xf32>
    %reduce_sum3A_11 = arith.constant dense<0.000000e+00> : vector<1xf32>
    %reduce_sum3A_12 = vector.multi_reduction <add>, %reduce_sum3A, %reduce_sum3A_11 [1, 2] : vector<1x1x64xf32> to vector<1xf32>
    %reduce_sum3A_13 = vector.shape_cast %reduce_sum3A_12 : vector<1xf32> to vector<1x1x1xf32>
    %reduce_sum3A_14 = vector.extract %reduce_sum3A_13[0, 0, 0] : f32 from vector<1x1x1xf32>
    %sqrt3A = math.sqrt %reduce_sum3A_14 : f32
    %max3A = arith.constant 9.99999993E-9 : f32
    %max3A_15 = arith.maximumf %sqrt3A, %max3A : f32
    %mul3A_16 = arith.mulf %get3A_4, %get3A_4 : vector<4096x64xf32>
    %reduce_sum3A_17 = arith.constant dense<0.000000e+00> : vector<4096xf32>
    %reduce_sum3A_18 = vector.multi_reduction <add>, %mul3A_16, %reduce_sum3A_17 [1] : vector<4096x64xf32> to vector<4096xf32>
    %broadcast_in_dim3A = vector.shape_cast %reduce_sum3A_18 : vector<4096xf32> to vector<4096x1xf32>
    %sqrt3A_19 = math.sqrt %broadcast_in_dim3A : vector<4096x1xf32>
    %max3A_20 = arith.constant 9.99999993E-9 : f32
    %max3A_21 = vector.broadcast %max3A_20 : f32 to vector<4096x1xf32>
    %max3A_22 = arith.maximumf %sqrt3A_19, %max3A_21 : vector<4096x1xf32>
    %mul3A_23 = vector.broadcast %get3A_1 : vector<1x64xf32> to vector<4096x64xf32>
    %mul3A_24 = arith.mulf %mul3A_23, %get3A_4 : vector<4096x64xf32>
    %reduce_sum3A_25 = arith.constant dense<0.000000e+00> : vector<4096xf32>
    %reduce_sum3A_26 = vector.multi_reduction <add>, %mul3A_24, %reduce_sum3A_25 [1] : vector<4096x64xf32> to vector<4096xf32>
    %broadcast_in_dim3A_27 = vector.shape_cast %reduce_sum3A_26 : vector<4096xf32> to vector<4096x1xf32>
    %mul3A_28 = vector.broadcast %max3A_15 : f32 to vector<4096x1xf32>
    %mul3A_29 = arith.mulf %mul3A_28, %max3A_22 : vector<4096x1xf32>
    %div3A = arith.divf %broadcast_in_dim3A_27, %mul3A_29 : vector<4096x1xf32>
    %reduce_max3A = vector.shape_cast %div3A : vector<4096x1xf32> to vector<1x4096x1xf32>
    %reduce_max3A_30 = arith.constant dense<0xFF800000> : vector<1xf32>
    %reduce_max3A_31 = vector.multi_reduction <maximumf>, %reduce_max3A, %reduce_max3A_30 [1, 2] : vector<1x4096x1xf32> to vector<1xf32>
    %reduce_max3A_32 = vector.shape_cast %reduce_max3A_31 : vector<1xf32> to vector<1x1x1xf32>
    %reduce_max3A_33 = vector.extract %reduce_max3A_32[0, 0, 0] : f32 from vector<1x1x1xf32>
    %sub3A = vector.broadcast %reduce_max3A_33 : f32 to vector<4096x1xf32>
    %sub3A_34 = arith.subf %div3A, %sub3A : vector<4096x1xf32>
    %exp3A = math.exp %sub3A_34 : vector<4096x1xf32>
    %reduce_sum3A_35 = vector.shape_cast %exp3A : vector<4096x1xf32> to vector<1x4096x1xf32>
    %reduce_sum3A_36 = arith.constant dense<0.000000e+00> : vector<1xf32>
    %reduce_sum3A_37 = vector.multi_reduction <add>, %reduce_sum3A_35, %reduce_sum3A_36 [1, 2] : vector<1x4096x1xf32> to vector<1xf32>
    %reduce_sum3A_38 = vector.shape_cast %reduce_sum3A_37 : vector<1xf32> to vector<1x1x1xf32>
    %reduce_sum3A_39 = vector.extract %reduce_sum3A_38[0, 0, 0] : f32 from vector<1x1x1xf32>
    %div3A_40 = vector.broadcast %reduce_sum3A_39 : f32 to vector<4096x1xf32>
    %div3A_41 = arith.divf %exp3A, %div3A_40 : vector<4096x1xf32>
    %mul3A_42 = vector.broadcast %div3A_41 : vector<4096x1xf32> to vector<4096x64xf32>
    %mul3A_43 = arith.mulf %mul3A_42, %get3A_7 : vector<4096x64xf32>
    %reduce_sum3A_44 = arith.constant dense<0.000000e+00> : vector<64xf32>
    %reduce_sum3A_45 = vector.multi_reduction <add>, %mul3A_43, %reduce_sum3A_44 [0] : vector<4096x64xf32> to vector<64xf32>
    %broadcast_in_dim3A_46 = vector.shape_cast %reduce_sum3A_45 : vector<64xf32> to vector<1x64xf32>
    %dot_general3A = arith.constant dense<0.000000e+00> : vector<1x64xf32>
    %dot_general3A_47 = tpu.matmul %broadcast_in_dim3A_46, %get3A_10, %dot_general3A {dimension_numbers = #tpu.dot_dimension_numbers<[1], [1], [0], [0], [0, 0, 1, 0], [], []>, transpose_lhs_hint = false} : vector<1x64xf32>, vector<64x64xf32>, vector<1x64xf32> -> vector<1x64xf32>
    %broadcast_in_dim3A_48 = vector.shape_cast %dot_general3A_47 : vector<1x64xf32> to vector<1x64xf32>
    %broadcast_in_dim3A_49 = vector.broadcast %broadcast_in_dim3A_48 : vector<1x64xf32> to vector<4096x64xf32>
    %swap3A = arith.constant 0 : index
    %swap3A_50 = arith.constant 0 : index
    %swap3A_51 = vector.load %arg4[%swap3A, %swap3A_50] : memref<4096x64xf32, #tpu.memory_space<vmem>>, vector<4096x64xf32>
    tpu.vector_store %arg4[%swap3A, %swap3A_50], %broadcast_in_dim3A_49 {strides = array<i32>} : memref<4096x64xf32, #tpu.memory_space<vmem>>, vector<4096x64xf32>,
    return
  }
}

</mosaic_0001>

<sc_bundles>
// kernel: kernel.5.cloned.1.call-start
scs
__scs_entry_jumppad:
0x0: {  	(pc) =	sbr.rel $0x88, $3  }
0x1: {  	(tag) =	ssettag $0x0;
	lr =	simm.s32 $0x1  }
0x2: {  	[smem:$0x3F9C] =	sst lr;
	_ =	strace $0xD0000000  }
0x3: {  	_ = 	snop  }
0x4: {  	_ = 	snop  }
0x5: {  	_ = 	snop  }
0x6: {  	_ = 	snop  }
0x7: {  	_ = 	snop  }
__scs_overlays_trampoline_lowered:
0x8: {  	[smem:$0x3FAB] =	sst s0  }
0x9: {  	[smem:$0x3FAC] =	sst s1  }
0xa: {  	[smem:$0x3FAD] =	sst s2  }
0xb: {  	[smem:$0x3FAE] =	sst s3  }
0xc: {  	[smem:$0x3FAF] =	sst s4  }
0xd: {  	[smem:$0x3FB0] =	sst s5  }
0xe: {  	[smem:$0x3FB1] =	sst s6  }
0xf: {  	[smem:$0x3FB2] =	sst s7  }
0x10: {  	[smem:$0x3FB3] =	sst s8  }
0x11: {  	[smem:$0x3FB4] =	sst s9;
	s0 =	simm.s32 @!p0 $0x0  }
0x12: {  	s1 =	sld [smem:$0x3F9A];
	s0 =	simm.s32 @p0 $0x1  }
0x13: {  	[smem:$0x3FB5] =	sst s0;
	s0 =	simm.s32 @!p1 $0x0  }
0x14: {  	s2 =	sld [smem:$0x3F99];
	s0 =	simm.s32 @p1 $0x1  }
0x15: {  	[smem:$0x3FB6] =	sst s0;
	s0 =	simm.s32 @!p2 $0x0  }
0x16: {  	s3 =	sld [smem:$0x3FDB];
	s0 =	simm.s32 @p2 $0x1  }
0x17: {  	s4 =	simm.s32 $0x1BF5;
	[smem:$0x3FB8] =	sst s0  }
0x18: {  	s0 =	sld [smem:$0x3F9B];
	_ =	swait.ge [sflag:s4], $0x0  }
0x19: {  	s7 =	sld [smem:$0x3F9C]  }
0x1a: {  	s8 =	sadd.s32 $0xFFFFE003, lr  }
0x1b: {  	s9 =	sadd.s32 $0xFFFFFEF7, lr;
	s5 =	simm.s32 $0xFFFFFFFF;
	p2 =	slt.u32 s8, $0xFFFFF086  }
0x1c: {  	p1 =	slt.u32 s9, $0xF7A;
	s5 =	simm.s32 @!p2 $0x0  }
0x1d: {  	s5 =	simm.s32 @p1 $0x1;
	p0 =	seq.s32 s7, s2  }
0x1e: {  	s7 =	smul.u32 @!p0 $0xF7A, s2;
	p2 =	seq.s32 @!p0 s5, $0x0  }
0x1f: {  	s9 =	smul.u32 $0xF7A, s1;
	s8 =	simm.s32 @!p0 $0x1BF5;
	p2 =	por !p2, p0  }
0x20: {  	[sflag:s8] =	ssyncset.s32 @!p0 $0xFFFFF086;
	s6 =	sadd.s32 @!p0 s3, s7;
	s7 =	simm.s32 @!p0 $0x108  }
0x21: {  	s3 =	sadd.s32 s3, s9;
	s6 =	sadd.s32 @!p0 $0x88, s6;
	s7 =	simm.s32 @p2 $0x1082  }
0x22: {  	[simem:s7], [sflag:s8] =	dma.local @!p0 [hbm:s6], $0xF7A  }
0x23: {  	s9 =	sor.u32 $0xD0000000, s2;
	s6 =	simm.s32 $0x108;
	_ =	swait.ge @!p0 [sflag:s8], $0x0  }
0x24: {  	s3 =	sadd.s32 $0x88, s3;
	s6 =	simm.s32 @!p1 $0x1082;
	[sflag:s4] =	ssyncset.s32 $0xFFFFF086  }
0x25: {  	[simem:s6], [sflag:s4] =	dma.local [hbm:s3], $0xF7A  }
0x26: {  	[smem:$0x3F9C] =	sst s1;
	(tag) =	ssettag s2;
	_ =	strace s9  }
0x27: {  	s1 =	sld [smem:$0x3FAC]  }
0x28: {  	s2 =	sld [smem:$0x3FAD]  }
0x29: {  	s4 =	sld [smem:$0x3FAF]  }
0x2a: {  	p0 =	seq.s32 s5, $0x0;
	s5 =	sld [smem:$0x3FB0]  }
0x2b: {  	s6 =	sld [smem:$0x3FB1]  }
0x2c: {  	s7 =	sld [smem:$0x3FB2]  }
0x2d: {  	s3 =	simm.s32 $0x108;
	s8 =	sld [smem:$0x3FB3]  }
0x2e: {  	s3 =	simm.s32 @!p0 $0x1082;
	s9 =	sld [smem:$0x3FB4]  }
0x2f: {  	lr =	sadd.s32 s0, s3;
	s0 =	sld [smem:$0x3FAB]  }
0x30: {  	s3 =	sld [smem:$0x3FAE]  }
0x31: {  	[smem:$0x3FB7] =	sst s10  }
0x32: {  	s10 =	sld [smem:$0x3FB5];
	_ =	sdelay $0x3  }
0x33: {  	p0 =	seq.s32 s10, $0x1;
	s10 =	sld [smem:$0x3FB7];
	_ =	sdelay $0x3  }
0x34: {  	[smem:$0x3FB7] =	sst s10  }
0x35: {  	s10 =	sld [smem:$0x3FB6];
	_ =	sdelay $0x3  }
0x36: {  	p1 =	seq.s32 s10, $0x1;
	s10 =	sld [smem:$0x3FB7];
	_ =	sdelay $0x3  }
0x37: {  	[smem:$0x3FB7] =	sst s10  }
0x38: {  	s10 =	sld [smem:$0x3FB8]  }
0x39: {  	_ = 	snop;
	(pc) =	sbr.ind lr, $3  }
0x3a: {  	_ = 	snop  }
0x3b: {  	_ = 	snop  }
0x3c: {  	p2 =	seq.s32 s10, $0x1;
	s10 =	sld [smem:$0x3FB7]  }
0x3d: {  	_ =	shalt  }
0x3e: {  	_ =	shalt  }
0x3f: {  	_ =	shalt  }
0x40: {  	_ =	shalt  }
0x41: {  	_ =	shalt  }
0x42: {  	_ =	shalt  }
0x43: {  	_ =	shalt  }
0x44: {  	_ =	shalt  }
0x45: {  	_ =	shalt  }
0x46: {  	_ =	shalt  }
0x47: {  	_ =	shalt  }
0x48: {  	_ =	shalt  }
0x49: {  	_ =	shalt  }
0x4a: {  	_ =	shalt  }
0x4b: {  	_ =	shalt  }
0x4c: {  	_ =	shalt  }
0x4d: {  	_ =	shalt  }
0x4e: {  	_ =	shalt  }
0x4f: {  	_ =	shalt  }
0x50: {  	_ =	shalt  }
0x51: {  	_ =	shalt  }
0x52: {  	_ =	shalt  }
0x53: {  	_ =	shalt  }
0x54: {  	_ =	shalt  }
0x55: {  	_ =	shalt  }
0x56: {  	_ =	shalt  }
0x57: {  	_ =	shalt  }
0x58: {  	_ =	shalt  }
0x59: {  	_ =	shalt  }
0x5a: {  	_ =	shalt  }
0x5b: {  	_ =	shalt  }
0x5c: {  	_ =	shalt  }
0x5d: {  	_ =	shalt  }
0x5e: {  	_ =	shalt  }
0x5f: {  	_ =	shalt  }
0x60: {  	_ =	shalt  }
0x61: {  	_ =	shalt  }
0x62: {  	_ =	shalt  }
0x63: {  	_ =	shalt  }
0x64: {  	_ =	shalt  }
0x65: {  	_ =	shalt  }
0x66: {  	_ =	shalt  }
0x67: {  	_ =	shalt  }
0x68: {  	_ =	shalt  }
0x69: {  	_ =	shalt  }
0x6a: {  	_ =	shalt  }
0x6b: {  	_ =	shalt  }
0x6c: {  	_ =	shalt  }
0x6d: {  	_ =	shalt  }
0x6e: {  	_ =	shalt  }
0x6f: {  	_ =	shalt  }
0x70: {  	_ =	shalt  }
0x71: {  	_ =	shalt  }
0x72: {  	_ =	shalt  }
0x73: {  	_ =	shalt  }
0x74: {  	_ =	shalt  }
0x75: {  	_ =	shalt  }
0x76: {  	_ =	shalt  }
0x77: {  	_ =	shalt  }
0x78: {  	_ =	shalt  }
0x79: {  	_ =	shalt  }
0x7a: {  	_ =	shalt  }
0x7b: {  	_ =	shalt  }
0x7c: {  	_ =	shalt  }
0x7d: {  	_ =	shalt  }
0x7e: {  	_ =	shalt  }
0x7f: {  	_ =	shalt  }
0x80: {  	_ =	shalt  }
0x81: {  	_ =	shalt  }
0x82: {  	_ =	shalt  }
0x83: {  	_ =	shalt  }
0x84: {  	_ =	shalt  }
0x85: {  	_ =	shalt  }
0x86: {  	_ =	shalt  }
0x87: {  	_ =	shalt  }
.Lfunc_end0:
.L_simem_size_0:
called_computation_lowered:
.L_overlay_start_0:
0x88: {  	s2 =	sld [smem:$0x3FD9]  }
0x89: {  	s3 =	sld [smem:$0x3FFE];
	_ =	sdelay $0x1  }
0x8a: {  	s1 =	srdreg.scid  }
0x8b: {  	s0 =	sand.u32 $0x1, s1  }
0x8c: {  	s16 =	sshll.u32 s0, $0xA;
	s2 =	sadd.s32 s3, s2  }
0x8d: {  	s2 =	sadd.s32 s2, s16  }
0x8e: {  	[smem:$0x3FC3] =	sst s2  }
0x8f: {  	_ = 	snop  }
0x90: {  	(tm) =	ssettm $0x1  }
0x91: {  	s17 =	sld [smem:$0x3FFB];
	_ =	sdelay $0x3  }
0x92: {  	_ =	strace s17  }
0x93: {  	s2 =	sld [smem:$0x3FFC];
	_ =	sdelay $0x3  }
0x94: {  	_ =	strace s2  }
0x95: {  	s2 =	sld [smem:$0x3FFD];
	_ =	sdelay $0x3  }
0x96: {  	_ =	strace s2  }
0x97: {  	_ =	strace $0x8FFFFFFF  }
0x98: {  	s18 =	sld [smem:$0x3FDB];
	_ =	sdelay $0x1  }
0x99: {  	s19 =	simm.s32 $_scs_section_size  }
0x9a: {  	s4 =	simm.s32 $_size__tile_overlayer_lowered;
	s5 =	simm.s32 $_tile_overlayer_lowered  }
0x9b: {  	s22 =	simm.s32 $0x1BFF;
	s21 =	sshll.u32 s5, $0x1;
	s2 =	sadd.s32 s19, s18  }
0x9c: {  	s6 =	simm.s32 $0x0;
	s20 =	sshll.u32 s4, $0x1;
	s4 =	sadd.s32 s21, s2  }
0x9d: {  	[timem:s6], [sflag:s22] =	dma.local [hbm:s4], s20  }
0x9e: {  	_ =	swait.ge [sflag:s22], s20  }
0x9f: {  	s3 =	ssub.s32 $0x0, s20;
	[sflag:s22] =	ssyncset.done $0x0  }
0xa0: {  	[sflag:s22] =	ssyncadd.s32 s3;
	_ =	sdelay $0x1  }
0xa1: {  	s23 =	simm.s32 $0x1B8B  }
0xa2: {  	_ =	swait.ge [sflag:s23], $0x1  }
0xa3: {  	[sflag:s23] =	ssyncset.done $0x0  }
0xa4: {  	s25 =	simm.s32 $0x1B8E;
	s24 =	sld [smem:$0x3FFE];
	[sflag:s23] =	ssyncadd.s32 $0xFFFFFFFF  }
0xa5: {  	s26 =	simm.s32 $execute0_lowered;
	[smem:$0x3FD2] =	sst s25  }
0xa6: {  	s4 =	sshll.u32 s26, $0x1;
	_ =	strace $0x80000046;
	[dreg:$0x1] =	wrdreg $0xFFFFFFFF  }
0xa7: {  	s28 =	simm.s32 $_size_execute0_lowered;
	s2 =	sadd.s32 s2, s4;
	[dreg:$0x0] =	wrdreg $0x0  }
0xa8: {  	s4 =	sshll.u32 s28, $0x1;
	[dreg:$0x2] =	wrdreg s2  }
0xa9: {  	[dreg:$0x3] =	wrdreg s4  }
0xaa: {  	[dreg:$0x4] =	wrdreg $0xC0  }
0xab: {  	_ =	task [dreg:s6], $0x5FFFF  }
0xac: {  	[dreg:$0x1] =	wrdreg $0xFFFFFFFF  }
0xad: {  	[dreg:$0x0] =	wrdreg $0x60  }
0xae: {  	[dreg:$0x2] =	wrdreg s24  }
0xaf: {  	[dreg:$0x3] =	wrdreg $0x9  }
0xb0: {  	_ =	task.clear_ibuf [dreg:s6], $0x4FFFF;
	_ =	strace $0x90000046  }
0xb1: {  	s29 =	simm.s32 $0x9;
	_ =	strace $0x80000048  }
0xb2: {  	_ =	swait.ge [sflag:s29], $0x1  }
0xb3: {  	[sflag:s29] =	ssyncadd.s32 $0xFFFFFFFF  }
0xb4: {  	_ =	strace $0x90000048  }
0xb5: {  	_ =	sfence  }
0xb6: {  	s30 =	sld [smem:$0x0];
	_ =	sdelay $0x2  }
0xb7: {  	s31 =	sshll.u32 s1, $0xD;
	s1 =	sshrl.u32 s1, $0x2  }
0xb8: {  	s3 =	sand.u32 $0x4000, s31;
	s1 =	sadd.s32 s1, s30  }
0xb9: {  	s0 =	sor.u32 s3, s0;
	s1 =	sshll.u32 s1, $0x11  }
0xba: {  	s0 =	sor.u32 s1, s0  }
0xbb: {  	s0 =	sadd.s32 $0x8F2B, s0  }
0xbc: {  	[sflag:s0] =	ssyncadd.remote.s32 $0x1  }
0xbd: {  	_ =	sfence.sel $0xFFFF  }
0xbe: {  	[dreg:$0x0] =	wrdreg $0xFFFFFFFF;
	(pc) =	sbr.abs _section_cstart, $3  }
0xbf: {  	[dreg:$0x1] =	wrdreg $0xFFFFFFFF  }
0xc0: {  	_ =	task.clear_ibuf [dreg:s6], $0x2FFFF;
	_ =	strace $0x9FFFFFFF  }
0xc1: {  	(tm) =	ssettm $0x7FFFFFFF  }
tec
execute0_lowered:
.L_overlay_start_1:
0x0: {  	(tag) =	ssettag $0x1  }
0x1: {  	s1 =	srdreg.scid  }
0x2: {  	s0 =	stileid.u32;
	s4 =	rddreg [dreg:$0x0];
	s2 =	simm.s32 $0x0  }
0x3: {  	s9 =	simm.s32 $0x35A0;
	s10 =	simm.s32 $0x68;
	s11 =	simm.s32 $0x4EA0  }
0x4: {  	s12 =	simm.s32 $0xD0;
	s13 =	simm.s32 $0x67A0;
	s14 =	simm.s32 $0x138  }
0x5: {  	s15 =	simm.s32 $0x80A0;
	s16 =	simm.s32 $0x1;
	s17 =	simm.s32 $0x2  }
0x6: {  	s18 =	simm.s32 $0x3;
	s3 =	sand.u32 $0x1, s1;
	s31 =	sshll.u32 s0, $0x1  }
0x7: {  	s19 =	simm.s32 $0x4;
	s20 =	simm.s32 $0x99A0;
	s5 =	sor.u32 s3, s31  }
0x8: {  	s21 =	simm.s32 $0x0;
	s1 =	rddreg [dreg:$0x1];
	s6 =	smul.u32 $0x6B4, s5  }
.Ltmp0:
0x9: {  	[smem:$0x7FF] =	sst s2;
	s7 =	ssub.s32 $0x2, s3;
	(pc) =	sbr.rel .LBB2_1-.Ltmp0, $4  }
0xa: {  	_ =	strace $0x80000047;
	s5 =	smul.u32 $0x840, s5;
	s8 =	sshrl.u32 s7, $0x1  }
0xb: {  	s3 =	sadd.s32 $0xE000, s4;
	s7 =	ssub.s32 s7, s8;
	s6 =	sadd.s32 s6, s4  }
0xc: {  	s8 =	simm.s32 $0x64;
	s5 =	sadd.s32 s5, s4;
	s4 =	sadd.s32 $0x800, s6  }
0xd: {  	v0 =	vimm.s32 $0xF;
	s5 =	sadd.s32 $0x7BE000, s5;
	s6 =	smax.u32 s7, $0x1;
	s7 =	simm.s32 $0x5  }
.LBB2_20:
0xe: {  	s21 =	sadd.s32 $0x1, s21  }
0xf: {  	p0 =	sne.s32 s21, s6  }
.Ltmp1:
0x10: {  	_ = 	snop;
	(pc) =	sbr.rel @!p0 .LBB2_21-.Ltmp1, $4  }
0x11: {  	[hbm4b:s5+s2] =	stream.linear.scatter [tilespmem:s20], [sflag:$0x5], $0x4200, $0x38;
	[tilespmem:$0xDBA0] =	vst v63  }
0x12: {  	_ =	swait.ge [sflag:s7], $0x4200  }
0x13: {  	[sflag:s7] =	ssyncset.done $0x0  }
0x14: {  	[sflag:s7] =	ssyncadd.s32 $0xFFFFBE00  }
.LBB2_1:
0x15: {  	[tilespmem:s2], [sflag:$0x5] =	stream.linear.gather [hbm4b:s4+s2], $0x35A0, $0x38;
	[tilespmem:$0xDBA0] =	vst v63  }
0x16: {  	_ =	swait.ge [sflag:s7], $0x35A0  }
0x17: {  	[sflag:s7] =	ssyncset.done $0x0  }
0x18: {  	[sflag:s7] =	ssyncadd.s32 $0xFFFFCA60  }
0x19: {  	[tilespmem:s9], [sflag:$0x1] =	stream.indirect.gather [hbm4b:s3+s8], $0x40, s2, s8, $0xb8;
	[tilespmem:$0xDBA0] =	vst v63  }
0x1a: {  	_ = 	snop  }
0x1b: {  	[tilespmem:s11], [sflag:$0x2] =	stream.indirect.gather [hbm4b:s3+s8], $0x40, s10, s8, $0xb8;
	[tilespmem:$0xDBA0] =	vst v63  }
0x1c: {  	_ = 	snop  }
0x1d: {  	[tilespmem:s13], [sflag:$0x3] =	stream.indirect.gather [hbm4b:s3+s8], $0x40, s12, s8, $0xb8;
	[tilespmem:$0xDBA0] =	vst v63  }
0x1e: {  	s22 =	simm.s32 $0x0  }
0x1f: {  	[tilespmem:s15], [sflag:$0x4] =	stream.indirect.gather [hbm4b:s3+s8], $0x40, s14, s8, $0xb8;
	[tilespmem:$0xDBA0] =	vst v63  }
.LBB2_2:
0x20: {  	_ =	swait.ge [sflag:s16], $0x1900  }
0x21: {  	[sflag:s16] =	ssyncset.done $0x0  }
0x22: {  	s23 =	simm.s32 $0x0;
	[sflag:s16] =	ssyncadd.s32 $0xFFFFE700  }
0x23: {  	v10 =	vld [tilespmem:s23+$0x35E0]  }
0x24: {  	v16 =	vld [tilespmem:s23+$0x35F0];
	_ =	sdelay $0x1  }
0x25: {  	v13 =	vld [tilespmem:s23+$0x3600];
	_ =	sdelay $0x1  }
0x26: {  	v15 =	vld [tilespmem:s23+$0x3610]  }
0x27: {  	v1 =	vmul.f32 v10, v10;
	v2 =	vmul.f32 v16, v16;
	_ =	sdelay $0x1  }
0x28: {  	v32 =	vld [tilespmem:s23+$0x35A0];
	v1 =	vadd.f32 v2, v1;
	v2 =	vmul.f32 v13, v13  }
0x29: {  	v30 =	vld [tilespmem:s23+$0x35B0]  }
0x2a: {  	v1 =	vadd.f32 v2, v1;
	v2 =	vmul.f32 v15, v15  }
0x2b: {  	v29 =	vld [tilespmem:s23+$0x35C0]  }
0x2c: {  	s29 =	simm.s32 $0x80;
	v28 =	vld [tilespmem:s23+$0x35D0];
	v1 =	vadd.f32 v2, v1  }
0x2d: {  	v31 =	vld [tilespmem:s29+$0x35E0]  }
0x2e: {  	v21 =	vld [tilespmem:s29+$0x35F0];
	v2 =	vmul.f32 v30, v30;
	(xrf2) =	vadd.scan.msk.f32 $0xffff, v1;
	v1 =	vmul.f32 v32, v32;
	_ =	sdelay $0x1  }
0x2f: {  	v14 =	vld [tilespmem:s29+$0x3600];
	v1 =	vadd.f32 v2, v1;
	v2 =	vmul.f32 v29, v29;
	_ =	sdelay $0x1  }
0x30: {  	v25 =	vld [tilespmem:s29+$0x3610];
	v3 =	vmul.f32 v28, v28;
	v1 =	vadd.f32 v2, v1  }
0x31: {  	v4 =	vmul.f32 v21, v21;
	v2 =	vmul.f32 v31, v31  }
0x32: {  	v1 =	vadd.f32 v3, v1  }
0x33: {  	v7 =	vld [tilespmem:s29+$0x35A0];
	v2 =	vadd.f32 v4, v2;
	v3 =	vmul.f32 v14, v14  }
0x34: {  	v11 =	vld [tilespmem:s29+$0x35B0];
	(xrf2) =	vadd.scan.msk.f32 $0xffff, v1  }
0x35: {  	v2 =	vadd.f32 v3, v2;
	v3 =	vmul.f32 v25, v25  }
0x36: {  	v9 =	vld [tilespmem:s29+$0x35C0];
	v1, _, _ =	vpop (xrf2)  }
0x37: {  	v2 =	vadd.f32 v3, v2;
	v1 =	vperm.xlane v1, v0  }
0x38: {  	v6 =	vld [tilespmem:s29+$0x35D0]  }
0x39: {  	v4 =	vmul.f32 v11, v11;
	(xrf2) =	vadd.scan.msk.f32 $0xffff, v2;
	v2 =	vmul.f32 v7, v7;
	v1 =	vmax.f32 v1, $9.999999960e-13  }
0x3a: {  	v3 =	vshrl.u32 v1, $0x1;
	v1 =	vmul.f32 $5.000000000e-01, v1  }
0x3b: {  	v2 =	vadd.f32 v4, v2;
	v4 =	vmul.f32 v9, v9;
	v3 =	vsub.s32 $0x5F3759DF, v3  }
0x3c: {  	s30 =	simm.s32 $0x100;
	v5 =	vmul.f32 v3, v1  }
0x3d: {  	v12 =	vld [tilespmem:s30+$0x35E0];
	v17 =	vmul.f32 v6, v6;
	v2 =	vadd.f32 v4, v2  }
0x3e: {  	v4 =	vld [tilespmem:s30+$0x35F0];
	v5 =	vmul.f32 v3, v5;
	v8, _, _ =	vpop (xrf2)  }
0x3f: {  	v2 =	vadd.f32 v17, v2;
	v8 =	vperm.xlane v8, v0  }
0x40: {  	v5 =	vsub.f32 $1.500000000e+00, v5  }
0x41: {  	v8 =	vmax.f32 v8, $9.999999960e-13  }
0x42: {  	v17 =	vmul.f32 v3, v5;
	v18 =	vmul.f32 $5.000000000e-01, v8;
	v5 =	vshrl.u32 v8, $0x1  }
0x43: {  	(xrf2) =	vadd.scan.msk.f32 $0xffff, v2;
	v3 =	vld [tilespmem:s30+$0x3600];
	v8 =	vmul.f32 v12, v12;
	v2, _, _ =	vpop (xrf2);
	v20 =	vsub.s32 $0x5F3759DF, v5;
	v5 =	vmul.f32 v4, v4  }
0x44: {  	v19 =	vld [tilespmem:s30+$0x3610];
	v22 =	vperm.xlane v2, v0;
	v1 =	vmul.f32 v17, v1  }
0x45: {  	v2 =	vld [tilespmem:s30+$0x35A0];
	v23 =	vmul.f32 v20, v18  }
0x46: {  	v8 =	vadd.f32 v5, v8;
	v5 =	vmax.f32 v22, $9.999999960e-13;
	v24 =	vmul.f32 v1, v17;
	v1 =	vld [tilespmem:s30+$0x35B0]  }
0x47: {  	v26 =	vshrl.u32 v5, $0x1;
	v27 =	vmul.f32 $5.000000000e-01, v5;
	v23 =	vmul.f32 v20, v23;
	v5 =	vld [tilespmem:s30+$0x35C0]  }
0x48: {  	v22 =	vmul.f32 v3, v3;
	v26 =	vsub.s32 $0x5F3759DF, v26;
	v24 =	vsub.f32 $1.500000000e+00, v24  }
0x49: {  	v33 =	vmul.f32 v19, v19;
	v34 =	vmul.f32 v26, v27;
	v23 =	vsub.f32 $1.500000000e+00, v23  }
0x4a: {  	v22 =	vadd.f32 v22, v8;
	v8 =	vld [tilespmem:s30+$0x35D0];
	v17 =	vmul.f32 v24, v17;
	v24 =	vmul.f32 v2, v2  }
0x4b: {  	v60 =	vmul.f32 v26, v34;
	v20 =	vmul.f32 v20, v23  }
0x4c: {  	v22 =	vadd.f32 v33, v22;
	v61 =	vmul.f32 v1, v1;
	v35 =	vmul.f32 v5, v5  }
0x4d: {  	v17 =	vmul.f32 $1.000000000e+01, v17;
	v23, _, _ =	vpop (xrf2);
	v18 =	vmul.f32 v20, v18  }
0x4e: {  	(xrf2) =	vadd.scan.msk.f32 $0xffff, v22;
	v22 =	vsub.f32 $1.500000000e+00, v60;
	v24 =	vadd.f32 v61, v24;
	v23 =	vperm.xlane v23, v0  }
0x4f: {  	v62 =	vmin.f32 v17, $1.000000000e+00;
	v17 =	vmul.f32 v8, v8;
	v18 =	vmul.f32 v18, v20  }
0x50: {  	s31 =	simm.s32 $0x180;
	v22 =	vmul.f32 v26, v22;
	v24 =	vadd.f32 v35, v24;
	v23 =	vmax.f32 v23, $9.999999960e-13  }
0x51: {  	v37 =	vmul.f32 v62, v10;
	v10 =	vld [tilespmem:s31+$0x35A0];
	v26 =	vshrl.u32 v23, $0x1;
	v63 =	vmul.f32 $5.000000000e-01, v23  }
0x52: {  	v33 =	vmul.f32 v62, v13;
	v13 =	vld [tilespmem:s31+$0x35B0];
	v48 =	vsub.s32 $0x5F3759DF, v26  }
0x53: {  	v36 =	vsub.f32 $1.500000000e+00, v18;
	v18 =	vld [tilespmem:s31+$0x35F0];
	v17 =	vadd.f32 v17, v24;
	v24 =	vmul.f32 v48, v63  }
0x54: {  	v23 =	vmul.f32 v22, v27;
	v27 =	vmul.f32 v62, v15;
	v15 =	vld [tilespmem:s31+$0x35E0]  }
0x55: {  	v20 =	vmul.f32 v36, v20;
	v24 =	vmul.f32 v48, v24  }
0x56: {  	v16 =	vmul.f32 v62, v16;
	v26 =	vimm.f32 $0.0e+00;
	v23 =	vmul.f32 v23, v22;
	(xrf2) =	vadd.scan.msk.f32 $0xffff, v17  }
0x57: {  	v49 =	vadd.f32 v27, v26;
	v17 =	vld [tilespmem:s31+$0x3600];
	v27 =	vadd.f32 v37, v26;
	v20 =	vmul.f32 $1.000000000e+01, v20  }
0x58: {  	v41 =	vmul.f32 v10, v10;
	v45 =	vmul.f32 v13, v13;
	v23 =	vsub.f32 $1.500000000e+00, v23  }
0x59: {  	v50 =	vmul.f32 v18, v18;
	v38 =	vsub.f32 $1.500000000e+00, v24;
	v39 =	vmul.f32 v15, v15;
	v24, _, _ =	vpop (xrf2)  }
0x5a: {  	v43 =	vmin.f32 v20, $1.000000000e+00;
	v23 =	vmul.f32 v23, v22;
	v22 =	vld [tilespmem:s31+$0x3610];
	v40 =	vperm.xlane v24, v0  }
0x5b: {  	v41 =	vadd.f32 v45, v41;
	v60 =	vmul.f32 v43, v32;
	v24 =	vadd.f32 v16, v26;
	v16 =	vld [tilespmem:s31+$0x35C0]  }
0x5c: {  	v37 =	vadd.f32 v50, v39;
	v51 =	vmul.f32 v17, v17;
	v20 =	vmax.f32 v40, $9.999999960e-13  }
0x5d: {  	v23 =	vmul.f32 $1.000000000e+01, v23;
	v42 =	vshrl.u32 v20, $0x1;
	v44 =	vmul.f32 $5.000000000e-01, v20;
	v20 =	vld [tilespmem:s31+$0x35D0]  }
0x5e: {  	v62 =	vmul.f32 v43, v30;
	v37 =	vadd.f32 v51, v37;
	v46 =	vsub.s32 $0x5F3759DF, v42  }
0x5f: {  	v39 =	vmin.f32 v23, $1.000000000e+00;
	v53 =	vmul.f32 v22, v22;
	v52 =	vmul.f32 v46, v44  }
0x60: {  	v23 =	vadd.f32 v33, v26;
	v54, _, _ =	vpop (xrf2);
	v42 =	vmul.f32 v48, v38;
	v55 =	vmul.f32 v16, v16  }
0x61: {  	v56 =	vadd.f32 v53, v37;
	v57 =	vperm.xlane v54, v0;
	v33 =	vmul.f32 v46, v52  }
0x62: {  	v45 =	vmul.f32 v43, v29;
	v59 =	vadd.f32 v55, v41;
	v58 =	vmul.f32 v20, v20  }
0x63: {  	v34 =	vmul.f32 v42, v63;
	v61 =	vmax.f32 v57, $9.999999960e-13;
	(xrf2) =	vadd.scan.msk.f32 $0xffff, v56;
	v33 =	vsub.f32 $1.500000000e+00, v33  }
0x64: {  	v25 =	vmul.f32 v39, v25;
	v32 =	vmul.f32 $5.000000000e-01, v61;
	v35 =	vadd.f32 v58, v59  }
0x65: {  	v30 =	vshrl.u32 v61, $0x1;
	v34 =	vmul.f32 v34, v42;
	v41 =	vmul.f32 v46, v33  }
0x66: {  	v43 =	vmul.f32 v43, v28;
	v25 =	vadd.f32 v25, v49;
	v33 =	vsub.s32 $0x5F3759DF, v30;
	(xrf2) =	vadd.scan.msk.f32 $0xffff, v35  }
0x67: {  	s24 =	simm.s32 $0x200;
	v48 =	vsub.f32 $1.500000000e+00, v34;
	v63 =	vmul.f32 v33, v32;
	v47 =	vmul.f32 v41, v44  }
0x68: {  	v29 =	vld [tilespmem:s24+$0x35E0];
	v34 =	vimm.f32 $0.0e+00;
	v30 =	vadd.f32 v60, v26;
	v44 =	vmul.f32 v39, v31  }
0x69: {  	s23 =	simm.s32 $0xA00;
	v28 =	vld [tilespmem:s24+$0x35F0];
	v31 =	vadd.f32 v62, v26;
	v46 =	vmul.f32 v33, v63;
	v47 =	vmul.f32 v47, v41  }
.LBB2_3:
0x6a: {  	p0 =	sne.s32 s23, $0x3000;
	v35 =	vld [tilespmem:s24+$0x35A0];
	v36 =	vmul.f32 v48, v42;
	v21 =	vmul.f32 v39, v21;
	v26 =	vadd.f32 v45, v26;
	v37 =	vmovc v8  }
0x6b: {  	v39 =	vmul.f32 v39, v14;
	v14 =	vmovc v3;
	v3 =	vmovc v17;
	v38 =	vsub.f32 $1.500000000e+00, v46;
	v40 =	vsub.f32 $1.500000000e+00, v47;
	v17 =	vld [tilespmem:s24+$0x3600]  }
0x6c: {  	v27 =	vadd.f32 v44, v27;
	v34 =	vadd.f32 v43, v34;
	v8 =	vmovc v20;
	v43 =	vmovc v12;
	v46 =	vld [tilespmem:s24+$0x35B0];
	v36 =	vmul.f32 $1.000000000e+01, v36  }
0x6d: {  	v24 =	vadd.f32 v21, v24;
	v47 =	vld [tilespmem:s24+$0x35C0];
	v42 =	vmul.f32 v29, v29;
	v12, _, _ =	vpop (xrf2);
	v40 =	vmul.f32 v40, v41  }
0x6e: {  	v41 =	vld [tilespmem:s24+$0x3610];
	v44 =	vmul.f32 v28, v28;
	v48 =	vperm.xlane v12, v0;
	v36 =	vmin.f32 v36, $1.000000000e+00;
	v12 =	vmovc v15;
	v15 =	vmovc v29  }
0x6f: {  	v23 =	vadd.f32 v39, v23;
	v21 =	vmovc v4;
	v4 =	vmovc v18;
	v20 =	vld [tilespmem:s24+$0x35D0];
	v29 =	vmul.f32 v35, v35;
	v40 =	vmul.f32 $1.000000000e+01, v40  }
0x70: {  	v42 =	vadd.f32 v44, v42;
	v44 =	vmul.f32 v17, v17;
	v50 =	vmax.f32 v48, $9.999999960e-13;
	v45, _, _ =	vpop (xrf2)  }
0x71: {  	v18 =	vmovc v28;
	v48 =	vshrl.u32 v50, $0x1;
	v49 =	vmul.f32 $5.000000000e-01, v50;
	v39 =	vmin.f32 v40, $1.000000000e+00  }
0x72: {  	v28 =	vmul.f32 v46, v46;
	v40 =	vsub.s32 $0x5F3759DF, v48;
	v48 =	vmul.f32 v39, v19;
	v19 =	vmovc v22  }
0x73: {  	v42 =	vadd.f32 v44, v42;
	v44 =	vmul.f32 v41, v41;
	v50 =	vmul.f32 v40, v49;
	v22 =	vmovc v41  }
0x74: {  	v28 =	vadd.f32 v28, v29;
	v29 =	vmul.f32 v47, v47;
	v25 =	vadd.f32 v48, v25  }
0x75: {  	v41 =	vmul.f32 v20, v20;
	v44 =	vadd.f32 v44, v42;
	v48 =	vmul.f32 v40, v50  }
0x76: {  	v28 =	vadd.f32 v29, v28;
	v29 =	vperm.xlane v45, v0;
	v42 =	vmul.f32 v33, v38  }
0x77: {  	v38 =	vmul.f32 v36, v7;
	v50 =	vmul.f32 v36, v11;
	v7 =	vmovc v2;
	(xrf2) =	vadd.scan.msk.f32 $0xffff, v44;
	v33 =	vsub.f32 $1.500000000e+00, v48  }
0x78: {  	v2 =	vmovc v10;
	v10 =	vmovc v35;
	v28 =	vadd.f32 v41, v28;
	v44 =	vmax.f32 v29, $9.999999960e-13;
	v29 =	vmul.f32 v42, v32  }
.Ltmp2:
0x79: {  	v11 =	vmovc v1;
	v1 =	vmovc v13;
	v35 =	vshrl.u32 v44, $0x1;
	v32 =	vmul.f32 $5.000000000e-01, v44;
	v41 =	vmul.f32 v40, v33;
	(pc) =	sbr.rel @p0 .LBB2_3-.Ltmp2, $4  }
0x7a: {  	v45 =	vmul.f32 v36, v9;
	v13 =	vmovc v46;
	v33 =	vsub.s32 $0x5F3759DF, v35;
	(xrf2) =	vadd.scan.msk.f32 $0xffff, v28;
	v28 =	vmul.f32 v29, v42  }
0x7b: {  	s24 =	sshra.s32 s23, $0x2;
	v9 =	vmovc v5;
	v30 =	vadd.f32 v38, v30;
	v35 =	vmul.f32 v33, v32;
	v40 =	vmul.f32 v41, v49  }
0x7c: {  	v5 =	vmovc v16;
	v16 =	vmovc v47;
	v44 =	vmul.f32 v39, v43;
	v43 =	vmul.f32 v36, v6;
	v29 =	vld [tilespmem:s24+$0x35E0];
	v48 =	vsub.f32 $1.500000000e+00, v28  }
0x7d: {  	s23 =	sadd.s32 $0x200, s23;
	v31 =	vadd.f32 v50, v31;
	v6 =	vmovc v37;
	v46 =	vmul.f32 v33, v35;
	v28 =	vld [tilespmem:s24+$0x35F0];
	v47 =	vmul.f32 v40, v41  }
0x7e: {  	v37 =	vld [tilespmem:s24+$0x3600]  }
0x7f: {  	v36 =	vld [tilespmem:s24+$0x35A0]  }
0x80: {  	v35 =	vld [tilespmem:s24+$0x35B0]  }
0x81: {  	v40 =	vld [tilespmem:s24+$0x3610];
	v42 =	vmul.f32 v48, v42  }
0x82: {  	v38 =	vld [tilespmem:s24+$0x35C0];
	v59 =	vmul.f32 v39, v21;
	v14 =	vmul.f32 v39, v14  }
0x83: {  	v26 =	vadd.f32 v45, v26;
	v49 =	vmul.f32 v29, v29;
	v21, _, _ =	vpop (xrf2);
	v50 =	vmul.f32 v28, v28  }
0x84: {  	v27 =	vadd.f32 v44, v27;
	v51 =	vperm.xlane v21, v0;
	v21 =	vld [tilespmem:s24+$0x35D0];
	v58 =	vmul.f32 v37, v37  }
0x85: {  	v61 =	vmul.f32 v36, v36;
	v52 =	vmul.f32 v35, v35;
	v49 =	vadd.f32 v50, v49  }
0x86: {  	v34 =	vadd.f32 v43, v34;
	v47 =	vsub.f32 $1.500000000e+00, v47;
	v60 =	vmul.f32 v40, v40  }
0x87: {  	v53 =	vmul.f32 v38, v38;
	v45 =	vadd.f32 v52, v61;
	v49 =	vadd.f32 v58, v49  }
0x88: {  	v46 =	vsub.f32 $1.500000000e+00, v46;
	v42 =	vmul.f32 $1.000000000e+01, v42;
	v41 =	vmul.f32 v47, v41  }
0x89: {  	v45 =	vadd.f32 v53, v45;
	v56 =	vmul.f32 v21, v21;
	v62 =	vadd.f32 v60, v49  }
0x8a: {  	v24 =	vadd.f32 v59, v24;
	v33 =	vmul.f32 v33, v46;
	v42 =	vmin.f32 v42, $1.000000000e+00  }
0x8b: {  	v41 =	vmul.f32 $1.000000000e+01, v41;
	v63 =	vmax.f32 v51, $9.999999960e-13;
	v45 =	vadd.f32 v56, v45;
	(xrf2) =	vadd.scan.msk.f32 $0xffff, v62  }
0x8c: {  	v7 =	vmul.f32 v42, v7;
	v54 =	vshrl.u32 v63, $0x1;
	v55 =	vmul.f32 $5.000000000e-01, v63  }
0x8d: {  	v32 =	vmul.f32 v33, v32;
	v11 =	vmul.f32 v42, v11;
	v39 =	vsub.s32 $0x5F3759DF, v54;
	v58, _, _ =	vpop (xrf2);
	(xrf2) =	vadd.scan.msk.f32 $0xffff, v45  }
0x8e: {  	v14 =	vadd.f32 v14, v23;
	v9 =	vmul.f32 v42, v9;
	v57 =	vmul.f32 v39, v55  }
0x8f: {  	v6 =	vmul.f32 v42, v6;
	v41 =	vmin.f32 v41, $1.000000000e+00;
	v32 =	vmul.f32 v32, v33  }
0x90: {  	v7 =	vadd.f32 v7, v30;
	v43 =	vperm.xlane v58, v0;
	v44 =	vmul.f32 v39, v57  }
0x91: {  	v11 =	vadd.f32 v11, v31;
	v19 =	vmul.f32 v41, v19;
	v12 =	vmul.f32 v41, v12  }
0x92: {  	v4 =	vmul.f32 v41, v4;
	v43 =	vmax.f32 v43, $9.999999960e-13;
	v44 =	vsub.f32 $1.500000000e+00, v44  }
0x93: {  	v30 =	vsub.f32 $1.500000000e+00, v32;
	v59 =	vshrl.u32 v43, $0x1;
	v43 =	vmul.f32 $5.000000000e-01, v43  }
0x94: {  	v3 =	vmul.f32 v41, v3;
	v60 =	vsub.s32 $0x5F3759DF, v59;
	v39 =	vmul.f32 v39, v44  }
0x95: {  	v9 =	vadd.f32 v9, v26;
	v30 =	vmul.f32 v30, v33;
	v23 =	vmul.f32 v60, v43;
	v61, _, _ =	vpop (xrf2)  }
0x96: {  	v19 =	vadd.f32 v19, v25;
	v25 =	vmul.f32 v39, v55;
	v45 =	vperm.xlane v61, v0  }
0x97: {  	v12 =	vadd.f32 v12, v27;
	v30 =	vmul.f32 $1.000000000e+01, v30;
	v23 =	vmul.f32 v60, v23;
	v31, _, _ =	vpop (xrf2)  }
0x98: {  	v25 =	vmul.f32 v25, v39;
	v31 =	vperm.xlane v31, v0;
	v62 =	vmax.f32 v45, $9.999999960e-13  }
0x99: {  	v23 =	vsub.f32 $1.500000000e+00, v23;
	v63 =	vshrl.u32 v62, $0x1;
	v32 =	vmul.f32 $5.000000000e-01, v62  }
0x9a: {  	v25 =	vsub.f32 $1.500000000e+00, v25;
	v31 =	vmax.f32 v31, $9.999999960e-13;
	v45 =	vsub.s32 $0x5F3759DF, v63  }
0x9b: {  	v46 =	vshrl.u32 v31, $0x1;
	v31 =	vmul.f32 $5.000000000e-01, v31;
	v42 =	vmul.f32 v45, v32  }
0x9c: {  	v23 =	vmul.f32 v60, v23;
	v25 =	vmul.f32 v25, v39;
	v39 =	vsub.s32 $0x5F3759DF, v46  }
0x9d: {  	v30 =	vmin.f32 v30, $1.000000000e+00;
	v27 =	vmul.f32 v39, v31;
	v26 =	vmul.f32 v45, v42  }
0x9e: {  	v6 =	vadd.f32 v6, v34;
	v2 =	vmul.f32 v30, v2;
	v47 =	vmul.f32 v23, v43  }
0x9f: {  	v25 =	vmul.f32 $1.000000000e+01, v25;
	v27 =	vmul.f32 v39, v27;
	v26 =	vsub.f32 $1.500000000e+00, v26  }
0xa0: {  	v4 =	vadd.f32 v4, v24;
	v1 =	vmul.f32 v30, v1;
	v24 =	vmul.f32 v47, v23  }
0xa1: {  	v25 =	vmin.f32 v25, $1.000000000e+00;
	v27 =	vsub.f32 $1.500000000e+00, v27;
	v26 =	vmul.f32 v45, v26  }
0xa2: {  	v5 =	vmul.f32 v30, v5;
	v24 =	vsub.f32 $1.500000000e+00, v24;
	v22 =	vmul.f32 v25, v22  }
0xa3: {  	v3 =	vadd.f32 v3, v14;
	v14 =	vmul.f32 v39, v27;
	v32 =	vmul.f32 v26, v32  }
0xa4: {  	v8 =	vmul.f32 v30, v8;
	v2 =	vadd.f32 v2, v7;
	v7 =	vmul.f32 v24, v23  }
0xa5: {  	v19 =	vadd.f32 v22, v19;
	v22 =	vmul.f32 v14, v31;
	v32 =	vmul.f32 v32, v26  }
0xa6: {  	v1 =	vadd.f32 v1, v11;
	v15 =	vmul.f32 v25, v15;
	v11 =	vmul.f32 v25, v18  }
0xa7: {  	v7 =	vmul.f32 $1.000000000e+01, v7;
	v18 =	vmul.f32 v22, v14;
	v27 =	vsub.f32 $1.500000000e+00, v32  }
0xa8: {  	v5 =	vadd.f32 v5, v9;
	v9 =	vmul.f32 v25, v17;
	v12 =	vadd.f32 v15, v12  }
0xa9: {  	v7 =	vmin.f32 v7, $1.000000000e+00;
	v15 =	vsub.f32 $1.500000000e+00, v18;
	v23 =	vmul.f32 v27, v26  }
0xaa: {  	v3 =	vadd.f32 v9, v3;
	v9 =	vmul.f32 v7, v10;
	v10 =	vmul.f32 v7, v13  }
0xab: {  	v6 =	vadd.f32 v8, v6;
	v14 =	vmul.f32 v15, v14;
	v17 =	vmul.f32 $1.000000000e+01, v23  }
0xac: {  	v4 =	vadd.f32 v11, v4;
	v13 =	vmul.f32 v7, v16;
	v7 =	vmul.f32 v7, v20  }
0xad: {  	v2 =	vadd.f32 v9, v2;
	v14 =	vmul.f32 $1.000000000e+01, v14;
	v8 =	vmin.f32 v17, $1.000000000e+00  }
0xae: {  	v1 =	vadd.f32 v10, v1;
	v5 =	vadd.f32 v13, v5;
	v11 =	vmul.f32 v8, v40  }
0xaf: {  	v9 =	vmul.f32 v8, v29;
	v10 =	vmul.f32 v8, v28;
	v14 =	vmin.f32 v14, $1.000000000e+00  }
0xb0: {  	v6 =	vadd.f32 v7, v6;
	v8 =	vmul.f32 v8, v37;
	v13 =	vmul.f32 v14, v36  }
0xb1: {  	v7 =	vmul.f32 v14, v35;
	v11 =	vadd.f32 v11, v19;
	v9 =	vadd.f32 v9, v12  }
0xb2: {  	v4 =	vadd.f32 v10, v4;
	v10 =	vmul.f32 v14, v38;
	v2 =	vadd.f32 v13, v2  }
0xb3: {  	v3 =	vadd.f32 v8, v3;
	v8 =	vmul.f32 v14, v21;
	v1 =	vadd.f32 v7, v1  }
0xb4: {  	v5 =	vadd.f32 v10, v5;
	v2 =	vadd.f32 v9, v2  }
0xb5: {  	v6 =	vadd.f32 v8, v6;
	v1 =	vadd.f32 v4, v1  }
0xb6: {  	s23 =	sshll.u32 s22, $0xB;
	v3 =	vadd.f32 v3, v5;
	v2 =	vmul.f32 $1.999999960e-02, v2  }
0xb7: {  	s23 =	sshra.s32 s23, $0x2;
	v4 =	vadd.f32 v11, v6;
	v1 =	vmul.f32 $1.999999960e-02, v1  }
0xb8: {  	[tilespmem:s23+$0x99A0] =	vst v2;
	v2 =	vmul.f32 $1.999999960e-02, v3  }
0xb9: {  	[tilespmem:s23+$0x99B0] =	vst v1;
	v1 =	vmul.f32 $1.999999960e-02, v4  }
0xba: {  	[tilespmem:s23+$0x99C0] =	vst v2  }
0xbb: {  	s28 =	simm.s32 $0x0;
	[tilespmem:s23+$0x99D0] =	vst v1  }
0xbc: {  	v10 =	vld [tilespmem:s28+$0x4260]  }
0xbd: {  	v16 =	vld [tilespmem:s28+$0x4270];
	_ =	sdelay $0x1  }
0xbe: {  	v13 =	vld [tilespmem:s28+$0x4280];
	_ =	sdelay $0x1  }
0xbf: {  	v15 =	vld [tilespmem:s28+$0x4290]  }
0xc0: {  	v1 =	vmul.f32 v10, v10;
	v2 =	vmul.f32 v16, v16;
	_ =	sdelay $0x1  }
0xc1: {  	v32 =	vld [tilespmem:s28+$0x4220];
	v1 =	vadd.f32 v2, v1;
	v2 =	vmul.f32 v13, v13  }
0xc2: {  	v30 =	vld [tilespmem:s28+$0x4230]  }
0xc3: {  	v1 =	vadd.f32 v2, v1;
	v2 =	vmul.f32 v15, v15  }
0xc4: {  	v29 =	vld [tilespmem:s28+$0x4240]  }
0xc5: {  	s29 =	simm.s32 $0x80;
	v28 =	vld [tilespmem:s28+$0x4250];
	v1 =	vadd.f32 v2, v1  }
0xc6: {  	v31 =	vld [tilespmem:s29+$0x4260]  }
0xc7: {  	v21 =	vld [tilespmem:s29+$0x4270];
	v2 =	vmul.f32 v30, v30;
	(xrf2) =	vadd.scan.msk.f32 $0xffff, v1;
	v1 =	vmul.f32 v32, v32;
	_ =	sdelay $0x1  }
0xc8: {  	v14 =	vld [tilespmem:s29+$0x4280];
	v1 =	vadd.f32 v2, v1;
	v2 =	vmul.f32 v29, v29;
	_ =	sdelay $0x1  }
0xc9: {  	v25 =	vld [tilespmem:s29+$0x4290];
	v3 =	vmul.f32 v28, v28;
	v1 =	vadd.f32 v2, v1  }
0xca: {  	v4 =	vmul.f32 v21, v21;
	v2 =	vmul.f32 v31, v31  }
0xcb: {  	v1 =	vadd.f32 v3, v1  }
0xcc: {  	v7 =	vld [tilespmem:s29+$0x4220];
	v2 =	vadd.f32 v4, v2;
	v3 =	vmul.f32 v14, v14  }
0xcd: {  	v11 =	vld [tilespmem:s29+$0x4230];
	(xrf2) =	vadd.scan.msk.f32 $0xffff, v1  }
0xce: {  	v2 =	vadd.f32 v3, v2;
	v3 =	vmul.f32 v25, v25  }
0xcf: {  	v9 =	vld [tilespmem:s29+$0x4240];
	v1, _, _ =	vpop (xrf2)  }
0xd0: {  	v2 =	vadd.f32 v3, v2;
	v1 =	vperm.xlane v1, v0  }
0xd1: {  	v6 =	vld [tilespmem:s29+$0x4250]  }
0xd2: {  	v4 =	vmul.f32 v11, v11;
	(xrf2) =	vadd.scan.msk.f32 $0xffff, v2;
	v2 =	vmul.f32 v7, v7;
	v1 =	vmax.f32 v1, $9.999999960e-13  }
0xd3: {  	v3 =	vshrl.u32 v1, $0x1;
	v1 =	vmul.f32 $5.000000000e-01, v1  }
0xd4: {  	v2 =	vadd.f32 v4, v2;
	v4 =	vmul.f32 v9, v9;
	v3 =	vsub.s32 $0x5F3759DF, v3  }
0xd5: {  	s30 =	simm.s32 $0x100;
	v5 =	vmul.f32 v3, v1  }
0xd6: {  	v12 =	vld [tilespmem:s30+$0x4260];
	v17 =	vmul.f32 v6, v6;
	v2 =	vadd.f32 v4, v2  }
0xd7: {  	v4 =	vld [tilespmem:s30+$0x4270];
	v5 =	vmul.f32 v3, v5;
	v8, _, _ =	vpop (xrf2)  }
0xd8: {  	v2 =	vadd.f32 v17, v2;
	v8 =	vperm.xlane v8, v0  }
0xd9: {  	v5 =	vsub.f32 $1.500000000e+00, v5  }
0xda: {  	v8 =	vmax.f32 v8, $9.999999960e-13  }
0xdb: {  	v17 =	vmul.f32 v3, v5;
	v18 =	vmul.f32 $5.000000000e-01, v8;
	v5 =	vshrl.u32 v8, $0x1  }
0xdc: {  	(xrf2) =	vadd.scan.msk.f32 $0xffff, v2;
	v3 =	vld [tilespmem:s30+$0x4280];
	v8 =	vmul.f32 v12, v12;
	v2, _, _ =	vpop (xrf2);
	v20 =	vsub.s32 $0x5F3759DF, v5;
	v5 =	vmul.f32 v4, v4  }
0xdd: {  	v19 =	vld [tilespmem:s30+$0x4290];
	v22 =	vperm.xlane v2, v0;
	v1 =	vmul.f32 v17, v1  }
0xde: {  	v2 =	vld [tilespmem:s30+$0x4220];
	v23 =	vmul.f32 v20, v18  }
0xdf: {  	v8 =	vadd.f32 v5, v8;
	v5 =	vmax.f32 v22, $9.999999960e-13;
	v24 =	vmul.f32 v1, v17;
	v1 =	vld [tilespmem:s30+$0x4230]  }
0xe0: {  	v26 =	vshrl.u32 v5, $0x1;
	v27 =	vmul.f32 $5.000000000e-01, v5;
	v23 =	vmul.f32 v20, v23;
	v5 =	vld [tilespmem:s30+$0x4240]  }
0xe1: {  	v22 =	vmul.f32 v3, v3;
	v26 =	vsub.s32 $0x5F3759DF, v26;
	v24 =	vsub.f32 $1.500000000e+00, v24  }
0xe2: {  	v48 =	vmul.f32 v19, v19;
	v49 =	vmul.f32 v26, v27;
	v23 =	vsub.f32 $1.500000000e+00, v23  }
0xe3: {  	v22 =	vadd.f32 v22, v8;
	v8 =	vld [tilespmem:s30+$0x4250];
	v17 =	vmul.f32 v24, v17;
	v24 =	vmul.f32 v2, v2  }
0xe4: {  	v50 =	vmul.f32 v26, v49;
	v20 =	vmul.f32 v20, v23  }
0xe5: {  	v22 =	vadd.f32 v48, v22;
	v51 =	vmul.f32 v1, v1;
	v52 =	vmul.f32 v5, v5  }
0xe6: {  	v17 =	vmul.f32 $1.000000000e+01, v17;
	v23, _, _ =	vpop (xrf2);
	v18 =	vmul.f32 v20, v18  }
0xe7: {  	(xrf2) =	vadd.scan.msk.f32 $0xffff, v22;
	v22 =	vsub.f32 $1.500000000e+00, v50;
	v24 =	vadd.f32 v51, v24;
	v23 =	vperm.xlane v23, v0  }
0xe8: {  	v53 =	vmin.f32 v17, $1.000000000e+00;
	v17 =	vmul.f32 v8, v8;
	v18 =	vmul.f32 v18, v20  }
0xe9: {  	v22 =	vmul.f32 v26, v22;
	v24 =	vadd.f32 v52, v24;
	v23 =	vmax.f32 v23, $9.999999960e-13  }
0xea: {  	s31 =	simm.s32 $0x180;
	v55 =	vmul.f32 v53, v10;
	v26 =	vshrl.u32 v23, $0x1;
	v34 =	vmul.f32 $5.000000000e-01, v23  }
0xeb: {  	v10 =	vld [tilespmem:s31+$0x4220];
	v33 =	vmul.f32 v53, v13;
	v54 =	vsub.f32 $1.500000000e+00, v18;
	v35 =	vsub.s32 $0x5F3759DF, v26  }
0xec: {  	v13 =	vld [tilespmem:s31+$0x4230];
	v23 =	vmul.f32 v22, v27;
	v17 =	vadd.f32 v17, v24;
	v24 =	vmul.f32 v35, v34  }
0xed: {  	v18 =	vld [tilespmem:s31+$0x4270];
	v27 =	vmul.f32 v53, v15;
	v20 =	vmul.f32 v54, v20  }
0xee: {  	v15 =	vld [tilespmem:s31+$0x4260];
	v23 =	vmul.f32 v23, v22;
	v24 =	vmul.f32 v35, v24  }
0xef: {  	v16 =	vmul.f32 v53, v16;
	v26 =	vimm.f32 $0.0e+00  }
0xf0: {  	(xrf2) =	vadd.scan.msk.f32 $0xffff, v17;
	v56 =	vadd.f32 v27, v26;
	v17 =	vld [tilespmem:s31+$0x4280];
	v20 =	vmul.f32 $1.000000000e+01, v20;
	v23 =	vsub.f32 $1.500000000e+00, v23  }
0xf1: {  	v27 =	vadd.f32 v55, v26;
	v61 =	vmul.f32 v10, v10;
	v49 =	vmul.f32 v13, v13  }
0xf2: {  	v59 =	vmul.f32 v18, v18;
	v57 =	vsub.f32 $1.500000000e+00, v24;
	v23 =	vmul.f32 v23, v22;
	v24, _, _ =	vpop (xrf2)  }
0xf3: {  	v58 =	vmul.f32 v15, v15;
	v43 =	vmin.f32 v20, $1.000000000e+00;
	v22 =	vld [tilespmem:s31+$0x4290];
	v60 =	vperm.xlane v24, v0  }
0xf4: {  	v41 =	vadd.f32 v49, v61;
	v24 =	vadd.f32 v16, v26;
	v16 =	vld [tilespmem:s31+$0x4240];
	v23 =	vmul.f32 $1.000000000e+01, v23  }
0xf5: {  	v37 =	vadd.f32 v59, v58;
	v62 =	vmul.f32 v17, v17;
	v20 =	vmax.f32 v60, $9.999999960e-13  }
0xf6: {  	v39 =	vmin.f32 v23, $1.000000000e+00;
	v63 =	vshrl.u32 v20, $0x1;
	v48 =	vmul.f32 $5.000000000e-01, v20;
	v20 =	vld [tilespmem:s31+$0x4250]  }
0xf7: {  	v61 =	vmul.f32 v43, v30;
	v25 =	vmul.f32 v39, v25;
	v50 =	vsub.s32 $0x5F3759DF, v63  }
0xf8: {  	v37 =	vadd.f32 v62, v37;
	v52 =	vmul.f32 v22, v22;
	v51 =	vmul.f32 v50, v48  }
0xf9: {  	v42 =	vmul.f32 v35, v57;
	v23 =	vadd.f32 v33, v26;
	v54 =	vmul.f32 v16, v16  }
0xfa: {  	v53, _, _ =	vpop (xrf2);
	v25 =	vadd.f32 v25, v56;
	v55 =	vadd.f32 v52, v37;
	v33 =	vmul.f32 v50, v51  }
0xfb: {  	v56 =	vperm.xlane v53, v0;
	v58 =	vadd.f32 v54, v41;
	v57 =	vmul.f32 v20, v20  }
0xfc: {  	v45 =	vmul.f32 v43, v29;
	v59 =	vmul.f32 v43, v32;
	(xrf2) =	vadd.scan.msk.f32 $0xffff, v55;
	v33 =	vsub.f32 $1.500000000e+00, v33  }
0xfd: {  	v34 =	vmul.f32 v42, v34;
	v60 =	vmax.f32 v56, $9.999999960e-13;
	v35 =	vadd.f32 v57, v58  }
0xfe: {  	v30 =	vshrl.u32 v60, $0x1;
	v32 =	vmul.f32 $5.000000000e-01, v60;
	v41 =	vmul.f32 v50, v33  }
0xff: {  	v34 =	vmul.f32 v34, v42;
	v44 =	vmul.f32 v39, v31;
	v33 =	vsub.s32 $0x5F3759DF, v30;
	(xrf2) =	vadd.scan.msk.f32 $0xffff, v35  }
0x100: {  	s25 =	simm.s32 $0x200;
	v31 =	vadd.f32 v61, v26;
	v62 =	vmul.f32 v33, v32;
	v63 =	vmul.f32 v41, v48  }
0x101: {  	v29 =	vld [tilespmem:s25+$0x4260];
	v43 =	vmul.f32 v43, v28;
	v30 =	vadd.f32 v59, v26;
	v48 =	vsub.f32 $1.500000000e+00, v34  }
0x102: {  	s24 =	simm.s32 $0xA00;
	v28 =	vld [tilespmem:s25+$0x4270];
	v34 =	vimm.f32 $0.0e+00;
	v46 =	vmul.f32 v33, v62;
	v47 =	vmul.f32 v63, v41  }
.LBB2_5:
0x103: {  	p0 =	sne.s32 s24, $0x3000;
	v35 =	vld [tilespmem:s25+$0x4220];
	v36 =	vmul.f32 v48, v42;
	v21 =	vmul.f32 v39, v21;
	v26 =	vadd.f32 v45, v26;
	v37 =	vmovc v8  }
0x104: {  	v39 =	vmul.f32 v39, v14;
	v14 =	vmovc v3;
	v3 =	vmovc v17;
	v38 =	vsub.f32 $1.500000000e+00, v46;
	v40 =	vsub.f32 $1.500000000e+00, v47;
	v17 =	vld [tilespmem:s25+$0x4280]  }
0x105: {  	v27 =	vadd.f32 v44, v27;
	v34 =	vadd.f32 v43, v34;
	v8 =	vmovc v20;
	v43 =	vmovc v12;
	v46 =	vld [tilespmem:s25+$0x4230];
	v36 =	vmul.f32 $1.000000000e+01, v36  }
0x106: {  	v24 =	vadd.f32 v21, v24;
	v47 =	vld [tilespmem:s25+$0x4240];
	v42 =	vmul.f32 v29, v29;
	v12, _, _ =	vpop (xrf2);
	v40 =	vmul.f32 v40, v41  }
0x107: {  	v41 =	vld [tilespmem:s25+$0x4290];
	v44 =	vmul.f32 v28, v28;
	v48 =	vperm.xlane v12, v0;
	v36 =	vmin.f32 v36, $1.000000000e+00;
	v12 =	vmovc v15;
	v15 =	vmovc v29  }
0x108: {  	v23 =	vadd.f32 v39, v23;
	v21 =	vmovc v4;
	v4 =	vmovc v18;
	v20 =	vld [tilespmem:s25+$0x4250];
	v29 =	vmul.f32 v35, v35;
	v40 =	vmul.f32 $1.000000000e+01, v40  }
0x109: {  	v42 =	vadd.f32 v44, v42;
	v44 =	vmul.f32 v17, v17;
	v50 =	vmax.f32 v48, $9.999999960e-13;
	v45, _, _ =	vpop (xrf2)  }
0x10a: {  	v18 =	vmovc v28;
	v48 =	vshrl.u32 v50, $0x1;
	v49 =	vmul.f32 $5.000000000e-01, v50;
	v39 =	vmin.f32 v40, $1.000000000e+00  }
0x10b: {  	v28 =	vmul.f32 v46, v46;
	v40 =	vsub.s32 $0x5F3759DF, v48;
	v48 =	vmul.f32 v39, v19;
	v19 =	vmovc v22  }
0x10c: {  	v42 =	vadd.f32 v44, v42;
	v44 =	vmul.f32 v41, v41;
	v50 =	vmul.f32 v40, v49;
	v22 =	vmovc v41  }
0x10d: {  	v28 =	vadd.f32 v28, v29;
	v29 =	vmul.f32 v47, v47;
	v25 =	vadd.f32 v48, v25  }
0x10e: {  	v41 =	vmul.f32 v20, v20;
	v44 =	vadd.f32 v44, v42;
	v48 =	vmul.f32 v40, v50  }
0x10f: {  	v28 =	vadd.f32 v29, v28;
	v29 =	vperm.xlane v45, v0;
	v42 =	vmul.f32 v33, v38  }
0x110: {  	v38 =	vmul.f32 v36, v7;
	v50 =	vmul.f32 v36, v11;
	v7 =	vmovc v2;
	(xrf2) =	vadd.scan.msk.f32 $0xffff, v44;
	v33 =	vsub.f32 $1.500000000e+00, v48  }
0x111: {  	v2 =	vmovc v10;
	v10 =	vmovc v35;
	v28 =	vadd.f32 v41, v28;
	v44 =	vmax.f32 v29, $9.999999960e-13;
	v29 =	vmul.f32 v42, v32  }
.Ltmp3:
0x112: {  	v11 =	vmovc v1;
	v1 =	vmovc v13;
	v35 =	vshrl.u32 v44, $0x1;
	v32 =	vmul.f32 $5.000000000e-01, v44;
	v41 =	vmul.f32 v40, v33;
	(pc) =	sbr.rel @p0 .LBB2_5-.Ltmp3, $4  }
0x113: {  	v45 =	vmul.f32 v36, v9;
	v13 =	vmovc v46;
	v33 =	vsub.s32 $0x5F3759DF, v35;
	(xrf2) =	vadd.scan.msk.f32 $0xffff, v28;
	v28 =	vmul.f32 v29, v42  }
0x114: {  	s25 =	sshra.s32 s24, $0x2;
	v9 =	vmovc v5;
	v30 =	vadd.f32 v38, v30;
	v35 =	vmul.f32 v33, v32;
	v40 =	vmul.f32 v41, v49  }
0x115: {  	v5 =	vmovc v16;
	v16 =	vmovc v47;
	v44 =	vmul.f32 v39, v43;
	v43 =	vmul.f32 v36, v6;
	v29 =	vld [tilespmem:s25+$0x4260];
	v48 =	vsub.f32 $1.500000000e+00, v28  }
0x116: {  	s24 =	sadd.s32 $0x200, s24;
	v31 =	vadd.f32 v50, v31;
	v6 =	vmovc v37;
	v46 =	vmul.f32 v33, v35;
	v28 =	vld [tilespmem:s25+$0x4270];
	v47 =	vmul.f32 v40, v41  }
0x117: {  	v37 =	vld [tilespmem:s25+$0x4280]  }
0x118: {  	v36 =	vld [tilespmem:s25+$0x4220]  }
0x119: {  	v35 =	vld [tilespmem:s25+$0x4230]  }
0x11a: {  	v40 =	vld [tilespmem:s25+$0x4290];
	v42 =	vmul.f32 v48, v42  }
0x11b: {  	v38 =	vld [tilespmem:s25+$0x4240];
	v59 =	vmul.f32 v39, v21;
	v14 =	vmul.f32 v39, v14  }
0x11c: {  	v26 =	vadd.f32 v45, v26;
	v49 =	vmul.f32 v29, v29;
	v21, _, _ =	vpop (xrf2);
	v50 =	vmul.f32 v28, v28  }
0x11d: {  	v27 =	vadd.f32 v44, v27;
	v51 =	vperm.xlane v21, v0;
	v21 =	vld [tilespmem:s25+$0x4250];
	v58 =	vmul.f32 v37, v37  }
0x11e: {  	v61 =	vmul.f32 v36, v36;
	v52 =	vmul.f32 v35, v35;
	v49 =	vadd.f32 v50, v49  }
0x11f: {  	v34 =	vadd.f32 v43, v34;
	v47 =	vsub.f32 $1.500000000e+00, v47;
	v60 =	vmul.f32 v40, v40  }
0x120: {  	v53 =	vmul.f32 v38, v38;
	v45 =	vadd.f32 v52, v61;
	v49 =	vadd.f32 v58, v49  }
0x121: {  	v46 =	vsub.f32 $1.500000000e+00, v46;
	v42 =	vmul.f32 $1.000000000e+01, v42;
	v41 =	vmul.f32 v47, v41  }
0x122: {  	v45 =	vadd.f32 v53, v45;
	v56 =	vmul.f32 v21, v21;
	v62 =	vadd.f32 v60, v49  }
0x123: {  	v24 =	vadd.f32 v59, v24;
	v33 =	vmul.f32 v33, v46;
	v42 =	vmin.f32 v42, $1.000000000e+00  }
0x124: {  	v41 =	vmul.f32 $1.000000000e+01, v41;
	v63 =	vmax.f32 v51, $9.999999960e-13;
	v45 =	vadd.f32 v56, v45;
	(xrf2) =	vadd.scan.msk.f32 $0xffff, v62  }
0x125: {  	v7 =	vmul.f32 v42, v7;
	v54 =	vshrl.u32 v63, $0x1;
	v55 =	vmul.f32 $5.000000000e-01, v63  }
0x126: {  	v32 =	vmul.f32 v33, v32;
	v11 =	vmul.f32 v42, v11;
	v39 =	vsub.s32 $0x5F3759DF, v54;
	v58, _, _ =	vpop (xrf2);
	(xrf2) =	vadd.scan.msk.f32 $0xffff, v45  }
0x127: {  	v14 =	vadd.f32 v14, v23;
	v9 =	vmul.f32 v42, v9;
	v57 =	vmul.f32 v39, v55  }
0x128: {  	v6 =	vmul.f32 v42, v6;
	v41 =	vmin.f32 v41, $1.000000000e+00;
	v32 =	vmul.f32 v32, v33  }
0x129: {  	v7 =	vadd.f32 v7, v30;
	v43 =	vperm.xlane v58, v0;
	v44 =	vmul.f32 v39, v57  }
0x12a: {  	v11 =	vadd.f32 v11, v31;
	v19 =	vmul.f32 v41, v19;
	v12 =	vmul.f32 v41, v12  }
0x12b: {  	v4 =	vmul.f32 v41, v4;
	v43 =	vmax.f32 v43, $9.999999960e-13;
	v44 =	vsub.f32 $1.500000000e+00, v44  }
0x12c: {  	v30 =	vsub.f32 $1.500000000e+00, v32;
	v59 =	vshrl.u32 v43, $0x1;
	v43 =	vmul.f32 $5.000000000e-01, v43  }
0x12d: {  	v3 =	vmul.f32 v41, v3;
	v60 =	vsub.s32 $0x5F3759DF, v59;
	v39 =	vmul.f32 v39, v44  }
0x12e: {  	v9 =	vadd.f32 v9, v26;
	v30 =	vmul.f32 v30, v33;
	v23 =	vmul.f32 v60, v43;
	v61, _, _ =	vpop (xrf2)  }
0x12f: {  	v19 =	vadd.f32 v19, v25;
	v25 =	vmul.f32 v39, v55;
	v45 =	vperm.xlane v61, v0  }
0x130: {  	v12 =	vadd.f32 v12, v27;
	v30 =	vmul.f32 $1.000000000e+01, v30;
	v23 =	vmul.f32 v60, v23;
	v31, _, _ =	vpop (xrf2)  }
0x131: {  	v25 =	vmul.f32 v25, v39;
	v31 =	vperm.xlane v31, v0;
	v62 =	vmax.f32 v45, $9.999999960e-13  }
0x132: {  	v23 =	vsub.f32 $1.500000000e+00, v23;
	v63 =	vshrl.u32 v62, $0x1;
	v32 =	vmul.f32 $5.000000000e-01, v62  }
0x133: {  	v25 =	vsub.f32 $1.500000000e+00, v25;
	v31 =	vmax.f32 v31, $9.999999960e-13;
	v45 =	vsub.s32 $0x5F3759DF, v63  }
0x134: {  	v46 =	vshrl.u32 v31, $0x1;
	v31 =	vmul.f32 $5.000000000e-01, v31;
	v42 =	vmul.f32 v45, v32  }
0x135: {  	v23 =	vmul.f32 v60, v23;
	v25 =	vmul.f32 v25, v39;
	v39 =	vsub.s32 $0x5F3759DF, v46  }
0x136: {  	v30 =	vmin.f32 v30, $1.000000000e+00;
	v27 =	vmul.f32 v39, v31;
	v26 =	vmul.f32 v45, v42  }
0x137: {  	v6 =	vadd.f32 v6, v34;
	v2 =	vmul.f32 v30, v2;
	v47 =	vmul.f32 v23, v43  }
0x138: {  	v25 =	vmul.f32 $1.000000000e+01, v25;
	v27 =	vmul.f32 v39, v27;
	v26 =	vsub.f32 $1.500000000e+00, v26  }
0x139: {  	v4 =	vadd.f32 v4, v24;
	v1 =	vmul.f32 v30, v1;
	v24 =	vmul.f32 v47, v23  }
0x13a: {  	v25 =	vmin.f32 v25, $1.000000000e+00;
	v27 =	vsub.f32 $1.500000000e+00, v27;
	v26 =	vmul.f32 v45, v26  }
0x13b: {  	v5 =	vmul.f32 v30, v5;
	v24 =	vsub.f32 $1.500000000e+00, v24;
	v22 =	vmul.f32 v25, v22  }
0x13c: {  	v3 =	vadd.f32 v3, v14;
	v14 =	vmul.f32 v39, v27;
	v32 =	vmul.f32 v26, v32  }
0x13d: {  	v8 =	vmul.f32 v30, v8;
	v2 =	vadd.f32 v2, v7;
	v7 =	vmul.f32 v24, v23  }
0x13e: {  	v19 =	vadd.f32 v22, v19;
	v22 =	vmul.f32 v14, v31;
	v32 =	vmul.f32 v32, v26  }
0x13f: {  	v1 =	vadd.f32 v1, v11;
	v15 =	vmul.f32 v25, v15;
	v11 =	vmul.f32 v25, v18  }
0x140: {  	v7 =	vmul.f32 $1.000000000e+01, v7;
	v18 =	vmul.f32 v22, v14;
	v27 =	vsub.f32 $1.500000000e+00, v32  }
0x141: {  	v5 =	vadd.f32 v5, v9;
	v9 =	vmul.f32 v25, v17;
	v12 =	vadd.f32 v15, v12  }
0x142: {  	v7 =	vmin.f32 v7, $1.000000000e+00;
	v15 =	vsub.f32 $1.500000000e+00, v18;
	v23 =	vmul.f32 v27, v26  }
0x143: {  	v3 =	vadd.f32 v9, v3;
	v9 =	vmul.f32 v7, v10;
	v10 =	vmul.f32 v7, v13  }
0x144: {  	v6 =	vadd.f32 v8, v6;
	v14 =	vmul.f32 v15, v14;
	v17 =	vmul.f32 $1.000000000e+01, v23  }
0x145: {  	v4 =	vadd.f32 v11, v4;
	v13 =	vmul.f32 v7, v16;
	v7 =	vmul.f32 v7, v20  }
0x146: {  	v2 =	vadd.f32 v9, v2;
	v14 =	vmul.f32 $1.000000000e+01, v14;
	v8 =	vmin.f32 v17, $1.000000000e+00  }
0x147: {  	v1 =	vadd.f32 v10, v1;
	v5 =	vadd.f32 v13, v5;
	v11 =	vmul.f32 v8, v40  }
0x148: {  	v9 =	vmul.f32 v8, v29;
	v10 =	vmul.f32 v8, v28;
	v14 =	vmin.f32 v14, $1.000000000e+00  }
0x149: {  	v6 =	vadd.f32 v7, v6;
	v8 =	vmul.f32 v8, v37;
	v13 =	vmul.f32 v14, v36  }
0x14a: {  	v7 =	vmul.f32 v14, v35;
	v11 =	vadd.f32 v11, v19;
	v9 =	vadd.f32 v9, v12  }
0x14b: {  	v4 =	vadd.f32 v10, v4;
	v10 =	vmul.f32 v14, v38;
	v2 =	vadd.f32 v13, v2  }
0x14c: {  	v3 =	vadd.f32 v8, v3;
	v8 =	vmul.f32 v14, v21;
	v1 =	vadd.f32 v7, v1  }
0x14d: {  	v5 =	vadd.f32 v10, v5;
	v2 =	vadd.f32 v9, v2  }
0x14e: {  	v6 =	vadd.f32 v8, v6;
	v1 =	vadd.f32 v4, v1  }
0x14f: {  	v3 =	vadd.f32 v3, v5;
	v2 =	vmul.f32 $1.999999960e-02, v2  }
0x150: {  	p0 =	seq.s32 s22, $0x20;
	v4 =	vadd.f32 v11, v6;
	v1 =	vmul.f32 $1.999999960e-02, v1  }
0x151: {  	s24 =	smul.u32 @!p0 $0x680, s22;
	[tilespmem:s23+$0x99E0] =	vst v2;
	v2 =	vmul.f32 $1.999999960e-02, v3  }
0x152: {  	[tilespmem:s23+$0x99F0] =	vst v1;
	v1 =	vmul.f32 $1.999999960e-02, v4  }
0x153: {  	s24 =	sshra.s32 @!p0 s24, $0x2;
	[tilespmem:s23+$0x9A00] =	vst v2  }
0x154: {  	s26 =	simm.s32 @!p0 $0x64;
	s28 =	simm.s32 @!p0 $0x35A0;
	s25 =	sadd.s32 @!p0 $0x1A0, s24;
	[tilespmem:s23+$0x9A10] =	vst v1  }
0x155: {  	[tilespmem:s28], [sflag:$0x1] =	stream.indirect.gather @!p0 [hbm4b:s3+s26], $0x40, s25, s26, $0xb8;
	[tilespmem:$0xDBA0] =	vst v63  }
0x156: {  	_ =	swait.ge [sflag:s17], $0x1900  }
0x157: {  	[sflag:s17] =	ssyncset.done $0x0  }
0x158: {  	s28 =	simm.s32 $0x0;
	[sflag:s17] =	ssyncadd.s32 $0xFFFFE700  }
0x159: {  	v10 =	vld [tilespmem:s28+$0x4EE0]  }
0x15a: {  	v16 =	vld [tilespmem:s28+$0x4EF0];
	_ =	sdelay $0x1  }
0x15b: {  	v13 =	vld [tilespmem:s28+$0x4F00];
	_ =	sdelay $0x1  }
0x15c: {  	v15 =	vld [tilespmem:s28+$0x4F10]  }
0x15d: {  	v1 =	vmul.f32 v10, v10;
	v2 =	vmul.f32 v16, v16;
	_ =	sdelay $0x1  }
0x15e: {  	v32 =	vld [tilespmem:s28+$0x4EA0];
	v1 =	vadd.f32 v2, v1;
	v2 =	vmul.f32 v13, v13  }
0x15f: {  	v30 =	vld [tilespmem:s28+$0x4EB0]  }
0x160: {  	v1 =	vadd.f32 v2, v1;
	v2 =	vmul.f32 v15, v15  }
0x161: {  	v29 =	vld [tilespmem:s28+$0x4EC0]  }
0x162: {  	s29 =	simm.s32 $0x80;
	v28 =	vld [tilespmem:s28+$0x4ED0];
	v1 =	vadd.f32 v2, v1  }
0x163: {  	v31 =	vld [tilespmem:s29+$0x4EE0]  }
0x164: {  	v21 =	vld [tilespmem:s29+$0x4EF0];
	v2 =	vmul.f32 v30, v30;
	(xrf2) =	vadd.scan.msk.f32 $0xffff, v1;
	v1 =	vmul.f32 v32, v32;
	_ =	sdelay $0x1  }
0x165: {  	v14 =	vld [tilespmem:s29+$0x4F00];
	v1 =	vadd.f32 v2, v1;
	v2 =	vmul.f32 v29, v29;
	_ =	sdelay $0x1  }
0x166: {  	v25 =	vld [tilespmem:s29+$0x4F10];
	v3 =	vmul.f32 v28, v28;
	v1 =	vadd.f32 v2, v1  }
0x167: {  	v4 =	vmul.f32 v21, v21;
	v2 =	vmul.f32 v31, v31  }
0x168: {  	v1 =	vadd.f32 v3, v1  }
0x169: {  	v7 =	vld [tilespmem:s29+$0x4EA0];
	v2 =	vadd.f32 v4, v2;
	v3 =	vmul.f32 v14, v14  }
0x16a: {  	v11 =	vld [tilespmem:s29+$0x4EB0];
	(xrf2) =	vadd.scan.msk.f32 $0xffff, v1  }
0x16b: {  	v2 =	vadd.f32 v3, v2;
	v3 =	vmul.f32 v25, v25  }
0x16c: {  	v9 =	vld [tilespmem:s29+$0x4EC0];
	v1, _, _ =	vpop (xrf2)  }
0x16d: {  	v2 =	vadd.f32 v3, v2;
	v1 =	vperm.xlane v1, v0  }
0x16e: {  	v6 =	vld [tilespmem:s29+$0x4ED0]  }
0x16f: {  	v4 =	vmul.f32 v11, v11;
	(xrf2) =	vadd.scan.msk.f32 $0xffff, v2;
	v2 =	vmul.f32 v7, v7;
	v1 =	vmax.f32 v1, $9.999999960e-13  }
0x170: {  	v3 =	vshrl.u32 v1, $0x1;
	v1 =	vmul.f32 $5.000000000e-01, v1  }
0x171: {  	v2 =	vadd.f32 v4, v2;
	v4 =	vmul.f32 v9, v9;
	v3 =	vsub.s32 $0x5F3759DF, v3  }
0x172: {  	s30 =	simm.s32 $0x100;
	v5 =	vmul.f32 v3, v1  }
0x173: {  	v12 =	vld [tilespmem:s30+$0x4EE0];
	v17 =	vmul.f32 v6, v6;
	v2 =	vadd.f32 v4, v2  }
0x174: {  	v4 =	vld [tilespmem:s30+$0x4EF0];
	v5 =	vmul.f32 v3, v5;
	v8, _, _ =	vpop (xrf2)  }
0x175: {  	v2 =	vadd.f32 v17, v2;
	v8 =	vperm.xlane v8, v0  }
0x176: {  	v5 =	vsub.f32 $1.500000000e+00, v5  }
0x177: {  	v8 =	vmax.f32 v8, $9.999999960e-13  }
0x178: {  	v17 =	vmul.f32 v3, v5;
	v18 =	vmul.f32 $5.000000000e-01, v8;
	v5 =	vshrl.u32 v8, $0x1  }
0x179: {  	(xrf2) =	vadd.scan.msk.f32 $0xffff, v2;
	v3 =	vld [tilespmem:s30+$0x4F00];
	v8 =	vmul.f32 v12, v12;
	v2, _, _ =	vpop (xrf2);
	v20 =	vsub.s32 $0x5F3759DF, v5;
	v5 =	vmul.f32 v4, v4  }
0x17a: {  	v19 =	vld [tilespmem:s30+$0x4F10];
	v22 =	vperm.xlane v2, v0;
	v1 =	vmul.f32 v17, v1  }
0x17b: {  	v2 =	vld [tilespmem:s30+$0x4EA0];
	v23 =	vmul.f32 v20, v18  }
0x17c: {  	v8 =	vadd.f32 v5, v8;
	v5 =	vmax.f32 v22, $9.999999960e-13;
	v24 =	vmul.f32 v1, v17;
	v1 =	vld [tilespmem:s30+$0x4EB0]  }
0x17d: {  	v26 =	vshrl.u32 v5, $0x1;
	v27 =	vmul.f32 $5.000000000e-01, v5;
	v23 =	vmul.f32 v20, v23;
	v5 =	vld [tilespmem:s30+$0x4EC0]  }
0x17e: {  	v22 =	vmul.f32 v3, v3;
	v26 =	vsub.s32 $0x5F3759DF, v26;
	v24 =	vsub.f32 $1.500000000e+00, v24  }
0x17f: {  	v48 =	vmul.f32 v19, v19;
	v49 =	vmul.f32 v26, v27;
	v23 =	vsub.f32 $1.500000000e+00, v23  }
0x180: {  	v22 =	vadd.f32 v22, v8;
	v8 =	vld [tilespmem:s30+$0x4ED0];
	v17 =	vmul.f32 v24, v17;
	v24 =	vmul.f32 v2, v2  }
0x181: {  	v50 =	vmul.f32 v26, v49;
	v20 =	vmul.f32 v20, v23  }
0x182: {  	v22 =	vadd.f32 v48, v22;
	v51 =	vmul.f32 v1, v1;
	v52 =	vmul.f32 v5, v5  }
0x183: {  	v17 =	vmul.f32 $1.000000000e+01, v17;
	v23, _, _ =	vpop (xrf2);
	v18 =	vmul.f32 v20, v18  }
0x184: {  	(xrf2) =	vadd.scan.msk.f32 $0xffff, v22;
	v22 =	vsub.f32 $1.500000000e+00, v50;
	v24 =	vadd.f32 v51, v24;
	v23 =	vperm.xlane v23, v0  }
0x185: {  	v53 =	vmin.f32 v17, $1.000000000e+00;
	v17 =	vmul.f32 v8, v8;
	v18 =	vmul.f32 v18, v20  }
0x186: {  	v22 =	vmul.f32 v26, v22;
	v24 =	vadd.f32 v52, v24;
	v23 =	vmax.f32 v23, $9.999999960e-13  }
0x187: {  	s31 =	simm.s32 $0x180;
	v55 =	vmul.f32 v53, v10;
	v26 =	vshrl.u32 v23, $0x1;
	v34 =	vmul.f32 $5.000000000e-01, v23  }
0x188: {  	v10 =	vld [tilespmem:s31+$0x4EA0];
	v33 =	vmul.f32 v53, v13;
	v54 =	vsub.f32 $1.500000000e+00, v18;
	v35 =	vsub.s32 $0x5F3759DF, v26  }
0x189: {  	v13 =	vld [tilespmem:s31+$0x4EB0];
	v23 =	vmul.f32 v22, v27;
	v17 =	vadd.f32 v17, v24;
	v24 =	vmul.f32 v35, v34  }
0x18a: {  	v18 =	vld [tilespmem:s31+$0x4EF0];
	v27 =	vmul.f32 v53, v15;
	v20 =	vmul.f32 v54, v20  }
0x18b: {  	v15 =	vld [tilespmem:s31+$0x4EE0];
	v23 =	vmul.f32 v23, v22;
	v24 =	vmul.f32 v35, v24  }
0x18c: {  	v16 =	vmul.f32 v53, v16;
	v26 =	vimm.f32 $0.0e+00  }
0x18d: {  	(xrf2) =	vadd.scan.msk.f32 $0xffff, v17;
	v56 =	vadd.f32 v27, v26;
	v17 =	vld [tilespmem:s31+$0x4F00];
	v20 =	vmul.f32 $1.000000000e+01, v20;
	v23 =	vsub.f32 $1.500000000e+00, v23  }
0x18e: {  	v27 =	vadd.f32 v55, v26;
	v61 =	vmul.f32 v10, v10;
	v49 =	vmul.f32 v13, v13  }
0x18f: {  	v59 =	vmul.f32 v18, v18;
	v57 =	vsub.f32 $1.500000000e+00, v24;
	v23 =	vmul.f32 v23, v22;
	v24, _, _ =	vpop (xrf2)  }
0x190: {  	v58 =	vmul.f32 v15, v15;
	v43 =	vmin.f32 v20, $1.000000000e+00;
	v22 =	vld [tilespmem:s31+$0x4F10];
	v60 =	vperm.xlane v24, v0  }
0x191: {  	v41 =	vadd.f32 v49, v61;
	v24 =	vadd.f32 v16, v26;
	v16 =	vld [tilespmem:s31+$0x4EC0];
	v23 =	vmul.f32 $1.000000000e+01, v23  }
0x192: {  	v37 =	vadd.f32 v59, v58;
	v62 =	vmul.f32 v17, v17;
	v20 =	vmax.f32 v60, $9.999999960e-13  }
0x193: {  	v39 =	vmin.f32 v23, $1.000000000e+00;
	v63 =	vshrl.u32 v20, $0x1;
	v48 =	vmul.f32 $5.000000000e-01, v20;
	v20 =	vld [tilespmem:s31+$0x4ED0]  }
0x194: {  	v61 =	vmul.f32 v43, v30;
	v25 =	vmul.f32 v39, v25;
	v50 =	vsub.s32 $0x5F3759DF, v63  }
0x195: {  	v37 =	vadd.f32 v62, v37;
	v52 =	vmul.f32 v22, v22;
	v51 =	vmul.f32 v50, v48  }
0x196: {  	v42 =	vmul.f32 v35, v57;
	v23 =	vadd.f32 v33, v26;
	v54 =	vmul.f32 v16, v16  }
0x197: {  	v53, _, _ =	vpop (xrf2);
	v25 =	vadd.f32 v25, v56;
	v55 =	vadd.f32 v52, v37;
	v33 =	vmul.f32 v50, v51  }
0x198: {  	v56 =	vperm.xlane v53, v0;
	v58 =	vadd.f32 v54, v41;
	v57 =	vmul.f32 v20, v20  }
0x199: {  	v45 =	vmul.f32 v43, v29;
	v59 =	vmul.f32 v43, v32;
	(xrf2) =	vadd.scan.msk.f32 $0xffff, v55;
	v33 =	vsub.f32 $1.500000000e+00, v33  }
0x19a: {  	v34 =	vmul.f32 v42, v34;
	v60 =	vmax.f32 v56, $9.999999960e-13;
	v35 =	vadd.f32 v57, v58  }
0x19b: {  	v30 =	vshrl.u32 v60, $0x1;
	v32 =	vmul.f32 $5.000000000e-01, v60;
	v41 =	vmul.f32 v50, v33  }
0x19c: {  	v34 =	vmul.f32 v34, v42;
	v44 =	vmul.f32 v39, v31;
	v33 =	vsub.s32 $0x5F3759DF, v30;
	(xrf2) =	vadd.scan.msk.f32 $0xffff, v35  }
0x19d: {  	s26 =	simm.s32 $0x200;
	v31 =	vadd.f32 v61, v26;
	v62 =	vmul.f32 v33, v32;
	v63 =	vmul.f32 v41, v48  }
0x19e: {  	v29 =	vld [tilespmem:s26+$0x4EE0];
	v43 =	vmul.f32 v43, v28;
	v30 =	vadd.f32 v59, v26;
	v48 =	vsub.f32 $1.500000000e+00, v34  }
0x19f: {  	s25 =	simm.s32 $0xA00;
	v28 =	vld [tilespmem:s26+$0x4EF0];
	v34 =	vimm.f32 $0.0e+00;
	v46 =	vmul.f32 v33, v62;
	v47 =	vmul.f32 v63, v41  }
.LBB2_7:
0x1a0: {  	p1 =	sne.s32 s25, $0x3000;
	v35 =	vld [tilespmem:s26+$0x4EA0];
	v36 =	vmul.f32 v48, v42;
	v21 =	vmul.f32 v39, v21;
	v26 =	vadd.f32 v45, v26;
	v37 =	vmovc v8  }
0x1a1: {  	v39 =	vmul.f32 v39, v14;
	v14 =	vmovc v3;
	v3 =	vmovc v17;
	v38 =	vsub.f32 $1.500000000e+00, v46;
	v40 =	vsub.f32 $1.500000000e+00, v47;
	v17 =	vld [tilespmem:s26+$0x4F00]  }
0x1a2: {  	v27 =	vadd.f32 v44, v27;
	v34 =	vadd.f32 v43, v34;
	v8 =	vmovc v20;
	v43 =	vmovc v12;
	v46 =	vld [tilespmem:s26+$0x4EB0];
	v36 =	vmul.f32 $1.000000000e+01, v36  }
0x1a3: {  	v24 =	vadd.f32 v21, v24;
	v47 =	vld [tilespmem:s26+$0x4EC0];
	v42 =	vmul.f32 v29, v29;
	v12, _, _ =	vpop (xrf2);
	v40 =	vmul.f32 v40, v41  }
0x1a4: {  	v41 =	vld [tilespmem:s26+$0x4F10];
	v44 =	vmul.f32 v28, v28;
	v48 =	vperm.xlane v12, v0;
	v36 =	vmin.f32 v36, $1.000000000e+00;
	v12 =	vmovc v15;
	v15 =	vmovc v29  }
0x1a5: {  	v23 =	vadd.f32 v39, v23;
	v21 =	vmovc v4;
	v4 =	vmovc v18;
	v20 =	vld [tilespmem:s26+$0x4ED0];
	v29 =	vmul.f32 v35, v35;
	v40 =	vmul.f32 $1.000000000e+01, v40  }
0x1a6: {  	v42 =	vadd.f32 v44, v42;
	v44 =	vmul.f32 v17, v17;
	v50 =	vmax.f32 v48, $9.999999960e-13;
	v45, _, _ =	vpop (xrf2)  }
0x1a7: {  	v18 =	vmovc v28;
	v48 =	vshrl.u32 v50, $0x1;
	v49 =	vmul.f32 $5.000000000e-01, v50;
	v39 =	vmin.f32 v40, $1.000000000e+00  }
0x1a8: {  	v28 =	vmul.f32 v46, v46;
	v40 =	vsub.s32 $0x5F3759DF, v48;
	v48 =	vmul.f32 v39, v19;
	v19 =	vmovc v22  }
0x1a9: {  	v42 =	vadd.f32 v44, v42;
	v44 =	vmul.f32 v41, v41;
	v50 =	vmul.f32 v40, v49;
	v22 =	vmovc v41  }
0x1aa: {  	v28 =	vadd.f32 v28, v29;
	v29 =	vmul.f32 v47, v47;
	v25 =	vadd.f32 v48, v25  }
0x1ab: {  	v41 =	vmul.f32 v20, v20;
	v44 =	vadd.f32 v44, v42;
	v48 =	vmul.f32 v40, v50  }
0x1ac: {  	v28 =	vadd.f32 v29, v28;
	v29 =	vperm.xlane v45, v0;
	v42 =	vmul.f32 v33, v38  }
0x1ad: {  	v38 =	vmul.f32 v36, v7;
	v50 =	vmul.f32 v36, v11;
	v7 =	vmovc v2;
	(xrf2) =	vadd.scan.msk.f32 $0xffff, v44;
	v33 =	vsub.f32 $1.500000000e+00, v48  }
0x1ae: {  	v2 =	vmovc v10;
	v10 =	vmovc v35;
	v28 =	vadd.f32 v41, v28;
	v44 =	vmax.f32 v29, $9.999999960e-13;
	v29 =	vmul.f32 v42, v32  }
.Ltmp4:
0x1af: {  	v11 =	vmovc v1;
	v1 =	vmovc v13;
	v35 =	vshrl.u32 v44, $0x1;
	v32 =	vmul.f32 $5.000000000e-01, v44;
	v41 =	vmul.f32 v40, v33;
	(pc) =	sbr.rel @p1 .LBB2_7-.Ltmp4, $4  }
0x1b0: {  	v45 =	vmul.f32 v36, v9;
	v13 =	vmovc v46;
	v33 =	vsub.s32 $0x5F3759DF, v35;
	(xrf2) =	vadd.scan.msk.f32 $0xffff, v28;
	v28 =	vmul.f32 v29, v42  }
0x1b1: {  	s26 =	sshra.s32 s25, $0x2;
	v9 =	vmovc v5;
	v30 =	vadd.f32 v38, v30;
	v35 =	vmul.f32 v33, v32;
	v40 =	vmul.f32 v41, v49  }
0x1b2: {  	v5 =	vmovc v16;
	v16 =	vmovc v47;
	v44 =	vmul.f32 v39, v43;
	v43 =	vmul.f32 v36, v6;
	v29 =	vld [tilespmem:s26+$0x4EE0];
	v48 =	vsub.f32 $1.500000000e+00, v28  }
0x1b3: {  	s25 =	sadd.s32 $0x200, s25;
	v31 =	vadd.f32 v50, v31;
	v6 =	vmovc v37;
	v46 =	vmul.f32 v33, v35;
	v28 =	vld [tilespmem:s26+$0x4EF0];
	v47 =	vmul.f32 v40, v41  }
0x1b4: {  	v37 =	vld [tilespmem:s26+$0x4F00]  }
0x1b5: {  	v36 =	vld [tilespmem:s26+$0x4EA0]  }
0x1b6: {  	v35 =	vld [tilespmem:s26+$0x4EB0]  }
0x1b7: {  	v40 =	vld [tilespmem:s26+$0x4F10];
	v42 =	vmul.f32 v48, v42  }
0x1b8: {  	v38 =	vld [tilespmem:s26+$0x4EC0];
	v59 =	vmul.f32 v39, v21;
	v14 =	vmul.f32 v39, v14  }
0x1b9: {  	v26 =	vadd.f32 v45, v26;
	v49 =	vmul.f32 v29, v29;
	v21, _, _ =	vpop (xrf2);
	v50 =	vmul.f32 v28, v28  }
0x1ba: {  	v27 =	vadd.f32 v44, v27;
	v51 =	vperm.xlane v21, v0;
	v21 =	vld [tilespmem:s26+$0x4ED0];
	v58 =	vmul.f32 v37, v37  }
0x1bb: {  	v61 =	vmul.f32 v36, v36;
	v52 =	vmul.f32 v35, v35;
	v49 =	vadd.f32 v50, v49  }
0x1bc: {  	v34 =	vadd.f32 v43, v34;
	v47 =	vsub.f32 $1.500000000e+00, v47;
	v60 =	vmul.f32 v40, v40  }
0x1bd: {  	v53 =	vmul.f32 v38, v38;
	v45 =	vadd.f32 v52, v61;
	v49 =	vadd.f32 v58, v49  }
0x1be: {  	v46 =	vsub.f32 $1.500000000e+00, v46;
	v42 =	vmul.f32 $1.000000000e+01, v42;
	v41 =	vmul.f32 v47, v41  }
0x1bf: {  	v45 =	vadd.f32 v53, v45;
	v56 =	vmul.f32 v21, v21;
	v62 =	vadd.f32 v60, v49  }
0x1c0: {  	v24 =	vadd.f32 v59, v24;
	v33 =	vmul.f32 v33, v46;
	v42 =	vmin.f32 v42, $1.000000000e+00  }
0x1c1: {  	v41 =	vmul.f32 $1.000000000e+01, v41;
	v63 =	vmax.f32 v51, $9.999999960e-13;
	v45 =	vadd.f32 v56, v45;
	(xrf2) =	vadd.scan.msk.f32 $0xffff, v62  }
0x1c2: {  	v7 =	vmul.f32 v42, v7;
	v54 =	vshrl.u32 v63, $0x1;
	v55 =	vmul.f32 $5.000000000e-01, v63  }
0x1c3: {  	v32 =	vmul.f32 v33, v32;
	v11 =	vmul.f32 v42, v11;
	v39 =	vsub.s32 $0x5F3759DF, v54;
	v58, _, _ =	vpop (xrf2);
	(xrf2) =	vadd.scan.msk.f32 $0xffff, v45  }
0x1c4: {  	v14 =	vadd.f32 v14, v23;
	v9 =	vmul.f32 v42, v9;
	v57 =	vmul.f32 v39, v55  }
0x1c5: {  	v6 =	vmul.f32 v42, v6;
	v41 =	vmin.f32 v41, $1.000000000e+00;
	v32 =	vmul.f32 v32, v33  }
0x1c6: {  	v7 =	vadd.f32 v7, v30;
	v43 =	vperm.xlane v58, v0;
	v44 =	vmul.f32 v39, v57  }
0x1c7: {  	v11 =	vadd.f32 v11, v31;
	v19 =	vmul.f32 v41, v19;
	v12 =	vmul.f32 v41, v12  }
0x1c8: {  	v4 =	vmul.f32 v41, v4;
	v43 =	vmax.f32 v43, $9.999999960e-13;
	v44 =	vsub.f32 $1.500000000e+00, v44  }
0x1c9: {  	v30 =	vsub.f32 $1.500000000e+00, v32;
	v59 =	vshrl.u32 v43, $0x1;
	v43 =	vmul.f32 $5.000000000e-01, v43  }
0x1ca: {  	v3 =	vmul.f32 v41, v3;
	v60 =	vsub.s32 $0x5F3759DF, v59;
	v39 =	vmul.f32 v39, v44  }
0x1cb: {  	v9 =	vadd.f32 v9, v26;
	v30 =	vmul.f32 v30, v33;
	v23 =	vmul.f32 v60, v43;
	v61, _, _ =	vpop (xrf2)  }
0x1cc: {  	v19 =	vadd.f32 v19, v25;
	v25 =	vmul.f32 v39, v55;
	v45 =	vperm.xlane v61, v0  }
0x1cd: {  	v12 =	vadd.f32 v12, v27;
	v30 =	vmul.f32 $1.000000000e+01, v30;
	v23 =	vmul.f32 v60, v23;
	v31, _, _ =	vpop (xrf2)  }
0x1ce: {  	v25 =	vmul.f32 v25, v39;
	v31 =	vperm.xlane v31, v0;
	v62 =	vmax.f32 v45, $9.999999960e-13  }
0x1cf: {  	v23 =	vsub.f32 $1.500000000e+00, v23;
	v63 =	vshrl.u32 v62, $0x1;
	v32 =	vmul.f32 $5.000000000e-01, v62  }
0x1d0: {  	v25 =	vsub.f32 $1.500000000e+00, v25;
	v31 =	vmax.f32 v31, $9.999999960e-13;
	v45 =	vsub.s32 $0x5F3759DF, v63  }
0x1d1: {  	v46 =	vshrl.u32 v31, $0x1;
	v31 =	vmul.f32 $5.000000000e-01, v31;
	v42 =	vmul.f32 v45, v32  }
0x1d2: {  	v23 =	vmul.f32 v60, v23;
	v25 =	vmul.f32 v25, v39;
	v39 =	vsub.s32 $0x5F3759DF, v46  }
0x1d3: {  	v30 =	vmin.f32 v30, $1.000000000e+00;
	v27 =	vmul.f32 v39, v31;
	v26 =	vmul.f32 v45, v42  }
0x1d4: {  	v6 =	vadd.f32 v6, v34;
	v2 =	vmul.f32 v30, v2;
	v47 =	vmul.f32 v23, v43  }
0x1d5: {  	v25 =	vmul.f32 $1.000000000e+01, v25;
	v27 =	vmul.f32 v39, v27;
	v26 =	vsub.f32 $1.500000000e+00, v26  }
0x1d6: {  	v4 =	vadd.f32 v4, v24;
	v1 =	vmul.f32 v30, v1;
	v24 =	vmul.f32 v47, v23  }
0x1d7: {  	v25 =	vmin.f32 v25, $1.000000000e+00;
	v27 =	vsub.f32 $1.500000000e+00, v27;
	v26 =	vmul.f32 v45, v26  }
0x1d8: {  	v5 =	vmul.f32 v30, v5;
	v24 =	vsub.f32 $1.500000000e+00, v24;
	v22 =	vmul.f32 v25, v22  }
0x1d9: {  	v3 =	vadd.f32 v3, v14;
	v14 =	vmul.f32 v39, v27;
	v32 =	vmul.f32 v26, v32  }
0x1da: {  	v8 =	vmul.f32 v30, v8;
	v2 =	vadd.f32 v2, v7;
	v7 =	vmul.f32 v24, v23  }
0x1db: {  	v19 =	vadd.f32 v22, v19;
	v22 =	vmul.f32 v14, v31;
	v32 =	vmul.f32 v32, v26  }
0x1dc: {  	v1 =	vadd.f32 v1, v11;
	v15 =	vmul.f32 v25, v15;
	v11 =	vmul.f32 v25, v18  }
0x1dd: {  	v7 =	vmul.f32 $1.000000000e+01, v7;
	v18 =	vmul.f32 v22, v14;
	v27 =	vsub.f32 $1.500000000e+00, v32  }
0x1de: {  	v5 =	vadd.f32 v5, v9;
	v9 =	vmul.f32 v25, v17;
	v12 =	vadd.f32 v15, v12  }
0x1df: {  	v7 =	vmin.f32 v7, $1.000000000e+00;
	v15 =	vsub.f32 $1.500000000e+00, v18;
	v23 =	vmul.f32 v27, v26  }
0x1e0: {  	v3 =	vadd.f32 v9, v3;
	v9 =	vmul.f32 v7, v10;
	v10 =	vmul.f32 v7, v13  }
0x1e1: {  	v6 =	vadd.f32 v8, v6;
	v14 =	vmul.f32 v15, v14;
	v17 =	vmul.f32 $1.000000000e+01, v23  }
0x1e2: {  	v4 =	vadd.f32 v11, v4;
	v13 =	vmul.f32 v7, v16;
	v7 =	vmul.f32 v7, v20  }
0x1e3: {  	v2 =	vadd.f32 v9, v2;
	v14 =	vmul.f32 $1.000000000e+01, v14;
	v8 =	vmin.f32 v17, $1.000000000e+00  }
0x1e4: {  	v1 =	vadd.f32 v10, v1;
	v5 =	vadd.f32 v13, v5;
	v11 =	vmul.f32 v8, v40  }
0x1e5: {  	v9 =	vmul.f32 v8, v29;
	v10 =	vmul.f32 v8, v28;
	v14 =	vmin.f32 v14, $1.000000000e+00  }
0x1e6: {  	v6 =	vadd.f32 v7, v6;
	v8 =	vmul.f32 v8, v37;
	v13 =	vmul.f32 v14, v36  }
0x1e7: {  	v7 =	vmul.f32 v14, v35;
	v11 =	vadd.f32 v11, v19;
	v9 =	vadd.f32 v9, v12  }
0x1e8: {  	v4 =	vadd.f32 v10, v4;
	v10 =	vmul.f32 v14, v38;
	v2 =	vadd.f32 v13, v2  }
0x1e9: {  	v3 =	vadd.f32 v8, v3;
	v8 =	vmul.f32 v14, v21;
	v1 =	vadd.f32 v7, v1  }
0x1ea: {  	v5 =	vadd.f32 v10, v5;
	v2 =	vadd.f32 v9, v2  }
0x1eb: {  	v6 =	vadd.f32 v8, v6;
	v1 =	vadd.f32 v4, v1  }
0x1ec: {  	v3 =	vadd.f32 v3, v5;
	v2 =	vmul.f32 $1.999999960e-02, v2  }
0x1ed: {  	v4 =	vadd.f32 v11, v6;
	v1 =	vmul.f32 $1.999999960e-02, v1  }
0x1ee: {  	[tilespmem:s23+$0x9A20] =	vst v2;
	v2 =	vmul.f32 $1.999999960e-02, v3  }
0x1ef: {  	[tilespmem:s23+$0x9A30] =	vst v1;
	v1 =	vmul.f32 $1.999999960e-02, v4  }
0x1f0: {  	[tilespmem:s23+$0x9A40] =	vst v2  }
0x1f1: {  	s25 =	simm.s32 $0x0;
	[tilespmem:s23+$0x9A50] =	vst v1  }
0x1f2: {  	v10 =	vld [tilespmem:s25+$0x5B60]  }
0x1f3: {  	v16 =	vld [tilespmem:s25+$0x5B70];
	_ =	sdelay $0x1  }
0x1f4: {  	v13 =	vld [tilespmem:s25+$0x5B80];
	_ =	sdelay $0x1  }
0x1f5: {  	v15 =	vld [tilespmem:s25+$0x5B90]  }
0x1f6: {  	v1 =	vmul.f32 v10, v10;
	v2 =	vmul.f32 v16, v16;
	_ =	sdelay $0x1  }
0x1f7: {  	v32 =	vld [tilespmem:s25+$0x5B20];
	v1 =	vadd.f32 v2, v1;
	v2 =	vmul.f32 v13, v13  }
0x1f8: {  	v30 =	vld [tilespmem:s25+$0x5B30]  }
0x1f9: {  	v1 =	vadd.f32 v2, v1;
	v2 =	vmul.f32 v15, v15  }
0x1fa: {  	v29 =	vld [tilespmem:s25+$0x5B40]  }
0x1fb: {  	s29 =	simm.s32 $0x80;
	v28 =	vld [tilespmem:s25+$0x5B50];
	v1 =	vadd.f32 v2, v1  }
0x1fc: {  	v31 =	vld [tilespmem:s29+$0x5B60]  }
0x1fd: {  	v21 =	vld [tilespmem:s29+$0x5B70];
	v2 =	vmul.f32 v30, v30;
	(xrf2) =	vadd.scan.msk.f32 $0xffff, v1;
	v1 =	vmul.f32 v32, v32;
	_ =	sdelay $0x1  }
0x1fe: {  	v14 =	vld [tilespmem:s29+$0x5B80];
	v1 =	vadd.f32 v2, v1;
	v2 =	vmul.f32 v29, v29;
	_ =	sdelay $0x1  }
0x1ff: {  	v25 =	vld [tilespmem:s29+$0x5B90];
	v3 =	vmul.f32 v28, v28;
	v1 =	vadd.f32 v2, v1  }
0x200: {  	v4 =	vmul.f32 v21, v21;
	v2 =	vmul.f32 v31, v31  }
0x201: {  	v1 =	vadd.f32 v3, v1  }
0x202: {  	v7 =	vld [tilespmem:s29+$0x5B20];
	v2 =	vadd.f32 v4, v2;
	v3 =	vmul.f32 v14, v14  }
0x203: {  	v11 =	vld [tilespmem:s29+$0x5B30];
	(xrf2) =	vadd.scan.msk.f32 $0xffff, v1  }
0x204: {  	v2 =	vadd.f32 v3, v2;
	v3 =	vmul.f32 v25, v25  }
0x205: {  	v9 =	vld [tilespmem:s29+$0x5B40];
	v1, _, _ =	vpop (xrf2)  }
0x206: {  	v2 =	vadd.f32 v3, v2;
	v1 =	vperm.xlane v1, v0  }
0x207: {  	v6 =	vld [tilespmem:s29+$0x5B50]  }
0x208: {  	v4 =	vmul.f32 v11, v11;
	(xrf2) =	vadd.scan.msk.f32 $0xffff, v2;
	v2 =	vmul.f32 v7, v7;
	v1 =	vmax.f32 v1, $9.999999960e-13  }
0x209: {  	v3 =	vshrl.u32 v1, $0x1;
	v1 =	vmul.f32 $5.000000000e-01, v1  }
0x20a: {  	v2 =	vadd.f32 v4, v2;
	v4 =	vmul.f32 v9, v9;
	v3 =	vsub.s32 $0x5F3759DF, v3  }
0x20b: {  	s30 =	simm.s32 $0x100;
	v5 =	vmul.f32 v3, v1  }
0x20c: {  	v12 =	vld [tilespmem:s30+$0x5B60];
	v17 =	vmul.f32 v6, v6;
	v2 =	vadd.f32 v4, v2  }
0x20d: {  	v4 =	vld [tilespmem:s30+$0x5B70];
	v5 =	vmul.f32 v3, v5;
	v8, _, _ =	vpop (xrf2)  }
0x20e: {  	v2 =	vadd.f32 v17, v2;
	v8 =	vperm.xlane v8, v0  }
0x20f: {  	v5 =	vsub.f32 $1.500000000e+00, v5  }
0x210: {  	v8 =	vmax.f32 v8, $9.999999960e-13  }
0x211: {  	v17 =	vmul.f32 v3, v5;
	v18 =	vmul.f32 $5.000000000e-01, v8;
	v5 =	vshrl.u32 v8, $0x1  }
0x212: {  	(xrf2) =	vadd.scan.msk.f32 $0xffff, v2;
	v3 =	vld [tilespmem:s30+$0x5B80];
	v8 =	vmul.f32 v12, v12;
	v2, _, _ =	vpop (xrf2);
	v20 =	vsub.s32 $0x5F3759DF, v5;
	v5 =	vmul.f32 v4, v4  }
0x213: {  	v19 =	vld [tilespmem:s30+$0x5B90];
	v22 =	vperm.xlane v2, v0;
	v1 =	vmul.f32 v17, v1  }
0x214: {  	v2 =	vld [tilespmem:s30+$0x5B20];
	v23 =	vmul.f32 v20, v18  }
0x215: {  	v8 =	vadd.f32 v5, v8;
	v5 =	vmax.f32 v22, $9.999999960e-13;
	v24 =	vmul.f32 v1, v17;
	v1 =	vld [tilespmem:s30+$0x5B30]  }
0x216: {  	v26 =	vshrl.u32 v5, $0x1;
	v27 =	vmul.f32 $5.000000000e-01, v5;
	v23 =	vmul.f32 v20, v23;
	v5 =	vld [tilespmem:s30+$0x5B40]  }
0x217: {  	v22 =	vmul.f32 v3, v3;
	v26 =	vsub.s32 $0x5F3759DF, v26;
	v24 =	vsub.f32 $1.500000000e+00, v24  }
0x218: {  	v48 =	vmul.f32 v19, v19;
	v49 =	vmul.f32 v26, v27;
	v23 =	vsub.f32 $1.500000000e+00, v23  }
0x219: {  	v22 =	vadd.f32 v22, v8;
	v8 =	vld [tilespmem:s30+$0x5B50];
	v17 =	vmul.f32 v24, v17;
	v24 =	vmul.f32 v2, v2  }
0x21a: {  	v50 =	vmul.f32 v26, v49;
	v20 =	vmul.f32 v20, v23  }
0x21b: {  	v22 =	vadd.f32 v48, v22;
	v51 =	vmul.f32 v1, v1;
	v52 =	vmul.f32 v5, v5  }
0x21c: {  	v17 =	vmul.f32 $1.000000000e+01, v17;
	v23, _, _ =	vpop (xrf2);
	v18 =	vmul.f32 v20, v18  }
0x21d: {  	(xrf2) =	vadd.scan.msk.f32 $0xffff, v22;
	v22 =	vsub.f32 $1.500000000e+00, v50;
	v24 =	vadd.f32 v51, v24;
	v23 =	vperm.xlane v23, v0  }
0x21e: {  	v53 =	vmin.f32 v17, $1.000000000e+00;
	v17 =	vmul.f32 v8, v8;
	v18 =	vmul.f32 v18, v20  }
0x21f: {  	v22 =	vmul.f32 v26, v22;
	v24 =	vadd.f32 v52, v24;
	v23 =	vmax.f32 v23, $9.999999960e-13  }
0x220: {  	s31 =	simm.s32 $0x180;
	v55 =	vmul.f32 v53, v10;
	v26 =	vshrl.u32 v23, $0x1;
	v34 =	vmul.f32 $5.000000000e-01, v23  }
0x221: {  	v10 =	vld [tilespmem:s31+$0x5B20];
	v33 =	vmul.f32 v53, v13;
	v54 =	vsub.f32 $1.500000000e+00, v18;
	v35 =	vsub.s32 $0x5F3759DF, v26  }
0x222: {  	v13 =	vld [tilespmem:s31+$0x5B30];
	v23 =	vmul.f32 v22, v27;
	v17 =	vadd.f32 v17, v24;
	v24 =	vmul.f32 v35, v34  }
0x223: {  	v18 =	vld [tilespmem:s31+$0x5B70];
	v27 =	vmul.f32 v53, v15;
	v20 =	vmul.f32 v54, v20  }
0x224: {  	v15 =	vld [tilespmem:s31+$0x5B60];
	v23 =	vmul.f32 v23, v22;
	v24 =	vmul.f32 v35, v24  }
0x225: {  	v16 =	vmul.f32 v53, v16;
	v26 =	vimm.f32 $0.0e+00  }
0x226: {  	(xrf2) =	vadd.scan.msk.f32 $0xffff, v17;
	v56 =	vadd.f32 v27, v26;
	v17 =	vld [tilespmem:s31+$0x5B80];
	v20 =	vmul.f32 $1.000000000e+01, v20;
	v23 =	vsub.f32 $1.500000000e+00, v23  }
0x227: {  	v27 =	vadd.f32 v55, v26;
	v61 =	vmul.f32 v10, v10;
	v49 =	vmul.f32 v13, v13  }
0x228: {  	v59 =	vmul.f32 v18, v18;
	v57 =	vsub.f32 $1.500000000e+00, v24;
	v23 =	vmul.f32 v23, v22;
	v24, _, _ =	vpop (xrf2)  }
0x229: {  	v58 =	vmul.f32 v15, v15;
	v43 =	vmin.f32 v20, $1.000000000e+00;
	v22 =	vld [tilespmem:s31+$0x5B90];
	v60 =	vperm.xlane v24, v0  }
0x22a: {  	v41 =	vadd.f32 v49, v61;
	v24 =	vadd.f32 v16, v26;
	v16 =	vld [tilespmem:s31+$0x5B40];
	v23 =	vmul.f32 $1.000000000e+01, v23  }
0x22b: {  	v37 =	vadd.f32 v59, v58;
	v62 =	vmul.f32 v17, v17;
	v20 =	vmax.f32 v60, $9.999999960e-13  }
0x22c: {  	v39 =	vmin.f32 v23, $1.000000000e+00;
	v63 =	vshrl.u32 v20, $0x1;
	v48 =	vmul.f32 $5.000000000e-01, v20;
	v20 =	vld [tilespmem:s31+$0x5B50]  }
0x22d: {  	v61 =	vmul.f32 v43, v30;
	v25 =	vmul.f32 v39, v25;
	v50 =	vsub.s32 $0x5F3759DF, v63  }
0x22e: {  	v37 =	vadd.f32 v62, v37;
	v52 =	vmul.f32 v22, v22;
	v51 =	vmul.f32 v50, v48  }
0x22f: {  	v42 =	vmul.f32 v35, v57;
	v23 =	vadd.f32 v33, v26;
	v54 =	vmul.f32 v16, v16  }
0x230: {  	v53, _, _ =	vpop (xrf2);
	v25 =	vadd.f32 v25, v56;
	v55 =	vadd.f32 v52, v37;
	v33 =	vmul.f32 v50, v51  }
0x231: {  	v56 =	vperm.xlane v53, v0;
	v58 =	vadd.f32 v54, v41;
	v57 =	vmul.f32 v20, v20  }
0x232: {  	v45 =	vmul.f32 v43, v29;
	v59 =	vmul.f32 v43, v32;
	(xrf2) =	vadd.scan.msk.f32 $0xffff, v55;
	v33 =	vsub.f32 $1.500000000e+00, v33  }
0x233: {  	v34 =	vmul.f32 v42, v34;
	v60 =	vmax.f32 v56, $9.999999960e-13;
	v35 =	vadd.f32 v57, v58  }
0x234: {  	v30 =	vshrl.u32 v60, $0x1;
	v32 =	vmul.f32 $5.000000000e-01, v60;
	v41 =	vmul.f32 v50, v33  }
0x235: {  	v34 =	vmul.f32 v34, v42;
	v44 =	vmul.f32 v39, v31;
	v33 =	vsub.s32 $0x5F3759DF, v30;
	(xrf2) =	vadd.scan.msk.f32 $0xffff, v35  }
0x236: {  	s26 =	simm.s32 $0x200;
	v31 =	vadd.f32 v61, v26;
	v62 =	vmul.f32 v33, v32;
	v63 =	vmul.f32 v41, v48  }
0x237: {  	v29 =	vld [tilespmem:s26+$0x5B60];
	v43 =	vmul.f32 v43, v28;
	v30 =	vadd.f32 v59, v26;
	v48 =	vsub.f32 $1.500000000e+00, v34  }
0x238: {  	s25 =	simm.s32 $0xA00;
	v28 =	vld [tilespmem:s26+$0x5B70];
	v34 =	vimm.f32 $0.0e+00;
	v46 =	vmul.f32 v33, v62;
	v47 =	vmul.f32 v63, v41  }
.LBB2_9:
0x239: {  	p1 =	sne.s32 s25, $0x3000;
	v35 =	vld [tilespmem:s26+$0x5B20];
	v36 =	vmul.f32 v48, v42;
	v21 =	vmul.f32 v39, v21;
	v26 =	vadd.f32 v45, v26;
	v37 =	vmovc v8  }
0x23a: {  	v39 =	vmul.f32 v39, v14;
	v14 =	vmovc v3;
	v3 =	vmovc v17;
	v38 =	vsub.f32 $1.500000000e+00, v46;
	v40 =	vsub.f32 $1.500000000e+00, v47;
	v17 =	vld [tilespmem:s26+$0x5B80]  }
0x23b: {  	v27 =	vadd.f32 v44, v27;
	v34 =	vadd.f32 v43, v34;
	v8 =	vmovc v20;
	v43 =	vmovc v12;
	v46 =	vld [tilespmem:s26+$0x5B30];
	v36 =	vmul.f32 $1.000000000e+01, v36  }
0x23c: {  	v24 =	vadd.f32 v21, v24;
	v47 =	vld [tilespmem:s26+$0x5B40];
	v42 =	vmul.f32 v29, v29;
	v12, _, _ =	vpop (xrf2);
	v40 =	vmul.f32 v40, v41  }
0x23d: {  	v41 =	vld [tilespmem:s26+$0x5B90];
	v44 =	vmul.f32 v28, v28;
	v48 =	vperm.xlane v12, v0;
	v36 =	vmin.f32 v36, $1.000000000e+00;
	v12 =	vmovc v15;
	v15 =	vmovc v29  }
0x23e: {  	v23 =	vadd.f32 v39, v23;
	v21 =	vmovc v4;
	v4 =	vmovc v18;
	v20 =	vld [tilespmem:s26+$0x5B50];
	v29 =	vmul.f32 v35, v35;
	v40 =	vmul.f32 $1.000000000e+01, v40  }
0x23f: {  	v42 =	vadd.f32 v44, v42;
	v44 =	vmul.f32 v17, v17;
	v50 =	vmax.f32 v48, $9.999999960e-13;
	v45, _, _ =	vpop (xrf2)  }
0x240: {  	v18 =	vmovc v28;
	v48 =	vshrl.u32 v50, $0x1;
	v49 =	vmul.f32 $5.000000000e-01, v50;
	v39 =	vmin.f32 v40, $1.000000000e+00  }
0x241: {  	v28 =	vmul.f32 v46, v46;
	v40 =	vsub.s32 $0x5F3759DF, v48;
	v48 =	vmul.f32 v39, v19;
	v19 =	vmovc v22  }
0x242: {  	v42 =	vadd.f32 v44, v42;
	v44 =	vmul.f32 v41, v41;
	v50 =	vmul.f32 v40, v49;
	v22 =	vmovc v41  }
0x243: {  	v28 =	vadd.f32 v28, v29;
	v29 =	vmul.f32 v47, v47;
	v25 =	vadd.f32 v48, v25  }
0x244: {  	v41 =	vmul.f32 v20, v20;
	v44 =	vadd.f32 v44, v42;
	v48 =	vmul.f32 v40, v50  }
0x245: {  	v28 =	vadd.f32 v29, v28;
	v29 =	vperm.xlane v45, v0;
	v42 =	vmul.f32 v33, v38  }
0x246: {  	v38 =	vmul.f32 v36, v7;
	v50 =	vmul.f32 v36, v11;
	v7 =	vmovc v2;
	(xrf2) =	vadd.scan.msk.f32 $0xffff, v44;
	v33 =	vsub.f32 $1.500000000e+00, v48  }
0x247: {  	v2 =	vmovc v10;
	v10 =	vmovc v35;
	v28 =	vadd.f32 v41, v28;
	v44 =	vmax.f32 v29, $9.999999960e-13;
	v29 =	vmul.f32 v42, v32  }
.Ltmp5:
0x248: {  	v11 =	vmovc v1;
	v1 =	vmovc v13;
	v35 =	vshrl.u32 v44, $0x1;
	v32 =	vmul.f32 $5.000000000e-01, v44;
	v41 =	vmul.f32 v40, v33;
	(pc) =	sbr.rel @p1 .LBB2_9-.Ltmp5, $4  }
0x249: {  	v45 =	vmul.f32 v36, v9;
	v13 =	vmovc v46;
	v33 =	vsub.s32 $0x5F3759DF, v35;
	(xrf2) =	vadd.scan.msk.f32 $0xffff, v28;
	v28 =	vmul.f32 v29, v42  }
0x24a: {  	s26 =	sshra.s32 s25, $0x2;
	v9 =	vmovc v5;
	v30 =	vadd.f32 v38, v30;
	v35 =	vmul.f32 v33, v32;
	v40 =	vmul.f32 v41, v49  }
0x24b: {  	v5 =	vmovc v16;
	v16 =	vmovc v47;
	v44 =	vmul.f32 v39, v43;
	v43 =	vmul.f32 v36, v6;
	v29 =	vld [tilespmem:s26+$0x5B60];
	v48 =	vsub.f32 $1.500000000e+00, v28  }
0x24c: {  	s25 =	sadd.s32 $0x200, s25;
	v31 =	vadd.f32 v50, v31;
	v6 =	vmovc v37;
	v46 =	vmul.f32 v33, v35;
	v28 =	vld [tilespmem:s26+$0x5B70];
	v47 =	vmul.f32 v40, v41  }
0x24d: {  	v37 =	vld [tilespmem:s26+$0x5B80]  }
0x24e: {  	v36 =	vld [tilespmem:s26+$0x5B20]  }
0x24f: {  	v35 =	vld [tilespmem:s26+$0x5B30]  }
0x250: {  	v40 =	vld [tilespmem:s26+$0x5B90];
	v42 =	vmul.f32 v48, v42  }
0x251: {  	v38 =	vld [tilespmem:s26+$0x5B40];
	v59 =	vmul.f32 v39, v21;
	v14 =	vmul.f32 v39, v14  }
0x252: {  	v26 =	vadd.f32 v45, v26;
	v49 =	vmul.f32 v29, v29;
	v21, _, _ =	vpop (xrf2);
	v50 =	vmul.f32 v28, v28  }
0x253: {  	v27 =	vadd.f32 v44, v27;
	v51 =	vperm.xlane v21, v0;
	v21 =	vld [tilespmem:s26+$0x5B50];
	v58 =	vmul.f32 v37, v37  }
0x254: {  	v61 =	vmul.f32 v36, v36;
	v52 =	vmul.f32 v35, v35;
	v49 =	vadd.f32 v50, v49  }
0x255: {  	v34 =	vadd.f32 v43, v34;
	v47 =	vsub.f32 $1.500000000e+00, v47;
	v60 =	vmul.f32 v40, v40  }
0x256: {  	v53 =	vmul.f32 v38, v38;
	v45 =	vadd.f32 v52, v61;
	v49 =	vadd.f32 v58, v49  }
0x257: {  	v46 =	vsub.f32 $1.500000000e+00, v46;
	v42 =	vmul.f32 $1.000000000e+01, v42;
	v41 =	vmul.f32 v47, v41  }
0x258: {  	v45 =	vadd.f32 v53, v45;
	v56 =	vmul.f32 v21, v21;
	v62 =	vadd.f32 v60, v49  }
0x259: {  	v24 =	vadd.f32 v59, v24;
	v33 =	vmul.f32 v33, v46;
	v42 =	vmin.f32 v42, $1.000000000e+00  }
0x25a: {  	v41 =	vmul.f32 $1.000000000e+01, v41;
	v63 =	vmax.f32 v51, $9.999999960e-13;
	v45 =	vadd.f32 v56, v45;
	(xrf2) =	vadd.scan.msk.f32 $0xffff, v62  }
0x25b: {  	v7 =	vmul.f32 v42, v7;
	v54 =	vshrl.u32 v63, $0x1;
	v55 =	vmul.f32 $5.000000000e-01, v63  }
0x25c: {  	v32 =	vmul.f32 v33, v32;
	v11 =	vmul.f32 v42, v11;
	v39 =	vsub.s32 $0x5F3759DF, v54;
	v58, _, _ =	vpop (xrf2);
	(xrf2) =	vadd.scan.msk.f32 $0xffff, v45  }
0x25d: {  	v14 =	vadd.f32 v14, v23;
	v9 =	vmul.f32 v42, v9;
	v57 =	vmul.f32 v39, v55  }
0x25e: {  	v6 =	vmul.f32 v42, v6;
	v41 =	vmin.f32 v41, $1.000000000e+00;
	v32 =	vmul.f32 v32, v33  }
0x25f: {  	v7 =	vadd.f32 v7, v30;
	v43 =	vperm.xlane v58, v0;
	v44 =	vmul.f32 v39, v57  }
0x260: {  	v11 =	vadd.f32 v11, v31;
	v19 =	vmul.f32 v41, v19;
	v12 =	vmul.f32 v41, v12  }
0x261: {  	v4 =	vmul.f32 v41, v4;
	v43 =	vmax.f32 v43, $9.999999960e-13;
	v44 =	vsub.f32 $1.500000000e+00, v44  }
0x262: {  	v30 =	vsub.f32 $1.500000000e+00, v32;
	v59 =	vshrl.u32 v43, $0x1;
	v43 =	vmul.f32 $5.000000000e-01, v43  }
0x263: {  	v3 =	vmul.f32 v41, v3;
	v60 =	vsub.s32 $0x5F3759DF, v59;
	v39 =	vmul.f32 v39, v44  }
0x264: {  	v9 =	vadd.f32 v9, v26;
	v30 =	vmul.f32 v30, v33;
	v23 =	vmul.f32 v60, v43;
	v61, _, _ =	vpop (xrf2)  }
0x265: {  	v19 =	vadd.f32 v19, v25;
	v25 =	vmul.f32 v39, v55;
	v45 =	vperm.xlane v61, v0  }
0x266: {  	v12 =	vadd.f32 v12, v27;
	v30 =	vmul.f32 $1.000000000e+01, v30;
	v23 =	vmul.f32 v60, v23;
	v31, _, _ =	vpop (xrf2)  }
0x267: {  	v25 =	vmul.f32 v25, v39;
	v31 =	vperm.xlane v31, v0;
	v62 =	vmax.f32 v45, $9.999999960e-13  }
0x268: {  	v23 =	vsub.f32 $1.500000000e+00, v23;
	v63 =	vshrl.u32 v62, $0x1;
	v32 =	vmul.f32 $5.000000000e-01, v62  }
0x269: {  	v25 =	vsub.f32 $1.500000000e+00, v25;
	v31 =	vmax.f32 v31, $9.999999960e-13;
	v45 =	vsub.s32 $0x5F3759DF, v63  }
0x26a: {  	v46 =	vshrl.u32 v31, $0x1;
	v31 =	vmul.f32 $5.000000000e-01, v31;
	v42 =	vmul.f32 v45, v32  }
0x26b: {  	v23 =	vmul.f32 v60, v23;
	v25 =	vmul.f32 v25, v39;
	v39 =	vsub.s32 $0x5F3759DF, v46  }
0x26c: {  	v30 =	vmin.f32 v30, $1.000000000e+00;
	v27 =	vmul.f32 v39, v31;
	v26 =	vmul.f32 v45, v42  }
0x26d: {  	v6 =	vadd.f32 v6, v34;
	v2 =	vmul.f32 v30, v2;
	v47 =	vmul.f32 v23, v43  }
0x26e: {  	v25 =	vmul.f32 $1.000000000e+01, v25;
	v27 =	vmul.f32 v39, v27;
	v26 =	vsub.f32 $1.500000000e+00, v26  }
0x26f: {  	v4 =	vadd.f32 v4, v24;
	v1 =	vmul.f32 v30, v1;
	v24 =	vmul.f32 v47, v23  }
0x270: {  	v25 =	vmin.f32 v25, $1.000000000e+00;
	v27 =	vsub.f32 $1.500000000e+00, v27;
	v26 =	vmul.f32 v45, v26  }
0x271: {  	v5 =	vmul.f32 v30, v5;
	v24 =	vsub.f32 $1.500000000e+00, v24;
	v22 =	vmul.f32 v25, v22  }
0x272: {  	v3 =	vadd.f32 v3, v14;
	v14 =	vmul.f32 v39, v27;
	v32 =	vmul.f32 v26, v32  }
0x273: {  	v8 =	vmul.f32 v30, v8;
	v2 =	vadd.f32 v2, v7;
	v7 =	vmul.f32 v24, v23  }
0x274: {  	v19 =	vadd.f32 v22, v19;
	v22 =	vmul.f32 v14, v31;
	v32 =	vmul.f32 v32, v26  }
0x275: {  	v1 =	vadd.f32 v1, v11;
	v15 =	vmul.f32 v25, v15;
	v11 =	vmul.f32 v25, v18  }
0x276: {  	v7 =	vmul.f32 $1.000000000e+01, v7;
	v18 =	vmul.f32 v22, v14;
	v27 =	vsub.f32 $1.500000000e+00, v32  }
0x277: {  	v5 =	vadd.f32 v5, v9;
	v9 =	vmul.f32 v25, v17;
	v12 =	vadd.f32 v15, v12  }
0x278: {  	v7 =	vmin.f32 v7, $1.000000000e+00;
	v15 =	vsub.f32 $1.500000000e+00, v18;
	v23 =	vmul.f32 v27, v26  }
0x279: {  	v3 =	vadd.f32 v9, v3;
	v9 =	vmul.f32 v7, v10;
	v10 =	vmul.f32 v7, v13  }
0x27a: {  	v6 =	vadd.f32 v8, v6;
	v14 =	vmul.f32 v15, v14;
	v17 =	vmul.f32 $1.000000000e+01, v23  }
0x27b: {  	v4 =	vadd.f32 v11, v4;
	v13 =	vmul.f32 v7, v16;
	v7 =	vmul.f32 v7, v20  }
0x27c: {  	v2 =	vadd.f32 v9, v2;
	v14 =	vmul.f32 $1.000000000e+01, v14;
	v8 =	vmin.f32 v17, $1.000000000e+00  }
0x27d: {  	v1 =	vadd.f32 v10, v1;
	v5 =	vadd.f32 v13, v5;
	v11 =	vmul.f32 v8, v40  }
0x27e: {  	v9 =	vmul.f32 v8, v29;
	v10 =	vmul.f32 v8, v28;
	v14 =	vmin.f32 v14, $1.000000000e+00  }
0x27f: {  	v6 =	vadd.f32 v7, v6;
	v8 =	vmul.f32 v8, v37;
	v13 =	vmul.f32 v14, v36  }
0x280: {  	v7 =	vmul.f32 v14, v35;
	v11 =	vadd.f32 v11, v19;
	v9 =	vadd.f32 v9, v12  }
0x281: {  	v4 =	vadd.f32 v10, v4;
	v10 =	vmul.f32 v14, v38;
	v2 =	vadd.f32 v13, v2  }
0x282: {  	v3 =	vadd.f32 v8, v3;
	v8 =	vmul.f32 v14, v21;
	v1 =	vadd.f32 v7, v1  }
0x283: {  	v5 =	vadd.f32 v10, v5;
	v2 =	vadd.f32 v9, v2  }
0x284: {  	v6 =	vadd.f32 v8, v6;
	v1 =	vadd.f32 v4, v1  }
0x285: {  	v3 =	vadd.f32 v3, v5;
	v2 =	vmul.f32 $1.999999960e-02, v2  }
0x286: {  	v4 =	vadd.f32 v11, v6;
	v1 =	vmul.f32 $1.999999960e-02, v1  }
0x287: {  	[tilespmem:s23+$0x9A60] =	vst v2;
	v2 =	vmul.f32 $1.999999960e-02, v3  }
0x288: {  	[tilespmem:s23+$0x9A70] =	vst v1;
	v1 =	vmul.f32 $1.999999960e-02, v4  }
0x289: {  	[tilespmem:s23+$0x9A80] =	vst v2  }
0x28a: {  	s25 =	sadd.s32 @!p0 $0x208, s24;
	s28 =	simm.s32 @!p0 $0x4EA0;
	s26 =	simm.s32 @!p0 $0x64;
	[tilespmem:s23+$0x9A90] =	vst v1  }
0x28b: {  	[tilespmem:s28], [sflag:$0x2] =	stream.indirect.gather @!p0 [hbm4b:s3+s26], $0x40, s25, s26, $0xb8;
	[tilespmem:$0xDBA0] =	vst v63  }
0x28c: {  	_ =	swait.ge [sflag:s18], $0x1900  }
0x28d: {  	[sflag:s18] =	ssyncset.done $0x0  }
0x28e: {  	s28 =	simm.s32 $0x0;
	[sflag:s18] =	ssyncadd.s32 $0xFFFFE700  }
0x28f: {  	v10 =	vld [tilespmem:s28+$0x67E0]  }
0x290: {  	v16 =	vld [tilespmem:s28+$0x67F0];
	_ =	sdelay $0x1  }
0x291: {  	v13 =	vld [tilespmem:s28+$0x6800];
	_ =	sdelay $0x1  }
0x292: {  	v15 =	vld [tilespmem:s28+$0x6810]  }
0x293: {  	v1 =	vmul.f32 v10, v10;
	v2 =	vmul.f32 v16, v16;
	_ =	sdelay $0x1  }
0x294: {  	v32 =	vld [tilespmem:s28+$0x67A0];
	v1 =	vadd.f32 v2, v1;
	v2 =	vmul.f32 v13, v13  }
0x295: {  	v30 =	vld [tilespmem:s28+$0x67B0]  }
0x296: {  	v1 =	vadd.f32 v2, v1;
	v2 =	vmul.f32 v15, v15  }
0x297: {  	v29 =	vld [tilespmem:s28+$0x67C0]  }
0x298: {  	s29 =	simm.s32 $0x80;
	v28 =	vld [tilespmem:s28+$0x67D0];
	v1 =	vadd.f32 v2, v1  }
0x299: {  	v31 =	vld [tilespmem:s29+$0x67E0]  }
0x29a: {  	v21 =	vld [tilespmem:s29+$0x67F0];
	v2 =	vmul.f32 v30, v30;
	(xrf2) =	vadd.scan.msk.f32 $0xffff, v1;
	v1 =	vmul.f32 v32, v32;
	_ =	sdelay $0x1  }
0x29b: {  	v14 =	vld [tilespmem:s29+$0x6800];
	v1 =	vadd.f32 v2, v1;
	v2 =	vmul.f32 v29, v29;
	_ =	sdelay $0x1  }
0x29c: {  	v25 =	vld [tilespmem:s29+$0x6810];
	v3 =	vmul.f32 v28, v28;
	v1 =	vadd.f32 v2, v1  }
0x29d: {  	v4 =	vmul.f32 v21, v21;
	v2 =	vmul.f32 v31, v31  }
0x29e: {  	v1 =	vadd.f32 v3, v1  }
0x29f: {  	v7 =	vld [tilespmem:s29+$0x67A0];
	v2 =	vadd.f32 v4, v2;
	v3 =	vmul.f32 v14, v14  }
0x2a0: {  	v11 =	vld [tilespmem:s29+$0x67B0];
	(xrf2) =	vadd.scan.msk.f32 $0xffff, v1  }
0x2a1: {  	v2 =	vadd.f32 v3, v2;
	v3 =	vmul.f32 v25, v25  }
0x2a2: {  	v9 =	vld [tilespmem:s29+$0x67C0];
	v1, _, _ =	vpop (xrf2)  }
0x2a3: {  	v2 =	vadd.f32 v3, v2;
	v1 =	vperm.xlane v1, v0  }
0x2a4: {  	v6 =	vld [tilespmem:s29+$0x67D0]  }
0x2a5: {  	v4 =	vmul.f32 v11, v11;
	(xrf2) =	vadd.scan.msk.f32 $0xffff, v2;
	v2 =	vmul.f32 v7, v7;
	v1 =	vmax.f32 v1, $9.999999960e-13  }
0x2a6: {  	v3 =	vshrl.u32 v1, $0x1;
	v1 =	vmul.f32 $5.000000000e-01, v1  }
0x2a7: {  	v2 =	vadd.f32 v4, v2;
	v4 =	vmul.f32 v9, v9;
	v3 =	vsub.s32 $0x5F3759DF, v3  }
0x2a8: {  	s30 =	simm.s32 $0x100;
	v5 =	vmul.f32 v3, v1  }
0x2a9: {  	v12 =	vld [tilespmem:s30+$0x67E0];
	v17 =	vmul.f32 v6, v6;
	v2 =	vadd.f32 v4, v2  }
0x2aa: {  	v4 =	vld [tilespmem:s30+$0x67F0];
	v5 =	vmul.f32 v3, v5;
	v8, _, _ =	vpop (xrf2)  }
0x2ab: {  	v2 =	vadd.f32 v17, v2;
	v8 =	vperm.xlane v8, v0  }
0x2ac: {  	v5 =	vsub.f32 $1.500000000e+00, v5  }
0x2ad: {  	v8 =	vmax.f32 v8, $9.999999960e-13  }
0x2ae: {  	v17 =	vmul.f32 v3, v5;
	v18 =	vmul.f32 $5.000000000e-01, v8;
	v5 =	vshrl.u32 v8, $0x1  }
0x2af: {  	(xrf2) =	vadd.scan.msk.f32 $0xffff, v2;
	v3 =	vld [tilespmem:s30+$0x6800];
	v8 =	vmul.f32 v12, v12;
	v2, _, _ =	vpop (xrf2);
	v20 =	vsub.s32 $0x5F3759DF, v5;
	v5 =	vmul.f32 v4, v4  }
0x2b0: {  	v19 =	vld [tilespmem:s30+$0x6810];
	v22 =	vperm.xlane v2, v0;
	v1 =	vmul.f32 v17, v1  }
0x2b1: {  	v2 =	vld [tilespmem:s30+$0x67A0];
	v23 =	vmul.f32 v20, v18  }
0x2b2: {  	v8 =	vadd.f32 v5, v8;
	v5 =	vmax.f32 v22, $9.999999960e-13;
	v24 =	vmul.f32 v1, v17;
	v1 =	vld [tilespmem:s30+$0x67B0]  }
0x2b3: {  	v26 =	vshrl.u32 v5, $0x1;
	v27 =	vmul.f32 $5.000000000e-01, v5;
	v23 =	vmul.f32 v20, v23;
	v5 =	vld [tilespmem:s30+$0x67C0]  }
0x2b4: {  	v22 =	vmul.f32 v3, v3;
	v26 =	vsub.s32 $0x5F3759DF, v26;
	v24 =	vsub.f32 $1.500000000e+00, v24  }
0x2b5: {  	v48 =	vmul.f32 v19, v19;
	v49 =	vmul.f32 v26, v27;
	v23 =	vsub.f32 $1.500000000e+00, v23  }
0x2b6: {  	v22 =	vadd.f32 v22, v8;
	v8 =	vld [tilespmem:s30+$0x67D0];
	v17 =	vmul.f32 v24, v17;
	v24 =	vmul.f32 v2, v2  }
0x2b7: {  	v50 =	vmul.f32 v26, v49;
	v20 =	vmul.f32 v20, v23  }
0x2b8: {  	v22 =	vadd.f32 v48, v22;
	v51 =	vmul.f32 v1, v1;
	v52 =	vmul.f32 v5, v5  }
0x2b9: {  	v17 =	vmul.f32 $1.000000000e+01, v17;
	v23, _, _ =	vpop (xrf2);
	v18 =	vmul.f32 v20, v18  }
0x2ba: {  	(xrf2) =	vadd.scan.msk.f32 $0xffff, v22;
	v22 =	vsub.f32 $1.500000000e+00, v50;
	v24 =	vadd.f32 v51, v24;
	v23 =	vperm.xlane v23, v0  }
0x2bb: {  	v53 =	vmin.f32 v17, $1.000000000e+00;
	v17 =	vmul.f32 v8, v8;
	v18 =	vmul.f32 v18, v20  }
0x2bc: {  	v22 =	vmul.f32 v26, v22;
	v24 =	vadd.f32 v52, v24;
	v23 =	vmax.f32 v23, $9.999999960e-13  }
0x2bd: {  	s31 =	simm.s32 $0x180;
	v55 =	vmul.f32 v53, v10;
	v26 =	vshrl.u32 v23, $0x1;
	v34 =	vmul.f32 $5.000000000e-01, v23  }
0x2be: {  	v10 =	vld [tilespmem:s31+$0x67A0];
	v33 =	vmul.f32 v53, v13;
	v54 =	vsub.f32 $1.500000000e+00, v18;
	v35 =	vsub.s32 $0x5F3759DF, v26  }
0x2bf: {  	v13 =	vld [tilespmem:s31+$0x67B0];
	v23 =	vmul.f32 v22, v27;
	v17 =	vadd.f32 v17, v24;
	v24 =	vmul.f32 v35, v34  }
0x2c0: {  	v18 =	vld [tilespmem:s31+$0x67F0];
	v27 =	vmul.f32 v53, v15;
	v20 =	vmul.f32 v54, v20  }
0x2c1: {  	v15 =	vld [tilespmem:s31+$0x67E0];
	v23 =	vmul.f32 v23, v22;
	v24 =	vmul.f32 v35, v24  }
0x2c2: {  	v16 =	vmul.f32 v53, v16;
	v26 =	vimm.f32 $0.0e+00  }
0x2c3: {  	(xrf2) =	vadd.scan.msk.f32 $0xffff, v17;
	v56 =	vadd.f32 v27, v26;
	v17 =	vld [tilespmem:s31+$0x6800];
	v20 =	vmul.f32 $1.000000000e+01, v20;
	v23 =	vsub.f32 $1.500000000e+00, v23  }
0x2c4: {  	v27 =	vadd.f32 v55, v26;
	v61 =	vmul.f32 v10, v10;
	v49 =	vmul.f32 v13, v13  }
0x2c5: {  	v59 =	vmul.f32 v18, v18;
	v57 =	vsub.f32 $1.500000000e+00, v24;
	v23 =	vmul.f32 v23, v22;
	v24, _, _ =	vpop (xrf2)  }
0x2c6: {  	v58 =	vmul.f32 v15, v15;
	v43 =	vmin.f32 v20, $1.000000000e+00;
	v22 =	vld [tilespmem:s31+$0x6810];
	v60 =	vperm.xlane v24, v0  }
0x2c7: {  	v41 =	vadd.f32 v49, v61;
	v24 =	vadd.f32 v16, v26;
	v16 =	vld [tilespmem:s31+$0x67C0];
	v23 =	vmul.f32 $1.000000000e+01, v23  }
0x2c8: {  	v37 =	vadd.f32 v59, v58;
	v62 =	vmul.f32 v17, v17;
	v20 =	vmax.f32 v60, $9.999999960e-13  }
0x2c9: {  	v39 =	vmin.f32 v23, $1.000000000e+00;
	v63 =	vshrl.u32 v20, $0x1;
	v48 =	vmul.f32 $5.000000000e-01, v20;
	v20 =	vld [tilespmem:s31+$0x67D0]  }
0x2ca: {  	v61 =	vmul.f32 v43, v30;
	v25 =	vmul.f32 v39, v25;
	v50 =	vsub.s32 $0x5F3759DF, v63  }
0x2cb: {  	v37 =	vadd.f32 v62, v37;
	v52 =	vmul.f32 v22, v22;
	v51 =	vmul.f32 v50, v48  }
0x2cc: {  	v42 =	vmul.f32 v35, v57;
	v23 =	vadd.f32 v33, v26;
	v54 =	vmul.f32 v16, v16  }
0x2cd: {  	v53, _, _ =	vpop (xrf2);
	v25 =	vadd.f32 v25, v56;
	v55 =	vadd.f32 v52, v37;
	v33 =	vmul.f32 v50, v51  }
0x2ce: {  	v56 =	vperm.xlane v53, v0;
	v58 =	vadd.f32 v54, v41;
	v57 =	vmul.f32 v20, v20  }
0x2cf: {  	v45 =	vmul.f32 v43, v29;
	v59 =	vmul.f32 v43, v32;
	(xrf2) =	vadd.scan.msk.f32 $0xffff, v55;
	v33 =	vsub.f32 $1.500000000e+00, v33  }
0x2d0: {  	v34 =	vmul.f32 v42, v34;
	v60 =	vmax.f32 v56, $9.999999960e-13;
	v35 =	vadd.f32 v57, v58  }
0x2d1: {  	v30 =	vshrl.u32 v60, $0x1;
	v32 =	vmul.f32 $5.000000000e-01, v60;
	v41 =	vmul.f32 v50, v33  }
0x2d2: {  	v34 =	vmul.f32 v34, v42;
	v44 =	vmul.f32 v39, v31;
	v33 =	vsub.s32 $0x5F3759DF, v30;
	(xrf2) =	vadd.scan.msk.f32 $0xffff, v35  }
0x2d3: {  	s26 =	simm.s32 $0x200;
	v31 =	vadd.f32 v61, v26;
	v62 =	vmul.f32 v33, v32;
	v63 =	vmul.f32 v41, v48  }
0x2d4: {  	v29 =	vld [tilespmem:s26+$0x67E0];
	v43 =	vmul.f32 v43, v28;
	v30 =	vadd.f32 v59, v26;
	v48 =	vsub.f32 $1.500000000e+00, v34  }
0x2d5: {  	s25 =	simm.s32 $0xA00;
	v28 =	vld [tilespmem:s26+$0x67F0];
	v34 =	vimm.f32 $0.0e+00;
	v46 =	vmul.f32 v33, v62;
	v47 =	vmul.f32 v63, v41  }
.LBB2_11:
0x2d6: {  	p1 =	sne.s32 s25, $0x3000;
	v35 =	vld [tilespmem:s26+$0x67A0];
	v36 =	vmul.f32 v48, v42;
	v21 =	vmul.f32 v39, v21;
	v26 =	vadd.f32 v45, v26;
	v37 =	vmovc v8  }
0x2d7: {  	v39 =	vmul.f32 v39, v14;
	v14 =	vmovc v3;
	v3 =	vmovc v17;
	v38 =	vsub.f32 $1.500000000e+00, v46;
	v40 =	vsub.f32 $1.500000000e+00, v47;
	v17 =	vld [tilespmem:s26+$0x6800]  }
0x2d8: {  	v27 =	vadd.f32 v44, v27;
	v34 =	vadd.f32 v43, v34;
	v8 =	vmovc v20;
	v43 =	vmovc v12;
	v46 =	vld [tilespmem:s26+$0x67B0];
	v36 =	vmul.f32 $1.000000000e+01, v36  }
0x2d9: {  	v24 =	vadd.f32 v21, v24;
	v47 =	vld [tilespmem:s26+$0x67C0];
	v42 =	vmul.f32 v29, v29;
	v12, _, _ =	vpop (xrf2);
	v40 =	vmul.f32 v40, v41  }
0x2da: {  	v41 =	vld [tilespmem:s26+$0x6810];
	v44 =	vmul.f32 v28, v28;
	v48 =	vperm.xlane v12, v0;
	v36 =	vmin.f32 v36, $1.000000000e+00;
	v12 =	vmovc v15;
	v15 =	vmovc v29  }
0x2db: {  	v23 =	vadd.f32 v39, v23;
	v21 =	vmovc v4;
	v4 =	vmovc v18;
	v20 =	vld [tilespmem:s26+$0x67D0];
	v29 =	vmul.f32 v35, v35;
	v40 =	vmul.f32 $1.000000000e+01, v40  }
0x2dc: {  	v42 =	vadd.f32 v44, v42;
	v44 =	vmul.f32 v17, v17;
	v50 =	vmax.f32 v48, $9.999999960e-13;
	v45, _, _ =	vpop (xrf2)  }
0x2dd: {  	v18 =	vmovc v28;
	v48 =	vshrl.u32 v50, $0x1;
	v49 =	vmul.f32 $5.000000000e-01, v50;
	v39 =	vmin.f32 v40, $1.000000000e+00  }
0x2de: {  	v28 =	vmul.f32 v46, v46;
	v40 =	vsub.s32 $0x5F3759DF, v48;
	v48 =	vmul.f32 v39, v19;
	v19 =	vmovc v22  }
0x2df: {  	v42 =	vadd.f32 v44, v42;
	v44 =	vmul.f32 v41, v41;
	v50 =	vmul.f32 v40, v49;
	v22 =	vmovc v41  }
0x2e0: {  	v28 =	vadd.f32 v28, v29;
	v29 =	vmul.f32 v47, v47;
	v25 =	vadd.f32 v48, v25  }
0x2e1: {  	v41 =	vmul.f32 v20, v20;
	v44 =	vadd.f32 v44, v42;
	v48 =	vmul.f32 v40, v50  }
0x2e2: {  	v28 =	vadd.f32 v29, v28;
	v29 =	vperm.xlane v45, v0;
	v42 =	vmul.f32 v33, v38  }
0x2e3: {  	v38 =	vmul.f32 v36, v7;
	v50 =	vmul.f32 v36, v11;
	v7 =	vmovc v2;
	(xrf2) =	vadd.scan.msk.f32 $0xffff, v44;
	v33 =	vsub.f32 $1.500000000e+00, v48  }
0x2e4: {  	v2 =	vmovc v10;
	v10 =	vmovc v35;
	v28 =	vadd.f32 v41, v28;
	v44 =	vmax.f32 v29, $9.999999960e-13;
	v29 =	vmul.f32 v42, v32  }
.Ltmp6:
0x2e5: {  	v11 =	vmovc v1;
	v1 =	vmovc v13;
	v35 =	vshrl.u32 v44, $0x1;
	v32 =	vmul.f32 $5.000000000e-01, v44;
	v41 =	vmul.f32 v40, v33;
	(pc) =	sbr.rel @p1 .LBB2_11-.Ltmp6, $4  }
0x2e6: {  	v45 =	vmul.f32 v36, v9;
	v13 =	vmovc v46;
	v33 =	vsub.s32 $0x5F3759DF, v35;
	(xrf2) =	vadd.scan.msk.f32 $0xffff, v28;
	v28 =	vmul.f32 v29, v42  }
0x2e7: {  	s26 =	sshra.s32 s25, $0x2;
	v9 =	vmovc v5;
	v30 =	vadd.f32 v38, v30;
	v35 =	vmul.f32 v33, v32;
	v40 =	vmul.f32 v41, v49  }
0x2e8: {  	v5 =	vmovc v16;
	v16 =	vmovc v47;
	v44 =	vmul.f32 v39, v43;
	v43 =	vmul.f32 v36, v6;
	v29 =	vld [tilespmem:s26+$0x67E0];
	v48 =	vsub.f32 $1.500000000e+00, v28  }
0x2e9: {  	s25 =	sadd.s32 $0x200, s25;
	v31 =	vadd.f32 v50, v31;
	v6 =	vmovc v37;
	v46 =	vmul.f32 v33, v35;
	v28 =	vld [tilespmem:s26+$0x67F0];
	v47 =	vmul.f32 v40, v41  }
0x2ea: {  	v37 =	vld [tilespmem:s26+$0x6800]  }
0x2eb: {  	v36 =	vld [tilespmem:s26+$0x67A0]  }
0x2ec: {  	v35 =	vld [tilespmem:s26+$0x67B0]  }
0x2ed: {  	v40 =	vld [tilespmem:s26+$0x6810];
	v42 =	vmul.f32 v48, v42  }
0x2ee: {  	v38 =	vld [tilespmem:s26+$0x67C0];
	v59 =	vmul.f32 v39, v21;
	v14 =	vmul.f32 v39, v14  }
0x2ef: {  	v26 =	vadd.f32 v45, v26;
	v49 =	vmul.f32 v29, v29;
	v21, _, _ =	vpop (xrf2);
	v50 =	vmul.f32 v28, v28  }
0x2f0: {  	v27 =	vadd.f32 v44, v27;
	v51 =	vperm.xlane v21, v0;
	v21 =	vld [tilespmem:s26+$0x67D0];
	v58 =	vmul.f32 v37, v37  }
0x2f1: {  	v61 =	vmul.f32 v36, v36;
	v52 =	vmul.f32 v35, v35;
	v49 =	vadd.f32 v50, v49  }
0x2f2: {  	v34 =	vadd.f32 v43, v34;
	v47 =	vsub.f32 $1.500000000e+00, v47;
	v60 =	vmul.f32 v40, v40  }
0x2f3: {  	v53 =	vmul.f32 v38, v38;
	v45 =	vadd.f32 v52, v61;
	v49 =	vadd.f32 v58, v49  }
0x2f4: {  	v46 =	vsub.f32 $1.500000000e+00, v46;
	v42 =	vmul.f32 $1.000000000e+01, v42;
	v41 =	vmul.f32 v47, v41  }
0x2f5: {  	v45 =	vadd.f32 v53, v45;
	v56 =	vmul.f32 v21, v21;
	v62 =	vadd.f32 v60, v49  }
0x2f6: {  	v24 =	vadd.f32 v59, v24;
	v33 =	vmul.f32 v33, v46;
	v42 =	vmin.f32 v42, $1.000000000e+00  }
0x2f7: {  	v41 =	vmul.f32 $1.000000000e+01, v41;
	v63 =	vmax.f32 v51, $9.999999960e-13;
	v45 =	vadd.f32 v56, v45;
	(xrf2) =	vadd.scan.msk.f32 $0xffff, v62  }
0x2f8: {  	v7 =	vmul.f32 v42, v7;
	v54 =	vshrl.u32 v63, $0x1;
	v55 =	vmul.f32 $5.000000000e-01, v63  }
0x2f9: {  	v32 =	vmul.f32 v33, v32;
	v11 =	vmul.f32 v42, v11;
	v39 =	vsub.s32 $0x5F3759DF, v54;
	v58, _, _ =	vpop (xrf2);
	(xrf2) =	vadd.scan.msk.f32 $0xffff, v45  }
0x2fa: {  	v14 =	vadd.f32 v14, v23;
	v9 =	vmul.f32 v42, v9;
	v57 =	vmul.f32 v39, v55  }
0x2fb: {  	v6 =	vmul.f32 v42, v6;
	v41 =	vmin.f32 v41, $1.000000000e+00;
	v32 =	vmul.f32 v32, v33  }
0x2fc: {  	v7 =	vadd.f32 v7, v30;
	v43 =	vperm.xlane v58, v0;
	v44 =	vmul.f32 v39, v57  }
0x2fd: {  	v11 =	vadd.f32 v11, v31;
	v19 =	vmul.f32 v41, v19;
	v12 =	vmul.f32 v41, v12  }
0x2fe: {  	v4 =	vmul.f32 v41, v4;
	v43 =	vmax.f32 v43, $9.999999960e-13;
	v44 =	vsub.f32 $1.500000000e+00, v44  }
0x2ff: {  	v30 =	vsub.f32 $1.500000000e+00, v32;
	v59 =	vshrl.u32 v43, $0x1;
	v43 =	vmul.f32 $5.000000000e-01, v43  }
0x300: {  	v3 =	vmul.f32 v41, v3;
	v60 =	vsub.s32 $0x5F3759DF, v59;
	v39 =	vmul.f32 v39, v44  }
0x301: {  	v9 =	vadd.f32 v9, v26;
	v30 =	vmul.f32 v30, v33;
	v23 =	vmul.f32 v60, v43;
	v61, _, _ =	vpop (xrf2)  }
0x302: {  	v19 =	vadd.f32 v19, v25;
	v25 =	vmul.f32 v39, v55;
	v45 =	vperm.xlane v61, v0  }
0x303: {  	v12 =	vadd.f32 v12, v27;
	v30 =	vmul.f32 $1.000000000e+01, v30;
	v23 =	vmul.f32 v60, v23;
	v31, _, _ =	vpop (xrf2)  }
0x304: {  	v25 =	vmul.f32 v25, v39;
	v31 =	vperm.xlane v31, v0;
	v62 =	vmax.f32 v45, $9.999999960e-13  }
0x305: {  	v23 =	vsub.f32 $1.500000000e+00, v23;
	v63 =	vshrl.u32 v62, $0x1;
	v32 =	vmul.f32 $5.000000000e-01, v62  }
0x306: {  	v25 =	vsub.f32 $1.500000000e+00, v25;
	v31 =	vmax.f32 v31, $9.999999960e-13;
	v45 =	vsub.s32 $0x5F3759DF, v63  }
0x307: {  	v46 =	vshrl.u32 v31, $0x1;
	v31 =	vmul.f32 $5.000000000e-01, v31;
	v42 =	vmul.f32 v45, v32  }
0x308: {  	v23 =	vmul.f32 v60, v23;
	v25 =	vmul.f32 v25, v39;
	v39 =	vsub.s32 $0x5F3759DF, v46  }
0x309: {  	v30 =	vmin.f32 v30, $1.000000000e+00;
	v27 =	vmul.f32 v39, v31;
	v26 =	vmul.f32 v45, v42  }
0x30a: {  	v6 =	vadd.f32 v6, v34;
	v2 =	vmul.f32 v30, v2;
	v47 =	vmul.f32 v23, v43  }
0x30b: {  	v25 =	vmul.f32 $1.000000000e+01, v25;
	v27 =	vmul.f32 v39, v27;
	v26 =	vsub.f32 $1.500000000e+00, v26  }
0x30c: {  	v4 =	vadd.f32 v4, v24;
	v1 =	vmul.f32 v30, v1;
	v24 =	vmul.f32 v47, v23  }
0x30d: {  	v25 =	vmin.f32 v25, $1.000000000e+00;
	v27 =	vsub.f32 $1.500000000e+00, v27;
	v26 =	vmul.f32 v45, v26  }
0x30e: {  	v5 =	vmul.f32 v30, v5;
	v24 =	vsub.f32 $1.500000000e+00, v24;
	v22 =	vmul.f32 v25, v22  }
0x30f: {  	v3 =	vadd.f32 v3, v14;
	v14 =	vmul.f32 v39, v27;
	v32 =	vmul.f32 v26, v32  }
0x310: {  	v8 =	vmul.f32 v30, v8;
	v2 =	vadd.f32 v2, v7;
	v7 =	vmul.f32 v24, v23  }
0x311: {  	v19 =	vadd.f32 v22, v19;
	v22 =	vmul.f32 v14, v31;
	v32 =	vmul.f32 v32, v26  }
0x312: {  	v1 =	vadd.f32 v1, v11;
	v15 =	vmul.f32 v25, v15;
	v11 =	vmul.f32 v25, v18  }
0x313: {  	v7 =	vmul.f32 $1.000000000e+01, v7;
	v18 =	vmul.f32 v22, v14;
	v27 =	vsub.f32 $1.500000000e+00, v32  }
0x314: {  	v5 =	vadd.f32 v5, v9;
	v9 =	vmul.f32 v25, v17;
	v12 =	vadd.f32 v15, v12  }
0x315: {  	v7 =	vmin.f32 v7, $1.000000000e+00;
	v15 =	vsub.f32 $1.500000000e+00, v18;
	v23 =	vmul.f32 v27, v26  }
0x316: {  	v3 =	vadd.f32 v9, v3;
	v9 =	vmul.f32 v7, v10;
	v10 =	vmul.f32 v7, v13  }
0x317: {  	v6 =	vadd.f32 v8, v6;
	v14 =	vmul.f32 v15, v14;
	v17 =	vmul.f32 $1.000000000e+01, v23  }
0x318: {  	v4 =	vadd.f32 v11, v4;
	v13 =	vmul.f32 v7, v16;
	v7 =	vmul.f32 v7, v20  }
0x319: {  	v2 =	vadd.f32 v9, v2;
	v14 =	vmul.f32 $1.000000000e+01, v14;
	v8 =	vmin.f32 v17, $1.000000000e+00  }
0x31a: {  	v1 =	vadd.f32 v10, v1;
	v5 =	vadd.f32 v13, v5;
	v11 =	vmul.f32 v8, v40  }
0x31b: {  	v9 =	vmul.f32 v8, v29;
	v10 =	vmul.f32 v8, v28;
	v14 =	vmin.f32 v14, $1.000000000e+00  }
0x31c: {  	v6 =	vadd.f32 v7, v6;
	v8 =	vmul.f32 v8, v37;
	v13 =	vmul.f32 v14, v36  }
0x31d: {  	v7 =	vmul.f32 v14, v35;
	v11 =	vadd.f32 v11, v19;
	v9 =	vadd.f32 v9, v12  }
0x31e: {  	v4 =	vadd.f32 v10, v4;
	v10 =	vmul.f32 v14, v38;
	v2 =	vadd.f32 v13, v2  }
0x31f: {  	v3 =	vadd.f32 v8, v3;
	v8 =	vmul.f32 v14, v21;
	v1 =	vadd.f32 v7, v1  }
0x320: {  	v5 =	vadd.f32 v10, v5;
	v2 =	vadd.f32 v9, v2  }
0x321: {  	v6 =	vadd.f32 v8, v6;
	v1 =	vadd.f32 v4, v1  }
0x322: {  	v3 =	vadd.f32 v3, v5;
	v2 =	vmul.f32 $1.999999960e-02, v2  }
0x323: {  	v4 =	vadd.f32 v11, v6;
	v1 =	vmul.f32 $1.999999960e-02, v1  }
0x324: {  	[tilespmem:s23+$0x9AA0] =	vst v2;
	v2 =	vmul.f32 $1.999999960e-02, v3  }
0x325: {  	[tilespmem:s23+$0x9AB0] =	vst v1;
	v1 =	vmul.f32 $1.999999960e-02, v4  }
0x326: {  	[tilespmem:s23+$0x9AC0] =	vst v2  }
0x327: {  	s25 =	simm.s32 $0x0;
	[tilespmem:s23+$0x9AD0] =	vst v1  }
0x328: {  	v10 =	vld [tilespmem:s25+$0x7460]  }
0x329: {  	v16 =	vld [tilespmem:s25+$0x7470];
	_ =	sdelay $0x1  }
0x32a: {  	v13 =	vld [tilespmem:s25+$0x7480];
	_ =	sdelay $0x1  }
0x32b: {  	v15 =	vld [tilespmem:s25+$0x7490]  }
0x32c: {  	v1 =	vmul.f32 v10, v10;
	v2 =	vmul.f32 v16, v16;
	_ =	sdelay $0x1  }
0x32d: {  	v32 =	vld [tilespmem:s25+$0x7420];
	v1 =	vadd.f32 v2, v1;
	v2 =	vmul.f32 v13, v13  }
0x32e: {  	v30 =	vld [tilespmem:s25+$0x7430]  }
0x32f: {  	v1 =	vadd.f32 v2, v1;
	v2 =	vmul.f32 v15, v15  }
0x330: {  	v29 =	vld [tilespmem:s25+$0x7440]  }
0x331: {  	s29 =	simm.s32 $0x80;
	v28 =	vld [tilespmem:s25+$0x7450];
	v1 =	vadd.f32 v2, v1  }
0x332: {  	v31 =	vld [tilespmem:s29+$0x7460]  }
0x333: {  	v21 =	vld [tilespmem:s29+$0x7470];
	v2 =	vmul.f32 v30, v30;
	(xrf2) =	vadd.scan.msk.f32 $0xffff, v1;
	v1 =	vmul.f32 v32, v32;
	_ =	sdelay $0x1  }
0x334: {  	v14 =	vld [tilespmem:s29+$0x7480];
	v1 =	vadd.f32 v2, v1;
	v2 =	vmul.f32 v29, v29;
	_ =	sdelay $0x1  }
0x335: {  	v25 =	vld [tilespmem:s29+$0x7490];
	v3 =	vmul.f32 v28, v28;
	v1 =	vadd.f32 v2, v1  }
0x336: {  	v4 =	vmul.f32 v21, v21;
	v2 =	vmul.f32 v31, v31  }
0x337: {  	v1 =	vadd.f32 v3, v1  }
0x338: {  	v7 =	vld [tilespmem:s29+$0x7420];
	v2 =	vadd.f32 v4, v2;
	v3 =	vmul.f32 v14, v14  }
0x339: {  	v11 =	vld [tilespmem:s29+$0x7430];
	(xrf2) =	vadd.scan.msk.f32 $0xffff, v1  }
0x33a: {  	v2 =	vadd.f32 v3, v2;
	v3 =	vmul.f32 v25, v25  }
0x33b: {  	v9 =	vld [tilespmem:s29+$0x7440];
	v1, _, _ =	vpop (xrf2)  }
0x33c: {  	v2 =	vadd.f32 v3, v2;
	v1 =	vperm.xlane v1, v0  }
0x33d: {  	v6 =	vld [tilespmem:s29+$0x7450]  }
0x33e: {  	v4 =	vmul.f32 v11, v11;
	(xrf2) =	vadd.scan.msk.f32 $0xffff, v2;
	v2 =	vmul.f32 v7, v7;
	v1 =	vmax.f32 v1, $9.999999960e-13  }
0x33f: {  	v3 =	vshrl.u32 v1, $0x1;
	v1 =	vmul.f32 $5.000000000e-01, v1  }
0x340: {  	v2 =	vadd.f32 v4, v2;
	v4 =	vmul.f32 v9, v9;
	v3 =	vsub.s32 $0x5F3759DF, v3  }
0x341: {  	s30 =	simm.s32 $0x100;
	v5 =	vmul.f32 v3, v1  }
0x342: {  	v12 =	vld [tilespmem:s30+$0x7460];
	v17 =	vmul.f32 v6, v6;
	v2 =	vadd.f32 v4, v2  }
0x343: {  	v4 =	vld [tilespmem:s30+$0x7470];
	v5 =	vmul.f32 v3, v5;
	v8, _, _ =	vpop (xrf2)  }
0x344: {  	v2 =	vadd.f32 v17, v2;
	v8 =	vperm.xlane v8, v0  }
0x345: {  	v5 =	vsub.f32 $1.500000000e+00, v5  }
0x346: {  	v8 =	vmax.f32 v8, $9.999999960e-13  }
0x347: {  	v17 =	vmul.f32 v3, v5;
	v18 =	vmul.f32 $5.000000000e-01, v8;
	v5 =	vshrl.u32 v8, $0x1  }
0x348: {  	(xrf2) =	vadd.scan.msk.f32 $0xffff, v2;
	v3 =	vld [tilespmem:s30+$0x7480];
	v8 =	vmul.f32 v12, v12;
	v2, _, _ =	vpop (xrf2);
	v20 =	vsub.s32 $0x5F3759DF, v5;
	v5 =	vmul.f32 v4, v4  }
0x349: {  	v19 =	vld [tilespmem:s30+$0x7490];
	v22 =	vperm.xlane v2, v0;
	v1 =	vmul.f32 v17, v1  }
0x34a: {  	v2 =	vld [tilespmem:s30+$0x7420];
	v23 =	vmul.f32 v20, v18  }
0x34b: {  	v8 =	vadd.f32 v5, v8;
	v5 =	vmax.f32 v22, $9.999999960e-13;
	v24 =	vmul.f32 v1, v17;
	v1 =	vld [tilespmem:s30+$0x7430]  }
0x34c: {  	v26 =	vshrl.u32 v5, $0x1;
	v27 =	vmul.f32 $5.000000000e-01, v5;
	v23 =	vmul.f32 v20, v23;
	v5 =	vld [tilespmem:s30+$0x7440]  }
0x34d: {  	v22 =	vmul.f32 v3, v3;
	v26 =	vsub.s32 $0x5F3759DF, v26;
	v24 =	vsub.f32 $1.500000000e+00, v24  }
0x34e: {  	v48 =	vmul.f32 v19, v19;
	v49 =	vmul.f32 v26, v27;
	v23 =	vsub.f32 $1.500000000e+00, v23  }
0x34f: {  	v22 =	vadd.f32 v22, v8;
	v8 =	vld [tilespmem:s30+$0x7450];
	v17 =	vmul.f32 v24, v17;
	v24 =	vmul.f32 v2, v2  }
0x350: {  	v50 =	vmul.f32 v26, v49;
	v20 =	vmul.f32 v20, v23  }
0x351: {  	v22 =	vadd.f32 v48, v22;
	v51 =	vmul.f32 v1, v1;
	v52 =	vmul.f32 v5, v5  }
0x352: {  	v17 =	vmul.f32 $1.000000000e+01, v17;
	v23, _, _ =	vpop (xrf2);
	v18 =	vmul.f32 v20, v18  }
0x353: {  	(xrf2) =	vadd.scan.msk.f32 $0xffff, v22;
	v22 =	vsub.f32 $1.500000000e+00, v50;
	v24 =	vadd.f32 v51, v24;
	v23 =	vperm.xlane v23, v0  }
0x354: {  	v53 =	vmin.f32 v17, $1.000000000e+00;
	v17 =	vmul.f32 v8, v8;
	v18 =	vmul.f32 v18, v20  }
0x355: {  	v22 =	vmul.f32 v26, v22;
	v24 =	vadd.f32 v52, v24;
	v23 =	vmax.f32 v23, $9.999999960e-13  }
0x356: {  	s31 =	simm.s32 $0x180;
	v55 =	vmul.f32 v53, v10;
	v26 =	vshrl.u32 v23, $0x1;
	v34 =	vmul.f32 $5.000000000e-01, v23  }
0x357: {  	v10 =	vld [tilespmem:s31+$0x7420];
	v33 =	vmul.f32 v53, v13;
	v54 =	vsub.f32 $1.500000000e+00, v18;
	v35 =	vsub.s32 $0x5F3759DF, v26  }
0x358: {  	v13 =	vld [tilespmem:s31+$0x7430];
	v23 =	vmul.f32 v22, v27;
	v17 =	vadd.f32 v17, v24;
	v24 =	vmul.f32 v35, v34  }
0x359: {  	v18 =	vld [tilespmem:s31+$0x7470];
	v27 =	vmul.f32 v53, v15;
	v20 =	vmul.f32 v54, v20  }
0x35a: {  	v15 =	vld [tilespmem:s31+$0x7460];
	v23 =	vmul.f32 v23, v22;
	v24 =	vmul.f32 v35, v24  }
0x35b: {  	v16 =	vmul.f32 v53, v16;
	v26 =	vimm.f32 $0.0e+00  }
0x35c: {  	(xrf2) =	vadd.scan.msk.f32 $0xffff, v17;
	v56 =	vadd.f32 v27, v26;
	v17 =	vld [tilespmem:s31+$0x7480];
	v20 =	vmul.f32 $1.000000000e+01, v20;
	v23 =	vsub.f32 $1.500000000e+00, v23  }
0x35d: {  	v27 =	vadd.f32 v55, v26;
	v61 =	vmul.f32 v10, v10;
	v49 =	vmul.f32 v13, v13  }
0x35e: {  	v59 =	vmul.f32 v18, v18;
	v57 =	vsub.f32 $1.500000000e+00, v24;
	v23 =	vmul.f32 v23, v22;
	v24, _, _ =	vpop (xrf2)  }
0x35f: {  	v58 =	vmul.f32 v15, v15;
	v43 =	vmin.f32 v20, $1.000000000e+00;
	v22 =	vld [tilespmem:s31+$0x7490];
	v60 =	vperm.xlane v24, v0  }
0x360: {  	v41 =	vadd.f32 v49, v61;
	v24 =	vadd.f32 v16, v26;
	v16 =	vld [tilespmem:s31+$0x7440];
	v23 =	vmul.f32 $1.000000000e+01, v23  }
0x361: {  	v37 =	vadd.f32 v59, v58;
	v62 =	vmul.f32 v17, v17;
	v20 =	vmax.f32 v60, $9.999999960e-13  }
0x362: {  	v39 =	vmin.f32 v23, $1.000000000e+00;
	v63 =	vshrl.u32 v20, $0x1;
	v48 =	vmul.f32 $5.000000000e-01, v20;
	v20 =	vld [tilespmem:s31+$0x7450]  }
0x363: {  	v61 =	vmul.f32 v43, v30;
	v25 =	vmul.f32 v39, v25;
	v50 =	vsub.s32 $0x5F3759DF, v63  }
0x364: {  	v37 =	vadd.f32 v62, v37;
	v52 =	vmul.f32 v22, v22;
	v51 =	vmul.f32 v50, v48  }
0x365: {  	v42 =	vmul.f32 v35, v57;
	v23 =	vadd.f32 v33, v26;
	v54 =	vmul.f32 v16, v16  }
0x366: {  	v53, _, _ =	vpop (xrf2);
	v25 =	vadd.f32 v25, v56;
	v55 =	vadd.f32 v52, v37;
	v33 =	vmul.f32 v50, v51  }
0x367: {  	v56 =	vperm.xlane v53, v0;
	v58 =	vadd.f32 v54, v41;
	v57 =	vmul.f32 v20, v20  }
0x368: {  	v45 =	vmul.f32 v43, v29;
	v59 =	vmul.f32 v43, v32;
	(xrf2) =	vadd.scan.msk.f32 $0xffff, v55;
	v33 =	vsub.f32 $1.500000000e+00, v33  }
0x369: {  	v34 =	vmul.f32 v42, v34;
	v60 =	vmax.f32 v56, $9.999999960e-13;
	v35 =	vadd.f32 v57, v58  }
0x36a: {  	v30 =	vshrl.u32 v60, $0x1;
	v32 =	vmul.f32 $5.000000000e-01, v60;
	v41 =	vmul.f32 v50, v33  }
0x36b: {  	v34 =	vmul.f32 v34, v42;
	v44 =	vmul.f32 v39, v31;
	v33 =	vsub.s32 $0x5F3759DF, v30;
	(xrf2) =	vadd.scan.msk.f32 $0xffff, v35  }
0x36c: {  	s26 =	simm.s32 $0x200;
	v31 =	vadd.f32 v61, v26;
	v62 =	vmul.f32 v33, v32;
	v63 =	vmul.f32 v41, v48  }
0x36d: {  	v29 =	vld [tilespmem:s26+$0x7460];
	v43 =	vmul.f32 v43, v28;
	v30 =	vadd.f32 v59, v26;
	v48 =	vsub.f32 $1.500000000e+00, v34  }
0x36e: {  	s25 =	simm.s32 $0xA00;
	v28 =	vld [tilespmem:s26+$0x7470];
	v34 =	vimm.f32 $0.0e+00;
	v46 =	vmul.f32 v33, v62;
	v47 =	vmul.f32 v63, v41  }
.LBB2_13:
0x36f: {  	p1 =	sne.s32 s25, $0x3000;
	v35 =	vld [tilespmem:s26+$0x7420];
	v36 =	vmul.f32 v48, v42;
	v21 =	vmul.f32 v39, v21;
	v26 =	vadd.f32 v45, v26;
	v37 =	vmovc v8  }
0x370: {  	v39 =	vmul.f32 v39, v14;
	v14 =	vmovc v3;
	v3 =	vmovc v17;
	v38 =	vsub.f32 $1.500000000e+00, v46;
	v40 =	vsub.f32 $1.500000000e+00, v47;
	v17 =	vld [tilespmem:s26+$0x7480]  }
0x371: {  	v27 =	vadd.f32 v44, v27;
	v34 =	vadd.f32 v43, v34;
	v8 =	vmovc v20;
	v43 =	vmovc v12;
	v46 =	vld [tilespmem:s26+$0x7430];
	v36 =	vmul.f32 $1.000000000e+01, v36  }
0x372: {  	v24 =	vadd.f32 v21, v24;
	v47 =	vld [tilespmem:s26+$0x7440];
	v42 =	vmul.f32 v29, v29;
	v12, _, _ =	vpop (xrf2);
	v40 =	vmul.f32 v40, v41  }
0x373: {  	v41 =	vld [tilespmem:s26+$0x7490];
	v44 =	vmul.f32 v28, v28;
	v48 =	vperm.xlane v12, v0;
	v36 =	vmin.f32 v36, $1.000000000e+00;
	v12 =	vmovc v15;
	v15 =	vmovc v29  }
0x374: {  	v23 =	vadd.f32 v39, v23;
	v21 =	vmovc v4;
	v4 =	vmovc v18;
	v20 =	vld [tilespmem:s26+$0x7450];
	v29 =	vmul.f32 v35, v35;
	v40 =	vmul.f32 $1.000000000e+01, v40  }
0x375: {  	v42 =	vadd.f32 v44, v42;
	v44 =	vmul.f32 v17, v17;
	v50 =	vmax.f32 v48, $9.999999960e-13;
	v45, _, _ =	vpop (xrf2)  }
0x376: {  	v18 =	vmovc v28;
	v48 =	vshrl.u32 v50, $0x1;
	v49 =	vmul.f32 $5.000000000e-01, v50;
	v39 =	vmin.f32 v40, $1.000000000e+00  }
0x377: {  	v28 =	vmul.f32 v46, v46;
	v40 =	vsub.s32 $0x5F3759DF, v48;
	v48 =	vmul.f32 v39, v19;
	v19 =	vmovc v22  }
0x378: {  	v42 =	vadd.f32 v44, v42;
	v44 =	vmul.f32 v41, v41;
	v50 =	vmul.f32 v40, v49;
	v22 =	vmovc v41  }
0x379: {  	v28 =	vadd.f32 v28, v29;
	v29 =	vmul.f32 v47, v47;
	v25 =	vadd.f32 v48, v25  }
0x37a: {  	v41 =	vmul.f32 v20, v20;
	v44 =	vadd.f32 v44, v42;
	v48 =	vmul.f32 v40, v50  }
0x37b: {  	v28 =	vadd.f32 v29, v28;
	v29 =	vperm.xlane v45, v0;
	v42 =	vmul.f32 v33, v38  }
0x37c: {  	v38 =	vmul.f32 v36, v7;
	v50 =	vmul.f32 v36, v11;
	v7 =	vmovc v2;
	(xrf2) =	vadd.scan.msk.f32 $0xffff, v44;
	v33 =	vsub.f32 $1.500000000e+00, v48  }
0x37d: {  	v2 =	vmovc v10;
	v10 =	vmovc v35;
	v28 =	vadd.f32 v41, v28;
	v44 =	vmax.f32 v29, $9.999999960e-13;
	v29 =	vmul.f32 v42, v32  }
.Ltmp7:
0x37e: {  	v11 =	vmovc v1;
	v1 =	vmovc v13;
	v35 =	vshrl.u32 v44, $0x1;
	v32 =	vmul.f32 $5.000000000e-01, v44;
	v41 =	vmul.f32 v40, v33;
	(pc) =	sbr.rel @p1 .LBB2_13-.Ltmp7, $4  }
0x37f: {  	v45 =	vmul.f32 v36, v9;
	v13 =	vmovc v46;
	v33 =	vsub.s32 $0x5F3759DF, v35;
	(xrf2) =	vadd.scan.msk.f32 $0xffff, v28;
	v28 =	vmul.f32 v29, v42  }
0x380: {  	s26 =	sshra.s32 s25, $0x2;
	v9 =	vmovc v5;
	v30 =	vadd.f32 v38, v30;
	v35 =	vmul.f32 v33, v32;
	v40 =	vmul.f32 v41, v49  }
0x381: {  	v5 =	vmovc v16;
	v16 =	vmovc v47;
	v44 =	vmul.f32 v39, v43;
	v43 =	vmul.f32 v36, v6;
	v29 =	vld [tilespmem:s26+$0x7460];
	v48 =	vsub.f32 $1.500000000e+00, v28  }
0x382: {  	s25 =	sadd.s32 $0x200, s25;
	v31 =	vadd.f32 v50, v31;
	v6 =	vmovc v37;
	v46 =	vmul.f32 v33, v35;
	v28 =	vld [tilespmem:s26+$0x7470];
	v47 =	vmul.f32 v40, v41  }
0x383: {  	v37 =	vld [tilespmem:s26+$0x7480]  }
0x384: {  	v36 =	vld [tilespmem:s26+$0x7420]  }
0x385: {  	v35 =	vld [tilespmem:s26+$0x7430]  }
0x386: {  	v40 =	vld [tilespmem:s26+$0x7490];
	v42 =	vmul.f32 v48, v42  }
0x387: {  	v38 =	vld [tilespmem:s26+$0x7440];
	v59 =	vmul.f32 v39, v21;
	v14 =	vmul.f32 v39, v14  }
0x388: {  	v26 =	vadd.f32 v45, v26;
	v49 =	vmul.f32 v29, v29;
	v21, _, _ =	vpop (xrf2);
	v50 =	vmul.f32 v28, v28  }
0x389: {  	v27 =	vadd.f32 v44, v27;
	v51 =	vperm.xlane v21, v0;
	v21 =	vld [tilespmem:s26+$0x7450];
	v58 =	vmul.f32 v37, v37  }
0x38a: {  	v61 =	vmul.f32 v36, v36;
	v52 =	vmul.f32 v35, v35;
	v49 =	vadd.f32 v50, v49  }
0x38b: {  	v34 =	vadd.f32 v43, v34;
	v47 =	vsub.f32 $1.500000000e+00, v47;
	v60 =	vmul.f32 v40, v40  }
0x38c: {  	v53 =	vmul.f32 v38, v38;
	v45 =	vadd.f32 v52, v61;
	v49 =	vadd.f32 v58, v49  }
0x38d: {  	v46 =	vsub.f32 $1.500000000e+00, v46;
	v42 =	vmul.f32 $1.000000000e+01, v42;
	v41 =	vmul.f32 v47, v41  }
0x38e: {  	v45 =	vadd.f32 v53, v45;
	v56 =	vmul.f32 v21, v21;
	v62 =	vadd.f32 v60, v49  }
0x38f: {  	v24 =	vadd.f32 v59, v24;
	v33 =	vmul.f32 v33, v46;
	v42 =	vmin.f32 v42, $1.000000000e+00  }
0x390: {  	v41 =	vmul.f32 $1.000000000e+01, v41;
	v63 =	vmax.f32 v51, $9.999999960e-13;
	v45 =	vadd.f32 v56, v45;
	(xrf2) =	vadd.scan.msk.f32 $0xffff, v62  }
0x391: {  	v7 =	vmul.f32 v42, v7;
	v54 =	vshrl.u32 v63, $0x1;
	v55 =	vmul.f32 $5.000000000e-01, v63  }
0x392: {  	v32 =	vmul.f32 v33, v32;
	v11 =	vmul.f32 v42, v11;
	v39 =	vsub.s32 $0x5F3759DF, v54;
	v58, _, _ =	vpop (xrf2);
	(xrf2) =	vadd.scan.msk.f32 $0xffff, v45  }
0x393: {  	v14 =	vadd.f32 v14, v23;
	v9 =	vmul.f32 v42, v9;
	v57 =	vmul.f32 v39, v55  }
0x394: {  	v6 =	vmul.f32 v42, v6;
	v41 =	vmin.f32 v41, $1.000000000e+00;
	v32 =	vmul.f32 v32, v33  }
0x395: {  	v7 =	vadd.f32 v7, v30;
	v43 =	vperm.xlane v58, v0;
	v44 =	vmul.f32 v39, v57  }
0x396: {  	v11 =	vadd.f32 v11, v31;
	v19 =	vmul.f32 v41, v19;
	v12 =	vmul.f32 v41, v12  }
0x397: {  	v4 =	vmul.f32 v41, v4;
	v43 =	vmax.f32 v43, $9.999999960e-13;
	v44 =	vsub.f32 $1.500000000e+00, v44  }
0x398: {  	v30 =	vsub.f32 $1.500000000e+00, v32;
	v59 =	vshrl.u32 v43, $0x1;
	v43 =	vmul.f32 $5.000000000e-01, v43  }
0x399: {  	v3 =	vmul.f32 v41, v3;
	v60 =	vsub.s32 $0x5F3759DF, v59;
	v39 =	vmul.f32 v39, v44  }
0x39a: {  	v9 =	vadd.f32 v9, v26;
	v30 =	vmul.f32 v30, v33;
	v23 =	vmul.f32 v60, v43;
	v61, _, _ =	vpop (xrf2)  }
0x39b: {  	v19 =	vadd.f32 v19, v25;
	v25 =	vmul.f32 v39, v55;
	v45 =	vperm.xlane v61, v0  }
0x39c: {  	v12 =	vadd.f32 v12, v27;
	v30 =	vmul.f32 $1.000000000e+01, v30;
	v23 =	vmul.f32 v60, v23;
	v31, _, _ =	vpop (xrf2)  }
0x39d: {  	v25 =	vmul.f32 v25, v39;
	v31 =	vperm.xlane v31, v0;
	v62 =	vmax.f32 v45, $9.999999960e-13  }
0x39e: {  	v23 =	vsub.f32 $1.500000000e+00, v23;
	v63 =	vshrl.u32 v62, $0x1;
	v32 =	vmul.f32 $5.000000000e-01, v62  }
0x39f: {  	v25 =	vsub.f32 $1.500000000e+00, v25;
	v31 =	vmax.f32 v31, $9.999999960e-13;
	v45 =	vsub.s32 $0x5F3759DF, v63  }
0x3a0: {  	v46 =	vshrl.u32 v31, $0x1;
	v31 =	vmul.f32 $5.000000000e-01, v31;
	v42 =	vmul.f32 v45, v32  }
0x3a1: {  	v23 =	vmul.f32 v60, v23;
	v25 =	vmul.f32 v25, v39;
	v39 =	vsub.s32 $0x5F3759DF, v46  }
0x3a2: {  	v30 =	vmin.f32 v30, $1.000000000e+00;
	v27 =	vmul.f32 v39, v31;
	v26 =	vmul.f32 v45, v42  }
0x3a3: {  	v6 =	vadd.f32 v6, v34;
	v2 =	vmul.f32 v30, v2;
	v47 =	vmul.f32 v23, v43  }
0x3a4: {  	v25 =	vmul.f32 $1.000000000e+01, v25;
	v27 =	vmul.f32 v39, v27;
	v26 =	vsub.f32 $1.500000000e+00, v26  }
0x3a5: {  	v4 =	vadd.f32 v4, v24;
	v1 =	vmul.f32 v30, v1;
	v24 =	vmul.f32 v47, v23  }
0x3a6: {  	v25 =	vmin.f32 v25, $1.000000000e+00;
	v27 =	vsub.f32 $1.500000000e+00, v27;
	v26 =	vmul.f32 v45, v26  }
0x3a7: {  	v5 =	vmul.f32 v30, v5;
	v24 =	vsub.f32 $1.500000000e+00, v24;
	v22 =	vmul.f32 v25, v22  }
0x3a8: {  	v3 =	vadd.f32 v3, v14;
	v14 =	vmul.f32 v39, v27;
	v32 =	vmul.f32 v26, v32  }
0x3a9: {  	v8 =	vmul.f32 v30, v8;
	v2 =	vadd.f32 v2, v7;
	v7 =	vmul.f32 v24, v23  }
0x3aa: {  	v19 =	vadd.f32 v22, v19;
	v22 =	vmul.f32 v14, v31;
	v32 =	vmul.f32 v32, v26  }
0x3ab: {  	v1 =	vadd.f32 v1, v11;
	v15 =	vmul.f32 v25, v15;
	v11 =	vmul.f32 v25, v18  }
0x3ac: {  	v7 =	vmul.f32 $1.000000000e+01, v7;
	v18 =	vmul.f32 v22, v14;
	v27 =	vsub.f32 $1.500000000e+00, v32  }
0x3ad: {  	v5 =	vadd.f32 v5, v9;
	v9 =	vmul.f32 v25, v17;
	v12 =	vadd.f32 v15, v12  }
0x3ae: {  	v7 =	vmin.f32 v7, $1.000000000e+00;
	v15 =	vsub.f32 $1.500000000e+00, v18;
	v23 =	vmul.f32 v27, v26  }
0x3af: {  	v3 =	vadd.f32 v9, v3;
	v9 =	vmul.f32 v7, v10;
	v10 =	vmul.f32 v7, v13  }
0x3b0: {  	v6 =	vadd.f32 v8, v6;
	v14 =	vmul.f32 v15, v14;
	v17 =	vmul.f32 $1.000000000e+01, v23  }
0x3b1: {  	v4 =	vadd.f32 v11, v4;
	v13 =	vmul.f32 v7, v16;
	v7 =	vmul.f32 v7, v20  }
0x3b2: {  	v2 =	vadd.f32 v9, v2;
	v14 =	vmul.f32 $1.000000000e+01, v14;
	v8 =	vmin.f32 v17, $1.000000000e+00  }
0x3b3: {  	v1 =	vadd.f32 v10, v1;
	v5 =	vadd.f32 v13, v5;
	v11 =	vmul.f32 v8, v40  }
0x3b4: {  	v9 =	vmul.f32 v8, v29;
	v10 =	vmul.f32 v8, v28;
	v14 =	vmin.f32 v14, $1.000000000e+00  }
0x3b5: {  	v6 =	vadd.f32 v7, v6;
	v8 =	vmul.f32 v8, v37;
	v13 =	vmul.f32 v14, v36  }
0x3b6: {  	v7 =	vmul.f32 v14, v35;
	v11 =	vadd.f32 v11, v19;
	v9 =	vadd.f32 v9, v12  }
0x3b7: {  	v4 =	vadd.f32 v10, v4;
	v10 =	vmul.f32 v14, v38;
	v2 =	vadd.f32 v13, v2  }
0x3b8: {  	v3 =	vadd.f32 v8, v3;
	v8 =	vmul.f32 v14, v21;
	v1 =	vadd.f32 v7, v1  }
0x3b9: {  	v5 =	vadd.f32 v10, v5;
	v2 =	vadd.f32 v9, v2  }
0x3ba: {  	v6 =	vadd.f32 v8, v6;
	v1 =	vadd.f32 v4, v1  }
0x3bb: {  	v3 =	vadd.f32 v3, v5;
	v2 =	vmul.f32 $1.999999960e-02, v2  }
0x3bc: {  	v4 =	vadd.f32 v11, v6;
	v1 =	vmul.f32 $1.999999960e-02, v1  }
0x3bd: {  	[tilespmem:s23+$0x9AE0] =	vst v2;
	v2 =	vmul.f32 $1.999999960e-02, v3  }
0x3be: {  	[tilespmem:s23+$0x9AF0] =	vst v1;
	v1 =	vmul.f32 $1.999999960e-02, v4  }
0x3bf: {  	[tilespmem:s23+$0x9B00] =	vst v2  }
0x3c0: {  	s24 =	sadd.s32 @!p0 $0x270, s24;
	s25 =	simm.s32 @!p0 $0x64;
	s26 =	simm.s32 @!p0 $0x67A0;
	[tilespmem:s23+$0x9B10] =	vst v1  }
0x3c1: {  	[tilespmem:s26], [sflag:$0x3] =	stream.indirect.gather @!p0 [hbm4b:s3+s25], $0x40, s24, s25, $0xb8;
	[tilespmem:$0xDBA0] =	vst v63  }
0x3c2: {  	_ =	swait.ge [sflag:s19], $0x1900  }
0x3c3: {  	[sflag:s19] =	ssyncset.done $0x0  }
0x3c4: {  	s28 =	simm.s32 $0x0;
	[sflag:s19] =	ssyncadd.s32 $0xFFFFE700  }
0x3c5: {  	v10 =	vld [tilespmem:s28+$0x80E0]  }
0x3c6: {  	v16 =	vld [tilespmem:s28+$0x80F0];
	_ =	sdelay $0x1  }
0x3c7: {  	v13 =	vld [tilespmem:s28+$0x8100];
	_ =	sdelay $0x1  }
0x3c8: {  	v15 =	vld [tilespmem:s28+$0x8110]  }
0x3c9: {  	v1 =	vmul.f32 v10, v10;
	v2 =	vmul.f32 v16, v16;
	_ =	sdelay $0x1  }
0x3ca: {  	v32 =	vld [tilespmem:s28+$0x80A0];
	v1 =	vadd.f32 v2, v1;
	v2 =	vmul.f32 v13, v13  }
0x3cb: {  	v30 =	vld [tilespmem:s28+$0x80B0]  }
0x3cc: {  	v1 =	vadd.f32 v2, v1;
	v2 =	vmul.f32 v15, v15  }
0x3cd: {  	v29 =	vld [tilespmem:s28+$0x80C0]  }
0x3ce: {  	s29 =	simm.s32 $0x80;
	v28 =	vld [tilespmem:s28+$0x80D0];
	v1 =	vadd.f32 v2, v1  }
0x3cf: {  	v31 =	vld [tilespmem:s29+$0x80E0]  }
0x3d0: {  	v21 =	vld [tilespmem:s29+$0x80F0];
	v2 =	vmul.f32 v30, v30;
	(xrf2) =	vadd.scan.msk.f32 $0xffff, v1;
	v1 =	vmul.f32 v32, v32;
	_ =	sdelay $0x1  }
0x3d1: {  	v14 =	vld [tilespmem:s29+$0x8100];
	v1 =	vadd.f32 v2, v1;
	v2 =	vmul.f32 v29, v29;
	_ =	sdelay $0x1  }
0x3d2: {  	v25 =	vld [tilespmem:s29+$0x8110];
	v3 =	vmul.f32 v28, v28;
	v1 =	vadd.f32 v2, v1  }
0x3d3: {  	v4 =	vmul.f32 v21, v21;
	v2 =	vmul.f32 v31, v31  }
0x3d4: {  	v1 =	vadd.f32 v3, v1  }
0x3d5: {  	v7 =	vld [tilespmem:s29+$0x80A0];
	v2 =	vadd.f32 v4, v2;
	v3 =	vmul.f32 v14, v14  }
0x3d6: {  	v11 =	vld [tilespmem:s29+$0x80B0];
	(xrf2) =	vadd.scan.msk.f32 $0xffff, v1  }
0x3d7: {  	v2 =	vadd.f32 v3, v2;
	v3 =	vmul.f32 v25, v25  }
0x3d8: {  	v9 =	vld [tilespmem:s29+$0x80C0];
	v1, _, _ =	vpop (xrf2)  }
0x3d9: {  	v2 =	vadd.f32 v3, v2;
	v1 =	vperm.xlane v1, v0  }
0x3da: {  	v6 =	vld [tilespmem:s29+$0x80D0]  }
0x3db: {  	v4 =	vmul.f32 v11, v11;
	(xrf2) =	vadd.scan.msk.f32 $0xffff, v2;
	v2 =	vmul.f32 v7, v7;
	v1 =	vmax.f32 v1, $9.999999960e-13  }
0x3dc: {  	v3 =	vshrl.u32 v1, $0x1;
	v1 =	vmul.f32 $5.000000000e-01, v1  }
0x3dd: {  	v2 =	vadd.f32 v4, v2;
	v4 =	vmul.f32 v9, v9;
	v3 =	vsub.s32 $0x5F3759DF, v3  }
0x3de: {  	s30 =	simm.s32 $0x100;
	v5 =	vmul.f32 v3, v1  }
0x3df: {  	v12 =	vld [tilespmem:s30+$0x80E0];
	v17 =	vmul.f32 v6, v6;
	v2 =	vadd.f32 v4, v2  }
0x3e0: {  	v4 =	vld [tilespmem:s30+$0x80F0];
	v5 =	vmul.f32 v3, v5;
	v8, _, _ =	vpop (xrf2)  }
0x3e1: {  	v2 =	vadd.f32 v17, v2;
	v8 =	vperm.xlane v8, v0  }
0x3e2: {  	v5 =	vsub.f32 $1.500000000e+00, v5  }
0x3e3: {  	v8 =	vmax.f32 v8, $9.999999960e-13  }
0x3e4: {  	v17 =	vmul.f32 v3, v5;
	v18 =	vmul.f32 $5.000000000e-01, v8;
	v5 =	vshrl.u32 v8, $0x1  }
0x3e5: {  	(xrf2) =	vadd.scan.msk.f32 $0xffff, v2;
	v3 =	vld [tilespmem:s30+$0x8100];
	v8 =	vmul.f32 v12, v12;
	v2, _, _ =	vpop (xrf2);
	v20 =	vsub.s32 $0x5F3759DF, v5;
	v5 =	vmul.f32 v4, v4  }
0x3e6: {  	v19 =	vld [tilespmem:s30+$0x8110];
	v22 =	vperm.xlane v2, v0;
	v1 =	vmul.f32 v17, v1  }
0x3e7: {  	v2 =	vld [tilespmem:s30+$0x80A0];
	v23 =	vmul.f32 v20, v18  }
0x3e8: {  	v8 =	vadd.f32 v5, v8;
	v5 =	vmax.f32 v22, $9.999999960e-13;
	v24 =	vmul.f32 v1, v17;
	v1 =	vld [tilespmem:s30+$0x80B0]  }
0x3e9: {  	v26 =	vshrl.u32 v5, $0x1;
	v27 =	vmul.f32 $5.000000000e-01, v5;
	v23 =	vmul.f32 v20, v23;
	v5 =	vld [tilespmem:s30+$0x80C0]  }
0x3ea: {  	v22 =	vmul.f32 v3, v3;
	v26 =	vsub.s32 $0x5F3759DF, v26;
	v24 =	vsub.f32 $1.500000000e+00, v24  }
0x3eb: {  	v48 =	vmul.f32 v19, v19;
	v49 =	vmul.f32 v26, v27;
	v23 =	vsub.f32 $1.500000000e+00, v23  }
0x3ec: {  	v22 =	vadd.f32 v22, v8;
	v8 =	vld [tilespmem:s30+$0x80D0];
	v17 =	vmul.f32 v24, v17;
	v24 =	vmul.f32 v2, v2  }
0x3ed: {  	v50 =	vmul.f32 v26, v49;
	v20 =	vmul.f32 v20, v23  }
0x3ee: {  	v22 =	vadd.f32 v48, v22;
	v51 =	vmul.f32 v1, v1;
	v52 =	vmul.f32 v5, v5  }
0x3ef: {  	v17 =	vmul.f32 $1.000000000e+01, v17;
	v23, _, _ =	vpop (xrf2);
	v18 =	vmul.f32 v20, v18  }
0x3f0: {  	(xrf2) =	vadd.scan.msk.f32 $0xffff, v22;
	v22 =	vsub.f32 $1.500000000e+00, v50;
	v24 =	vadd.f32 v51, v24;
	v23 =	vperm.xlane v23, v0  }
0x3f1: {  	v53 =	vmin.f32 v17, $1.000000000e+00;
	v17 =	vmul.f32 v8, v8;
	v18 =	vmul.f32 v18, v20  }
0x3f2: {  	v22 =	vmul.f32 v26, v22;
	v24 =	vadd.f32 v52, v24;
	v23 =	vmax.f32 v23, $9.999999960e-13  }
0x3f3: {  	s31 =	simm.s32 $0x180;
	v55 =	vmul.f32 v53, v10;
	v26 =	vshrl.u32 v23, $0x1;
	v34 =	vmul.f32 $5.000000000e-01, v23  }
0x3f4: {  	v10 =	vld [tilespmem:s31+$0x80A0];
	v33 =	vmul.f32 v53, v13;
	v54 =	vsub.f32 $1.500000000e+00, v18;
	v35 =	vsub.s32 $0x5F3759DF, v26  }
0x3f5: {  	v13 =	vld [tilespmem:s31+$0x80B0];
	v23 =	vmul.f32 v22, v27;
	v17 =	vadd.f32 v17, v24;
	v24 =	vmul.f32 v35, v34  }
0x3f6: {  	v18 =	vld [tilespmem:s31+$0x80F0];
	v27 =	vmul.f32 v53, v15;
	v20 =	vmul.f32 v54, v20  }
0x3f7: {  	v15 =	vld [tilespmem:s31+$0x80E0];
	v23 =	vmul.f32 v23, v22;
	v24 =	vmul.f32 v35, v24  }
0x3f8: {  	v16 =	vmul.f32 v53, v16;
	v26 =	vimm.f32 $0.0e+00  }
0x3f9: {  	(xrf2) =	vadd.scan.msk.f32 $0xffff, v17;
	v56 =	vadd.f32 v27, v26;
	v17 =	vld [tilespmem:s31+$0x8100];
	v20 =	vmul.f32 $1.000000000e+01, v20;
	v23 =	vsub.f32 $1.500000000e+00, v23  }
0x3fa: {  	v27 =	vadd.f32 v55, v26;
	v61 =	vmul.f32 v10, v10;
	v49 =	vmul.f32 v13, v13  }
0x3fb: {  	v59 =	vmul.f32 v18, v18;
	v57 =	vsub.f32 $1.500000000e+00, v24;
	v23 =	vmul.f32 v23, v22;
	v24, _, _ =	vpop (xrf2)  }
0x3fc: {  	v58 =	vmul.f32 v15, v15;
	v43 =	vmin.f32 v20, $1.000000000e+00;
	v22 =	vld [tilespmem:s31+$0x8110];
	v60 =	vperm.xlane v24, v0  }
0x3fd: {  	v41 =	vadd.f32 v49, v61;
	v24 =	vadd.f32 v16, v26;
	v16 =	vld [tilespmem:s31+$0x80C0];
	v23 =	vmul.f32 $1.000000000e+01, v23  }
0x3fe: {  	v37 =	vadd.f32 v59, v58;
	v62 =	vmul.f32 v17, v17;
	v20 =	vmax.f32 v60, $9.999999960e-13  }
0x3ff: {  	v39 =	vmin.f32 v23, $1.000000000e+00;
	v63 =	vshrl.u32 v20, $0x1;
	v48 =	vmul.f32 $5.000000000e-01, v20;
	v20 =	vld [tilespmem:s31+$0x80D0]  }
0x400: {  	v61 =	vmul.f32 v43, v30;
	v25 =	vmul.f32 v39, v25;
	v50 =	vsub.s32 $0x5F3759DF, v63  }
0x401: {  	v37 =	vadd.f32 v62, v37;
	v52 =	vmul.f32 v22, v22;
	v51 =	vmul.f32 v50, v48  }
0x402: {  	v42 =	vmul.f32 v35, v57;
	v23 =	vadd.f32 v33, v26;
	v54 =	vmul.f32 v16, v16  }
0x403: {  	v53, _, _ =	vpop (xrf2);
	v25 =	vadd.f32 v25, v56;
	v55 =	vadd.f32 v52, v37;
	v33 =	vmul.f32 v50, v51  }
0x404: {  	v56 =	vperm.xlane v53, v0;
	v58 =	vadd.f32 v54, v41;
	v57 =	vmul.f32 v20, v20  }
0x405: {  	v45 =	vmul.f32 v43, v29;
	v59 =	vmul.f32 v43, v32;
	(xrf2) =	vadd.scan.msk.f32 $0xffff, v55;
	v33 =	vsub.f32 $1.500000000e+00, v33  }
0x406: {  	v34 =	vmul.f32 v42, v34;
	v60 =	vmax.f32 v56, $9.999999960e-13;
	v35 =	vadd.f32 v57, v58  }
0x407: {  	v30 =	vshrl.u32 v60, $0x1;
	v32 =	vmul.f32 $5.000000000e-01, v60;
	v41 =	vmul.f32 v50, v33  }
0x408: {  	v34 =	vmul.f32 v34, v42;
	v44 =	vmul.f32 v39, v31;
	v33 =	vsub.s32 $0x5F3759DF, v30;
	(xrf2) =	vadd.scan.msk.f32 $0xffff, v35  }
0x409: {  	s25 =	simm.s32 $0x200;
	v31 =	vadd.f32 v61, v26;
	v62 =	vmul.f32 v33, v32;
	v63 =	vmul.f32 v41, v48  }
0x40a: {  	v29 =	vld [tilespmem:s25+$0x80E0];
	v43 =	vmul.f32 v43, v28;
	v30 =	vadd.f32 v59, v26;
	v48 =	vsub.f32 $1.500000000e+00, v34  }
0x40b: {  	s24 =	simm.s32 $0xA00;
	v28 =	vld [tilespmem:s25+$0x80F0];
	v34 =	vimm.f32 $0.0e+00;
	v46 =	vmul.f32 v33, v62;
	v47 =	vmul.f32 v63, v41  }
.LBB2_15:
0x40c: {  	p1 =	sne.s32 s24, $0x3000;
	v35 =	vld [tilespmem:s25+$0x80A0];
	v36 =	vmul.f32 v48, v42;
	v21 =	vmul.f32 v39, v21;
	v26 =	vadd.f32 v45, v26;
	v37 =	vmovc v8  }
0x40d: {  	v39 =	vmul.f32 v39, v14;
	v14 =	vmovc v3;
	v3 =	vmovc v17;
	v38 =	vsub.f32 $1.500000000e+00, v46;
	v40 =	vsub.f32 $1.500000000e+00, v47;
	v17 =	vld [tilespmem:s25+$0x8100]  }
0x40e: {  	v27 =	vadd.f32 v44, v27;
	v34 =	vadd.f32 v43, v34;
	v8 =	vmovc v20;
	v43 =	vmovc v12;
	v46 =	vld [tilespmem:s25+$0x80B0];
	v36 =	vmul.f32 $1.000000000e+01, v36  }
0x40f: {  	v24 =	vadd.f32 v21, v24;
	v47 =	vld [tilespmem:s25+$0x80C0];
	v42 =	vmul.f32 v29, v29;
	v12, _, _ =	vpop (xrf2);
	v40 =	vmul.f32 v40, v41  }
0x410: {  	v41 =	vld [tilespmem:s25+$0x8110];
	v44 =	vmul.f32 v28, v28;
	v48 =	vperm.xlane v12, v0;
	v36 =	vmin.f32 v36, $1.000000000e+00;
	v12 =	vmovc v15;
	v15 =	vmovc v29  }
0x411: {  	v23 =	vadd.f32 v39, v23;
	v21 =	vmovc v4;
	v4 =	vmovc v18;
	v20 =	vld [tilespmem:s25+$0x80D0];
	v29 =	vmul.f32 v35, v35;
	v40 =	vmul.f32 $1.000000000e+01, v40  }
0x412: {  	v42 =	vadd.f32 v44, v42;
	v44 =	vmul.f32 v17, v17;
	v50 =	vmax.f32 v48, $9.999999960e-13;
	v45, _, _ =	vpop (xrf2)  }
0x413: {  	v18 =	vmovc v28;
	v48 =	vshrl.u32 v50, $0x1;
	v49 =	vmul.f32 $5.000000000e-01, v50;
	v39 =	vmin.f32 v40, $1.000000000e+00  }
0x414: {  	v28 =	vmul.f32 v46, v46;
	v40 =	vsub.s32 $0x5F3759DF, v48;
	v48 =	vmul.f32 v39, v19;
	v19 =	vmovc v22  }
0x415: {  	v42 =	vadd.f32 v44, v42;
	v44 =	vmul.f32 v41, v41;
	v50 =	vmul.f32 v40, v49;
	v22 =	vmovc v41  }
0x416: {  	v28 =	vadd.f32 v28, v29;
	v29 =	vmul.f32 v47, v47;
	v25 =	vadd.f32 v48, v25  }
0x417: {  	v41 =	vmul.f32 v20, v20;
	v44 =	vadd.f32 v44, v42;
	v48 =	vmul.f32 v40, v50  }
0x418: {  	v28 =	vadd.f32 v29, v28;
	v29 =	vperm.xlane v45, v0;
	v42 =	vmul.f32 v33, v38  }
0x419: {  	v38 =	vmul.f32 v36, v7;
	v50 =	vmul.f32 v36, v11;
	v7 =	vmovc v2;
	(xrf2) =	vadd.scan.msk.f32 $0xffff, v44;
	v33 =	vsub.f32 $1.500000000e+00, v48  }
0x41a: {  	v2 =	vmovc v10;
	v10 =	vmovc v35;
	v28 =	vadd.f32 v41, v28;
	v44 =	vmax.f32 v29, $9.999999960e-13;
	v29 =	vmul.f32 v42, v32  }
.Ltmp8:
0x41b: {  	v11 =	vmovc v1;
	v1 =	vmovc v13;
	v35 =	vshrl.u32 v44, $0x1;
	v32 =	vmul.f32 $5.000000000e-01, v44;
	v41 =	vmul.f32 v40, v33;
	(pc) =	sbr.rel @p1 .LBB2_15-.Ltmp8, $4  }
0x41c: {  	v45 =	vmul.f32 v36, v9;
	v13 =	vmovc v46;
	v33 =	vsub.s32 $0x5F3759DF, v35;
	(xrf2) =	vadd.scan.msk.f32 $0xffff, v28;
	v28 =	vmul.f32 v29, v42  }
0x41d: {  	s25 =	sshra.s32 s24, $0x2;
	v9 =	vmovc v5;
	v30 =	vadd.f32 v38, v30;
	v35 =	vmul.f32 v33, v32;
	v40 =	vmul.f32 v41, v49  }
0x41e: {  	v5 =	vmovc v16;
	v16 =	vmovc v47;
	v44 =	vmul.f32 v39, v43;
	v43 =	vmul.f32 v36, v6;
	v29 =	vld [tilespmem:s25+$0x80E0];
	v48 =	vsub.f32 $1.500000000e+00, v28  }
0x41f: {  	s24 =	sadd.s32 $0x200, s24;
	v31 =	vadd.f32 v50, v31;
	v6 =	vmovc v37;
	v46 =	vmul.f32 v33, v35;
	v28 =	vld [tilespmem:s25+$0x80F0];
	v47 =	vmul.f32 v40, v41  }
0x420: {  	v37 =	vld [tilespmem:s25+$0x8100]  }
0x421: {  	v36 =	vld [tilespmem:s25+$0x80A0]  }
0x422: {  	v35 =	vld [tilespmem:s25+$0x80B0]  }
0x423: {  	v40 =	vld [tilespmem:s25+$0x8110];
	v42 =	vmul.f32 v48, v42  }
0x424: {  	v38 =	vld [tilespmem:s25+$0x80C0];
	v59 =	vmul.f32 v39, v21;
	v14 =	vmul.f32 v39, v14  }
0x425: {  	v26 =	vadd.f32 v45, v26;
	v49 =	vmul.f32 v29, v29;
	v21, _, _ =	vpop (xrf2);
	v50 =	vmul.f32 v28, v28  }
0x426: {  	v27 =	vadd.f32 v44, v27;
	v51 =	vperm.xlane v21, v0;
	v21 =	vld [tilespmem:s25+$0x80D0];
	v58 =	vmul.f32 v37, v37  }
0x427: {  	v61 =	vmul.f32 v36, v36;
	v52 =	vmul.f32 v35, v35;
	v49 =	vadd.f32 v50, v49  }
0x428: {  	v34 =	vadd.f32 v43, v34;
	v47 =	vsub.f32 $1.500000000e+00, v47;
	v60 =	vmul.f32 v40, v40  }
0x429: {  	v53 =	vmul.f32 v38, v38;
	v45 =	vadd.f32 v52, v61;
	v49 =	vadd.f32 v58, v49  }
0x42a: {  	v46 =	vsub.f32 $1.500000000e+00, v46;
	v42 =	vmul.f32 $1.000000000e+01, v42;
	v41 =	vmul.f32 v47, v41  }
0x42b: {  	v45 =	vadd.f32 v53, v45;
	v56 =	vmul.f32 v21, v21;
	v62 =	vadd.f32 v60, v49  }
0x42c: {  	v24 =	vadd.f32 v59, v24;
	v33 =	vmul.f32 v33, v46;
	v42 =	vmin.f32 v42, $1.000000000e+00  }
0x42d: {  	v41 =	vmul.f32 $1.000000000e+01, v41;
	v63 =	vmax.f32 v51, $9.999999960e-13;
	v45 =	vadd.f32 v56, v45;
	(xrf2) =	vadd.scan.msk.f32 $0xffff, v62  }
0x42e: {  	v7 =	vmul.f32 v42, v7;
	v54 =	vshrl.u32 v63, $0x1;
	v55 =	vmul.f32 $5.000000000e-01, v63  }
0x42f: {  	v32 =	vmul.f32 v33, v32;
	v11 =	vmul.f32 v42, v11;
	v39 =	vsub.s32 $0x5F3759DF, v54;
	v58, _, _ =	vpop (xrf2);
	(xrf2) =	vadd.scan.msk.f32 $0xffff, v45  }
0x430: {  	v14 =	vadd.f32 v14, v23;
	v9 =	vmul.f32 v42, v9;
	v57 =	vmul.f32 v39, v55  }
0x431: {  	v6 =	vmul.f32 v42, v6;
	v41 =	vmin.f32 v41, $1.000000000e+00;
	v32 =	vmul.f32 v32, v33  }
0x432: {  	v7 =	vadd.f32 v7, v30;
	v43 =	vperm.xlane v58, v0;
	v44 =	vmul.f32 v39, v57  }
0x433: {  	v11 =	vadd.f32 v11, v31;
	v19 =	vmul.f32 v41, v19;
	v12 =	vmul.f32 v41, v12  }
0x434: {  	v4 =	vmul.f32 v41, v4;
	v43 =	vmax.f32 v43, $9.999999960e-13;
	v44 =	vsub.f32 $1.500000000e+00, v44  }
0x435: {  	v30 =	vsub.f32 $1.500000000e+00, v32;
	v59 =	vshrl.u32 v43, $0x1;
	v43 =	vmul.f32 $5.000000000e-01, v43  }
0x436: {  	v3 =	vmul.f32 v41, v3;
	v60 =	vsub.s32 $0x5F3759DF, v59;
	v39 =	vmul.f32 v39, v44  }
0x437: {  	v9 =	vadd.f32 v9, v26;
	v30 =	vmul.f32 v30, v33;
	v23 =	vmul.f32 v60, v43;
	v61, _, _ =	vpop (xrf2)  }
0x438: {  	v19 =	vadd.f32 v19, v25;
	v25 =	vmul.f32 v39, v55;
	v45 =	vperm.xlane v61, v0  }
0x439: {  	v12 =	vadd.f32 v12, v27;
	v30 =	vmul.f32 $1.000000000e+01, v30;
	v23 =	vmul.f32 v60, v23;
	v31, _, _ =	vpop (xrf2)  }
0x43a: {  	v25 =	vmul.f32 v25, v39;
	v31 =	vperm.xlane v31, v0;
	v62 =	vmax.f32 v45, $9.999999960e-13  }
0x43b: {  	v23 =	vsub.f32 $1.500000000e+00, v23;
	v63 =	vshrl.u32 v62, $0x1;
	v32 =	vmul.f32 $5.000000000e-01, v62  }
0x43c: {  	v25 =	vsub.f32 $1.500000000e+00, v25;
	v31 =	vmax.f32 v31, $9.999999960e-13;
	v45 =	vsub.s32 $0x5F3759DF, v63  }
0x43d: {  	v46 =	vshrl.u32 v31, $0x1;
	v31 =	vmul.f32 $5.000000000e-01, v31;
	v42 =	vmul.f32 v45, v32  }
0x43e: {  	v23 =	vmul.f32 v60, v23;
	v25 =	vmul.f32 v25, v39;
	v39 =	vsub.s32 $0x5F3759DF, v46  }
0x43f: {  	v30 =	vmin.f32 v30, $1.000000000e+00;
	v27 =	vmul.f32 v39, v31;
	v26 =	vmul.f32 v45, v42  }
0x440: {  	v6 =	vadd.f32 v6, v34;
	v2 =	vmul.f32 v30, v2;
	v47 =	vmul.f32 v23, v43  }
0x441: {  	v25 =	vmul.f32 $1.000000000e+01, v25;
	v27 =	vmul.f32 v39, v27;
	v26 =	vsub.f32 $1.500000000e+00, v26  }
0x442: {  	v4 =	vadd.f32 v4, v24;
	v1 =	vmul.f32 v30, v1;
	v24 =	vmul.f32 v47, v23  }
0x443: {  	v25 =	vmin.f32 v25, $1.000000000e+00;
	v27 =	vsub.f32 $1.500000000e+00, v27;
	v26 =	vmul.f32 v45, v26  }
0x444: {  	v5 =	vmul.f32 v30, v5;
	v24 =	vsub.f32 $1.500000000e+00, v24;
	v22 =	vmul.f32 v25, v22  }
0x445: {  	v3 =	vadd.f32 v3, v14;
	v14 =	vmul.f32 v39, v27;
	v32 =	vmul.f32 v26, v32  }
0x446: {  	v8 =	vmul.f32 v30, v8;
	v2 =	vadd.f32 v2, v7;
	v7 =	vmul.f32 v24, v23  }
0x447: {  	v19 =	vadd.f32 v22, v19;
	v22 =	vmul.f32 v14, v31;
	v32 =	vmul.f32 v32, v26  }
0x448: {  	v1 =	vadd.f32 v1, v11;
	v15 =	vmul.f32 v25, v15;
	v11 =	vmul.f32 v25, v18  }
0x449: {  	v7 =	vmul.f32 $1.000000000e+01, v7;
	v18 =	vmul.f32 v22, v14;
	v27 =	vsub.f32 $1.500000000e+00, v32  }
0x44a: {  	v5 =	vadd.f32 v5, v9;
	v9 =	vmul.f32 v25, v17;
	v12 =	vadd.f32 v15, v12  }
0x44b: {  	v7 =	vmin.f32 v7, $1.000000000e+00;
	v15 =	vsub.f32 $1.500000000e+00, v18;
	v23 =	vmul.f32 v27, v26  }
0x44c: {  	v3 =	vadd.f32 v9, v3;
	v9 =	vmul.f32 v7, v10;
	v10 =	vmul.f32 v7, v13  }
0x44d: {  	v6 =	vadd.f32 v8, v6;
	v14 =	vmul.f32 v15, v14;
	v17 =	vmul.f32 $1.000000000e+01, v23  }
0x44e: {  	v4 =	vadd.f32 v11, v4;
	v13 =	vmul.f32 v7, v16;
	v7 =	vmul.f32 v7, v20  }
0x44f: {  	v2 =	vadd.f32 v9, v2;
	v14 =	vmul.f32 $1.000000000e+01, v14;
	v8 =	vmin.f32 v17, $1.000000000e+00  }
0x450: {  	v1 =	vadd.f32 v10, v1;
	v5 =	vadd.f32 v13, v5;
	v11 =	vmul.f32 v8, v40  }
0x451: {  	v9 =	vmul.f32 v8, v29;
	v10 =	vmul.f32 v8, v28;
	v14 =	vmin.f32 v14, $1.000000000e+00  }
0x452: {  	v6 =	vadd.f32 v7, v6;
	v8 =	vmul.f32 v8, v37;
	v13 =	vmul.f32 v14, v36  }
0x453: {  	v7 =	vmul.f32 v14, v35;
	v11 =	vadd.f32 v11, v19;
	v9 =	vadd.f32 v9, v12  }
0x454: {  	v4 =	vadd.f32 v10, v4;
	v10 =	vmul.f32 v14, v38;
	v2 =	vadd.f32 v13, v2  }
0x455: {  	v3 =	vadd.f32 v8, v3;
	v8 =	vmul.f32 v14, v21;
	v1 =	vadd.f32 v7, v1  }
0x456: {  	v5 =	vadd.f32 v10, v5;
	v2 =	vadd.f32 v9, v2  }
0x457: {  	v6 =	vadd.f32 v8, v6;
	v1 =	vadd.f32 v4, v1  }
0x458: {  	v3 =	vadd.f32 v3, v5;
	v2 =	vmul.f32 $1.999999960e-02, v2  }
0x459: {  	v4 =	vadd.f32 v11, v6;
	v1 =	vmul.f32 $1.999999960e-02, v1  }
0x45a: {  	[tilespmem:s23+$0x9B20] =	vst v2;
	v2 =	vmul.f32 $1.999999960e-02, v3  }
0x45b: {  	[tilespmem:s23+$0x9B30] =	vst v1;
	v1 =	vmul.f32 $1.999999960e-02, v4  }
0x45c: {  	[tilespmem:s23+$0x9B40] =	vst v2  }
0x45d: {  	s24 =	simm.s32 $0x0;
	[tilespmem:s23+$0x9B50] =	vst v1  }
0x45e: {  	v10 =	vld [tilespmem:s24+$0x8D60]  }
0x45f: {  	v16 =	vld [tilespmem:s24+$0x8D70];
	_ =	sdelay $0x1  }
0x460: {  	v13 =	vld [tilespmem:s24+$0x8D80];
	_ =	sdelay $0x1  }
0x461: {  	v15 =	vld [tilespmem:s24+$0x8D90]  }
0x462: {  	v1 =	vmul.f32 v10, v10;
	v2 =	vmul.f32 v16, v16;
	_ =	sdelay $0x1  }
0x463: {  	v32 =	vld [tilespmem:s24+$0x8D20];
	v1 =	vadd.f32 v2, v1;
	v2 =	vmul.f32 v13, v13  }
0x464: {  	v30 =	vld [tilespmem:s24+$0x8D30]  }
0x465: {  	v1 =	vadd.f32 v2, v1;
	v2 =	vmul.f32 v15, v15  }
0x466: {  	v29 =	vld [tilespmem:s24+$0x8D40]  }
0x467: {  	s29 =	simm.s32 $0x80;
	v28 =	vld [tilespmem:s24+$0x8D50];
	v1 =	vadd.f32 v2, v1  }
0x468: {  	v31 =	vld [tilespmem:s29+$0x8D60]  }
0x469: {  	v21 =	vld [tilespmem:s29+$0x8D70];
	v2 =	vmul.f32 v30, v30;
	(xrf2) =	vadd.scan.msk.f32 $0xffff, v1;
	v1 =	vmul.f32 v32, v32;
	_ =	sdelay $0x1  }
0x46a: {  	v14 =	vld [tilespmem:s29+$0x8D80];
	v1 =	vadd.f32 v2, v1;
	v2 =	vmul.f32 v29, v29;
	_ =	sdelay $0x1  }
0x46b: {  	v25 =	vld [tilespmem:s29+$0x8D90];
	v3 =	vmul.f32 v28, v28;
	v1 =	vadd.f32 v2, v1  }
0x46c: {  	v4 =	vmul.f32 v21, v21;
	v2 =	vmul.f32 v31, v31  }
0x46d: {  	v1 =	vadd.f32 v3, v1  }
0x46e: {  	v7 =	vld [tilespmem:s29+$0x8D20];
	v2 =	vadd.f32 v4, v2;
	v3 =	vmul.f32 v14, v14  }
0x46f: {  	v11 =	vld [tilespmem:s29+$0x8D30];
	(xrf2) =	vadd.scan.msk.f32 $0xffff, v1  }
0x470: {  	v2 =	vadd.f32 v3, v2;
	v3 =	vmul.f32 v25, v25  }
0x471: {  	v9 =	vld [tilespmem:s29+$0x8D40];
	v1, _, _ =	vpop (xrf2)  }
0x472: {  	v2 =	vadd.f32 v3, v2;
	v1 =	vperm.xlane v1, v0  }
0x473: {  	v6 =	vld [tilespmem:s29+$0x8D50]  }
0x474: {  	v4 =	vmul.f32 v11, v11;
	(xrf2) =	vadd.scan.msk.f32 $0xffff, v2;
	v2 =	vmul.f32 v7, v7;
	v1 =	vmax.f32 v1, $9.999999960e-13  }
0x475: {  	v3 =	vshrl.u32 v1, $0x1;
	v1 =	vmul.f32 $5.000000000e-01, v1  }
0x476: {  	v2 =	vadd.f32 v4, v2;
	v4 =	vmul.f32 v9, v9;
	v3 =	vsub.s32 $0x5F3759DF, v3  }
0x477: {  	s30 =	simm.s32 $0x100;
	v5 =	vmul.f32 v3, v1  }
0x478: {  	v12 =	vld [tilespmem:s30+$0x8D60];
	v17 =	vmul.f32 v6, v6;
	v2 =	vadd.f32 v4, v2  }
0x479: {  	v4 =	vld [tilespmem:s30+$0x8D70];
	v5 =	vmul.f32 v3, v5;
	v8, _, _ =	vpop (xrf2)  }
0x47a: {  	v2 =	vadd.f32 v17, v2;
	v8 =	vperm.xlane v8, v0  }
0x47b: {  	v5 =	vsub.f32 $1.500000000e+00, v5  }
0x47c: {  	v8 =	vmax.f32 v8, $9.999999960e-13  }
0x47d: {  	v17 =	vmul.f32 v3, v5;
	v18 =	vmul.f32 $5.000000000e-01, v8;
	v5 =	vshrl.u32 v8, $0x1  }
0x47e: {  	(xrf2) =	vadd.scan.msk.f32 $0xffff, v2;
	v3 =	vld [tilespmem:s30+$0x8D80];
	v8 =	vmul.f32 v12, v12;
	v2, _, _ =	vpop (xrf2);
	v20 =	vsub.s32 $0x5F3759DF, v5;
	v5 =	vmul.f32 v4, v4  }
0x47f: {  	v19 =	vld [tilespmem:s30+$0x8D90];
	v22 =	vperm.xlane v2, v0;
	v1 =	vmul.f32 v17, v1  }
0x480: {  	v2 =	vld [tilespmem:s30+$0x8D20];
	v23 =	vmul.f32 v20, v18  }
0x481: {  	v8 =	vadd.f32 v5, v8;
	v5 =	vmax.f32 v22, $9.999999960e-13;
	v24 =	vmul.f32 v1, v17;
	v1 =	vld [tilespmem:s30+$0x8D30]  }
0x482: {  	v26 =	vshrl.u32 v5, $0x1;
	v27 =	vmul.f32 $5.000000000e-01, v5;
	v23 =	vmul.f32 v20, v23;
	v5 =	vld [tilespmem:s30+$0x8D40]  }
0x483: {  	v22 =	vmul.f32 v3, v3;
	v26 =	vsub.s32 $0x5F3759DF, v26;
	v24 =	vsub.f32 $1.500000000e+00, v24  }
0x484: {  	v48 =	vmul.f32 v19, v19;
	v49 =	vmul.f32 v26, v27;
	v23 =	vsub.f32 $1.500000000e+00, v23  }
0x485: {  	v22 =	vadd.f32 v22, v8;
	v8 =	vld [tilespmem:s30+$0x8D50];
	v17 =	vmul.f32 v24, v17;
	v24 =	vmul.f32 v2, v2  }
0x486: {  	v50 =	vmul.f32 v26, v49;
	v20 =	vmul.f32 v20, v23  }
0x487: {  	v22 =	vadd.f32 v48, v22;
	v51 =	vmul.f32 v1, v1;
	v52 =	vmul.f32 v5, v5  }
0x488: {  	v17 =	vmul.f32 $1.000000000e+01, v17;
	v23, _, _ =	vpop (xrf2);
	v18 =	vmul.f32 v20, v18  }
0x489: {  	(xrf2) =	vadd.scan.msk.f32 $0xffff, v22;
	v22 =	vsub.f32 $1.500000000e+00, v50;
	v24 =	vadd.f32 v51, v24;
	v23 =	vperm.xlane v23, v0  }
0x48a: {  	v53 =	vmin.f32 v17, $1.000000000e+00;
	v17 =	vmul.f32 v8, v8;
	v18 =	vmul.f32 v18, v20  }
0x48b: {  	v22 =	vmul.f32 v26, v22;
	v24 =	vadd.f32 v52, v24;
	v23 =	vmax.f32 v23, $9.999999960e-13  }
0x48c: {  	s31 =	simm.s32 $0x180;
	v55 =	vmul.f32 v53, v10;
	v26 =	vshrl.u32 v23, $0x1;
	v34 =	vmul.f32 $5.000000000e-01, v23  }
0x48d: {  	v10 =	vld [tilespmem:s31+$0x8D20];
	v33 =	vmul.f32 v53, v13;
	v54 =	vsub.f32 $1.500000000e+00, v18;
	v35 =	vsub.s32 $0x5F3759DF, v26  }
0x48e: {  	v13 =	vld [tilespmem:s31+$0x8D30];
	v23 =	vmul.f32 v22, v27;
	v17 =	vadd.f32 v17, v24;
	v24 =	vmul.f32 v35, v34  }
0x48f: {  	v18 =	vld [tilespmem:s31+$0x8D70];
	v27 =	vmul.f32 v53, v15;
	v20 =	vmul.f32 v54, v20  }
0x490: {  	v15 =	vld [tilespmem:s31+$0x8D60];
	v23 =	vmul.f32 v23, v22;
	v24 =	vmul.f32 v35, v24  }
0x491: {  	v16 =	vmul.f32 v53, v16;
	v26 =	vimm.f32 $0.0e+00  }
0x492: {  	(xrf2) =	vadd.scan.msk.f32 $0xffff, v17;
	v56 =	vadd.f32 v27, v26;
	v17 =	vld [tilespmem:s31+$0x8D80];
	v20 =	vmul.f32 $1.000000000e+01, v20;
	v23 =	vsub.f32 $1.500000000e+00, v23  }
0x493: {  	v27 =	vadd.f32 v55, v26;
	v61 =	vmul.f32 v10, v10;
	v49 =	vmul.f32 v13, v13  }
0x494: {  	v59 =	vmul.f32 v18, v18;
	v57 =	vsub.f32 $1.500000000e+00, v24;
	v23 =	vmul.f32 v23, v22;
	v24, _, _ =	vpop (xrf2)  }
0x495: {  	v58 =	vmul.f32 v15, v15;
	v43 =	vmin.f32 v20, $1.000000000e+00;
	v22 =	vld [tilespmem:s31+$0x8D90];
	v60 =	vperm.xlane v24, v0  }
0x496: {  	v41 =	vadd.f32 v49, v61;
	v24 =	vadd.f32 v16, v26;
	v16 =	vld [tilespmem:s31+$0x8D40];
	v23 =	vmul.f32 $1.000000000e+01, v23  }
0x497: {  	v37 =	vadd.f32 v59, v58;
	v62 =	vmul.f32 v17, v17;
	v20 =	vmax.f32 v60, $9.999999960e-13  }
0x498: {  	v39 =	vmin.f32 v23, $1.000000000e+00;
	v63 =	vshrl.u32 v20, $0x1;
	v48 =	vmul.f32 $5.000000000e-01, v20;
	v20 =	vld [tilespmem:s31+$0x8D50]  }
0x499: {  	v61 =	vmul.f32 v43, v30;
	v25 =	vmul.f32 v39, v25;
	v50 =	vsub.s32 $0x5F3759DF, v63  }
0x49a: {  	v37 =	vadd.f32 v62, v37;
	v52 =	vmul.f32 v22, v22;
	v51 =	vmul.f32 v50, v48  }
0x49b: {  	v42 =	vmul.f32 v35, v57;
	v23 =	vadd.f32 v33, v26;
	v54 =	vmul.f32 v16, v16  }
0x49c: {  	v53, _, _ =	vpop (xrf2);
	v25 =	vadd.f32 v25, v56;
	v55 =	vadd.f32 v52, v37;
	v33 =	vmul.f32 v50, v51  }
0x49d: {  	v56 =	vperm.xlane v53, v0;
	v58 =	vadd.f32 v54, v41;
	v57 =	vmul.f32 v20, v20  }
0x49e: {  	v45 =	vmul.f32 v43, v29;
	v59 =	vmul.f32 v43, v32;
	(xrf2) =	vadd.scan.msk.f32 $0xffff, v55;
	v33 =	vsub.f32 $1.500000000e+00, v33  }
0x49f: {  	v34 =	vmul.f32 v42, v34;
	v60 =	vmax.f32 v56, $9.999999960e-13;
	v35 =	vadd.f32 v57, v58  }
0x4a0: {  	v30 =	vshrl.u32 v60, $0x1;
	v32 =	vmul.f32 $5.000000000e-01, v60;
	v41 =	vmul.f32 v50, v33  }
0x4a1: {  	v34 =	vmul.f32 v34, v42;
	v44 =	vmul.f32 v39, v31;
	v33 =	vsub.s32 $0x5F3759DF, v30;
	(xrf2) =	vadd.scan.msk.f32 $0xffff, v35  }
0x4a2: {  	s25 =	simm.s32 $0x200;
	v31 =	vadd.f32 v61, v26;
	v62 =	vmul.f32 v33, v32;
	v63 =	vmul.f32 v41, v48  }
0x4a3: {  	v29 =	vld [tilespmem:s25+$0x8D60];
	v43 =	vmul.f32 v43, v28;
	v30 =	vadd.f32 v59, v26;
	v48 =	vsub.f32 $1.500000000e+00, v34  }
0x4a4: {  	s24 =	simm.s32 $0xA00;
	v28 =	vld [tilespmem:s25+$0x8D70];
	v34 =	vimm.f32 $0.0e+00;
	v46 =	vmul.f32 v33, v62;
	v47 =	vmul.f32 v63, v41  }
.LBB2_17:
0x4a5: {  	p1 =	sne.s32 s24, $0x3000;
	v35 =	vld [tilespmem:s25+$0x8D20];
	v36 =	vmul.f32 v48, v42;
	v21 =	vmul.f32 v39, v21;
	v26 =	vadd.f32 v45, v26;
	v37 =	vmovc v8  }
0x4a6: {  	v39 =	vmul.f32 v39, v14;
	v14 =	vmovc v3;
	v3 =	vmovc v17;
	v38 =	vsub.f32 $1.500000000e+00, v46;
	v40 =	vsub.f32 $1.500000000e+00, v47;
	v17 =	vld [tilespmem:s25+$0x8D80]  }
0x4a7: {  	v27 =	vadd.f32 v44, v27;
	v34 =	vadd.f32 v43, v34;
	v8 =	vmovc v20;
	v43 =	vmovc v12;
	v46 =	vld [tilespmem:s25+$0x8D30];
	v36 =	vmul.f32 $1.000000000e+01, v36  }
0x4a8: {  	v24 =	vadd.f32 v21, v24;
	v47 =	vld [tilespmem:s25+$0x8D40];
	v42 =	vmul.f32 v29, v29;
	v12, _, _ =	vpop (xrf2);
	v40 =	vmul.f32 v40, v41  }
0x4a9: {  	v41 =	vld [tilespmem:s25+$0x8D90];
	v44 =	vmul.f32 v28, v28;
	v48 =	vperm.xlane v12, v0;
	v36 =	vmin.f32 v36, $1.000000000e+00;
	v12 =	vmovc v15;
	v15 =	vmovc v29  }
0x4aa: {  	v23 =	vadd.f32 v39, v23;
	v21 =	vmovc v4;
	v4 =	vmovc v18;
	v20 =	vld [tilespmem:s25+$0x8D50];
	v29 =	vmul.f32 v35, v35;
	v40 =	vmul.f32 $1.000000000e+01, v40  }
0x4ab: {  	v42 =	vadd.f32 v44, v42;
	v44 =	vmul.f32 v17, v17;
	v50 =	vmax.f32 v48, $9.999999960e-13;
	v45, _, _ =	vpop (xrf2)  }
0x4ac: {  	v18 =	vmovc v28;
	v48 =	vshrl.u32 v50, $0x1;
	v49 =	vmul.f32 $5.000000000e-01, v50;
	v39 =	vmin.f32 v40, $1.000000000e+00  }
0x4ad: {  	v28 =	vmul.f32 v46, v46;
	v40 =	vsub.s32 $0x5F3759DF, v48;
	v48 =	vmul.f32 v39, v19;
	v19 =	vmovc v22  }
0x4ae: {  	v42 =	vadd.f32 v44, v42;
	v44 =	vmul.f32 v41, v41;
	v50 =	vmul.f32 v40, v49;
	v22 =	vmovc v41  }
0x4af: {  	v28 =	vadd.f32 v28, v29;
	v29 =	vmul.f32 v47, v47;
	v25 =	vadd.f32 v48, v25  }
0x4b0: {  	v41 =	vmul.f32 v20, v20;
	v44 =	vadd.f32 v44, v42;
	v48 =	vmul.f32 v40, v50  }
0x4b1: {  	v28 =	vadd.f32 v29, v28;
	v29 =	vperm.xlane v45, v0;
	v42 =	vmul.f32 v33, v38  }
0x4b2: {  	v38 =	vmul.f32 v36, v7;
	v50 =	vmul.f32 v36, v11;
	v7 =	vmovc v2;
	(xrf2) =	vadd.scan.msk.f32 $0xffff, v44;
	v33 =	vsub.f32 $1.500000000e+00, v48  }
0x4b3: {  	v2 =	vmovc v10;
	v10 =	vmovc v35;
	v28 =	vadd.f32 v41, v28;
	v44 =	vmax.f32 v29, $9.999999960e-13;
	v29 =	vmul.f32 v42, v32  }
.Ltmp9:
0x4b4: {  	v11 =	vmovc v1;
	v1 =	vmovc v13;
	v35 =	vshrl.u32 v44, $0x1;
	v32 =	vmul.f32 $5.000000000e-01, v44;
	v41 =	vmul.f32 v40, v33;
	(pc) =	sbr.rel @p1 .LBB2_17-.Ltmp9, $4  }
0x4b5: {  	v45 =	vmul.f32 v36, v9;
	v13 =	vmovc v46;
	v33 =	vsub.s32 $0x5F3759DF, v35;
	(xrf2) =	vadd.scan.msk.f32 $0xffff, v28;
	v28 =	vmul.f32 v29, v42  }
0x4b6: {  	s25 =	sshra.s32 s24, $0x2;
	v9 =	vmovc v5;
	v30 =	vadd.f32 v38, v30;
	v35 =	vmul.f32 v33, v32;
	v40 =	vmul.f32 v41, v49  }
0x4b7: {  	v5 =	vmovc v16;
	v16 =	vmovc v47;
	v44 =	vmul.f32 v39, v43;
	v43 =	vmul.f32 v36, v6;
	v29 =	vld [tilespmem:s25+$0x8D60];
	v48 =	vsub.f32 $1.500000000e+00, v28  }
0x4b8: {  	s24 =	sadd.s32 $0x200, s24;
	v31 =	vadd.f32 v50, v31;
	v6 =	vmovc v37;
	v46 =	vmul.f32 v33, v35;
	v28 =	vld [tilespmem:s25+$0x8D70];
	v47 =	vmul.f32 v40, v41  }
0x4b9: {  	v37 =	vld [tilespmem:s25+$0x8D80]  }
0x4ba: {  	v36 =	vld [tilespmem:s25+$0x8D20]  }
0x4bb: {  	v35 =	vld [tilespmem:s25+$0x8D30]  }
0x4bc: {  	v40 =	vld [tilespmem:s25+$0x8D90];
	v42 =	vmul.f32 v48, v42  }
0x4bd: {  	v38 =	vld [tilespmem:s25+$0x8D40];
	v48 =	vmul.f32 v39, v21;
	v14 =	vmul.f32 v39, v14  }
0x4be: {  	v26 =	vadd.f32 v45, v26;
	v49 =	vmul.f32 v29, v29;
	v50 =	vmul.f32 v28, v28  }
0x4bf: {  	v21 =	vld [tilespmem:s25+$0x8D50];
	v27 =	vadd.f32 v44, v27;
	v34 =	vadd.f32 v43, v34;
	v61 =	vmul.f32 v37, v37  }
0x4c0: {  	v56 =	vmul.f32 v36, v36;
	v52 =	vmul.f32 v35, v35;
	v49 =	vadd.f32 v50, v49  }
0x4c1: {  	v47 =	vsub.f32 $1.500000000e+00, v47;
	v42 =	vmul.f32 $1.000000000e+01, v42;
	v63 =	vmul.f32 v40, v40  }
0x4c2: {  	v62, _, _ =	vpop (xrf2);
	v59 =	vmul.f32 v38, v38;
	v45 =	vadd.f32 v52, v56;
	v49 =	vadd.f32 v61, v49  }
0x4c3: {  	v46 =	vsub.f32 $1.500000000e+00, v46;
	v41 =	vmul.f32 v47, v41;
	v51 =	vperm.xlane v62, v0  }
0x4c4: {  	v62 =	vmul.f32 v21, v21;
	v45 =	vadd.f32 v59, v45;
	v57 =	vadd.f32 v63, v49  }
0x4c5: {  	v33 =	vmul.f32 v33, v46;
	v42 =	vmin.f32 v42, $1.000000000e+00;
	v58 =	vmax.f32 v51, $9.999999960e-13  }
0x4c6: {  	v60 =	vshrl.u32 v58, $0x1;
	v61 =	vmul.f32 $5.000000000e-01, v58;
	v45 =	vadd.f32 v62, v45;
	(xrf2) =	vadd.scan.msk.f32 $0xffff, v57  }
0x4c7: {  	v41 =	vmul.f32 $1.000000000e+01, v41;
	v7 =	vmul.f32 v42, v7;
	v39 =	vsub.s32 $0x5F3759DF, v60  }
0x4c8: {  	v24 =	vadd.f32 v48, v24;
	v32 =	vmul.f32 v33, v32;
	v63 =	vmul.f32 v39, v61;
	v49, _, _ =	vpop (xrf2);
	(xrf2) =	vadd.scan.msk.f32 $0xffff, v45  }
0x4c9: {  	v14 =	vadd.f32 v14, v23;
	v11 =	vmul.f32 v42, v11;
	v9 =	vmul.f32 v42, v9  }
0x4ca: {  	v6 =	vmul.f32 v42, v6;
	v41 =	vmin.f32 v41, $1.000000000e+00;
	v44 =	vmul.f32 v39, v63  }
0x4cb: {  	v32 =	vmul.f32 v32, v33;
	v7 =	vadd.f32 v7, v30;
	v11 =	vadd.f32 v11, v31  }
0x4cc: {  	v19 =	vmul.f32 v41, v19;
	v43 =	vperm.xlane v49, v0;
	v44 =	vsub.f32 $1.500000000e+00, v44  }
0x4cd: {  	v9 =	vadd.f32 v9, v26;
	v12 =	vmul.f32 v41, v12;
	v4 =	vmul.f32 v41, v4  }
0x4ce: {  	v55 =	vsub.f32 $1.500000000e+00, v32;
	v43 =	vmax.f32 v43, $9.999999960e-13;
	v39 =	vmul.f32 v39, v44  }
0x4cf: {  	v3 =	vmul.f32 v41, v3;
	v50 =	vshrl.u32 v43, $0x1;
	v43 =	vmul.f32 $5.000000000e-01, v43  }
0x4d0: {  	v30 =	vmul.f32 v55, v33;
	v51 =	vsub.s32 $0x5F3759DF, v50;
	v54 =	vmul.f32 v39, v61;
	v53, _, _ =	vpop (xrf2)  }
0x4d1: {  	v6 =	vadd.f32 v6, v34;
	v52 =	vmul.f32 v51, v43;
	v45 =	vperm.xlane v53, v0  }
0x4d2: {  	v19 =	vadd.f32 v19, v25;
	v30 =	vmul.f32 $1.000000000e+01, v30;
	v25 =	vmul.f32 v54, v39;
	v58, _, _ =	vpop (xrf2)  }
0x4d3: {  	v23 =	vmul.f32 v51, v52;
	v31 =	vperm.xlane v58, v0;
	v56 =	vmax.f32 v45, $9.999999960e-13  }
0x4d4: {  	v25 =	vsub.f32 $1.500000000e+00, v25;
	v57 =	vshrl.u32 v56, $0x1;
	v32 =	vmul.f32 $5.000000000e-01, v56  }
0x4d5: {  	v23 =	vsub.f32 $1.500000000e+00, v23;
	v31 =	vmax.f32 v31, $9.999999960e-13;
	v59 =	vsub.s32 $0x5F3759DF, v57  }
0x4d6: {  	v61 =	vshrl.u32 v31, $0x1;
	v31 =	vmul.f32 $5.000000000e-01, v31;
	v42 =	vmul.f32 v59, v32  }
0x4d7: {  	v25 =	vmul.f32 v25, v39;
	v23 =	vmul.f32 v51, v23;
	v39 =	vsub.s32 $0x5F3759DF, v61  }
0x4d8: {  	v12 =	vadd.f32 v12, v27;
	v62 =	vmul.f32 v39, v31;
	v60 =	vmul.f32 v59, v42  }
0x4d9: {  	v4 =	vadd.f32 v4, v24;
	v30 =	vmin.f32 v30, $1.000000000e+00;
	v63 =	vmul.f32 v23, v43  }
0x4da: {  	v2 =	vmul.f32 v30, v2;
	v27 =	vmul.f32 v39, v62;
	v26 =	vsub.f32 $1.500000000e+00, v60  }
0x4db: {  	v3 =	vadd.f32 v3, v14;
	v1 =	vmul.f32 v30, v1;
	v41 =	vmul.f32 v63, v23  }
0x4dc: {  	v5 =	vmul.f32 v30, v5;
	v27 =	vsub.f32 $1.500000000e+00, v27;
	v26 =	vmul.f32 v59, v26  }
0x4dd: {  	v8 =	vmul.f32 v30, v8;
	v25 =	vmul.f32 $1.000000000e+01, v25;
	v24 =	vsub.f32 $1.500000000e+00, v41  }
0x4de: {  	v2 =	vadd.f32 v2, v7;
	v42 =	vmul.f32 v39, v27;
	v32 =	vmul.f32 v26, v32  }
0x4df: {  	v1 =	vadd.f32 v1, v11;
	v5 =	vadd.f32 v5, v9;
	v45 =	vmul.f32 v24, v23  }
0x4e0: {  	v25 =	vmin.f32 v25, $1.000000000e+00;
	v44 =	vmul.f32 v42, v31;
	v32 =	vmul.f32 v32, v26  }
0x4e1: {  	v6 =	vadd.f32 v8, v6;
	v22 =	vmul.f32 v25, v22;
	v15 =	vmul.f32 v25, v15  }
0x4e2: {  	v7 =	vmul.f32 $1.000000000e+01, v45;
	v48 =	vmul.f32 v44, v42;
	v43 =	vsub.f32 $1.500000000e+00, v32  }
0x4e3: {  	v47 =	vmul.f32 v25, v18;
	v49 =	vmul.f32 v25, v17;
	v19 =	vadd.f32 v22, v19  }
0x4e4: {  	v7 =	vmin.f32 v7, $1.000000000e+00;
	v51 =	vsub.f32 $1.500000000e+00, v48;
	v46 =	vmul.f32 v43, v26  }
0x4e5: {  	v12 =	vadd.f32 v15, v12;
	v54 =	vmul.f32 v7, v10;
	v55 =	vmul.f32 v7, v13  }
0x4e6: {  	v4 =	vadd.f32 v47, v4;
	v14 =	vmul.f32 v51, v42;
	v50 =	vmul.f32 $1.000000000e+01, v46  }
0x4e7: {  	v3 =	vadd.f32 v49, v3;
	v56 =	vmul.f32 v7, v16;
	v7 =	vmul.f32 v7, v20  }
0x4e8: {  	v2 =	vadd.f32 v54, v2;
	v14 =	vmul.f32 $1.000000000e+01, v14;
	v52 =	vmin.f32 v50, $1.000000000e+00  }
0x4e9: {  	v1 =	vadd.f32 v55, v1;
	v5 =	vadd.f32 v56, v5;
	v53 =	vmul.f32 v52, v40  }
0x4ea: {  	v57 =	vmul.f32 v52, v29;
	v58 =	vmul.f32 v52, v28;
	v14 =	vmin.f32 v14, $1.000000000e+00  }
0x4eb: {  	v6 =	vadd.f32 v7, v6;
	v8 =	vmul.f32 v52, v37;
	v59 =	vmul.f32 v14, v36  }
0x4ec: {  	v60 =	vmul.f32 v14, v35;
	v11 =	vadd.f32 v53, v19;
	v9 =	vadd.f32 v57, v12  }
0x4ed: {  	v61 =	vmul.f32 v14, v38;
	v4 =	vadd.f32 v58, v4;
	v2 =	vadd.f32 v59, v2  }
0x4ee: {  	v62 =	vmul.f32 v14, v21;
	v3 =	vadd.f32 v8, v3;
	v1 =	vadd.f32 v60, v1  }
0x4ef: {  	v5 =	vadd.f32 v61, v5;
	v2 =	vadd.f32 v9, v2  }
0x4f0: {  	v6 =	vadd.f32 v62, v6;
	v1 =	vadd.f32 v4, v1  }
0x4f1: {  	v3 =	vadd.f32 v3, v5;
	v2 =	vmul.f32 $1.999999960e-02, v2  }
.Ltmp10:
0x4f2: {  	v63 =	vadd.f32 v11, v6;
	v1 =	vmul.f32 $1.999999960e-02, v1;
	(pc) =	sbr.rel @p0 .LBB2_20-.Ltmp10, $4  }
0x4f3: {  	[tilespmem:s23+$0x9B60] =	vst v2;
	v2 =	vmul.f32 $1.999999960e-02, v3  }
0x4f4: {  	[tilespmem:s23+$0x9B70] =	vst v1;
	v1 =	vmul.f32 $1.999999960e-02, v63  }
0x4f5: {  	[tilespmem:s23+$0x9B80] =	vst v2  }
0x4f6: {  	[tilespmem:s23+$0x9B90] =	vst v1  }
0x4f7: {  	s23 =	smul.u32 $0x680, s22  }
.Ltmp11:
0x4f8: {  	_ = 	snop;
	(pc) =	sbr.rel .LBB2_2-.Ltmp11, $4  }
0x4f9: {  	_ = 	snop  }
0x4fa: {  	s23 =	sshra.s32 s23, $0x2  }
0x4fb: {  	s22 =	sadd.s32 $0x1, s22;
	s23 =	sadd.s32 $0x2D8, s23  }
0x4fc: {  	[tilespmem:s15], [sflag:$0x4] =	stream.indirect.gather [hbm4b:s3+s8], $0x40, s23, s8, $0xb8;
	[tilespmem:$0xDBA0] =	vst v63  }
.LBB2_21:
0x4fd: {  	_ =	sfence.sel $0x180000  }
0x4fe: {  	[bflag:$0x0] =	sbarrier.arrive $0xFFFF  }
0x4ff: {  	p0 =	sne.s32 s0, $0x0;
	_ =	strace $0x90000047  }
0x500: {  	s0 =	sadd.s32 @!p0 $0x100000, s1;
	[bflag:$0x2] =	sbarrier.arrive $0xFFFF  }
0x501: {  	[sflag:s0] =	ssyncadd.tile.s32 @!p0 $0x1;
	_ =	shalt  }
.Lfunc_end2:
_tile_overlayer_lowered:
.L_overlay_start_2:
0x502: {  	(tag) =	ssettag $0x2  }
0x503: {  	s0 =	rddreg [dreg:$0x0];
	s2 =	stileid.u32  }
0x504: {  	s1 =	rddreg [dreg:$0x1];
	p0 =	sne.s32 s2, $0x0  }
0x505: {  	s3 =	rddreg [dreg:$0x2];
	[bflag:$0x3] =	sbarrier.arrive $0xFFFF;
	s2 =	simm.s32 @!p0 $0x1C05  }
0x506: {  	[timem:s3], [sflag:s2] =	dma.local @!p0 [hbm:s0], s1  }
0x507: {  	s0 =	simm.s32 @!p0 $0x5  }
0x508: {  	_ =	swait.ge @!p0 [sflag:s0], s1  }
0x509: {  	s1 =	ssub.s32 @!p0 $0x0, s1;
	[sflag:s0] =	ssyncset.done @!p0 $0x0  }
0x50a: {  	[sflag:s0] =	ssyncadd.s32 @!p0 s1  }
0x50b: {  	[bflag:$0x3] =	sbarrier.arrive $0xFFFF  }
0x50c: {  	_ =	shalt  }

</sc_bundles>
